<compile_context>
chip_gen: v7x
topology: tpu7x:2x2x1
jax: 0.10.2.dev20260603
libtpu: 0.0.44.dev20260713+nightly
codegen_flags: <defaults>
</compile_context>

<pallas_src>
import functools

import jax
import jax.numpy as jnp
from jax import lax
from jax.experimental import pallas as pl
from jax.experimental.pallas import tpu as pltpu
from jax.experimental.pallas import tpu_sc as plsc

NUM_CHAMPIONS = 1000
NUM_PATCHES = 100
EMBED_DIM = 64
MODULATION_SCALE = 0.2
BATCH = 16384
NUM_POS = 20

NC = 2
NS = 16
L = 16
NW = NC * NS

BATCH_PER_W = BATCH // NW
HALF = BATCH_PER_W // 2
DSTRIPS = EMBED_DIM // 8
BTILES = BATCH // 128
OUT_ROWS = NUM_POS * DSTRIPS * BTILES

_TBL_ROWS = NUM_PATCHES * NUM_CHAMPIONS * EMBED_DIM // 128
_TBL_BLK = NUM_CHAMPIONS * EMBED_DIM // 128


def _table_body(mod_ref, base_ref, out_ref):
    b = base_ref[...]
    b2 = jnp.concatenate([b, b], axis=0)
    out_ref[...] = b2 * (1.0 + MODULATION_SCALE * jnp.tanh(mod_ref[...]))


def _build_table(patch_modulation, champion_base):
    mod2 = patch_modulation.reshape(_TBL_ROWS, 128)
    base2 = champion_base.reshape(_TBL_BLK, 128)
    table = pl.pallas_call(
        _table_body,
        grid=(NUM_PATCHES // 2,),
        in_specs=[
            pl.BlockSpec((2 * _TBL_BLK, 128), lambda i: (i, 0)),
            pl.BlockSpec((_TBL_BLK, 128), lambda i: (0, 0)),
        ],
        out_specs=pl.BlockSpec((2 * _TBL_BLK, 128), lambda i: (i, 0)),
        out_shape=jax.ShapeDtypeStruct((_TBL_ROWS, 128), jnp.float32),
    )(mod2, base2)
    return table.reshape(NUM_PATCHES * NUM_CHAMPIONS, EMBED_DIM)


def _gather_body(table_hbm, cid_hbm, patch_hbm, out_hbm,
                 patch_v, cid_v, cmb_a, cmb_b, gbuf_a, gbuf_b, tbuf_a, tbuf_b,
                 gsem_a, gsem_b, wsem_a, wsem_b):
    wid = lax.axis_index("s") * NC + lax.axis_index("c")
    b0 = wid * BATCH_PER_W
    bt0 = wid * (BATCH_PER_W // 128)

    pltpu.sync_copy(patch_hbm.at[pl.ds(b0, BATCH_PER_W)], patch_v)
    pltpu.sync_copy(cid_hbm.at[:, pl.ds(bt0, 4)], cid_v)

    iota = lax.iota(jnp.int32, L)

    def start_gathers(p, h, cmb, gbuf, sem):
        for k in range(2):
            for g in range(128 // L):
                pat = patch_v[pl.ds(h * HALF + k * 128 + g * L, L)]
                cid = cid_v[p, 2 * h + k, pl.ds(g * L, L)]
                cmb[k, pl.ds(g * L, L)] = pat * NUM_CHAMPIONS + cid
        for k in range(2):
            pltpu.async_copy(table_hbm.at[cmb.at[k]],
                             gbuf.at[pl.ds(k * 128, 128)], sem)

    def wait_gathers(cmb, gbuf, sem):
        for k in range(2):
            pltpu.make_async_copy(table_hbm.at[cmb.at[k]],
                                  gbuf.at[pl.ds(k * 128, 128)], sem).wait()

    lane_dlow = lax.rem(iota, 8)
    lane_tvoff = lax.div(iota, 8) * 2
    izero = iota * 0

    tv_vecs = [[lane_tvoff + (4 * v + k) for v in range(EMBED_DIM // L)]
               for k in range(2)]

    def transpose(gbuf, tbuf):
        for k in range(2):
            def b_body(b2, carry, k=k):
                blow_vec = izero + b2
                b = k * 128 + b2
                for v in range(EMBED_DIM // L):
                    x = gbuf[b, pl.ds(v * L, L)]
                    plsc.store_scatter(
                        tbuf, [tv_vecs[k][v], lane_dlow, blow_vec], x)
                return carry

            lax.fori_loop(0, 128, b_body, 0, unroll=4)

    def start_writes(p, h, tbuf, sem):
        for tv in range(16):
            t0 = (p * DSTRIPS + tv // 2) * BTILES + bt0 + 2 * h + tv % 2
            pltpu.async_copy(tbuf.at[tv, pl.ds(0, 8), pl.ds(0, 128)],
                             out_hbm.at[t0], sem)

    def wait_writes(tbuf, sem):
        for tv in range(16):
            pltpu.make_async_copy(tbuf.at[tv, pl.ds(0, 8), pl.ds(0, 128)],
                                  out_hbm.at[tv], sem).wait()

    start_gathers(0, 0, cmb_a, gbuf_a, gsem_a)

    def body(p, carry):
        start_gathers(p, 1, cmb_b, gbuf_b, gsem_b)
        wait_gathers(cmb_a, gbuf_a, gsem_a)

        @pl.when(p > 0)
        def _():
            wait_writes(tbuf_a, wsem_a)

        transpose(gbuf_a, tbuf_a)
        start_writes(p, 0, tbuf_a, wsem_a)

        @pl.when(p + 1 < NUM_POS)
        def _():
            start_gathers(p + 1, 0, cmb_a, gbuf_a, gsem_a)

        wait_gathers(cmb_b, gbuf_b, gsem_b)

        @pl.when(p > 0)
        def _():
            wait_writes(tbuf_b, wsem_b)

        transpose(gbuf_b, tbuf_b)
        start_writes(p, 1, tbuf_b, wsem_b)
        return carry

    lax.fori_loop(0, NUM_POS, body, 0)
    wait_writes(tbuf_a, wsem_a)
    wait_writes(tbuf_b, wsem_b)


@functools.lru_cache(maxsize=1)
def _make_sc_gather():
    return pl.kernel(
        _gather_body,
        out_type=jax.ShapeDtypeStruct((OUT_ROWS, 8, 128), jnp.float32),
        mesh=plsc.VectorSubcoreMesh(core_axis_name="c", subcore_axis_name="s",
                                    num_cores=NC, num_subcores=NS),
        compiler_params=pltpu.CompilerParams(use_tc_tiling_on_sc=False,
                                             needs_layout_passes=False),
        scratch_types=[
            pltpu.VMEM((BATCH_PER_W,), jnp.int32),
            pltpu.VMEM((NUM_POS, 4, 128), jnp.int32),
            pltpu.VMEM((2, 128), jnp.int32),
            pltpu.VMEM((2, 128), jnp.int32),
            pltpu.VMEM((HALF, EMBED_DIM), jnp.float32),
            pltpu.VMEM((HALF, EMBED_DIM), jnp.float32),
            pltpu.VMEM((16, 9, 131), jnp.float32),
            pltpu.VMEM((16, 9, 131), jnp.float32),
            pltpu.SemaphoreType.DMA,
            pltpu.SemaphoreType.DMA,
            pltpu.SemaphoreType.DMA,
            pltpu.SemaphoreType.DMA,
        ],
    )


def kernel(champion_ids, patch_ids, champion_base, patch_modulation):
    table = _build_table(patch_modulation, champion_base)
    cid_t = champion_ids.astype(jnp.int32).T.reshape(NUM_POS, BTILES, 128)
    out = _make_sc_gather()(table, cid_t, patch_ids.astype(jnp.int32))
    o5 = out.reshape(NUM_POS, DSTRIPS, BTILES, 8, 128)
    return o5.transpose(2, 4, 0, 1, 3).reshape(BATCH, NUM_POS, EMBED_DIM)

# --- scband reference (transcript-rebuilt; emitter-appended) ---
"""Pipeline reference for scband-patch-modulated-champions-2061584302910 (READ-ONLY COPY).

The authoritative reference and input builder live on the scoring server;
editing this copy changes nothing except your own understanding.
"""

import jax, jax.numpy as jnp
import numpy as np

NUM_CHAMPIONS = 1000
NUM_PATCHES = 100
EMBED_DIM = 64
MODULATION_SCALE = 0.2
BATCH = 16384
NUM_POS = 20


def setup_inputs(seed: int = 0) -> dict:
    key = jax.random.key(seed)
    k1, k2, k3, k4 = jax.random.split(key, 4)
    champion_ids = jax.random.randint(k1, (BATCH, NUM_POS), 0, NUM_CHAMPIONS, dtype=jnp.int64 if jax.config.jax_enable_x64 else jnp.int32)
    patch_ids = jax.random.randint(k2, (BATCH,), 0, NUM_PATCHES, dtype=jnp.int64 if jax.config.jax_enable_x64 else jnp.int32)
    # nn.Embedding default init: N(0, 1)
    champion_base = jax.random.normal(k3, (NUM_CHAMPIONS, EMBED_DIM), dtype=jnp.float32)
    # patch_modulation re-initialized to N(0, 0.02)
    patch_modulation = jax.random.normal(k4, (NUM_PATCHES * NUM_CHAMPIONS, EMBED_DIM), dtype=jnp.float32) * 0.02
    return {
        "champion_ids": champion_ids,
        "patch_ids": patch_ids,
        "champion_base": champion_base,
        "patch_modulation": patch_modulation,
    }


def reference(champion_ids, patch_ids, champion_base, patch_modulation):
    # base embedding lookup (gather)
    base_embeds = jnp.take(champion_base, champion_ids, axis=0)  # [B, P, D]
    batch_size, num_positions = champion_ids.shape
    patch_expanded = jnp.broadcast_to(patch_ids[:, None], (batch_size, num_positions))
    combined_indices = patch_expanded * NUM_CHAMPIONS + champion_ids
    modulations = jnp.take(patch_modulation, combined_indices, axis=0)  # [B, P, D]
    modulated_embeds = base_embeds * (1.0 + MODULATION_SCALE * jnp.tanh(modulations))
    return modulated_embeds

if __name__ == "__main__":
    import jax
    _d = setup_inputs()
    print(jax.jit(kernel)(*tuple(_d.values())))

</pallas_src>

<mosaic_0001>
#map = affine_map<(d0, d1) -> (0, 0)>
#map1 = affine_map<(d0, d1) -> (0, 0, 0)>
#map2 = affine_map<(d0, d1) -> (0)>
module attributes {stable_mosaic.version = 14 : i64} {
  func.func @_gather_body(%arg0: i32, %arg1: i32, %arg2: memref<100000x64xf32, #tpu.memory_space<hbm>>, %arg3: memref<20x128x128xi32, #tpu.memory_space<hbm>>, %arg4: memref<16384xi32, #tpu.memory_space<hbm>>, %arg5: memref<20480x8x128xf32, #tpu.memory_space<hbm>>, %arg6: memref<512xi32, #tpu.memory_space<vmem>>, %arg7: memref<20x4x128xi32, #tpu.memory_space<vmem>>, %arg8: memref<2x128xi32, #tpu.memory_space<vmem>>, %arg9: memref<2x128xi32, #tpu.memory_space<vmem>>, %arg10: memref<256x64xf32, #tpu.memory_space<vmem>>, %arg11: memref<256x64xf32, #tpu.memory_space<vmem>>, %arg12: memref<16x9x131xf32, #tpu.memory_space<vmem>>, %arg13: memref<16x9x131xf32, #tpu.memory_space<vmem>>, %arg14: memref<!tpu.dma_semaphore, #tpu.memory_space<semaphore_mem>>, %arg15: memref<!tpu.dma_semaphore, #tpu.memory_space<semaphore_mem>>, %arg16: memref<!tpu.dma_semaphore, #tpu.memory_space<semaphore_mem>>, %arg17: memref<!tpu.dma_semaphore, #tpu.memory_space<semaphore_mem>>) attributes {dimension_semantics = [#tpu.dimension_semantics<core_parallel>, #tpu.dimension_semantics<subcore_parallel>], iteration_bounds = array<i64: 2, 16>, scalar_prefetch = 0 : i64, scratch_operands = 12 : i64, tpu.core_type = #tpu.core_type<sc_vector_subcore>, window_params = [{transform_indices = #map}, {transform_indices = #map1}, {transform_indices = #map2}, {transform_indices = #map1}]} {
    %mul3A = arith.constant 2 : i32
    %mul3A_0 = arith.muli %arg1, %mul3A : i32
    %add3A = arith.addi %mul3A_0, %arg0 : i32
    %mul3A_1 = arith.constant 512 : i32
    %mul3A_2 = arith.muli %add3A, %mul3A_1 : i32
    %mul3A_3 = arith.constant 4 : i32
    %mul3A_4 = arith.muli %add3A, %mul3A_3 : i32
    "tpu.region"() ({
      %run_scoped3A = tpu.sem_alloc : memref<!tpu.dma_semaphore, #tpu.memory_space<semaphore_mem>>
      %dma_start3A_892 = tpu.memref_slice %arg4[%mul3A_2] : memref<16384xi32, #tpu.memory_space<hbm>> -> memref<512xi32, #tpu.memory_space<hbm>>
      %dma_start3A_893 = tpu.memref_slice %arg4[%mul3A_2] : memref<16384xi32, #tpu.memory_space<hbm>> -> memref<512xi32, #tpu.memory_space<hbm>>
      tpu.enqueue_dma source(%dma_start3A_893 : memref<512xi32, #tpu.memory_space<hbm>>) target(%arg6 : memref<512xi32, #tpu.memory_space<vmem>>) target_semaphore(%run_scoped3A : memref<!tpu.dma_semaphore, #tpu.memory_space<semaphore_mem>>)
      %dma_wait3A_894 = tpu.memref_slice %arg4[%mul3A_2] : memref<16384xi32, #tpu.memory_space<hbm>> -> memref<512xi32, #tpu.memory_space<hbm>>
      %dma_wait3A_895 = tpu.memref_slice %arg4[%mul3A_2] : memref<16384xi32, #tpu.memory_space<hbm>> -> memref<512xi32, #tpu.memory_space<hbm>>
      tpu.wait_dma2 semaphore(%run_scoped3A : memref<!tpu.dma_semaphore, #tpu.memory_space<semaphore_mem>>) src(%dma_wait3A_895 : memref<512xi32, #tpu.memory_space<hbm>>) dst(%arg6 : memref<512xi32, #tpu.memory_space<vmem>>)
      tpu.yield
    }) : () -> ()
    "tpu.region"() ({
      %run_scoped3A = tpu.sem_alloc : memref<!tpu.dma_semaphore, #tpu.memory_space<semaphore_mem>>
      %dma_start3A_892 = arith.constant 0 : i32
      %dma_start3A_893 = arith.constant 0 : i32
      %dma_start3A_894 = tpu.memref_slice %arg3[%dma_start3A_892, %mul3A_4, %dma_start3A_893] : memref<20x128x128xi32, #tpu.memory_space<hbm>> -> memref<20x4x128xi32, #tpu.memory_space<hbm>>
      %dma_start3A_895 = arith.constant 0 : i32
      %dma_start3A_896 = arith.constant 0 : i32
      %dma_start3A_897 = tpu.memref_slice %arg3[%dma_start3A_895, %mul3A_4, %dma_start3A_896] : memref<20x128x128xi32, #tpu.memory_space<hbm>> -> memref<20x4x128xi32, #tpu.memory_space<hbm>>
      tpu.enqueue_dma source(%dma_start3A_897 : memref<20x4x128xi32, #tpu.memory_space<hbm>>) target(%arg7 : memref<20x4x128xi32, #tpu.memory_space<vmem>>) target_semaphore(%run_scoped3A : memref<!tpu.dma_semaphore, #tpu.memory_space<semaphore_mem>>)
      %dma_wait3A_898 = arith.constant 0 : i32
      %dma_wait3A_899 = arith.constant 0 : i32
      %dma_wait3A_900 = tpu.memref_slice %arg3[%dma_wait3A_898, %mul3A_4, %dma_wait3A_899] : memref<20x128x128xi32, #tpu.memory_space<hbm>> -> memref<20x4x128xi32, #tpu.memory_space<hbm>>
      %dma_wait3A_901 = arith.constant 0 : i32
      %dma_wait3A_902 = arith.constant 0 : i32
      %dma_wait3A_903 = tpu.memref_slice %arg3[%dma_wait3A_901, %mul3A_4, %dma_wait3A_902] : memref<20x128x128xi32, #tpu.memory_space<hbm>> -> memref<20x4x128xi32, #tpu.memory_space<hbm>>
      tpu.wait_dma2 semaphore(%run_scoped3A : memref<!tpu.dma_semaphore, #tpu.memory_space<semaphore_mem>>) src(%dma_wait3A_903 : memref<20x4x128xi32, #tpu.memory_space<hbm>>) dst(%arg7 : memref<20x4x128xi32, #tpu.memory_space<vmem>>)
      tpu.yield
    }) : () -> ()
    %iota3A = tpu.iota {dimensions = array<i32: 0>} : vector<16xi32>
    %rem3A = arith.constant 8 : i32
    %rem3A_5 = vector.broadcast %rem3A : i32 to vector<16xi32>
    %rem3A_6 = arith.remsi %iota3A, %rem3A_5 : vector<16xi32>
    %div3A = arith.constant 8 : i32
    %div3A_7 = vector.broadcast %div3A : i32 to vector<16xi32>
    %div3A_8 = arith.divsi %iota3A, %div3A_7 : vector<16xi32>
    %mul3A_9 = arith.constant 2 : i32
    %mul3A_10 = vector.broadcast %mul3A_9 : i32 to vector<16xi32>
    %mul3A_11 = arith.muli %div3A_8, %mul3A_10 : vector<16xi32>
    %mul3A_12 = arith.constant 0 : i32
    %mul3A_13 = vector.broadcast %mul3A_12 : i32 to vector<16xi32>
    %mul3A_14 = arith.muli %iota3A, %mul3A_13 : vector<16xi32>
    %add3A_15 = arith.constant 0 : i32
    %add3A_16 = vector.broadcast %add3A_15 : i32 to vector<16xi32>
    %add3A_17 = arith.addi %mul3A_11, %add3A_16 : vector<16xi32>
    %add3A_18 = arith.constant 4 : i32
    %add3A_19 = vector.broadcast %add3A_18 : i32 to vector<16xi32>
    %add3A_20 = arith.addi %mul3A_11, %add3A_19 : vector<16xi32>
    %add3A_21 = arith.constant 8 : i32
    %add3A_22 = vector.broadcast %add3A_21 : i32 to vector<16xi32>
    %add3A_23 = arith.addi %mul3A_11, %add3A_22 : vector<16xi32>
    %add3A_24 = arith.constant 12 : i32
    %add3A_25 = vector.broadcast %add3A_24 : i32 to vector<16xi32>
    %add3A_26 = arith.addi %mul3A_11, %add3A_25 : vector<16xi32>
    %add3A_27 = arith.constant 1 : i32
    %add3A_28 = vector.broadcast %add3A_27 : i32 to vector<16xi32>
    %add3A_29 = arith.addi %mul3A_11, %add3A_28 : vector<16xi32>
    %add3A_30 = arith.constant 5 : i32
    %add3A_31 = vector.broadcast %add3A_30 : i32 to vector<16xi32>
    %add3A_32 = arith.addi %mul3A_11, %add3A_31 : vector<16xi32>
    %add3A_33 = arith.constant 9 : i32
    %add3A_34 = vector.broadcast %add3A_33 : i32 to vector<16xi32>
    %add3A_35 = arith.addi %mul3A_11, %add3A_34 : vector<16xi32>
    %add3A_36 = arith.constant 13 : i32
    %add3A_37 = vector.broadcast %add3A_36 : i32 to vector<16xi32>
    %add3A_38 = arith.addi %mul3A_11, %add3A_37 : vector<16xi32>
    %get3A = arith.constant 0 : index
    %get3A_39 = tpu.vector_load %arg6[%get3A] {strides = array<i32>} : memref<512xi32, #tpu.memory_space<vmem>>, vector<16xi32>,
    %get3A_40 = arith.constant 0 : i32
    %get3A_41 = arith.constant 0 : i32
    %get3A_42 = arith.index_cast %get3A_40 : i32 to index
    %get3A_43 = arith.index_cast %get3A_41 : i32 to index
    %get3A_44 = arith.constant 0 : index
    %get3A_45 = tpu.vector_load %arg7[%get3A_42, %get3A_43, %get3A_44] {strides = array<i32>} : memref<20x4x128xi32, #tpu.memory_space<vmem>>, vector<16xi32>,
    %mul3A_46 = arith.constant 1000 : i32
    %mul3A_47 = vector.broadcast %mul3A_46 : i32 to vector<16xi32>
    %mul3A_48 = arith.muli %get3A_39, %mul3A_47 : vector<16xi32>
    %add3A_49 = arith.addi %mul3A_48, %get3A_45 : vector<16xi32>
    %swap3A = arith.constant 0 : i32
    %swap3A_50 = arith.index_cast %swap3A : i32 to index
    %swap3A_51 = arith.constant 0 : index
    %swap3A_52 = tpu.vector_load %arg8[%swap3A_50, %swap3A_51] {strides = array<i32>} : memref<2x128xi32, #tpu.memory_space<vmem>>, vector<16xi32>,
    tpu.vector_store %arg8[%swap3A_50, %swap3A_51], %add3A_49 {strides = array<i32>} : memref<2x128xi32, #tpu.memory_space<vmem>>, vector<16xi32>,
    %get3A_53 = arith.constant 16 : index
    %get3A_54 = tpu.vector_load %arg6[%get3A_53] {strides = array<i32>} : memref<512xi32, #tpu.memory_space<vmem>>, vector<16xi32>,
    %get3A_55 = arith.constant 0 : i32
    %get3A_56 = arith.constant 0 : i32
    %get3A_57 = arith.index_cast %get3A_55 : i32 to index
    %get3A_58 = arith.index_cast %get3A_56 : i32 to index
    %get3A_59 = arith.constant 16 : index
    %get3A_60 = tpu.vector_load %arg7[%get3A_57, %get3A_58, %get3A_59] {strides = array<i32>} : memref<20x4x128xi32, #tpu.memory_space<vmem>>, vector<16xi32>,
    %mul3A_61 = arith.constant 1000 : i32
    %mul3A_62 = vector.broadcast %mul3A_61 : i32 to vector<16xi32>
    %mul3A_63 = arith.muli %get3A_54, %mul3A_62 : vector<16xi32>
    %add3A_64 = arith.addi %mul3A_63, %get3A_60 : vector<16xi32>
    %swap3A_65 = arith.constant 0 : i32
    %swap3A_66 = arith.index_cast %swap3A_65 : i32 to index
    %swap3A_67 = arith.constant 16 : index
    %swap3A_68 = tpu.vector_load %arg8[%swap3A_66, %swap3A_67] {strides = array<i32>} : memref<2x128xi32, #tpu.memory_space<vmem>>, vector<16xi32>,
    tpu.vector_store %arg8[%swap3A_66, %swap3A_67], %add3A_64 {strides = array<i32>} : memref<2x128xi32, #tpu.memory_space<vmem>>, vector<16xi32>,
    %get3A_69 = arith.constant 32 : index
    %get3A_70 = tpu.vector_load %arg6[%get3A_69] {strides = array<i32>} : memref<512xi32, #tpu.memory_space<vmem>>, vector<16xi32>,
    %get3A_71 = arith.constant 0 : i32
    %get3A_72 = arith.constant 0 : i32
    %get3A_73 = arith.index_cast %get3A_71 : i32 to index
    %get3A_74 = arith.index_cast %get3A_72 : i32 to index
    %get3A_75 = arith.constant 32 : index
    %get3A_76 = tpu.vector_load %arg7[%get3A_73, %get3A_74, %get3A_75] {strides = array<i32>} : memref<20x4x128xi32, #tpu.memory_space<vmem>>, vector<16xi32>,
    %mul3A_77 = arith.constant 1000 : i32
    %mul3A_78 = vector.broadcast %mul3A_77 : i32 to vector<16xi32>
    %mul3A_79 = arith.muli %get3A_70, %mul3A_78 : vector<16xi32>
    %add3A_80 = arith.addi %mul3A_79, %get3A_76 : vector<16xi32>
    %swap3A_81 = arith.constant 0 : i32
    %swap3A_82 = arith.index_cast %swap3A_81 : i32 to index
    %swap3A_83 = arith.constant 32 : index
    %swap3A_84 = tpu.vector_load %arg8[%swap3A_82, %swap3A_83] {strides = array<i32>} : memref<2x128xi32, #tpu.memory_space<vmem>>, vector<16xi32>,
    tpu.vector_store %arg8[%swap3A_82, %swap3A_83], %add3A_80 {strides = array<i32>} : memref<2x128xi32, #tpu.memory_space<vmem>>, vector<16xi32>,
    %get3A_85 = arith.constant 48 : index
    %get3A_86 = tpu.vector_load %arg6[%get3A_85] {strides = array<i32>} : memref<512xi32, #tpu.memory_space<vmem>>, vector<16xi32>,
    %get3A_87 = arith.constant 0 : i32
    %get3A_88 = arith.constant 0 : i32
    %get3A_89 = arith.index_cast %get3A_87 : i32 to index
    %get3A_90 = arith.index_cast %get3A_88 : i32 to index
    %get3A_91 = arith.constant 48 : index
    %get3A_92 = tpu.vector_load %arg7[%get3A_89, %get3A_90, %get3A_91] {strides = array<i32>} : memref<20x4x128xi32, #tpu.memory_space<vmem>>, vector<16xi32>,
    %mul3A_93 = arith.constant 1000 : i32
    %mul3A_94 = vector.broadcast %mul3A_93 : i32 to vector<16xi32>
    %mul3A_95 = arith.muli %get3A_86, %mul3A_94 : vector<16xi32>
    %add3A_96 = arith.addi %mul3A_95, %get3A_92 : vector<16xi32>
    %swap3A_97 = arith.constant 0 : i32
    %swap3A_98 = arith.index_cast %swap3A_97 : i32 to index
    %swap3A_99 = arith.constant 48 : index
    %swap3A_100 = tpu.vector_load %arg8[%swap3A_98, %swap3A_99] {strides = array<i32>} : memref<2x128xi32, #tpu.memory_space<vmem>>, vector<16xi32>,
    tpu.vector_store %arg8[%swap3A_98, %swap3A_99], %add3A_96 {strides = array<i32>} : memref<2x128xi32, #tpu.memory_space<vmem>>, vector<16xi32>,
    %get3A_101 = arith.constant 64 : index
    %get3A_102 = tpu.vector_load %arg6[%get3A_101] {strides = array<i32>} : memref<512xi32, #tpu.memory_space<vmem>>, vector<16xi32>,
    %get3A_103 = arith.constant 0 : i32
    %get3A_104 = arith.constant 0 : i32
    %get3A_105 = arith.index_cast %get3A_103 : i32 to index
    %get3A_106 = arith.index_cast %get3A_104 : i32 to index
    %get3A_107 = arith.constant 64 : index
    %get3A_108 = tpu.vector_load %arg7[%get3A_105, %get3A_106, %get3A_107] {strides = array<i32>} : memref<20x4x128xi32, #tpu.memory_space<vmem>>, vector<16xi32>,
    %mul3A_109 = arith.constant 1000 : i32
    %mul3A_110 = vector.broadcast %mul3A_109 : i32 to vector<16xi32>
    %mul3A_111 = arith.muli %get3A_102, %mul3A_110 : vector<16xi32>
    %add3A_112 = arith.addi %mul3A_111, %get3A_108 : vector<16xi32>
    %swap3A_113 = arith.constant 0 : i32
    %swap3A_114 = arith.index_cast %swap3A_113 : i32 to index
    %swap3A_115 = arith.constant 64 : index
    %swap3A_116 = tpu.vector_load %arg8[%swap3A_114, %swap3A_115] {strides = array<i32>} : memref<2x128xi32, #tpu.memory_space<vmem>>, vector<16xi32>,
    tpu.vector_store %arg8[%swap3A_114, %swap3A_115], %add3A_112 {strides = array<i32>} : memref<2x128xi32, #tpu.memory_space<vmem>>, vector<16xi32>,
    %get3A_117 = arith.constant 80 : index
    %get3A_118 = tpu.vector_load %arg6[%get3A_117] {strides = array<i32>} : memref<512xi32, #tpu.memory_space<vmem>>, vector<16xi32>,
    %get3A_119 = arith.constant 0 : i32
    %get3A_120 = arith.constant 0 : i32
    %get3A_121 = arith.index_cast %get3A_119 : i32 to index
    %get3A_122 = arith.index_cast %get3A_120 : i32 to index
    %get3A_123 = arith.constant 80 : index
    %get3A_124 = tpu.vector_load %arg7[%get3A_121, %get3A_122, %get3A_123] {strides = array<i32>} : memref<20x4x128xi32, #tpu.memory_space<vmem>>, vector<16xi32>,
    %mul3A_125 = arith.constant 1000 : i32
    %mul3A_126 = vector.broadcast %mul3A_125 : i32 to vector<16xi32>
    %mul3A_127 = arith.muli %get3A_118, %mul3A_126 : vector<16xi32>
    %add3A_128 = arith.addi %mul3A_127, %get3A_124 : vector<16xi32>
    %swap3A_129 = arith.constant 0 : i32
    %swap3A_130 = arith.index_cast %swap3A_129 : i32 to index
    %swap3A_131 = arith.constant 80 : index
    %swap3A_132 = tpu.vector_load %arg8[%swap3A_130, %swap3A_131] {strides = array<i32>} : memref<2x128xi32, #tpu.memory_space<vmem>>, vector<16xi32>,
    tpu.vector_store %arg8[%swap3A_130, %swap3A_131], %add3A_128 {strides = array<i32>} : memref<2x128xi32, #tpu.memory_space<vmem>>, vector<16xi32>,
    %get3A_133 = arith.constant 96 : index
    %get3A_134 = tpu.vector_load %arg6[%get3A_133] {strides = array<i32>} : memref<512xi32, #tpu.memory_space<vmem>>, vector<16xi32>,
    %get3A_135 = arith.constant 0 : i32
    %get3A_136 = arith.constant 0 : i32
    %get3A_137 = arith.index_cast %get3A_135 : i32 to index
    %get3A_138 = arith.index_cast %get3A_136 : i32 to index
    %get3A_139 = arith.constant 96 : index
    %get3A_140 = tpu.vector_load %arg7[%get3A_137, %get3A_138, %get3A_139] {strides = array<i32>} : memref<20x4x128xi32, #tpu.memory_space<vmem>>, vector<16xi32>,
    %mul3A_141 = arith.constant 1000 : i32
    %mul3A_142 = vector.broadcast %mul3A_141 : i32 to vector<16xi32>
    %mul3A_143 = arith.muli %get3A_134, %mul3A_142 : vector<16xi32>
    %add3A_144 = arith.addi %mul3A_143, %get3A_140 : vector<16xi32>
    %swap3A_145 = arith.constant 0 : i32
    %swap3A_146 = arith.index_cast %swap3A_145 : i32 to index
    %swap3A_147 = arith.constant 96 : index
    %swap3A_148 = tpu.vector_load %arg8[%swap3A_146, %swap3A_147] {strides = array<i32>} : memref<2x128xi32, #tpu.memory_space<vmem>>, vector<16xi32>,
    tpu.vector_store %arg8[%swap3A_146, %swap3A_147], %add3A_144 {strides = array<i32>} : memref<2x128xi32, #tpu.memory_space<vmem>>, vector<16xi32>,
    %get3A_149 = arith.constant 112 : index
    %get3A_150 = tpu.vector_load %arg6[%get3A_149] {strides = array<i32>} : memref<512xi32, #tpu.memory_space<vmem>>, vector<16xi32>,
    %get3A_151 = arith.constant 0 : i32
    %get3A_152 = arith.constant 0 : i32
    %get3A_153 = arith.index_cast %get3A_151 : i32 to index
    %get3A_154 = arith.index_cast %get3A_152 : i32 to index
    %get3A_155 = arith.constant 112 : index
    %get3A_156 = tpu.vector_load %arg7[%get3A_153, %get3A_154, %get3A_155] {strides = array<i32>} : memref<20x4x128xi32, #tpu.memory_space<vmem>>, vector<16xi32>,
    %mul3A_157 = arith.constant 1000 : i32
    %mul3A_158 = vector.broadcast %mul3A_157 : i32 to vector<16xi32>
    %mul3A_159 = arith.muli %get3A_150, %mul3A_158 : vector<16xi32>
    %add3A_160 = arith.addi %mul3A_159, %get3A_156 : vector<16xi32>
    %swap3A_161 = arith.constant 0 : i32
    %swap3A_162 = arith.index_cast %swap3A_161 : i32 to index
    %swap3A_163 = arith.constant 112 : index
    %swap3A_164 = tpu.vector_load %arg8[%swap3A_162, %swap3A_163] {strides = array<i32>} : memref<2x128xi32, #tpu.memory_space<vmem>>, vector<16xi32>,
    tpu.vector_store %arg8[%swap3A_162, %swap3A_163], %add3A_160 {strides = array<i32>} : memref<2x128xi32, #tpu.memory_space<vmem>>, vector<16xi32>,
    %get3A_165 = arith.constant 128 : index
    %get3A_166 = tpu.vector_load %arg6[%get3A_165] {strides = array<i32>} : memref<512xi32, #tpu.memory_space<vmem>>, vector<16xi32>,
    %get3A_167 = arith.constant 0 : i32
    %get3A_168 = arith.constant 1 : i32
    %get3A_169 = arith.index_cast %get3A_167 : i32 to index
    %get3A_170 = arith.index_cast %get3A_168 : i32 to index
    %get3A_171 = arith.constant 0 : index
    %get3A_172 = tpu.vector_load %arg7[%get3A_169, %get3A_170, %get3A_171] {strides = array<i32>} : memref<20x4x128xi32, #tpu.memory_space<vmem>>, vector<16xi32>,
    %mul3A_173 = arith.constant 1000 : i32
    %mul3A_174 = vector.broadcast %mul3A_173 : i32 to vector<16xi32>
    %mul3A_175 = arith.muli %get3A_166, %mul3A_174 : vector<16xi32>
    %add3A_176 = arith.addi %mul3A_175, %get3A_172 : vector<16xi32>
    %swap3A_177 = arith.constant 1 : i32
    %swap3A_178 = arith.index_cast %swap3A_177 : i32 to index
    %swap3A_179 = arith.constant 0 : index
    %swap3A_180 = tpu.vector_load %arg8[%swap3A_178, %swap3A_179] {strides = array<i32>} : memref<2x128xi32, #tpu.memory_space<vmem>>, vector<16xi32>,
    tpu.vector_store %arg8[%swap3A_178, %swap3A_179], %add3A_176 {strides = array<i32>} : memref<2x128xi32, #tpu.memory_space<vmem>>, vector<16xi32>,
    %get3A_181 = arith.constant 144 : index
    %get3A_182 = tpu.vector_load %arg6[%get3A_181] {strides = array<i32>} : memref<512xi32, #tpu.memory_space<vmem>>, vector<16xi32>,
    %get3A_183 = arith.constant 0 : i32
    %get3A_184 = arith.constant 1 : i32
    %get3A_185 = arith.index_cast %get3A_183 : i32 to index
    %get3A_186 = arith.index_cast %get3A_184 : i32 to index
    %get3A_187 = arith.constant 16 : index
    %get3A_188 = tpu.vector_load %arg7[%get3A_185, %get3A_186, %get3A_187] {strides = array<i32>} : memref<20x4x128xi32, #tpu.memory_space<vmem>>, vector<16xi32>,
    %mul3A_189 = arith.constant 1000 : i32
    %mul3A_190 = vector.broadcast %mul3A_189 : i32 to vector<16xi32>
    %mul3A_191 = arith.muli %get3A_182, %mul3A_190 : vector<16xi32>
    %add3A_192 = arith.addi %mul3A_191, %get3A_188 : vector<16xi32>
    %swap3A_193 = arith.constant 1 : i32
    %swap3A_194 = arith.index_cast %swap3A_193 : i32 to index
    %swap3A_195 = arith.constant 16 : index
    %swap3A_196 = tpu.vector_load %arg8[%swap3A_194, %swap3A_195] {strides = array<i32>} : memref<2x128xi32, #tpu.memory_space<vmem>>, vector<16xi32>,
    tpu.vector_store %arg8[%swap3A_194, %swap3A_195], %add3A_192 {strides = array<i32>} : memref<2x128xi32, #tpu.memory_space<vmem>>, vector<16xi32>,
    %get3A_197 = arith.constant 160 : index
    %get3A_198 = tpu.vector_load %arg6[%get3A_197] {strides = array<i32>} : memref<512xi32, #tpu.memory_space<vmem>>, vector<16xi32>,
    %get3A_199 = arith.constant 0 : i32
    %get3A_200 = arith.constant 1 : i32
    %get3A_201 = arith.index_cast %get3A_199 : i32 to index
    %get3A_202 = arith.index_cast %get3A_200 : i32 to index
    %get3A_203 = arith.constant 32 : index
    %get3A_204 = tpu.vector_load %arg7[%get3A_201, %get3A_202, %get3A_203] {strides = array<i32>} : memref<20x4x128xi32, #tpu.memory_space<vmem>>, vector<16xi32>,
    %mul3A_205 = arith.constant 1000 : i32
    %mul3A_206 = vector.broadcast %mul3A_205 : i32 to vector<16xi32>
    %mul3A_207 = arith.muli %get3A_198, %mul3A_206 : vector<16xi32>
    %add3A_208 = arith.addi %mul3A_207, %get3A_204 : vector<16xi32>
    %swap3A_209 = arith.constant 1 : i32
    %swap3A_210 = arith.index_cast %swap3A_209 : i32 to index
    %swap3A_211 = arith.constant 32 : index
    %swap3A_212 = tpu.vector_load %arg8[%swap3A_210, %swap3A_211] {strides = array<i32>} : memref<2x128xi32, #tpu.memory_space<vmem>>, vector<16xi32>,
    tpu.vector_store %arg8[%swap3A_210, %swap3A_211], %add3A_208 {strides = array<i32>} : memref<2x128xi32, #tpu.memory_space<vmem>>, vector<16xi32>,
    %get3A_213 = arith.constant 176 : index
    %get3A_214 = tpu.vector_load %arg6[%get3A_213] {strides = array<i32>} : memref<512xi32, #tpu.memory_space<vmem>>, vector<16xi32>,
    %get3A_215 = arith.constant 0 : i32
    %get3A_216 = arith.constant 1 : i32
    %get3A_217 = arith.index_cast %get3A_215 : i32 to index
    %get3A_218 = arith.index_cast %get3A_216 : i32 to index
    %get3A_219 = arith.constant 48 : index
    %get3A_220 = tpu.vector_load %arg7[%get3A_217, %get3A_218, %get3A_219] {strides = array<i32>} : memref<20x4x128xi32, #tpu.memory_space<vmem>>, vector<16xi32>,
    %mul3A_221 = arith.constant 1000 : i32
    %mul3A_222 = vector.broadcast %mul3A_221 : i32 to vector<16xi32>
    %mul3A_223 = arith.muli %get3A_214, %mul3A_222 : vector<16xi32>
    %add3A_224 = arith.addi %mul3A_223, %get3A_220 : vector<16xi32>
    %swap3A_225 = arith.constant 1 : i32
    %swap3A_226 = arith.index_cast %swap3A_225 : i32 to index
    %swap3A_227 = arith.constant 48 : index
    %swap3A_228 = tpu.vector_load %arg8[%swap3A_226, %swap3A_227] {strides = array<i32>} : memref<2x128xi32, #tpu.memory_space<vmem>>, vector<16xi32>,
    tpu.vector_store %arg8[%swap3A_226, %swap3A_227], %add3A_224 {strides = array<i32>} : memref<2x128xi32, #tpu.memory_space<vmem>>, vector<16xi32>,
    %get3A_229 = arith.constant 192 : index
    %get3A_230 = tpu.vector_load %arg6[%get3A_229] {strides = array<i32>} : memref<512xi32, #tpu.memory_space<vmem>>, vector<16xi32>,
    %get3A_231 = arith.constant 0 : i32
    %get3A_232 = arith.constant 1 : i32
    %get3A_233 = arith.index_cast %get3A_231 : i32 to index
    %get3A_234 = arith.index_cast %get3A_232 : i32 to index
    %get3A_235 = arith.constant 64 : index
    %get3A_236 = tpu.vector_load %arg7[%get3A_233, %get3A_234, %get3A_235] {strides = array<i32>} : memref<20x4x128xi32, #tpu.memory_space<vmem>>, vector<16xi32>,
    %mul3A_237 = arith.constant 1000 : i32
    %mul3A_238 = vector.broadcast %mul3A_237 : i32 to vector<16xi32>
    %mul3A_239 = arith.muli %get3A_230, %mul3A_238 : vector<16xi32>
    %add3A_240 = arith.addi %mul3A_239, %get3A_236 : vector<16xi32>
    %swap3A_241 = arith.constant 1 : i32
    %swap3A_242 = arith.index_cast %swap3A_241 : i32 to index
    %swap3A_243 = arith.constant 64 : index
    %swap3A_244 = tpu.vector_load %arg8[%swap3A_242, %swap3A_243] {strides = array<i32>} : memref<2x128xi32, #tpu.memory_space<vmem>>, vector<16xi32>,
    tpu.vector_store %arg8[%swap3A_242, %swap3A_243], %add3A_240 {strides = array<i32>} : memref<2x128xi32, #tpu.memory_space<vmem>>, vector<16xi32>,
    %get3A_245 = arith.constant 208 : index
    %get3A_246 = tpu.vector_load %arg6[%get3A_245] {strides = array<i32>} : memref<512xi32, #tpu.memory_space<vmem>>, vector<16xi32>,
    %get3A_247 = arith.constant 0 : i32
    %get3A_248 = arith.constant 1 : i32
    %get3A_249 = arith.index_cast %get3A_247 : i32 to index
    %get3A_250 = arith.index_cast %get3A_248 : i32 to index
    %get3A_251 = arith.constant 80 : index
    %get3A_252 = tpu.vector_load %arg7[%get3A_249, %get3A_250, %get3A_251] {strides = array<i32>} : memref<20x4x128xi32, #tpu.memory_space<vmem>>, vector<16xi32>,
    %mul3A_253 = arith.constant 1000 : i32
    %mul3A_254 = vector.broadcast %mul3A_253 : i32 to vector<16xi32>
    %mul3A_255 = arith.muli %get3A_246, %mul3A_254 : vector<16xi32>
    %add3A_256 = arith.addi %mul3A_255, %get3A_252 : vector<16xi32>
    %swap3A_257 = arith.constant 1 : i32
    %swap3A_258 = arith.index_cast %swap3A_257 : i32 to index
    %swap3A_259 = arith.constant 80 : index
    %swap3A_260 = tpu.vector_load %arg8[%swap3A_258, %swap3A_259] {strides = array<i32>} : memref<2x128xi32, #tpu.memory_space<vmem>>, vector<16xi32>,
    tpu.vector_store %arg8[%swap3A_258, %swap3A_259], %add3A_256 {strides = array<i32>} : memref<2x128xi32, #tpu.memory_space<vmem>>, vector<16xi32>,
    %get3A_261 = arith.constant 224 : index
    %get3A_262 = tpu.vector_load %arg6[%get3A_261] {strides = array<i32>} : memref<512xi32, #tpu.memory_space<vmem>>, vector<16xi32>,
    %get3A_263 = arith.constant 0 : i32
    %get3A_264 = arith.constant 1 : i32
    %get3A_265 = arith.index_cast %get3A_263 : i32 to index
    %get3A_266 = arith.index_cast %get3A_264 : i32 to index
    %get3A_267 = arith.constant 96 : index
    %get3A_268 = tpu.vector_load %arg7[%get3A_265, %get3A_266, %get3A_267] {strides = array<i32>} : memref<20x4x128xi32, #tpu.memory_space<vmem>>, vector<16xi32>,
    %mul3A_269 = arith.constant 1000 : i32
    %mul3A_270 = vector.broadcast %mul3A_269 : i32 to vector<16xi32>
    %mul3A_271 = arith.muli %get3A_262, %mul3A_270 : vector<16xi32>
    %add3A_272 = arith.addi %mul3A_271, %get3A_268 : vector<16xi32>
    %swap3A_273 = arith.constant 1 : i32
    %swap3A_274 = arith.index_cast %swap3A_273 : i32 to index
    %swap3A_275 = arith.constant 96 : index
    %swap3A_276 = tpu.vector_load %arg8[%swap3A_274, %swap3A_275] {strides = array<i32>} : memref<2x128xi32, #tpu.memory_space<vmem>>, vector<16xi32>,
    tpu.vector_store %arg8[%swap3A_274, %swap3A_275], %add3A_272 {strides = array<i32>} : memref<2x128xi32, #tpu.memory_space<vmem>>, vector<16xi32>,
    %get3A_277 = arith.constant 240 : index
    %get3A_278 = tpu.vector_load %arg6[%get3A_277] {strides = array<i32>} : memref<512xi32, #tpu.memory_space<vmem>>, vector<16xi32>,
    %get3A_279 = arith.constant 0 : i32
    %get3A_280 = arith.constant 1 : i32
    %get3A_281 = arith.index_cast %get3A_279 : i32 to index
    %get3A_282 = arith.index_cast %get3A_280 : i32 to index
    %get3A_283 = arith.constant 112 : index
    %get3A_284 = tpu.vector_load %arg7[%get3A_281, %get3A_282, %get3A_283] {strides = array<i32>} : memref<20x4x128xi32, #tpu.memory_space<vmem>>, vector<16xi32>,
    %mul3A_285 = arith.constant 1000 : i32
    %mul3A_286 = vector.broadcast %mul3A_285 : i32 to vector<16xi32>
    %mul3A_287 = arith.muli %get3A_278, %mul3A_286 : vector<16xi32>
    %add3A_288 = arith.addi %mul3A_287, %get3A_284 : vector<16xi32>
    %swap3A_289 = arith.constant 1 : i32
    %swap3A_290 = arith.index_cast %swap3A_289 : i32 to index
    %swap3A_291 = arith.constant 112 : index
    %swap3A_292 = tpu.vector_load %arg8[%swap3A_290, %swap3A_291] {strides = array<i32>} : memref<2x128xi32, #tpu.memory_space<vmem>>, vector<16xi32>,
    tpu.vector_store %arg8[%swap3A_290, %swap3A_291], %add3A_288 {strides = array<i32>} : memref<2x128xi32, #tpu.memory_space<vmem>>, vector<16xi32>,
    %dma_start3A = arith.constant 0 : i32
    %dma_start3A_293 = arith.constant 0 : i32
    %dma_start3A_294 = arith.constant 0 : i32
    %dma_start3A_295 = tpu.memref_slice %arg10[%dma_start3A_293, %dma_start3A_294] : memref<256x64xf32, #tpu.memory_space<vmem>> -> memref<128x64xf32, #tpu.memory_space<vmem>>
    %dma_start3A_296 = arith.constant 0 : i32
    %dma_start3A_297 = tpu.memref_slice %arg8[%dma_start3A, %dma_start3A_296] : memref<2x128xi32, #tpu.memory_space<vmem>> -> memref<1x128xi32, #tpu.memory_space<vmem>>
    %dma_start3A_298 = tpu.memref_squeeze %dma_start3A_297 : memref<1x128xi32, #tpu.memory_space<vmem>> -> memref<128xi32, #tpu.memory_space<vmem>>
    %dma_start3A_299 = arith.constant 0 : i32
    %dma_start3A_300 = arith.constant 0 : i32
    %dma_start3A_301 = tpu.memref_slice %arg2[%dma_start3A_299, %dma_start3A_300] : memref<100000x64xf32, #tpu.memory_space<hbm>> -> memref<100000x64xf32, #tpu.memory_space<hbm>>
    tpu.enqueue_indirect_dma source(%dma_start3A_301 : memref<100000x64xf32, #tpu.memory_space<hbm>>) target(%dma_start3A_295 : memref<128x64xf32, #tpu.memory_space<vmem>>) offsets(%dma_start3A_298 : memref<128xi32, #tpu.memory_space<vmem>>) semaphore(%arg14 : memref<!tpu.dma_semaphore, #tpu.memory_space<semaphore_mem>>)
    %dma_start3A_302 = arith.constant 1 : i32
    %dma_start3A_303 = arith.constant 128 : i32
    %dma_start3A_304 = arith.constant 0 : i32
    %dma_start3A_305 = tpu.memref_slice %arg10[%dma_start3A_303, %dma_start3A_304] : memref<256x64xf32, #tpu.memory_space<vmem>> -> memref<128x64xf32, #tpu.memory_space<vmem>>
    %dma_start3A_306 = arith.constant 0 : i32
    %dma_start3A_307 = tpu.memref_slice %arg8[%dma_start3A_302, %dma_start3A_306] : memref<2x128xi32, #tpu.memory_space<vmem>> -> memref<1x128xi32, #tpu.memory_space<vmem>>
    %dma_start3A_308 = tpu.memref_squeeze %dma_start3A_307 : memref<1x128xi32, #tpu.memory_space<vmem>> -> memref<128xi32, #tpu.memory_space<vmem>>
    %dma_start3A_309 = arith.constant 0 : i32
    %dma_start3A_310 = arith.constant 0 : i32
    %dma_start3A_311 = tpu.memref_slice %arg2[%dma_start3A_309, %dma_start3A_310] : memref<100000x64xf32, #tpu.memory_space<hbm>> -> memref<100000x64xf32, #tpu.memory_space<hbm>>
    tpu.enqueue_indirect_dma source(%dma_start3A_311 : memref<100000x64xf32, #tpu.memory_space<hbm>>) target(%dma_start3A_305 : memref<128x64xf32, #tpu.memory_space<vmem>>) offsets(%dma_start3A_308 : memref<128xi32, #tpu.memory_space<vmem>>) semaphore(%arg14 : memref<!tpu.dma_semaphore, #tpu.memory_space<semaphore_mem>>)
    %scan3A = arith.constant 0 : i32
    %scan3A_312 = arith.constant 0 : i32
    %scan3A_313 = arith.constant 20 : i32
    %scan3A_314 = arith.addi %scan3A_312, %scan3A_313 : i32
    %scan3A_315 = arith.constant 1 : i32
    scf.for %scan3A_892 = %scan3A_312 to %scan3A_314 step %scan3A_315  : i32 {
      %get3A_893 = arith.constant 256 : index
      %get3A_894 = tpu.vector_load %arg6[%get3A_893] {strides = array<i32>} : memref<512xi32, #tpu.memory_space<vmem>>, vector<16xi32>,
      %get3A_895 = arith.constant 2 : i32
      %get3A_896 = arith.index_cast %scan3A_892 : i32 to index
      %get3A_897 = arith.index_cast %get3A_895 : i32 to index
      %get3A_898 = arith.constant 0 : index
      %get3A_899 = tpu.vector_load %arg7[%get3A_896, %get3A_897, %get3A_898] {strides = array<i32>} : memref<20x4x128xi32, #tpu.memory_space<vmem>>, vector<16xi32>,
      %mul3A_900 = arith.constant 1000 : i32
      %mul3A_901 = vector.broadcast %mul3A_900 : i32 to vector<16xi32>
      %mul3A_902 = arith.muli %get3A_894, %mul3A_901 : vector<16xi32>
      %add3A_903 = arith.addi %mul3A_902, %get3A_899 : vector<16xi32>
      %swap3A_904 = arith.constant 0 : i32
      %swap3A_905 = arith.index_cast %swap3A_904 : i32 to index
      %swap3A_906 = arith.constant 0 : index
      %swap3A_907 = tpu.vector_load %arg9[%swap3A_905, %swap3A_906] {strides = array<i32>} : memref<2x128xi32, #tpu.memory_space<vmem>>, vector<16xi32>,
      tpu.vector_store %arg9[%swap3A_905, %swap3A_906], %add3A_903 {strides = array<i32>} : memref<2x128xi32, #tpu.memory_space<vmem>>, vector<16xi32>,
      %get3A_908 = arith.constant 272 : index
      %get3A_909 = tpu.vector_load %arg6[%get3A_908] {strides = array<i32>} : memref<512xi32, #tpu.memory_space<vmem>>, vector<16xi32>,
      %get3A_910 = arith.constant 2 : i32
      %get3A_911 = arith.index_cast %scan3A_892 : i32 to index
      %get3A_912 = arith.index_cast %get3A_910 : i32 to index
      %get3A_913 = arith.constant 16 : index
      %get3A_914 = tpu.vector_load %arg7[%get3A_911, %get3A_912, %get3A_913] {strides = array<i32>} : memref<20x4x128xi32, #tpu.memory_space<vmem>>, vector<16xi32>,
      %mul3A_915 = arith.constant 1000 : i32
      %mul3A_916 = vector.broadcast %mul3A_915 : i32 to vector<16xi32>
      %mul3A_917 = arith.muli %get3A_909, %mul3A_916 : vector<16xi32>
      %add3A_918 = arith.addi %mul3A_917, %get3A_914 : vector<16xi32>
      %swap3A_919 = arith.constant 0 : i32
      %swap3A_920 = arith.index_cast %swap3A_919 : i32 to index
      %swap3A_921 = arith.constant 16 : index
      %swap3A_922 = tpu.vector_load %arg9[%swap3A_920, %swap3A_921] {strides = array<i32>} : memref<2x128xi32, #tpu.memory_space<vmem>>, vector<16xi32>,
      tpu.vector_store %arg9[%swap3A_920, %swap3A_921], %add3A_918 {strides = array<i32>} : memref<2x128xi32, #tpu.memory_space<vmem>>, vector<16xi32>,
      %get3A_923 = arith.constant 288 : index
      %get3A_924 = tpu.vector_load %arg6[%get3A_923] {strides = array<i32>} : memref<512xi32, #tpu.memory_space<vmem>>, vector<16xi32>,
      %get3A_925 = arith.constant 2 : i32
      %get3A_926 = arith.index_cast %scan3A_892 : i32 to index
      %get3A_927 = arith.index_cast %get3A_925 : i32 to index
      %get3A_928 = arith.constant 32 : index
      %get3A_929 = tpu.vector_load %arg7[%get3A_926, %get3A_927, %get3A_928] {strides = array<i32>} : memref<20x4x128xi32, #tpu.memory_space<vmem>>, vector<16xi32>,
      %mul3A_930 = arith.constant 1000 : i32
      %mul3A_931 = vector.broadcast %mul3A_930 : i32 to vector<16xi32>
      %mul3A_932 = arith.muli %get3A_924, %mul3A_931 : vector<16xi32>
      %add3A_933 = arith.addi %mul3A_932, %get3A_929 : vector<16xi32>
      %swap3A_934 = arith.constant 0 : i32
      %swap3A_935 = arith.index_cast %swap3A_934 : i32 to index
      %swap3A_936 = arith.constant 32 : index
      %swap3A_937 = tpu.vector_load %arg9[%swap3A_935, %swap3A_936] {strides = array<i32>} : memref<2x128xi32, #tpu.memory_space<vmem>>, vector<16xi32>,
      tpu.vector_store %arg9[%swap3A_935, %swap3A_936], %add3A_933 {strides = array<i32>} : memref<2x128xi32, #tpu.memory_space<vmem>>, vector<16xi32>,
      %get3A_938 = arith.constant 304 : index
      %get3A_939 = tpu.vector_load %arg6[%get3A_938] {strides = array<i32>} : memref<512xi32, #tpu.memory_space<vmem>>, vector<16xi32>,
      %get3A_940 = arith.constant 2 : i32
      %get3A_941 = arith.index_cast %scan3A_892 : i32 to index
      %get3A_942 = arith.index_cast %get3A_940 : i32 to index
      %get3A_943 = arith.constant 48 : index
      %get3A_944 = tpu.vector_load %arg7[%get3A_941, %get3A_942, %get3A_943] {strides = array<i32>} : memref<20x4x128xi32, #tpu.memory_space<vmem>>, vector<16xi32>,
      %mul3A_945 = arith.constant 1000 : i32
      %mul3A_946 = vector.broadcast %mul3A_945 : i32 to vector<16xi32>
      %mul3A_947 = arith.muli %get3A_939, %mul3A_946 : vector<16xi32>
      %add3A_948 = arith.addi %mul3A_947, %get3A_944 : vector<16xi32>
      %swap3A_949 = arith.constant 0 : i32
      %swap3A_950 = arith.index_cast %swap3A_949 : i32 to index
      %swap3A_951 = arith.constant 48 : index
      %swap3A_952 = tpu.vector_load %arg9[%swap3A_950, %swap3A_951] {strides = array<i32>} : memref<2x128xi32, #tpu.memory_space<vmem>>, vector<16xi32>,
      tpu.vector_store %arg9[%swap3A_950, %swap3A_951], %add3A_948 {strides = array<i32>} : memref<2x128xi32, #tpu.memory_space<vmem>>, vector<16xi32>,
      %get3A_953 = arith.constant 320 : index
      %get3A_954 = tpu.vector_load %arg6[%get3A_953] {strides = array<i32>} : memref<512xi32, #tpu.memory_space<vmem>>, vector<16xi32>,
      %get3A_955 = arith.constant 2 : i32
      %get3A_956 = arith.index_cast %scan3A_892 : i32 to index
      %get3A_957 = arith.index_cast %get3A_955 : i32 to index
      %get3A_958 = arith.constant 64 : index
      %get3A_959 = tpu.vector_load %arg7[%get3A_956, %get3A_957, %get3A_958] {strides = array<i32>} : memref<20x4x128xi32, #tpu.memory_space<vmem>>, vector<16xi32>,
      %mul3A_960 = arith.constant 1000 : i32
      %mul3A_961 = vector.broadcast %mul3A_960 : i32 to vector<16xi32>
      %mul3A_962 = arith.muli %get3A_954, %mul3A_961 : vector<16xi32>
      %add3A_963 = arith.addi %mul3A_962, %get3A_959 : vector<16xi32>
      %swap3A_964 = arith.constant 0 : i32
      %swap3A_965 = arith.index_cast %swap3A_964 : i32 to index
      %swap3A_966 = arith.constant 64 : index
      %swap3A_967 = tpu.vector_load %arg9[%swap3A_965, %swap3A_966] {strides = array<i32>} : memref<2x128xi32, #tpu.memory_space<vmem>>, vector<16xi32>,
      tpu.vector_store %arg9[%swap3A_965, %swap3A_966], %add3A_963 {strides = array<i32>} : memref<2x128xi32, #tpu.memory_space<vmem>>, vector<16xi32>,
      %get3A_968 = arith.constant 336 : index
      %get3A_969 = tpu.vector_load %arg6[%get3A_968] {strides = array<i32>} : memref<512xi32, #tpu.memory_space<vmem>>, vector<16xi32>,
      %get3A_970 = arith.constant 2 : i32
      %get3A_971 = arith.index_cast %scan3A_892 : i32 to index
      %get3A_972 = arith.index_cast %get3A_970 : i32 to index
      %get3A_973 = arith.constant 80 : index
      %get3A_974 = tpu.vector_load %arg7[%get3A_971, %get3A_972, %get3A_973] {strides = array<i32>} : memref<20x4x128xi32, #tpu.memory_space<vmem>>, vector<16xi32>,
      %mul3A_975 = arith.constant 1000 : i32
      %mul3A_976 = vector.broadcast %mul3A_975 : i32 to vector<16xi32>
      %mul3A_977 = arith.muli %get3A_969, %mul3A_976 : vector<16xi32>
      %add3A_978 = arith.addi %mul3A_977, %get3A_974 : vector<16xi32>
      %swap3A_979 = arith.constant 0 : i32
      %swap3A_980 = arith.index_cast %swap3A_979 : i32 to index
      %swap3A_981 = arith.constant 80 : index
      %swap3A_982 = tpu.vector_load %arg9[%swap3A_980, %swap3A_981] {strides = array<i32>} : memref<2x128xi32, #tpu.memory_space<vmem>>, vector<16xi32>,
      tpu.vector_store %arg9[%swap3A_980, %swap3A_981], %add3A_978 {strides = array<i32>} : memref<2x128xi32, #tpu.memory_space<vmem>>, vector<16xi32>,
      %get3A_983 = arith.constant 352 : index
      %get3A_984 = tpu.vector_load %arg6[%get3A_983] {strides = array<i32>} : memref<512xi32, #tpu.memory_space<vmem>>, vector<16xi32>,
      %get3A_985 = arith.constant 2 : i32
      %get3A_986 = arith.index_cast %scan3A_892 : i32 to index
      %get3A_987 = arith.index_cast %get3A_985 : i32 to index
      %get3A_988 = arith.constant 96 : index
      %get3A_989 = tpu.vector_load %arg7[%get3A_986, %get3A_987, %get3A_988] {strides = array<i32>} : memref<20x4x128xi32, #tpu.memory_space<vmem>>, vector<16xi32>,
      %mul3A_990 = arith.constant 1000 : i32
      %mul3A_991 = vector.broadcast %mul3A_990 : i32 to vector<16xi32>
      %mul3A_992 = arith.muli %get3A_984, %mul3A_991 : vector<16xi32>
      %add3A_993 = arith.addi %mul3A_992, %get3A_989 : vector<16xi32>
      %swap3A_994 = arith.constant 0 : i32
      %swap3A_995 = arith.index_cast %swap3A_994 : i32 to index
      %swap3A_996 = arith.constant 96 : index
      %swap3A_997 = tpu.vector_load %arg9[%swap3A_995, %swap3A_996] {strides = array<i32>} : memref<2x128xi32, #tpu.memory_space<vmem>>, vector<16xi32>,
      tpu.vector_store %arg9[%swap3A_995, %swap3A_996], %add3A_993 {strides = array<i32>} : memref<2x128xi32, #tpu.memory_space<vmem>>, vector<16xi32>,
      %get3A_998 = arith.constant 368 : index
      %get3A_999 = tpu.vector_load %arg6[%get3A_998] {strides = array<i32>} : memref<512xi32, #tpu.memory_space<vmem>>, vector<16xi32>,
      %get3A_1000 = arith.constant 2 : i32
      %get3A_1001 = arith.index_cast %scan3A_892 : i32 to index
      %get3A_1002 = arith.index_cast %get3A_1000 : i32 to index
      %get3A_1003 = arith.constant 112 : index
      %get3A_1004 = tpu.vector_load %arg7[%get3A_1001, %get3A_1002, %get3A_1003] {strides = array<i32>} : memref<20x4x128xi32, #tpu.memory_space<vmem>>, vector<16xi32>,
      %mul3A_1005 = arith.constant 1000 : i32
      %mul3A_1006 = vector.broadcast %mul3A_1005 : i32 to vector<16xi32>
      %mul3A_1007 = arith.muli %get3A_999, %mul3A_1006 : vector<16xi32>
      %add3A_1008 = arith.addi %mul3A_1007, %get3A_1004 : vector<16xi32>
      %swap3A_1009 = arith.constant 0 : i32
      %swap3A_1010 = arith.index_cast %swap3A_1009 : i32 to index
      %swap3A_1011 = arith.constant 112 : index
      %swap3A_1012 = tpu.vector_load %arg9[%swap3A_1010, %swap3A_1011] {strides = array<i32>} : memref<2x128xi32, #tpu.memory_space<vmem>>, vector<16xi32>,
      tpu.vector_store %arg9[%swap3A_1010, %swap3A_1011], %add3A_1008 {strides = array<i32>} : memref<2x128xi32, #tpu.memory_space<vmem>>, vector<16xi32>,
      %get3A_1013 = arith.constant 384 : index
      %get3A_1014 = tpu.vector_load %arg6[%get3A_1013] {strides = array<i32>} : memref<512xi32, #tpu.memory_space<vmem>>, vector<16xi32>,
      %get3A_1015 = arith.constant 3 : i32
      %get3A_1016 = arith.index_cast %scan3A_892 : i32 to index
      %get3A_1017 = arith.index_cast %get3A_1015 : i32 to index
      %get3A_1018 = arith.constant 0 : index
      %get3A_1019 = tpu.vector_load %arg7[%get3A_1016, %get3A_1017, %get3A_1018] {strides = array<i32>} : memref<20x4x128xi32, #tpu.memory_space<vmem>>, vector<16xi32>,
      %mul3A_1020 = arith.constant 1000 : i32
      %mul3A_1021 = vector.broadcast %mul3A_1020 : i32 to vector<16xi32>
      %mul3A_1022 = arith.muli %get3A_1014, %mul3A_1021 : vector<16xi32>
      %add3A_1023 = arith.addi %mul3A_1022, %get3A_1019 : vector<16xi32>
      %swap3A_1024 = arith.constant 1 : i32
      %swap3A_1025 = arith.index_cast %swap3A_1024 : i32 to index
      %swap3A_1026 = arith.constant 0 : index
      %swap3A_1027 = tpu.vector_load %arg9[%swap3A_1025, %swap3A_1026] {strides = array<i32>} : memref<2x128xi32, #tpu.memory_space<vmem>>, vector<16xi32>,
      tpu.vector_store %arg9[%swap3A_1025, %swap3A_1026], %add3A_1023 {strides = array<i32>} : memref<2x128xi32, #tpu.memory_space<vmem>>, vector<16xi32>,
      %get3A_1028 = arith.constant 400 : index
      %get3A_1029 = tpu.vector_load %arg6[%get3A_1028] {strides = array<i32>} : memref<512xi32, #tpu.memory_space<vmem>>, vector<16xi32>,
      %get3A_1030 = arith.constant 3 : i32
      %get3A_1031 = arith.index_cast %scan3A_892 : i32 to index
      %get3A_1032 = arith.index_cast %get3A_1030 : i32 to index
      %get3A_1033 = arith.constant 16 : index
      %get3A_1034 = tpu.vector_load %arg7[%get3A_1031, %get3A_1032, %get3A_1033] {strides = array<i32>} : memref<20x4x128xi32, #tpu.memory_space<vmem>>, vector<16xi32>,
      %mul3A_1035 = arith.constant 1000 : i32
      %mul3A_1036 = vector.broadcast %mul3A_1035 : i32 to vector<16xi32>
      %mul3A_1037 = arith.muli %get3A_1029, %mul3A_1036 : vector<16xi32>
      %add3A_1038 = arith.addi %mul3A_1037, %get3A_1034 : vector<16xi32>
      %swap3A_1039 = arith.constant 1 : i32
      %swap3A_1040 = arith.index_cast %swap3A_1039 : i32 to index
      %swap3A_1041 = arith.constant 16 : index
      %swap3A_1042 = tpu.vector_load %arg9[%swap3A_1040, %swap3A_1041] {strides = array<i32>} : memref<2x128xi32, #tpu.memory_space<vmem>>, vector<16xi32>,
      tpu.vector_store %arg9[%swap3A_1040, %swap3A_1041], %add3A_1038 {strides = array<i32>} : memref<2x128xi32, #tpu.memory_space<vmem>>, vector<16xi32>,
      %get3A_1043 = arith.constant 416 : index
      %get3A_1044 = tpu.vector_load %arg6[%get3A_1043] {strides = array<i32>} : memref<512xi32, #tpu.memory_space<vmem>>, vector<16xi32>,
      %get3A_1045 = arith.constant 3 : i32
      %get3A_1046 = arith.index_cast %scan3A_892 : i32 to index
      %get3A_1047 = arith.index_cast %get3A_1045 : i32 to index
      %get3A_1048 = arith.constant 32 : index
      %get3A_1049 = tpu.vector_load %arg7[%get3A_1046, %get3A_1047, %get3A_1048] {strides = array<i32>} : memref<20x4x128xi32, #tpu.memory_space<vmem>>, vector<16xi32>,
      %mul3A_1050 = arith.constant 1000 : i32
      %mul3A_1051 = vector.broadcast %mul3A_1050 : i32 to vector<16xi32>
      %mul3A_1052 = arith.muli %get3A_1044, %mul3A_1051 : vector<16xi32>
      %add3A_1053 = arith.addi %mul3A_1052, %get3A_1049 : vector<16xi32>
      %swap3A_1054 = arith.constant 1 : i32
      %swap3A_1055 = arith.index_cast %swap3A_1054 : i32 to index
      %swap3A_1056 = arith.constant 32 : index
      %swap3A_1057 = tpu.vector_load %arg9[%swap3A_1055, %swap3A_1056] {strides = array<i32>} : memref<2x128xi32, #tpu.memory_space<vmem>>, vector<16xi32>,
      tpu.vector_store %arg9[%swap3A_1055, %swap3A_1056], %add3A_1053 {strides = array<i32>} : memref<2x128xi32, #tpu.memory_space<vmem>>, vector<16xi32>,
      %get3A_1058 = arith.constant 432 : index
      %get3A_1059 = tpu.vector_load %arg6[%get3A_1058] {strides = array<i32>} : memref<512xi32, #tpu.memory_space<vmem>>, vector<16xi32>,
      %get3A_1060 = arith.constant 3 : i32
      %get3A_1061 = arith.index_cast %scan3A_892 : i32 to index
      %get3A_1062 = arith.index_cast %get3A_1060 : i32 to index
      %get3A_1063 = arith.constant 48 : index
      %get3A_1064 = tpu.vector_load %arg7[%get3A_1061, %get3A_1062, %get3A_1063] {strides = array<i32>} : memref<20x4x128xi32, #tpu.memory_space<vmem>>, vector<16xi32>,
      %mul3A_1065 = arith.constant 1000 : i32
      %mul3A_1066 = vector.broadcast %mul3A_1065 : i32 to vector<16xi32>
      %mul3A_1067 = arith.muli %get3A_1059, %mul3A_1066 : vector<16xi32>
      %add3A_1068 = arith.addi %mul3A_1067, %get3A_1064 : vector<16xi32>
      %swap3A_1069 = arith.constant 1 : i32
      %swap3A_1070 = arith.index_cast %swap3A_1069 : i32 to index
      %swap3A_1071 = arith.constant 48 : index
      %swap3A_1072 = tpu.vector_load %arg9[%swap3A_1070, %swap3A_1071] {strides = array<i32>} : memref<2x128xi32, #tpu.memory_space<vmem>>, vector<16xi32>,
      tpu.vector_store %arg9[%swap3A_1070, %swap3A_1071], %add3A_1068 {strides = array<i32>} : memref<2x128xi32, #tpu.memory_space<vmem>>, vector<16xi32>,
      %get3A_1073 = arith.constant 448 : index
      %get3A_1074 = tpu.vector_load %arg6[%get3A_1073] {strides = array<i32>} : memref<512xi32, #tpu.memory_space<vmem>>, vector<16xi32>,
      %get3A_1075 = arith.constant 3 : i32
      %get3A_1076 = arith.index_cast %scan3A_892 : i32 to index
      %get3A_1077 = arith.index_cast %get3A_1075 : i32 to index
      %get3A_1078 = arith.constant 64 : index
      %get3A_1079 = tpu.vector_load %arg7[%get3A_1076, %get3A_1077, %get3A_1078] {strides = array<i32>} : memref<20x4x128xi32, #tpu.memory_space<vmem>>, vector<16xi32>,
      %mul3A_1080 = arith.constant 1000 : i32
      %mul3A_1081 = vector.broadcast %mul3A_1080 : i32 to vector<16xi32>
      %mul3A_1082 = arith.muli %get3A_1074, %mul3A_1081 : vector<16xi32>
      %add3A_1083 = arith.addi %mul3A_1082, %get3A_1079 : vector<16xi32>
      %swap3A_1084 = arith.constant 1 : i32
      %swap3A_1085 = arith.index_cast %swap3A_1084 : i32 to index
      %swap3A_1086 = arith.constant 64 : index
      %swap3A_1087 = tpu.vector_load %arg9[%swap3A_1085, %swap3A_1086] {strides = array<i32>} : memref<2x128xi32, #tpu.memory_space<vmem>>, vector<16xi32>,
      tpu.vector_store %arg9[%swap3A_1085, %swap3A_1086], %add3A_1083 {strides = array<i32>} : memref<2x128xi32, #tpu.memory_space<vmem>>, vector<16xi32>,
      %get3A_1088 = arith.constant 464 : index
      %get3A_1089 = tpu.vector_load %arg6[%get3A_1088] {strides = array<i32>} : memref<512xi32, #tpu.memory_space<vmem>>, vector<16xi32>,
      %get3A_1090 = arith.constant 3 : i32
      %get3A_1091 = arith.index_cast %scan3A_892 : i32 to index
      %get3A_1092 = arith.index_cast %get3A_1090 : i32 to index
      %get3A_1093 = arith.constant 80 : index
      %get3A_1094 = tpu.vector_load %arg7[%get3A_1091, %get3A_1092, %get3A_1093] {strides = array<i32>} : memref<20x4x128xi32, #tpu.memory_space<vmem>>, vector<16xi32>,
      %mul3A_1095 = arith.constant 1000 : i32
      %mul3A_1096 = vector.broadcast %mul3A_1095 : i32 to vector<16xi32>
      %mul3A_1097 = arith.muli %get3A_1089, %mul3A_1096 : vector<16xi32>
      %add3A_1098 = arith.addi %mul3A_1097, %get3A_1094 : vector<16xi32>
      %swap3A_1099 = arith.constant 1 : i32
      %swap3A_1100 = arith.index_cast %swap3A_1099 : i32 to index
      %swap3A_1101 = arith.constant 80 : index
      %swap3A_1102 = tpu.vector_load %arg9[%swap3A_1100, %swap3A_1101] {strides = array<i32>} : memref<2x128xi32, #tpu.memory_space<vmem>>, vector<16xi32>,
      tpu.vector_store %arg9[%swap3A_1100, %swap3A_1101], %add3A_1098 {strides = array<i32>} : memref<2x128xi32, #tpu.memory_space<vmem>>, vector<16xi32>,
      %get3A_1103 = arith.constant 480 : index
      %get3A_1104 = tpu.vector_load %arg6[%get3A_1103] {strides = array<i32>} : memref<512xi32, #tpu.memory_space<vmem>>, vector<16xi32>,
      %get3A_1105 = arith.constant 3 : i32
      %get3A_1106 = arith.index_cast %scan3A_892 : i32 to index
      %get3A_1107 = arith.index_cast %get3A_1105 : i32 to index
      %get3A_1108 = arith.constant 96 : index
      %get3A_1109 = tpu.vector_load %arg7[%get3A_1106, %get3A_1107, %get3A_1108] {strides = array<i32>} : memref<20x4x128xi32, #tpu.memory_space<vmem>>, vector<16xi32>,
      %mul3A_1110 = arith.constant 1000 : i32
      %mul3A_1111 = vector.broadcast %mul3A_1110 : i32 to vector<16xi32>
      %mul3A_1112 = arith.muli %get3A_1104, %mul3A_1111 : vector<16xi32>
      %add3A_1113 = arith.addi %mul3A_1112, %get3A_1109 : vector<16xi32>
      %swap3A_1114 = arith.constant 1 : i32
      %swap3A_1115 = arith.index_cast %swap3A_1114 : i32 to index
      %swap3A_1116 = arith.constant 96 : index
      %swap3A_1117 = tpu.vector_load %arg9[%swap3A_1115, %swap3A_1116] {strides = array<i32>} : memref<2x128xi32, #tpu.memory_space<vmem>>, vector<16xi32>,
      tpu.vector_store %arg9[%swap3A_1115, %swap3A_1116], %add3A_1113 {strides = array<i32>} : memref<2x128xi32, #tpu.memory_space<vmem>>, vector<16xi32>,
      %get3A_1118 = arith.constant 496 : index
      %get3A_1119 = tpu.vector_load %arg6[%get3A_1118] {strides = array<i32>} : memref<512xi32, #tpu.memory_space<vmem>>, vector<16xi32>,
      %get3A_1120 = arith.constant 3 : i32
      %get3A_1121 = arith.index_cast %scan3A_892 : i32 to index
      %get3A_1122 = arith.index_cast %get3A_1120 : i32 to index
      %get3A_1123 = arith.constant 112 : index
      %get3A_1124 = tpu.vector_load %arg7[%get3A_1121, %get3A_1122, %get3A_1123] {strides = array<i32>} : memref<20x4x128xi32, #tpu.memory_space<vmem>>, vector<16xi32>,
      %mul3A_1125 = arith.constant 1000 : i32
      %mul3A_1126 = vector.broadcast %mul3A_1125 : i32 to vector<16xi32>
      %mul3A_1127 = arith.muli %get3A_1119, %mul3A_1126 : vector<16xi32>
      %add3A_1128 = arith.addi %mul3A_1127, %get3A_1124 : vector<16xi32>
      %swap3A_1129 = arith.constant 1 : i32
      %swap3A_1130 = arith.index_cast %swap3A_1129 : i32 to index
      %swap3A_1131 = arith.constant 112 : index
      %swap3A_1132 = tpu.vector_load %arg9[%swap3A_1130, %swap3A_1131] {strides = array<i32>} : memref<2x128xi32, #tpu.memory_space<vmem>>, vector<16xi32>,
      tpu.vector_store %arg9[%swap3A_1130, %swap3A_1131], %add3A_1128 {strides = array<i32>} : memref<2x128xi32, #tpu.memory_space<vmem>>, vector<16xi32>,
      %dma_start3A_1133 = arith.constant 0 : i32
      %dma_start3A_1134 = arith.constant 0 : i32
      %dma_start3A_1135 = arith.constant 0 : i32
      %dma_start3A_1136 = tpu.memref_slice %arg11[%dma_start3A_1134, %dma_start3A_1135] : memref<256x64xf32, #tpu.memory_space<vmem>> -> memref<128x64xf32, #tpu.memory_space<vmem>>
      %dma_start3A_1137 = arith.constant 0 : i32
      %dma_start3A_1138 = tpu.memref_slice %arg9[%dma_start3A_1133, %dma_start3A_1137] : memref<2x128xi32, #tpu.memory_space<vmem>> -> memref<1x128xi32, #tpu.memory_space<vmem>>
      %dma_start3A_1139 = tpu.memref_squeeze %dma_start3A_1138 : memref<1x128xi32, #tpu.memory_space<vmem>> -> memref<128xi32, #tpu.memory_space<vmem>>
      %dma_start3A_1140 = arith.constant 0 : i32
      %dma_start3A_1141 = arith.constant 0 : i32
      %dma_start3A_1142 = tpu.memref_slice %arg2[%dma_start3A_1140, %dma_start3A_1141] : memref<100000x64xf32, #tpu.memory_space<hbm>> -> memref<100000x64xf32, #tpu.memory_space<hbm>>
      tpu.enqueue_indirect_dma source(%dma_start3A_1142 : memref<100000x64xf32, #tpu.memory_space<hbm>>) target(%dma_start3A_1136 : memref<128x64xf32, #tpu.memory_space<vmem>>) offsets(%dma_start3A_1139 : memref<128xi32, #tpu.memory_space<vmem>>) semaphore(%arg15 : memref<!tpu.dma_semaphore, #tpu.memory_space<semaphore_mem>>)
      %dma_start3A_1143 = arith.constant 1 : i32
      %dma_start3A_1144 = arith.constant 128 : i32
      %dma_start3A_1145 = arith.constant 0 : i32
      %dma_start3A_1146 = tpu.memref_slice %arg11[%dma_start3A_1144, %dma_start3A_1145] : memref<256x64xf32, #tpu.memory_space<vmem>> -> memref<128x64xf32, #tpu.memory_space<vmem>>
      %dma_start3A_1147 = arith.constant 0 : i32
      %dma_start3A_1148 = tpu.memref_slice %arg9[%dma_start3A_1143, %dma_start3A_1147] : memref<2x128xi32, #tpu.memory_space<vmem>> -> memref<1x128xi32, #tpu.memory_space<vmem>>
      %dma_start3A_1149 = tpu.memref_squeeze %dma_start3A_1148 : memref<1x128xi32, #tpu.memory_space<vmem>> -> memref<128xi32, #tpu.memory_space<vmem>>
      %dma_start3A_1150 = arith.constant 0 : i32
      %dma_start3A_1151 = arith.constant 0 : i32
      %dma_start3A_1152 = tpu.memref_slice %arg2[%dma_start3A_1150, %dma_start3A_1151] : memref<100000x64xf32, #tpu.memory_space<hbm>> -> memref<100000x64xf32, #tpu.memory_space<hbm>>
      tpu.enqueue_indirect_dma source(%dma_start3A_1152 : memref<100000x64xf32, #tpu.memory_space<hbm>>) target(%dma_start3A_1146 : memref<128x64xf32, #tpu.memory_space<vmem>>) offsets(%dma_start3A_1149 : memref<128xi32, #tpu.memory_space<vmem>>) semaphore(%arg15 : memref<!tpu.dma_semaphore, #tpu.memory_space<semaphore_mem>>)
      %dma_wait3A_1153 = arith.constant 0 : i32
      %dma_wait3A_1154 = arith.constant 0 : i32
      %dma_wait3A_1155 = arith.constant 0 : i32
      %dma_wait3A_1156 = tpu.memref_slice %arg10[%dma_wait3A_1154, %dma_wait3A_1155] : memref<256x64xf32, #tpu.memory_space<vmem>> -> memref<128x64xf32, #tpu.memory_space<vmem>>
      %dma_wait3A_1157 = arith.constant 0 : i32
      %dma_wait3A_1158 = tpu.memref_slice %arg8[%dma_wait3A_1153, %dma_wait3A_1157] : memref<2x128xi32, #tpu.memory_space<vmem>> -> memref<1x128xi32, #tpu.memory_space<vmem>>
      %dma_wait3A_1159 = tpu.memref_squeeze %dma_wait3A_1158 : memref<1x128xi32, #tpu.memory_space<vmem>> -> memref<128xi32, #tpu.memory_space<vmem>>
      %dma_wait3A_1160 = arith.constant 0 : i32
      %dma_wait3A_1161 = arith.constant 0 : i32
      %dma_wait3A_1162 = tpu.memref_slice %arg2[%dma_wait3A_1160, %dma_wait3A_1161] : memref<100000x64xf32, #tpu.memory_space<hbm>> -> memref<100000x64xf32, #tpu.memory_space<hbm>>
      tpu.wait_indirect_dma semaphore(%arg14 : memref<!tpu.dma_semaphore, #tpu.memory_space<semaphore_mem>>) src(%dma_wait3A_1162 : memref<100000x64xf32, #tpu.memory_space<hbm>>) dst(%dma_wait3A_1156 : memref<128x64xf32, #tpu.memory_space<vmem>>)
      %dma_wait3A_1163 = arith.constant 1 : i32
      %dma_wait3A_1164 = arith.constant 128 : i32
      %dma_wait3A_1165 = arith.constant 0 : i32
      %dma_wait3A_1166 = tpu.memref_slice %arg10[%dma_wait3A_1164, %dma_wait3A_1165] : memref<256x64xf32, #tpu.memory_space<vmem>> -> memref<128x64xf32, #tpu.memory_space<vmem>>
      %dma_wait3A_1167 = arith.constant 0 : i32
      %dma_wait3A_1168 = tpu.memref_slice %arg8[%dma_wait3A_1163, %dma_wait3A_1167] : memref<2x128xi32, #tpu.memory_space<vmem>> -> memref<1x128xi32, #tpu.memory_space<vmem>>
      %dma_wait3A_1169 = tpu.memref_squeeze %dma_wait3A_1168 : memref<1x128xi32, #tpu.memory_space<vmem>> -> memref<128xi32, #tpu.memory_space<vmem>>
      %dma_wait3A_1170 = arith.constant 0 : i32
      %dma_wait3A_1171 = arith.constant 0 : i32
      %dma_wait3A_1172 = tpu.memref_slice %arg2[%dma_wait3A_1170, %dma_wait3A_1171] : memref<100000x64xf32, #tpu.memory_space<hbm>> -> memref<100000x64xf32, #tpu.memory_space<hbm>>
      tpu.wait_indirect_dma semaphore(%arg14 : memref<!tpu.dma_semaphore, #tpu.memory_space<semaphore_mem>>) src(%dma_wait3A_1172 : memref<100000x64xf32, #tpu.memory_space<hbm>>) dst(%dma_wait3A_1166 : memref<128x64xf32, #tpu.memory_space<vmem>>)
      %gt3A = arith.constant 0 : i32
      %gt3A_1173 = arith.cmpi sgt, %scan3A_892, %gt3A : i32
      %convert_element_type3A = arith.extui %gt3A_1173 : i1 to i32
      %cond3A = arith.constant 0 : i32
      %cond3A_1174 = arith.cmpi ne, %convert_element_type3A, %cond3A : i32
      scf.if %cond3A_1174 {
        %dma_wait3A_2126 = arith.constant 0 : i32
        %dma_wait3A_2127 = arith.constant 0 : i32
        %dma_wait3A_2128 = arith.constant 0 : i32
        %dma_wait3A_2129 = arith.constant 0 : i32
        %dma_wait3A_2130 = tpu.memref_slice %arg12[%dma_wait3A_2126, %dma_wait3A_2128, %dma_wait3A_2129] : memref<16x9x131xf32, #tpu.memory_space<vmem>> -> memref<1x8x128xf32, #tpu.memory_space<vmem>>
        %dma_wait3A_2131 = tpu.memref_squeeze %dma_wait3A_2130 : memref<1x8x128xf32, #tpu.memory_space<vmem>> -> memref<8x128xf32, #tpu.memory_space<vmem>>
        %dma_wait3A_2132 = arith.constant 0 : i32
        %dma_wait3A_2133 = arith.constant 0 : i32
        %dma_wait3A_2134 = tpu.memref_slice %arg5[%dma_wait3A_2127, %dma_wait3A_2132, %dma_wait3A_2133] : memref<20480x8x128xf32, #tpu.memory_space<hbm>> -> memref<1x8x128xf32, #tpu.memory_space<hbm>>
        %dma_wait3A_2135 = tpu.memref_squeeze %dma_wait3A_2134 : memref<1x8x128xf32, #tpu.memory_space<hbm>> -> memref<8x128xf32, #tpu.memory_space<hbm>>
        %dma_wait3A_2136 = arith.constant 0 : i32
        %dma_wait3A_2137 = arith.constant 0 : i32
        %dma_wait3A_2138 = tpu.memref_slice %arg5[%dma_wait3A_2127, %dma_wait3A_2136, %dma_wait3A_2137] : memref<20480x8x128xf32, #tpu.memory_space<hbm>> -> memref<1x8x128xf32, #tpu.memory_space<hbm>>
        %dma_wait3A_2139 = tpu.memref_squeeze %dma_wait3A_2138 : memref<1x8x128xf32, #tpu.memory_space<hbm>> -> memref<8x128xf32, #tpu.memory_space<hbm>>
        %dma_wait3A_2140 = arith.constant 0 : i32
        %dma_wait3A_2141 = arith.constant 0 : i32
        %dma_wait3A_2142 = tpu.memref_slice %arg12[%dma_wait3A_2126, %dma_wait3A_2140, %dma_wait3A_2141] : memref<16x9x131xf32, #tpu.memory_space<vmem>> -> memref<1x8x128xf32, #tpu.memory_space<vmem>>
        %dma_wait3A_2143 = tpu.memref_squeeze %dma_wait3A_2142 : memref<1x8x128xf32, #tpu.memory_space<vmem>> -> memref<8x128xf32, #tpu.memory_space<vmem>>
        tpu.wait_dma2 semaphore(%arg16 : memref<!tpu.dma_semaphore, #tpu.memory_space<semaphore_mem>>) src(%dma_wait3A_2143 : memref<8x128xf32, #tpu.memory_space<vmem>>) dst(%dma_wait3A_2139 : memref<8x128xf32, #tpu.memory_space<hbm>>)
        %dma_wait3A_2144 = arith.constant 1 : i32
        %dma_wait3A_2145 = arith.constant 1 : i32
        %dma_wait3A_2146 = arith.constant 0 : i32
        %dma_wait3A_2147 = arith.constant 0 : i32
        %dma_wait3A_2148 = tpu.memref_slice %arg12[%dma_wait3A_2144, %dma_wait3A_2146, %dma_wait3A_2147] : memref<16x9x131xf32, #tpu.memory_space<vmem>> -> memref<1x8x128xf32, #tpu.memory_space<vmem>>
        %dma_wait3A_2149 = tpu.memref_squeeze %dma_wait3A_2148 : memref<1x8x128xf32, #tpu.memory_space<vmem>> -> memref<8x128xf32, #tpu.memory_space<vmem>>
        %dma_wait3A_2150 = arith.constant 0 : i32
        %dma_wait3A_2151 = arith.constant 0 : i32
        %dma_wait3A_2152 = tpu.memref_slice %arg5[%dma_wait3A_2145, %dma_wait3A_2150, %dma_wait3A_2151] : memref<20480x8x128xf32, #tpu.memory_space<hbm>> -> memref<1x8x128xf32, #tpu.memory_space<hbm>>
        %dma_wait3A_2153 = tpu.memref_squeeze %dma_wait3A_2152 : memref<1x8x128xf32, #tpu.memory_space<hbm>> -> memref<8x128xf32, #tpu.memory_space<hbm>>
        %dma_wait3A_2154 = arith.constant 0 : i32
        %dma_wait3A_2155 = arith.constant 0 : i32
        %dma_wait3A_2156 = tpu.memref_slice %arg5[%dma_wait3A_2145, %dma_wait3A_2154, %dma_wait3A_2155] : memref<20480x8x128xf32, #tpu.memory_space<hbm>> -> memref<1x8x128xf32, #tpu.memory_space<hbm>>
        %dma_wait3A_2157 = tpu.memref_squeeze %dma_wait3A_2156 : memref<1x8x128xf32, #tpu.memory_space<hbm>> -> memref<8x128xf32, #tpu.memory_space<hbm>>
        %dma_wait3A_2158 = arith.constant 0 : i32
        %dma_wait3A_2159 = arith.constant 0 : i32
        %dma_wait3A_2160 = tpu.memref_slice %arg12[%dma_wait3A_2144, %dma_wait3A_2158, %dma_wait3A_2159] : memref<16x9x131xf32, #tpu.memory_space<vmem>> -> memref<1x8x128xf32, #tpu.memory_space<vmem>>
        %dma_wait3A_2161 = tpu.memref_squeeze %dma_wait3A_2160 : memref<1x8x128xf32, #tpu.memory_space<vmem>> -> memref<8x128xf32, #tpu.memory_space<vmem>>
        tpu.wait_dma2 semaphore(%arg16 : memref<!tpu.dma_semaphore, #tpu.memory_space<semaphore_mem>>) src(%dma_wait3A_2161 : memref<8x128xf32, #tpu.memory_space<vmem>>) dst(%dma_wait3A_2157 : memref<8x128xf32, #tpu.memory_space<hbm>>)
        %dma_wait3A_2162 = arith.constant 2 : i32
        %dma_wait3A_2163 = arith.constant 2 : i32
        %dma_wait3A_2164 = arith.constant 0 : i32
        %dma_wait3A_2165 = arith.constant 0 : i32
        %dma_wait3A_2166 = tpu.memref_slice %arg12[%dma_wait3A_2162, %dma_wait3A_2164, %dma_wait3A_2165] : memref<16x9x131xf32, #tpu.memory_space<vmem>> -> memref<1x8x128xf32, #tpu.memory_space<vmem>>
        %dma_wait3A_2167 = tpu.memref_squeeze %dma_wait3A_2166 : memref<1x8x128xf32, #tpu.memory_space<vmem>> -> memref<8x128xf32, #tpu.memory_space<vmem>>
        %dma_wait3A_2168 = arith.constant 0 : i32
        %dma_wait3A_2169 = arith.constant 0 : i32
        %dma_wait3A_2170 = tpu.memref_slice %arg5[%dma_wait3A_2163, %dma_wait3A_2168, %dma_wait3A_2169] : memref<20480x8x128xf32, #tpu.memory_space<hbm>> -> memref<1x8x128xf32, #tpu.memory_space<hbm>>
        %dma_wait3A_2171 = tpu.memref_squeeze %dma_wait3A_2170 : memref<1x8x128xf32, #tpu.memory_space<hbm>> -> memref<8x128xf32, #tpu.memory_space<hbm>>
        %dma_wait3A_2172 = arith.constant 0 : i32
        %dma_wait3A_2173 = arith.constant 0 : i32
        %dma_wait3A_2174 = tpu.memref_slice %arg5[%dma_wait3A_2163, %dma_wait3A_2172, %dma_wait3A_2173] : memref<20480x8x128xf32, #tpu.memory_space<hbm>> -> memref<1x8x128xf32, #tpu.memory_space<hbm>>
        %dma_wait3A_2175 = tpu.memref_squeeze %dma_wait3A_2174 : memref<1x8x128xf32, #tpu.memory_space<hbm>> -> memref<8x128xf32, #tpu.memory_space<hbm>>
        %dma_wait3A_2176 = arith.constant 0 : i32
        %dma_wait3A_2177 = arith.constant 0 : i32
        %dma_wait3A_2178 = tpu.memref_slice %arg12[%dma_wait3A_2162, %dma_wait3A_2176, %dma_wait3A_2177] : memref<16x9x131xf32, #tpu.memory_space<vmem>> -> memref<1x8x128xf32, #tpu.memory_space<vmem>>
        %dma_wait3A_2179 = tpu.memref_squeeze %dma_wait3A_2178 : memref<1x8x128xf32, #tpu.memory_space<vmem>> -> memref<8x128xf32, #tpu.memory_space<vmem>>
        tpu.wait_dma2 semaphore(%arg16 : memref<!tpu.dma_semaphore, #tpu.memory_space<semaphore_mem>>) src(%dma_wait3A_2179 : memref<8x128xf32, #tpu.memory_space<vmem>>) dst(%dma_wait3A_2175 : memref<8x128xf32, #tpu.memory_space<hbm>>)
        %dma_wait3A_2180 = arith.constant 3 : i32
        %dma_wait3A_2181 = arith.constant 3 : i32
        %dma_wait3A_2182 = arith.constant 0 : i32
        %dma_wait3A_2183 = arith.constant 0 : i32
        %dma_wait3A_2184 = tpu.memref_slice %arg12[%dma_wait3A_2180, %dma_wait3A_2182, %dma_wait3A_2183] : memref<16x9x131xf32, #tpu.memory_space<vmem>> -> memref<1x8x128xf32, #tpu.memory_space<vmem>>
        %dma_wait3A_2185 = tpu.memref_squeeze %dma_wait3A_2184 : memref<1x8x128xf32, #tpu.memory_space<vmem>> -> memref<8x128xf32, #tpu.memory_space<vmem>>
        %dma_wait3A_2186 = arith.constant 0 : i32
        %dma_wait3A_2187 = arith.constant 0 : i32
        %dma_wait3A_2188 = tpu.memref_slice %arg5[%dma_wait3A_2181, %dma_wait3A_2186, %dma_wait3A_2187] : memref<20480x8x128xf32, #tpu.memory_space<hbm>> -> memref<1x8x128xf32, #tpu.memory_space<hbm>>
        %dma_wait3A_2189 = tpu.memref_squeeze %dma_wait3A_2188 : memref<1x8x128xf32, #tpu.memory_space<hbm>> -> memref<8x128xf32, #tpu.memory_space<hbm>>
        %dma_wait3A_2190 = arith.constant 0 : i32
        %dma_wait3A_2191 = arith.constant 0 : i32
        %dma_wait3A_2192 = tpu.memref_slice %arg5[%dma_wait3A_2181, %dma_wait3A_2190, %dma_wait3A_2191] : memref<20480x8x128xf32, #tpu.memory_space<hbm>> -> memref<1x8x128xf32, #tpu.memory_space<hbm>>
        %dma_wait3A_2193 = tpu.memref_squeeze %dma_wait3A_2192 : memref<1x8x128xf32, #tpu.memory_space<hbm>> -> memref<8x128xf32, #tpu.memory_space<hbm>>
        %dma_wait3A_2194 = arith.constant 0 : i32
        %dma_wait3A_2195 = arith.constant 0 : i32
        %dma_wait3A_2196 = tpu.memref_slice %arg12[%dma_wait3A_2180, %dma_wait3A_2194, %dma_wait3A_2195] : memref<16x9x131xf32, #tpu.memory_space<vmem>> -> memref<1x8x128xf32, #tpu.memory_space<vmem>>
        %dma_wait3A_2197 = tpu.memref_squeeze %dma_wait3A_2196 : memref<1x8x128xf32, #tpu.memory_space<vmem>> -> memref<8x128xf32, #tpu.memory_space<vmem>>
        tpu.wait_dma2 semaphore(%arg16 : memref<!tpu.dma_semaphore, #tpu.memory_space<semaphore_mem>>) src(%dma_wait3A_2197 : memref<8x128xf32, #tpu.memory_space<vmem>>) dst(%dma_wait3A_2193 : memref<8x128xf32, #tpu.memory_space<hbm>>)
        %dma_wait3A_2198 = arith.constant 4 : i32
        %dma_wait3A_2199 = arith.constant 4 : i32
        %dma_wait3A_2200 = arith.constant 0 : i32
        %dma_wait3A_2201 = arith.constant 0 : i32
        %dma_wait3A_2202 = tpu.memref_slice %arg12[%dma_wait3A_2198, %dma_wait3A_2200, %dma_wait3A_2201] : memref<16x9x131xf32, #tpu.memory_space<vmem>> -> memref<1x8x128xf32, #tpu.memory_space<vmem>>
        %dma_wait3A_2203 = tpu.memref_squeeze %dma_wait3A_2202 : memref<1x8x128xf32, #tpu.memory_space<vmem>> -> memref<8x128xf32, #tpu.memory_space<vmem>>
        %dma_wait3A_2204 = arith.constant 0 : i32
        %dma_wait3A_2205 = arith.constant 0 : i32
        %dma_wait3A_2206 = tpu.memref_slice %arg5[%dma_wait3A_2199, %dma_wait3A_2204, %dma_wait3A_2205] : memref<20480x8x128xf32, #tpu.memory_space<hbm>> -> memref<1x8x128xf32, #tpu.memory_space<hbm>>
        %dma_wait3A_2207 = tpu.memref_squeeze %dma_wait3A_2206 : memref<1x8x128xf32, #tpu.memory_space<hbm>> -> memref<8x128xf32, #tpu.memory_space<hbm>>
        %dma_wait3A_2208 = arith.constant 0 : i32
        %dma_wait3A_2209 = arith.constant 0 : i32
        %dma_wait3A_2210 = tpu.memref_slice %arg5[%dma_wait3A_2199, %dma_wait3A_2208, %dma_wait3A_2209] : memref<20480x8x128xf32, #tpu.memory_space<hbm>> -> memref<1x8x128xf32, #tpu.memory_space<hbm>>
        %dma_wait3A_2211 = tpu.memref_squeeze %dma_wait3A_2210 : memref<1x8x128xf32, #tpu.memory_space<hbm>> -> memref<8x128xf32, #tpu.memory_space<hbm>>
        %dma_wait3A_2212 = arith.constant 0 : i32
        %dma_wait3A_2213 = arith.constant 0 : i32
        %dma_wait3A_2214 = tpu.memref_slice %arg12[%dma_wait3A_2198, %dma_wait3A_2212, %dma_wait3A_2213] : memref<16x9x131xf32, #tpu.memory_space<vmem>> -> memref<1x8x128xf32, #tpu.memory_space<vmem>>
        %dma_wait3A_2215 = tpu.memref_squeeze %dma_wait3A_2214 : memref<1x8x128xf32, #tpu.memory_space<vmem>> -> memref<8x128xf32, #tpu.memory_space<vmem>>
        tpu.wait_dma2 semaphore(%arg16 : memref<!tpu.dma_semaphore, #tpu.memory_space<semaphore_mem>>) src(%dma_wait3A_2215 : memref<8x128xf32, #tpu.memory_space<vmem>>) dst(%dma_wait3A_2211 : memref<8x128xf32, #tpu.memory_space<hbm>>)
        %dma_wait3A_2216 = arith.constant 5 : i32
        %dma_wait3A_2217 = arith.constant 5 : i32
        %dma_wait3A_2218 = arith.constant 0 : i32
        %dma_wait3A_2219 = arith.constant 0 : i32
        %dma_wait3A_2220 = tpu.memref_slice %arg12[%dma_wait3A_2216, %dma_wait3A_2218, %dma_wait3A_2219] : memref<16x9x131xf32, #tpu.memory_space<vmem>> -> memref<1x8x128xf32, #tpu.memory_space<vmem>>
        %dma_wait3A_2221 = tpu.memref_squeeze %dma_wait3A_2220 : memref<1x8x128xf32, #tpu.memory_space<vmem>> -> memref<8x128xf32, #tpu.memory_space<vmem>>
        %dma_wait3A_2222 = arith.constant 0 : i32
        %dma_wait3A_2223 = arith.constant 0 : i32
        %dma_wait3A_2224 = tpu.memref_slice %arg5[%dma_wait3A_2217, %dma_wait3A_2222, %dma_wait3A_2223] : memref<20480x8x128xf32, #tpu.memory_space<hbm>> -> memref<1x8x128xf32, #tpu.memory_space<hbm>>
        %dma_wait3A_2225 = tpu.memref_squeeze %dma_wait3A_2224 : memref<1x8x128xf32, #tpu.memory_space<hbm>> -> memref<8x128xf32, #tpu.memory_space<hbm>>
        %dma_wait3A_2226 = arith.constant 0 : i32
        %dma_wait3A_2227 = arith.constant 0 : i32
        %dma_wait3A_2228 = tpu.memref_slice %arg5[%dma_wait3A_2217, %dma_wait3A_2226, %dma_wait3A_2227] : memref<20480x8x128xf32, #tpu.memory_space<hbm>> -> memref<1x8x128xf32, #tpu.memory_space<hbm>>
        %dma_wait3A_2229 = tpu.memref_squeeze %dma_wait3A_2228 : memref<1x8x128xf32, #tpu.memory_space<hbm>> -> memref<8x128xf32, #tpu.memory_space<hbm>>
        %dma_wait3A_2230 = arith.constant 0 : i32
        %dma_wait3A_2231 = arith.constant 0 : i32
        %dma_wait3A_2232 = tpu.memref_slice %arg12[%dma_wait3A_2216, %dma_wait3A_2230, %dma_wait3A_2231] : memref<16x9x131xf32, #tpu.memory_space<vmem>> -> memref<1x8x128xf32, #tpu.memory_space<vmem>>
        %dma_wait3A_2233 = tpu.memref_squeeze %dma_wait3A_2232 : memref<1x8x128xf32, #tpu.memory_space<vmem>> -> memref<8x128xf32, #tpu.memory_space<vmem>>
        tpu.wait_dma2 semaphore(%arg16 : memref<!tpu.dma_semaphore, #tpu.memory_space<semaphore_mem>>) src(%dma_wait3A_2233 : memref<8x128xf32, #tpu.memory_space<vmem>>) dst(%dma_wait3A_2229 : memref<8x128xf32, #tpu.memory_space<hbm>>)
        %dma_wait3A_2234 = arith.constant 6 : i32
        %dma_wait3A_2235 = arith.constant 6 : i32
        %dma_wait3A_2236 = arith.constant 0 : i32
        %dma_wait3A_2237 = arith.constant 0 : i32
        %dma_wait3A_2238 = tpu.memref_slice %arg12[%dma_wait3A_2234, %dma_wait3A_2236, %dma_wait3A_2237] : memref<16x9x131xf32, #tpu.memory_space<vmem>> -> memref<1x8x128xf32, #tpu.memory_space<vmem>>
        %dma_wait3A_2239 = tpu.memref_squeeze %dma_wait3A_2238 : memref<1x8x128xf32, #tpu.memory_space<vmem>> -> memref<8x128xf32, #tpu.memory_space<vmem>>
        %dma_wait3A_2240 = arith.constant 0 : i32
        %dma_wait3A_2241 = arith.constant 0 : i32
        %dma_wait3A_2242 = tpu.memref_slice %arg5[%dma_wait3A_2235, %dma_wait3A_2240, %dma_wait3A_2241] : memref<20480x8x128xf32, #tpu.memory_space<hbm>> -> memref<1x8x128xf32, #tpu.memory_space<hbm>>
        %dma_wait3A_2243 = tpu.memref_squeeze %dma_wait3A_2242 : memref<1x8x128xf32, #tpu.memory_space<hbm>> -> memref<8x128xf32, #tpu.memory_space<hbm>>
        %dma_wait3A_2244 = arith.constant 0 : i32
        %dma_wait3A_2245 = arith.constant 0 : i32
        %dma_wait3A_2246 = tpu.memref_slice %arg5[%dma_wait3A_2235, %dma_wait3A_2244, %dma_wait3A_2245] : memref<20480x8x128xf32, #tpu.memory_space<hbm>> -> memref<1x8x128xf32, #tpu.memory_space<hbm>>
        %dma_wait3A_2247 = tpu.memref_squeeze %dma_wait3A_2246 : memref<1x8x128xf32, #tpu.memory_space<hbm>> -> memref<8x128xf32, #tpu.memory_space<hbm>>
        %dma_wait3A_2248 = arith.constant 0 : i32
        %dma_wait3A_2249 = arith.constant 0 : i32
        %dma_wait3A_2250 = tpu.memref_slice %arg12[%dma_wait3A_2234, %dma_wait3A_2248, %dma_wait3A_2249] : memref<16x9x131xf32, #tpu.memory_space<vmem>> -> memref<1x8x128xf32, #tpu.memory_space<vmem>>
        %dma_wait3A_2251 = tpu.memref_squeeze %dma_wait3A_2250 : memref<1x8x128xf32, #tpu.memory_space<vmem>> -> memref<8x128xf32, #tpu.memory_space<vmem>>
        tpu.wait_dma2 semaphore(%arg16 : memref<!tpu.dma_semaphore, #tpu.memory_space<semaphore_mem>>) src(%dma_wait3A_2251 : memref<8x128xf32, #tpu.memory_space<vmem>>) dst(%dma_wait3A_2247 : memref<8x128xf32, #tpu.memory_space<hbm>>)
        %dma_wait3A_2252 = arith.constant 7 : i32
        %dma_wait3A_2253 = arith.constant 7 : i32
        %dma_wait3A_2254 = arith.constant 0 : i32
        %dma_wait3A_2255 = arith.constant 0 : i32
        %dma_wait3A_2256 = tpu.memref_slice %arg12[%dma_wait3A_2252, %dma_wait3A_2254, %dma_wait3A_2255] : memref<16x9x131xf32, #tpu.memory_space<vmem>> -> memref<1x8x128xf32, #tpu.memory_space<vmem>>
        %dma_wait3A_2257 = tpu.memref_squeeze %dma_wait3A_2256 : memref<1x8x128xf32, #tpu.memory_space<vmem>> -> memref<8x128xf32, #tpu.memory_space<vmem>>
        %dma_wait3A_2258 = arith.constant 0 : i32
        %dma_wait3A_2259 = arith.constant 0 : i32
        %dma_wait3A_2260 = tpu.memref_slice %arg5[%dma_wait3A_2253, %dma_wait3A_2258, %dma_wait3A_2259] : memref<20480x8x128xf32, #tpu.memory_space<hbm>> -> memref<1x8x128xf32, #tpu.memory_space<hbm>>
        %dma_wait3A_2261 = tpu.memref_squeeze %dma_wait3A_2260 : memref<1x8x128xf32, #tpu.memory_space<hbm>> -> memref<8x128xf32, #tpu.memory_space<hbm>>
        %dma_wait3A_2262 = arith.constant 0 : i32
        %dma_wait3A_2263 = arith.constant 0 : i32
        %dma_wait3A_2264 = tpu.memref_slice %arg5[%dma_wait3A_2253, %dma_wait3A_2262, %dma_wait3A_2263] : memref<20480x8x128xf32, #tpu.memory_space<hbm>> -> memref<1x8x128xf32, #tpu.memory_space<hbm>>
        %dma_wait3A_2265 = tpu.memref_squeeze %dma_wait3A_2264 : memref<1x8x128xf32, #tpu.memory_space<hbm>> -> memref<8x128xf32, #tpu.memory_space<hbm>>
        %dma_wait3A_2266 = arith.constant 0 : i32
        %dma_wait3A_2267 = arith.constant 0 : i32
        %dma_wait3A_2268 = tpu.memref_slice %arg12[%dma_wait3A_2252, %dma_wait3A_2266, %dma_wait3A_2267] : memref<16x9x131xf32, #tpu.memory_space<vmem>> -> memref<1x8x128xf32, #tpu.memory_space<vmem>>
        %dma_wait3A_2269 = tpu.memref_squeeze %dma_wait3A_2268 : memref<1x8x128xf32, #tpu.memory_space<vmem>> -> memref<8x128xf32, #tpu.memory_space<vmem>>
        tpu.wait_dma2 semaphore(%arg16 : memref<!tpu.dma_semaphore, #tpu.memory_space<semaphore_mem>>) src(%dma_wait3A_2269 : memref<8x128xf32, #tpu.memory_space<vmem>>) dst(%dma_wait3A_2265 : memref<8x128xf32, #tpu.memory_space<hbm>>)
        %dma_wait3A_2270 = arith.constant 8 : i32
        %dma_wait3A_2271 = arith.constant 8 : i32
        %dma_wait3A_2272 = arith.constant 0 : i32
        %dma_wait3A_2273 = arith.constant 0 : i32
        %dma_wait3A_2274 = tpu.memref_slice %arg12[%dma_wait3A_2270, %dma_wait3A_2272, %dma_wait3A_2273] : memref<16x9x131xf32, #tpu.memory_space<vmem>> -> memref<1x8x128xf32, #tpu.memory_space<vmem>>
        %dma_wait3A_2275 = tpu.memref_squeeze %dma_wait3A_2274 : memref<1x8x128xf32, #tpu.memory_space<vmem>> -> memref<8x128xf32, #tpu.memory_space<vmem>>
        %dma_wait3A_2276 = arith.constant 0 : i32
        %dma_wait3A_2277 = arith.constant 0 : i32
        %dma_wait3A_2278 = tpu.memref_slice %arg5[%dma_wait3A_2271, %dma_wait3A_2276, %dma_wait3A_2277] : memref<20480x8x128xf32, #tpu.memory_space<hbm>> -> memref<1x8x128xf32, #tpu.memory_space<hbm>>
        %dma_wait3A_2279 = tpu.memref_squeeze %dma_wait3A_2278 : memref<1x8x128xf32, #tpu.memory_space<hbm>> -> memref<8x128xf32, #tpu.memory_space<hbm>>
        %dma_wait3A_2280 = arith.constant 0 : i32
        %dma_wait3A_2281 = arith.constant 0 : i32
        %dma_wait3A_2282 = tpu.memref_slice %arg5[%dma_wait3A_2271, %dma_wait3A_2280, %dma_wait3A_2281] : memref<20480x8x128xf32, #tpu.memory_space<hbm>> -> memref<1x8x128xf32, #tpu.memory_space<hbm>>
        %dma_wait3A_2283 = tpu.memref_squeeze %dma_wait3A_2282 : memref<1x8x128xf32, #tpu.memory_space<hbm>> -> memref<8x128xf32, #tpu.memory_space<hbm>>
        %dma_wait3A_2284 = arith.constant 0 : i32
        %dma_wait3A_2285 = arith.constant 0 : i32
        %dma_wait3A_2286 = tpu.memref_slice %arg12[%dma_wait3A_2270, %dma_wait3A_2284, %dma_wait3A_2285] : memref<16x9x131xf32, #tpu.memory_space<vmem>> -> memref<1x8x128xf32, #tpu.memory_space<vmem>>
        %dma_wait3A_2287 = tpu.memref_squeeze %dma_wait3A_2286 : memref<1x8x128xf32, #tpu.memory_space<vmem>> -> memref<8x128xf32, #tpu.memory_space<vmem>>
        tpu.wait_dma2 semaphore(%arg16 : memref<!tpu.dma_semaphore, #tpu.memory_space<semaphore_mem>>) src(%dma_wait3A_2287 : memref<8x128xf32, #tpu.memory_space<vmem>>) dst(%dma_wait3A_2283 : memref<8x128xf32, #tpu.memory_space<hbm>>)
        %dma_wait3A_2288 = arith.constant 9 : i32
        %dma_wait3A_2289 = arith.constant 9 : i32
        %dma_wait3A_2290 = arith.constant 0 : i32
        %dma_wait3A_2291 = arith.constant 0 : i32
        %dma_wait3A_2292 = tpu.memref_slice %arg12[%dma_wait3A_2288, %dma_wait3A_2290, %dma_wait3A_2291] : memref<16x9x131xf32, #tpu.memory_space<vmem>> -> memref<1x8x128xf32, #tpu.memory_space<vmem>>
        %dma_wait3A_2293 = tpu.memref_squeeze %dma_wait3A_2292 : memref<1x8x128xf32, #tpu.memory_space<vmem>> -> memref<8x128xf32, #tpu.memory_space<vmem>>
        %dma_wait3A_2294 = arith.constant 0 : i32
        %dma_wait3A_2295 = arith.constant 0 : i32
        %dma_wait3A_2296 = tpu.memref_slice %arg5[%dma_wait3A_2289, %dma_wait3A_2294, %dma_wait3A_2295] : memref<20480x8x128xf32, #tpu.memory_space<hbm>> -> memref<1x8x128xf32, #tpu.memory_space<hbm>>
        %dma_wait3A_2297 = tpu.memref_squeeze %dma_wait3A_2296 : memref<1x8x128xf32, #tpu.memory_space<hbm>> -> memref<8x128xf32, #tpu.memory_space<hbm>>
        %dma_wait3A_2298 = arith.constant 0 : i32
        %dma_wait3A_2299 = arith.constant 0 : i32
        %dma_wait3A_2300 = tpu.memref_slice %arg5[%dma_wait3A_2289, %dma_wait3A_2298, %dma_wait3A_2299] : memref<20480x8x128xf32, #tpu.memory_space<hbm>> -> memref<1x8x128xf32, #tpu.memory_space<hbm>>
        %dma_wait3A_2301 = tpu.memref_squeeze %dma_wait3A_2300 : memref<1x8x128xf32, #tpu.memory_space<hbm>> -> memref<8x128xf32, #tpu.memory_space<hbm>>
        %dma_wait3A_2302 = arith.constant 0 : i32
        %dma_wait3A_2303 = arith.constant 0 : i32
        %dma_wait3A_2304 = tpu.memref_slice %arg12[%dma_wait3A_2288, %dma_wait3A_2302, %dma_wait3A_2303] : memref<16x9x131xf32, #tpu.memory_space<vmem>> -> memref<1x8x128xf32, #tpu.memory_space<vmem>>
        %dma_wait3A_2305 = tpu.memref_squeeze %dma_wait3A_2304 : memref<1x8x128xf32, #tpu.memory_space<vmem>> -> memref<8x128xf32, #tpu.memory_space<vmem>>
        tpu.wait_dma2 semaphore(%arg16 : memref<!tpu.dma_semaphore, #tpu.memory_space<semaphore_mem>>) src(%dma_wait3A_2305 : memref<8x128xf32, #tpu.memory_space<vmem>>) dst(%dma_wait3A_2301 : memref<8x128xf32, #tpu.memory_space<hbm>>)
        %dma_wait3A_2306 = arith.constant 10 : i32
        %dma_wait3A_2307 = arith.constant 10 : i32
        %dma_wait3A_2308 = arith.constant 0 : i32
        %dma_wait3A_2309 = arith.constant 0 : i32
        %dma_wait3A_2310 = tpu.memref_slice %arg12[%dma_wait3A_2306, %dma_wait3A_2308, %dma_wait3A_2309] : memref<16x9x131xf32, #tpu.memory_space<vmem>> -> memref<1x8x128xf32, #tpu.memory_space<vmem>>
        %dma_wait3A_2311 = tpu.memref_squeeze %dma_wait3A_2310 : memref<1x8x128xf32, #tpu.memory_space<vmem>> -> memref<8x128xf32, #tpu.memory_space<vmem>>
        %dma_wait3A_2312 = arith.constant 0 : i32
        %dma_wait3A_2313 = arith.constant 0 : i32
        %dma_wait3A_2314 = tpu.memref_slice %arg5[%dma_wait3A_2307, %dma_wait3A_2312, %dma_wait3A_2313] : memref<20480x8x128xf32, #tpu.memory_space<hbm>> -> memref<1x8x128xf32, #tpu.memory_space<hbm>>
        %dma_wait3A_2315 = tpu.memref_squeeze %dma_wait3A_2314 : memref<1x8x128xf32, #tpu.memory_space<hbm>> -> memref<8x128xf32, #tpu.memory_space<hbm>>
        %dma_wait3A_2316 = arith.constant 0 : i32
        %dma_wait3A_2317 = arith.constant 0 : i32
        %dma_wait3A_2318 = tpu.memref_slice %arg5[%dma_wait3A_2307, %dma_wait3A_2316, %dma_wait3A_2317] : memref<20480x8x128xf32, #tpu.memory_space<hbm>> -> memref<1x8x128xf32, #tpu.memory_space<hbm>>
        %dma_wait3A_2319 = tpu.memref_squeeze %dma_wait3A_2318 : memref<1x8x128xf32, #tpu.memory_space<hbm>> -> memref<8x128xf32, #tpu.memory_space<hbm>>
        %dma_wait3A_2320 = arith.constant 0 : i32
        %dma_wait3A_2321 = arith.constant 0 : i32
        %dma_wait3A_2322 = tpu.memref_slice %arg12[%dma_wait3A_2306, %dma_wait3A_2320, %dma_wait3A_2321] : memref<16x9x131xf32, #tpu.memory_space<vmem>> -> memref<1x8x128xf32, #tpu.memory_space<vmem>>
        %dma_wait3A_2323 = tpu.memref_squeeze %dma_wait3A_2322 : memref<1x8x128xf32, #tpu.memory_space<vmem>> -> memref<8x128xf32, #tpu.memory_space<vmem>>
        tpu.wait_dma2 semaphore(%arg16 : memref<!tpu.dma_semaphore, #tpu.memory_space<semaphore_mem>>) src(%dma_wait3A_2323 : memref<8x128xf32, #tpu.memory_space<vmem>>) dst(%dma_wait3A_2319 : memref<8x128xf32, #tpu.memory_space<hbm>>)
        %dma_wait3A_2324 = arith.constant 11 : i32
        %dma_wait3A_2325 = arith.constant 11 : i32
        %dma_wait3A_2326 = arith.constant 0 : i32
        %dma_wait3A_2327 = arith.constant 0 : i32
        %dma_wait3A_2328 = tpu.memref_slice %arg12[%dma_wait3A_2324, %dma_wait3A_2326, %dma_wait3A_2327] : memref<16x9x131xf32, #tpu.memory_space<vmem>> -> memref<1x8x128xf32, #tpu.memory_space<vmem>>
        %dma_wait3A_2329 = tpu.memref_squeeze %dma_wait3A_2328 : memref<1x8x128xf32, #tpu.memory_space<vmem>> -> memref<8x128xf32, #tpu.memory_space<vmem>>
        %dma_wait3A_2330 = arith.constant 0 : i32
        %dma_wait3A_2331 = arith.constant 0 : i32
        %dma_wait3A_2332 = tpu.memref_slice %arg5[%dma_wait3A_2325, %dma_wait3A_2330, %dma_wait3A_2331] : memref<20480x8x128xf32, #tpu.memory_space<hbm>> -> memref<1x8x128xf32, #tpu.memory_space<hbm>>
        %dma_wait3A_2333 = tpu.memref_squeeze %dma_wait3A_2332 : memref<1x8x128xf32, #tpu.memory_space<hbm>> -> memref<8x128xf32, #tpu.memory_space<hbm>>
        %dma_wait3A_2334 = arith.constant 0 : i32
        %dma_wait3A_2335 = arith.constant 0 : i32
        %dma_wait3A_2336 = tpu.memref_slice %arg5[%dma_wait3A_2325, %dma_wait3A_2334, %dma_wait3A_2335] : memref<20480x8x128xf32, #tpu.memory_space<hbm>> -> memref<1x8x128xf32, #tpu.memory_space<hbm>>
        %dma_wait3A_2337 = tpu.memref_squeeze %dma_wait3A_2336 : memref<1x8x128xf32, #tpu.memory_space<hbm>> -> memref<8x128xf32, #tpu.memory_space<hbm>>
        %dma_wait3A_2338 = arith.constant 0 : i32
        %dma_wait3A_2339 = arith.constant 0 : i32
        %dma_wait3A_2340 = tpu.memref_slice %arg12[%dma_wait3A_2324, %dma_wait3A_2338, %dma_wait3A_2339] : memref<16x9x131xf32, #tpu.memory_space<vmem>> -> memref<1x8x128xf32, #tpu.memory_space<vmem>>
        %dma_wait3A_2341 = tpu.memref_squeeze %dma_wait3A_2340 : memref<1x8x128xf32, #tpu.memory_space<vmem>> -> memref<8x128xf32, #tpu.memory_space<vmem>>
        tpu.wait_dma2 semaphore(%arg16 : memref<!tpu.dma_semaphore, #tpu.memory_space<semaphore_mem>>) src(%dma_wait3A_2341 : memref<8x128xf32, #tpu.memory_space<vmem>>) dst(%dma_wait3A_2337 : memref<8x128xf32, #tpu.memory_space<hbm>>)
        %dma_wait3A_2342 = arith.constant 12 : i32
        %dma_wait3A_2343 = arith.constant 12 : i32
        %dma_wait3A_2344 = arith.constant 0 : i32
        %dma_wait3A_2345 = arith.constant 0 : i32
        %dma_wait3A_2346 = tpu.memref_slice %arg12[%dma_wait3A_2342, %dma_wait3A_2344, %dma_wait3A_2345] : memref<16x9x131xf32, #tpu.memory_space<vmem>> -> memref<1x8x128xf32, #tpu.memory_space<vmem>>
        %dma_wait3A_2347 = tpu.memref_squeeze %dma_wait3A_2346 : memref<1x8x128xf32, #tpu.memory_space<vmem>> -> memref<8x128xf32, #tpu.memory_space<vmem>>
        %dma_wait3A_2348 = arith.constant 0 : i32
        %dma_wait3A_2349 = arith.constant 0 : i32
        %dma_wait3A_2350 = tpu.memref_slice %arg5[%dma_wait3A_2343, %dma_wait3A_2348, %dma_wait3A_2349] : memref<20480x8x128xf32, #tpu.memory_space<hbm>> -> memref<1x8x128xf32, #tpu.memory_space<hbm>>
        %dma_wait3A_2351 = tpu.memref_squeeze %dma_wait3A_2350 : memref<1x8x128xf32, #tpu.memory_space<hbm>> -> memref<8x128xf32, #tpu.memory_space<hbm>>
        %dma_wait3A_2352 = arith.constant 0 : i32
        %dma_wait3A_2353 = arith.constant 0 : i32
        %dma_wait3A_2354 = tpu.memref_slice %arg5[%dma_wait3A_2343, %dma_wait3A_2352, %dma_wait3A_2353] : memref<20480x8x128xf32, #tpu.memory_space<hbm>> -> memref<1x8x128xf32, #tpu.memory_space<hbm>>
        %dma_wait3A_2355 = tpu.memref_squeeze %dma_wait3A_2354 : memref<1x8x128xf32, #tpu.memory_space<hbm>> -> memref<8x128xf32, #tpu.memory_space<hbm>>
        %dma_wait3A_2356 = arith.constant 0 : i32
        %dma_wait3A_2357 = arith.constant 0 : i32
        %dma_wait3A_2358 = tpu.memref_slice %arg12[%dma_wait3A_2342, %dma_wait3A_2356, %dma_wait3A_2357] : memref<16x9x131xf32, #tpu.memory_space<vmem>> -> memref<1x8x128xf32, #tpu.memory_space<vmem>>
        %dma_wait3A_2359 = tpu.memref_squeeze %dma_wait3A_2358 : memref<1x8x128xf32, #tpu.memory_space<vmem>> -> memref<8x128xf32, #tpu.memory_space<vmem>>
        tpu.wait_dma2 semaphore(%arg16 : memref<!tpu.dma_semaphore, #tpu.memory_space<semaphore_mem>>) src(%dma_wait3A_2359 : memref<8x128xf32, #tpu.memory_space<vmem>>) dst(%dma_wait3A_2355 : memref<8x128xf32, #tpu.memory_space<hbm>>)
        %dma_wait3A_2360 = arith.constant 13 : i32
        %dma_wait3A_2361 = arith.constant 13 : i32
        %dma_wait3A_2362 = arith.constant 0 : i32
        %dma_wait3A_2363 = arith.constant 0 : i32
        %dma_wait3A_2364 = tpu.memref_slice %arg12[%dma_wait3A_2360, %dma_wait3A_2362, %dma_wait3A_2363] : memref<16x9x131xf32, #tpu.memory_space<vmem>> -> memref<1x8x128xf32, #tpu.memory_space<vmem>>
        %dma_wait3A_2365 = tpu.memref_squeeze %dma_wait3A_2364 : memref<1x8x128xf32, #tpu.memory_space<vmem>> -> memref<8x128xf32, #tpu.memory_space<vmem>>
        %dma_wait3A_2366 = arith.constant 0 : i32
        %dma_wait3A_2367 = arith.constant 0 : i32
        %dma_wait3A_2368 = tpu.memref_slice %arg5[%dma_wait3A_2361, %dma_wait3A_2366, %dma_wait3A_2367] : memref<20480x8x128xf32, #tpu.memory_space<hbm>> -> memref<1x8x128xf32, #tpu.memory_space<hbm>>
        %dma_wait3A_2369 = tpu.memref_squeeze %dma_wait3A_2368 : memref<1x8x128xf32, #tpu.memory_space<hbm>> -> memref<8x128xf32, #tpu.memory_space<hbm>>
        %dma_wait3A_2370 = arith.constant 0 : i32
        %dma_wait3A_2371 = arith.constant 0 : i32
        %dma_wait3A_2372 = tpu.memref_slice %arg5[%dma_wait3A_2361, %dma_wait3A_2370, %dma_wait3A_2371] : memref<20480x8x128xf32, #tpu.memory_space<hbm>> -> memref<1x8x128xf32, #tpu.memory_space<hbm>>
        %dma_wait3A_2373 = tpu.memref_squeeze %dma_wait3A_2372 : memref<1x8x128xf32, #tpu.memory_space<hbm>> -> memref<8x128xf32, #tpu.memory_space<hbm>>
        %dma_wait3A_2374 = arith.constant 0 : i32
        %dma_wait3A_2375 = arith.constant 0 : i32
        %dma_wait3A_2376 = tpu.memref_slice %arg12[%dma_wait3A_2360, %dma_wait3A_2374, %dma_wait3A_2375] : memref<16x9x131xf32, #tpu.memory_space<vmem>> -> memref<1x8x128xf32, #tpu.memory_space<vmem>>
        %dma_wait3A_2377 = tpu.memref_squeeze %dma_wait3A_2376 : memref<1x8x128xf32, #tpu.memory_space<vmem>> -> memref<8x128xf32, #tpu.memory_space<vmem>>
        tpu.wait_dma2 semaphore(%arg16 : memref<!tpu.dma_semaphore, #tpu.memory_space<semaphore_mem>>) src(%dma_wait3A_2377 : memref<8x128xf32, #tpu.memory_space<vmem>>) dst(%dma_wait3A_2373 : memref<8x128xf32, #tpu.memory_space<hbm>>)
        %dma_wait3A_2378 = arith.constant 14 : i32
        %dma_wait3A_2379 = arith.constant 14 : i32
        %dma_wait3A_2380 = arith.constant 0 : i32
        %dma_wait3A_2381 = arith.constant 0 : i32
        %dma_wait3A_2382 = tpu.memref_slice %arg12[%dma_wait3A_2378, %dma_wait3A_2380, %dma_wait3A_2381] : memref<16x9x131xf32, #tpu.memory_space<vmem>> -> memref<1x8x128xf32, #tpu.memory_space<vmem>>
        %dma_wait3A_2383 = tpu.memref_squeeze %dma_wait3A_2382 : memref<1x8x128xf32, #tpu.memory_space<vmem>> -> memref<8x128xf32, #tpu.memory_space<vmem>>
        %dma_wait3A_2384 = arith.constant 0 : i32
        %dma_wait3A_2385 = arith.constant 0 : i32
        %dma_wait3A_2386 = tpu.memref_slice %arg5[%dma_wait3A_2379, %dma_wait3A_2384, %dma_wait3A_2385] : memref<20480x8x128xf32, #tpu.memory_space<hbm>> -> memref<1x8x128xf32, #tpu.memory_space<hbm>>
        %dma_wait3A_2387 = tpu.memref_squeeze %dma_wait3A_2386 : memref<1x8x128xf32, #tpu.memory_space<hbm>> -> memref<8x128xf32, #tpu.memory_space<hbm>>
        %dma_wait3A_2388 = arith.constant 0 : i32
        %dma_wait3A_2389 = arith.constant 0 : i32
        %dma_wait3A_2390 = tpu.memref_slice %arg5[%dma_wait3A_2379, %dma_wait3A_2388, %dma_wait3A_2389] : memref<20480x8x128xf32, #tpu.memory_space<hbm>> -> memref<1x8x128xf32, #tpu.memory_space<hbm>>
        %dma_wait3A_2391 = tpu.memref_squeeze %dma_wait3A_2390 : memref<1x8x128xf32, #tpu.memory_space<hbm>> -> memref<8x128xf32, #tpu.memory_space<hbm>>
        %dma_wait3A_2392 = arith.constant 0 : i32
        %dma_wait3A_2393 = arith.constant 0 : i32
        %dma_wait3A_2394 = tpu.memref_slice %arg12[%dma_wait3A_2378, %dma_wait3A_2392, %dma_wait3A_2393] : memref<16x9x131xf32, #tpu.memory_space<vmem>> -> memref<1x8x128xf32, #tpu.memory_space<vmem>>
        %dma_wait3A_2395 = tpu.memref_squeeze %dma_wait3A_2394 : memref<1x8x128xf32, #tpu.memory_space<vmem>> -> memref<8x128xf32, #tpu.memory_space<vmem>>
        tpu.wait_dma2 semaphore(%arg16 : memref<!tpu.dma_semaphore, #tpu.memory_space<semaphore_mem>>) src(%dma_wait3A_2395 : memref<8x128xf32, #tpu.memory_space<vmem>>) dst(%dma_wait3A_2391 : memref<8x128xf32, #tpu.memory_space<hbm>>)
        %dma_wait3A_2396 = arith.constant 15 : i32
        %dma_wait3A_2397 = arith.constant 15 : i32
        %dma_wait3A_2398 = arith.constant 0 : i32
        %dma_wait3A_2399 = arith.constant 0 : i32
        %dma_wait3A_2400 = tpu.memref_slice %arg12[%dma_wait3A_2396, %dma_wait3A_2398, %dma_wait3A_2399] : memref<16x9x131xf32, #tpu.memory_space<vmem>> -> memref<1x8x128xf32, #tpu.memory_space<vmem>>
        %dma_wait3A_2401 = tpu.memref_squeeze %dma_wait3A_2400 : memref<1x8x128xf32, #tpu.memory_space<vmem>> -> memref<8x128xf32, #tpu.memory_space<vmem>>
        %dma_wait3A_2402 = arith.constant 0 : i32
        %dma_wait3A_2403 = arith.constant 0 : i32
        %dma_wait3A_2404 = tpu.memref_slice %arg5[%dma_wait3A_2397, %dma_wait3A_2402, %dma_wait3A_2403] : memref<20480x8x128xf32, #tpu.memory_space<hbm>> -> memref<1x8x128xf32, #tpu.memory_space<hbm>>
        %dma_wait3A_2405 = tpu.memref_squeeze %dma_wait3A_2404 : memref<1x8x128xf32, #tpu.memory_space<hbm>> -> memref<8x128xf32, #tpu.memory_space<hbm>>
        %dma_wait3A_2406 = arith.constant 0 : i32
        %dma_wait3A_2407 = arith.constant 0 : i32
        %dma_wait3A_2408 = tpu.memref_slice %arg5[%dma_wait3A_2397, %dma_wait3A_2406, %dma_wait3A_2407] : memref<20480x8x128xf32, #tpu.memory_space<hbm>> -> memref<1x8x128xf32, #tpu.memory_space<hbm>>
        %dma_wait3A_2409 = tpu.memref_squeeze %dma_wait3A_2408 : memref<1x8x128xf32, #tpu.memory_space<hbm>> -> memref<8x128xf32, #tpu.memory_space<hbm>>
        %dma_wait3A_2410 = arith.constant 0 : i32
        %dma_wait3A_2411 = arith.constant 0 : i32
        %dma_wait3A_2412 = tpu.memref_slice %arg12[%dma_wait3A_2396, %dma_wait3A_2410, %dma_wait3A_2411] : memref<16x9x131xf32, #tpu.memory_space<vmem>> -> memref<1x8x128xf32, #tpu.memory_space<vmem>>
        %dma_wait3A_2413 = tpu.memref_squeeze %dma_wait3A_2412 : memref<1x8x128xf32, #tpu.memory_space<vmem>> -> memref<8x128xf32, #tpu.memory_space<vmem>>
        tpu.wait_dma2 semaphore(%arg16 : memref<!tpu.dma_semaphore, #tpu.memory_space<semaphore_mem>>) src(%dma_wait3A_2413 : memref<8x128xf32, #tpu.memory_space<vmem>>) dst(%dma_wait3A_2409 : memref<8x128xf32, #tpu.memory_space<hbm>>)
      } else {
      }
      %scan3A_1175 = arith.constant 0 : i32
      %scan3A_1176 = arith.constant 0 : i32
      %scan3A_1177 = arith.constant 128 : i32
      %scan3A_1178 = arith.addi %scan3A_1176, %scan3A_1177 : i32
      %scan3A_1179 = arith.constant 4 : i32
      scf.for %scan3A_2126 = %scan3A_1176 to %scan3A_1178 step %scan3A_1179  : i32 {
        %add3A_2127 = vector.broadcast %scan3A_2126 : i32 to vector<16xi32>
        %add3A_2128 = arith.addi %mul3A_14, %add3A_2127 : vector<16xi32>
        %add3A_2129 = arith.constant 0 : i32
        %add3A_2130 = arith.addi %add3A_2129, %scan3A_2126 : i32
        %get3A_2131 = arith.index_cast %add3A_2130 : i32 to index
        %get3A_2132 = arith.constant 0 : index
        %get3A_2133 = tpu.vector_load %arg10[%get3A_2131, %get3A_2132] {strides = array<i32>} : memref<256x64xf32, #tpu.memory_space<vmem>>, vector<16xf32>,
        tpu.vector_store_idx %arg12[%add3A_17, %rem3A_6, %add3A_2128], %get3A_2133 : memref<16x9x131xf32, #tpu.memory_space<vmem>>[vector<16xi32>, vector<16xi32>, vector<16xi32>], vector<16xf32>,
        %get3A_2134 = arith.index_cast %add3A_2130 : i32 to index
        %get3A_2135 = arith.constant 16 : index
        %get3A_2136 = tpu.vector_load %arg10[%get3A_2134, %get3A_2135] {strides = array<i32>} : memref<256x64xf32, #tpu.memory_space<vmem>>, vector<16xf32>,
        tpu.vector_store_idx %arg12[%add3A_20, %rem3A_6, %add3A_2128], %get3A_2136 : memref<16x9x131xf32, #tpu.memory_space<vmem>>[vector<16xi32>, vector<16xi32>, vector<16xi32>], vector<16xf32>,
        %get3A_2137 = arith.index_cast %add3A_2130 : i32 to index
        %get3A_2138 = arith.constant 32 : index
        %get3A_2139 = tpu.vector_load %arg10[%get3A_2137, %get3A_2138] {strides = array<i32>} : memref<256x64xf32, #tpu.memory_space<vmem>>, vector<16xf32>,
        tpu.vector_store_idx %arg12[%add3A_23, %rem3A_6, %add3A_2128], %get3A_2139 : memref<16x9x131xf32, #tpu.memory_space<vmem>>[vector<16xi32>, vector<16xi32>, vector<16xi32>], vector<16xf32>,
        %get3A_2140 = arith.index_cast %add3A_2130 : i32 to index
        %get3A_2141 = arith.constant 48 : index
        %get3A_2142 = tpu.vector_load %arg10[%get3A_2140, %get3A_2141] {strides = array<i32>} : memref<256x64xf32, #tpu.memory_space<vmem>>, vector<16xf32>,
        tpu.vector_store_idx %arg12[%add3A_26, %rem3A_6, %add3A_2128], %get3A_2142 : memref<16x9x131xf32, #tpu.memory_space<vmem>>[vector<16xi32>, vector<16xi32>, vector<16xi32>], vector<16xf32>,
        %scan3A_2143 = arith.constant 1 : i32
        %scan3A_2144 = arith.addi %scan3A_2126, %scan3A_2143 : i32
        %add3A_2145 = vector.broadcast %scan3A_2144 : i32 to vector<16xi32>
        %add3A_2146 = arith.addi %mul3A_14, %add3A_2145 : vector<16xi32>
        %add3A_2147 = arith.constant 0 : i32
        %add3A_2148 = arith.addi %add3A_2147, %scan3A_2144 : i32
        %get3A_2149 = arith.index_cast %add3A_2148 : i32 to index
        %get3A_2150 = arith.constant 0 : index
        %get3A_2151 = tpu.vector_load %arg10[%get3A_2149, %get3A_2150] {strides = array<i32>} : memref<256x64xf32, #tpu.memory_space<vmem>>, vector<16xf32>,
        tpu.vector_store_idx %arg12[%add3A_17, %rem3A_6, %add3A_2146], %get3A_2151 : memref<16x9x131xf32, #tpu.memory_space<vmem>>[vector<16xi32>, vector<16xi32>, vector<16xi32>], vector<16xf32>,
        %get3A_2152 = arith.index_cast %add3A_2148 : i32 to index
        %get3A_2153 = arith.constant 16 : index
        %get3A_2154 = tpu.vector_load %arg10[%get3A_2152, %get3A_2153] {strides = array<i32>} : memref<256x64xf32, #tpu.memory_space<vmem>>, vector<16xf32>,
        tpu.vector_store_idx %arg12[%add3A_20, %rem3A_6, %add3A_2146], %get3A_2154 : memref<16x9x131xf32, #tpu.memory_space<vmem>>[vector<16xi32>, vector<16xi32>, vector<16xi32>], vector<16xf32>,
        %get3A_2155 = arith.index_cast %add3A_2148 : i32 to index
        %get3A_2156 = arith.constant 32 : index
        %get3A_2157 = tpu.vector_load %arg10[%get3A_2155, %get3A_2156] {strides = array<i32>} : memref<256x64xf32, #tpu.memory_space<vmem>>, vector<16xf32>,
        tpu.vector_store_idx %arg12[%add3A_23, %rem3A_6, %add3A_2146], %get3A_2157 : memref<16x9x131xf32, #tpu.memory_space<vmem>>[vector<16xi32>, vector<16xi32>, vector<16xi32>], vector<16xf32>,
        %get3A_2158 = arith.index_cast %add3A_2148 : i32 to index
        %get3A_2159 = arith.constant 48 : index
        %get3A_2160 = tpu.vector_load %arg10[%get3A_2158, %get3A_2159] {strides = array<i32>} : memref<256x64xf32, #tpu.memory_space<vmem>>, vector<16xf32>,
        tpu.vector_store_idx %arg12[%add3A_26, %rem3A_6, %add3A_2146], %get3A_2160 : memref<16x9x131xf32, #tpu.memory_space<vmem>>[vector<16xi32>, vector<16xi32>, vector<16xi32>], vector<16xf32>,
        %scan3A_2161 = arith.constant 2 : i32
        %scan3A_2162 = arith.addi %scan3A_2126, %scan3A_2161 : i32
        %add3A_2163 = vector.broadcast %scan3A_2162 : i32 to vector<16xi32>
        %add3A_2164 = arith.addi %mul3A_14, %add3A_2163 : vector<16xi32>
        %add3A_2165 = arith.constant 0 : i32
        %add3A_2166 = arith.addi %add3A_2165, %scan3A_2162 : i32
        %get3A_2167 = arith.index_cast %add3A_2166 : i32 to index
        %get3A_2168 = arith.constant 0 : index
        %get3A_2169 = tpu.vector_load %arg10[%get3A_2167, %get3A_2168] {strides = array<i32>} : memref<256x64xf32, #tpu.memory_space<vmem>>, vector<16xf32>,
        tpu.vector_store_idx %arg12[%add3A_17, %rem3A_6, %add3A_2164], %get3A_2169 : memref<16x9x131xf32, #tpu.memory_space<vmem>>[vector<16xi32>, vector<16xi32>, vector<16xi32>], vector<16xf32>,
        %get3A_2170 = arith.index_cast %add3A_2166 : i32 to index
        %get3A_2171 = arith.constant 16 : index
        %get3A_2172 = tpu.vector_load %arg10[%get3A_2170, %get3A_2171] {strides = array<i32>} : memref<256x64xf32, #tpu.memory_space<vmem>>, vector<16xf32>,
        tpu.vector_store_idx %arg12[%add3A_20, %rem3A_6, %add3A_2164], %get3A_2172 : memref<16x9x131xf32, #tpu.memory_space<vmem>>[vector<16xi32>, vector<16xi32>, vector<16xi32>], vector<16xf32>,
        %get3A_2173 = arith.index_cast %add3A_2166 : i32 to index
        %get3A_2174 = arith.constant 32 : index
        %get3A_2175 = tpu.vector_load %arg10[%get3A_2173, %get3A_2174] {strides = array<i32>} : memref<256x64xf32, #tpu.memory_space<vmem>>, vector<16xf32>,
        tpu.vector_store_idx %arg12[%add3A_23, %rem3A_6, %add3A_2164], %get3A_2175 : memref<16x9x131xf32, #tpu.memory_space<vmem>>[vector<16xi32>, vector<16xi32>, vector<16xi32>], vector<16xf32>,
        %get3A_2176 = arith.index_cast %add3A_2166 : i32 to index
        %get3A_2177 = arith.constant 48 : index
        %get3A_2178 = tpu.vector_load %arg10[%get3A_2176, %get3A_2177] {strides = array<i32>} : memref<256x64xf32, #tpu.memory_space<vmem>>, vector<16xf32>,
        tpu.vector_store_idx %arg12[%add3A_26, %rem3A_6, %add3A_2164], %get3A_2178 : memref<16x9x131xf32, #tpu.memory_space<vmem>>[vector<16xi32>, vector<16xi32>, vector<16xi32>], vector<16xf32>,
        %scan3A_2179 = arith.constant 3 : i32
        %scan3A_2180 = arith.addi %scan3A_2126, %scan3A_2179 : i32
        %add3A_2181 = vector.broadcast %scan3A_2180 : i32 to vector<16xi32>
        %add3A_2182 = arith.addi %mul3A_14, %add3A_2181 : vector<16xi32>
        %add3A_2183 = arith.constant 0 : i32
        %add3A_2184 = arith.addi %add3A_2183, %scan3A_2180 : i32
        %get3A_2185 = arith.index_cast %add3A_2184 : i32 to index
        %get3A_2186 = arith.constant 0 : index
        %get3A_2187 = tpu.vector_load %arg10[%get3A_2185, %get3A_2186] {strides = array<i32>} : memref<256x64xf32, #tpu.memory_space<vmem>>, vector<16xf32>,
        tpu.vector_store_idx %arg12[%add3A_17, %rem3A_6, %add3A_2182], %get3A_2187 : memref<16x9x131xf32, #tpu.memory_space<vmem>>[vector<16xi32>, vector<16xi32>, vector<16xi32>], vector<16xf32>,
        %get3A_2188 = arith.index_cast %add3A_2184 : i32 to index
        %get3A_2189 = arith.constant 16 : index
        %get3A_2190 = tpu.vector_load %arg10[%get3A_2188, %get3A_2189] {strides = array<i32>} : memref<256x64xf32, #tpu.memory_space<vmem>>, vector<16xf32>,
        tpu.vector_store_idx %arg12[%add3A_20, %rem3A_6, %add3A_2182], %get3A_2190 : memref<16x9x131xf32, #tpu.memory_space<vmem>>[vector<16xi32>, vector<16xi32>, vector<16xi32>], vector<16xf32>,
        %get3A_2191 = arith.index_cast %add3A_2184 : i32 to index
        %get3A_2192 = arith.constant 32 : index
        %get3A_2193 = tpu.vector_load %arg10[%get3A_2191, %get3A_2192] {strides = array<i32>} : memref<256x64xf32, #tpu.memory_space<vmem>>, vector<16xf32>,
        tpu.vector_store_idx %arg12[%add3A_23, %rem3A_6, %add3A_2182], %get3A_2193 : memref<16x9x131xf32, #tpu.memory_space<vmem>>[vector<16xi32>, vector<16xi32>, vector<16xi32>], vector<16xf32>,
        %get3A_2194 = arith.index_cast %add3A_2184 : i32 to index
        %get3A_2195 = arith.constant 48 : index
        %get3A_2196 = tpu.vector_load %arg10[%get3A_2194, %get3A_2195] {strides = array<i32>} : memref<256x64xf32, #tpu.memory_space<vmem>>, vector<16xf32>,
        tpu.vector_store_idx %arg12[%add3A_26, %rem3A_6, %add3A_2182], %get3A_2196 : memref<16x9x131xf32, #tpu.memory_space<vmem>>[vector<16xi32>, vector<16xi32>, vector<16xi32>], vector<16xf32>,
      }
      %scan3A_1180 = arith.constant 128 : i32
      %scan3A_1181 = arith.constant 0 : i32
      %scan3A_1182 = arith.constant 0 : i32
      %scan3A_1183 = arith.constant 128 : i32
      %scan3A_1184 = arith.addi %scan3A_1182, %scan3A_1183 : i32
      %scan3A_1185 = arith.constant 4 : i32
      scf.for %scan3A_2126 = %scan3A_1182 to %scan3A_1184 step %scan3A_1185  : i32 {
        %add3A_2127 = vector.broadcast %scan3A_2126 : i32 to vector<16xi32>
        %add3A_2128 = arith.addi %mul3A_14, %add3A_2127 : vector<16xi32>
        %add3A_2129 = arith.constant 128 : i32
        %add3A_2130 = arith.addi %add3A_2129, %scan3A_2126 : i32
        %get3A_2131 = arith.index_cast %add3A_2130 : i32 to index
        %get3A_2132 = arith.constant 0 : index
        %get3A_2133 = tpu.vector_load %arg10[%get3A_2131, %get3A_2132] {strides = array<i32>} : memref<256x64xf32, #tpu.memory_space<vmem>>, vector<16xf32>,
        tpu.vector_store_idx %arg12[%add3A_29, %rem3A_6, %add3A_2128], %get3A_2133 : memref<16x9x131xf32, #tpu.memory_space<vmem>>[vector<16xi32>, vector<16xi32>, vector<16xi32>], vector<16xf32>,
        %get3A_2134 = arith.index_cast %add3A_2130 : i32 to index
        %get3A_2135 = arith.constant 16 : index
        %get3A_2136 = tpu.vector_load %arg10[%get3A_2134, %get3A_2135] {strides = array<i32>} : memref<256x64xf32, #tpu.memory_space<vmem>>, vector<16xf32>,
        tpu.vector_store_idx %arg12[%add3A_32, %rem3A_6, %add3A_2128], %get3A_2136 : memref<16x9x131xf32, #tpu.memory_space<vmem>>[vector<16xi32>, vector<16xi32>, vector<16xi32>], vector<16xf32>,
        %get3A_2137 = arith.index_cast %add3A_2130 : i32 to index
        %get3A_2138 = arith.constant 32 : index
        %get3A_2139 = tpu.vector_load %arg10[%get3A_2137, %get3A_2138] {strides = array<i32>} : memref<256x64xf32, #tpu.memory_space<vmem>>, vector<16xf32>,
        tpu.vector_store_idx %arg12[%add3A_35, %rem3A_6, %add3A_2128], %get3A_2139 : memref<16x9x131xf32, #tpu.memory_space<vmem>>[vector<16xi32>, vector<16xi32>, vector<16xi32>], vector<16xf32>,
        %get3A_2140 = arith.index_cast %add3A_2130 : i32 to index
        %get3A_2141 = arith.constant 48 : index
        %get3A_2142 = tpu.vector_load %arg10[%get3A_2140, %get3A_2141] {strides = array<i32>} : memref<256x64xf32, #tpu.memory_space<vmem>>, vector<16xf32>,
        tpu.vector_store_idx %arg12[%add3A_38, %rem3A_6, %add3A_2128], %get3A_2142 : memref<16x9x131xf32, #tpu.memory_space<vmem>>[vector<16xi32>, vector<16xi32>, vector<16xi32>], vector<16xf32>,
        %scan3A_2143 = arith.constant 1 : i32
        %scan3A_2144 = arith.addi %scan3A_2126, %scan3A_2143 : i32
        %add3A_2145 = vector.broadcast %scan3A_2144 : i32 to vector<16xi32>
        %add3A_2146 = arith.addi %mul3A_14, %add3A_2145 : vector<16xi32>
        %add3A_2147 = arith.constant 128 : i32
        %add3A_2148 = arith.addi %add3A_2147, %scan3A_2144 : i32
        %get3A_2149 = arith.index_cast %add3A_2148 : i32 to index
        %get3A_2150 = arith.constant 0 : index
        %get3A_2151 = tpu.vector_load %arg10[%get3A_2149, %get3A_2150] {strides = array<i32>} : memref<256x64xf32, #tpu.memory_space<vmem>>, vector<16xf32>,
        tpu.vector_store_idx %arg12[%add3A_29, %rem3A_6, %add3A_2146], %get3A_2151 : memref<16x9x131xf32, #tpu.memory_space<vmem>>[vector<16xi32>, vector<16xi32>, vector<16xi32>], vector<16xf32>,
        %get3A_2152 = arith.index_cast %add3A_2148 : i32 to index
        %get3A_2153 = arith.constant 16 : index
        %get3A_2154 = tpu.vector_load %arg10[%get3A_2152, %get3A_2153] {strides = array<i32>} : memref<256x64xf32, #tpu.memory_space<vmem>>, vector<16xf32>,
        tpu.vector_store_idx %arg12[%add3A_32, %rem3A_6, %add3A_2146], %get3A_2154 : memref<16x9x131xf32, #tpu.memory_space<vmem>>[vector<16xi32>, vector<16xi32>, vector<16xi32>], vector<16xf32>,
        %get3A_2155 = arith.index_cast %add3A_2148 : i32 to index
        %get3A_2156 = arith.constant 32 : index
        %get3A_2157 = tpu.vector_load %arg10[%get3A_2155, %get3A_2156] {strides = array<i32>} : memref<256x64xf32, #tpu.memory_space<vmem>>, vector<16xf32>,
        tpu.vector_store_idx %arg12[%add3A_35, %rem3A_6, %add3A_2146], %get3A_2157 : memref<16x9x131xf32, #tpu.memory_space<vmem>>[vector<16xi32>, vector<16xi32>, vector<16xi32>], vector<16xf32>,
        %get3A_2158 = arith.index_cast %add3A_2148 : i32 to index
        %get3A_2159 = arith.constant 48 : index
        %get3A_2160 = tpu.vector_load %arg10[%get3A_2158, %get3A_2159] {strides = array<i32>} : memref<256x64xf32, #tpu.memory_space<vmem>>, vector<16xf32>,
        tpu.vector_store_idx %arg12[%add3A_38, %rem3A_6, %add3A_2146], %get3A_2160 : memref<16x9x131xf32, #tpu.memory_space<vmem>>[vector<16xi32>, vector<16xi32>, vector<16xi32>], vector<16xf32>,
        %scan3A_2161 = arith.constant 2 : i32
        %scan3A_2162 = arith.addi %scan3A_2126, %scan3A_2161 : i32
        %add3A_2163 = vector.broadcast %scan3A_2162 : i32 to vector<16xi32>
        %add3A_2164 = arith.addi %mul3A_14, %add3A_2163 : vector<16xi32>
        %add3A_2165 = arith.constant 128 : i32
        %add3A_2166 = arith.addi %add3A_2165, %scan3A_2162 : i32
        %get3A_2167 = arith.index_cast %add3A_2166 : i32 to index
        %get3A_2168 = arith.constant 0 : index
        %get3A_2169 = tpu.vector_load %arg10[%get3A_2167, %get3A_2168] {strides = array<i32>} : memref<256x64xf32, #tpu.memory_space<vmem>>, vector<16xf32>,
        tpu.vector_store_idx %arg12[%add3A_29, %rem3A_6, %add3A_2164], %get3A_2169 : memref<16x9x131xf32, #tpu.memory_space<vmem>>[vector<16xi32>, vector<16xi32>, vector<16xi32>], vector<16xf32>,
        %get3A_2170 = arith.index_cast %add3A_2166 : i32 to index
        %get3A_2171 = arith.constant 16 : index
        %get3A_2172 = tpu.vector_load %arg10[%get3A_2170, %get3A_2171] {strides = array<i32>} : memref<256x64xf32, #tpu.memory_space<vmem>>, vector<16xf32>,
        tpu.vector_store_idx %arg12[%add3A_32, %rem3A_6, %add3A_2164], %get3A_2172 : memref<16x9x131xf32, #tpu.memory_space<vmem>>[vector<16xi32>, vector<16xi32>, vector<16xi32>], vector<16xf32>,
        %get3A_2173 = arith.index_cast %add3A_2166 : i32 to index
        %get3A_2174 = arith.constant 32 : index
        %get3A_2175 = tpu.vector_load %arg10[%get3A_2173, %get3A_2174] {strides = array<i32>} : memref<256x64xf32, #tpu.memory_space<vmem>>, vector<16xf32>,
        tpu.vector_store_idx %arg12[%add3A_35, %rem3A_6, %add3A_2164], %get3A_2175 : memref<16x9x131xf32, #tpu.memory_space<vmem>>[vector<16xi32>, vector<16xi32>, vector<16xi32>], vector<16xf32>,
        %get3A_2176 = arith.index_cast %add3A_2166 : i32 to index
        %get3A_2177 = arith.constant 48 : index
        %get3A_2178 = tpu.vector_load %arg10[%get3A_2176, %get3A_2177] {strides = array<i32>} : memref<256x64xf32, #tpu.memory_space<vmem>>, vector<16xf32>,
        tpu.vector_store_idx %arg12[%add3A_38, %rem3A_6, %add3A_2164], %get3A_2178 : memref<16x9x131xf32, #tpu.memory_space<vmem>>[vector<16xi32>, vector<16xi32>, vector<16xi32>], vector<16xf32>,
        %scan3A_2179 = arith.constant 3 : i32
        %scan3A_2180 = arith.addi %scan3A_2126, %scan3A_2179 : i32
        %add3A_2181 = vector.broadcast %scan3A_2180 : i32 to vector<16xi32>
        %add3A_2182 = arith.addi %mul3A_14, %add3A_2181 : vector<16xi32>
        %add3A_2183 = arith.constant 128 : i32
        %add3A_2184 = arith.addi %add3A_2183, %scan3A_2180 : i32
        %get3A_2185 = arith.index_cast %add3A_2184 : i32 to index
        %get3A_2186 = arith.constant 0 : index
        %get3A_2187 = tpu.vector_load %arg10[%get3A_2185, %get3A_2186] {strides = array<i32>} : memref<256x64xf32, #tpu.memory_space<vmem>>, vector<16xf32>,
        tpu.vector_store_idx %arg12[%add3A_29, %rem3A_6, %add3A_2182], %get3A_2187 : memref<16x9x131xf32, #tpu.memory_space<vmem>>[vector<16xi32>, vector<16xi32>, vector<16xi32>], vector<16xf32>,
        %get3A_2188 = arith.index_cast %add3A_2184 : i32 to index
        %get3A_2189 = arith.constant 16 : index
        %get3A_2190 = tpu.vector_load %arg10[%get3A_2188, %get3A_2189] {strides = array<i32>} : memref<256x64xf32, #tpu.memory_space<vmem>>, vector<16xf32>,
        tpu.vector_store_idx %arg12[%add3A_32, %rem3A_6, %add3A_2182], %get3A_2190 : memref<16x9x131xf32, #tpu.memory_space<vmem>>[vector<16xi32>, vector<16xi32>, vector<16xi32>], vector<16xf32>,
        %get3A_2191 = arith.index_cast %add3A_2184 : i32 to index
        %get3A_2192 = arith.constant 32 : index
        %get3A_2193 = tpu.vector_load %arg10[%get3A_2191, %get3A_2192] {strides = array<i32>} : memref<256x64xf32, #tpu.memory_space<vmem>>, vector<16xf32>,
        tpu.vector_store_idx %arg12[%add3A_35, %rem3A_6, %add3A_2182], %get3A_2193 : memref<16x9x131xf32, #tpu.memory_space<vmem>>[vector<16xi32>, vector<16xi32>, vector<16xi32>], vector<16xf32>,
        %get3A_2194 = arith.index_cast %add3A_2184 : i32 to index
        %get3A_2195 = arith.constant 48 : index
        %get3A_2196 = tpu.vector_load %arg10[%get3A_2194, %get3A_2195] {strides = array<i32>} : memref<256x64xf32, #tpu.memory_space<vmem>>, vector<16xf32>,
        tpu.vector_store_idx %arg12[%add3A_38, %rem3A_6, %add3A_2182], %get3A_2196 : memref<16x9x131xf32, #tpu.memory_space<vmem>>[vector<16xi32>, vector<16xi32>, vector<16xi32>], vector<16xf32>,
      }
      %scan3A_1186 = arith.constant 128 : i32
      %mul3A_1187 = arith.constant 8 : i32
      %mul3A_1188 = arith.muli %scan3A_892, %mul3A_1187 : i32
      %add3A_1189 = arith.constant 0 : i32
      %add3A_1190 = arith.addi %mul3A_1188, %add3A_1189 : i32
      %mul3A_1191 = arith.constant 128 : i32
      %mul3A_1192 = arith.muli %add3A_1190, %mul3A_1191 : i32
      %add3A_1193 = arith.addi %mul3A_1192, %mul3A_4 : i32
      %add3A_1194 = arith.constant 0 : i32
      %add3A_1195 = arith.addi %add3A_1193, %add3A_1194 : i32
      %add3A_1196 = arith.constant 0 : i32
      %add3A_1197 = arith.addi %add3A_1195, %add3A_1196 : i32
      %dma_start3A_1198 = arith.constant 0 : i32
      %dma_start3A_1199 = arith.constant 0 : i32
      %dma_start3A_1200 = arith.constant 0 : i32
      %dma_start3A_1201 = tpu.memref_slice %arg12[%dma_start3A_1198, %dma_start3A_1199, %dma_start3A_1200] : memref<16x9x131xf32, #tpu.memory_space<vmem>> -> memref<1x8x128xf32, #tpu.memory_space<vmem>>
      %dma_start3A_1202 = tpu.memref_squeeze %dma_start3A_1201 : memref<1x8x128xf32, #tpu.memory_space<vmem>> -> memref<8x128xf32, #tpu.memory_space<vmem>>
      %dma_start3A_1203 = arith.constant 0 : i32
      %dma_start3A_1204 = arith.constant 0 : i32
      %dma_start3A_1205 = tpu.memref_slice %arg5[%add3A_1197, %dma_start3A_1203, %dma_start3A_1204] : memref<20480x8x128xf32, #tpu.memory_space<hbm>> -> memref<1x8x128xf32, #tpu.memory_space<hbm>>
      %dma_start3A_1206 = tpu.memref_squeeze %dma_start3A_1205 : memref<1x8x128xf32, #tpu.memory_space<hbm>> -> memref<8x128xf32, #tpu.memory_space<hbm>>
      %dma_start3A_1207 = arith.constant 0 : i32
      %dma_start3A_1208 = arith.constant 0 : i32
      %dma_start3A_1209 = tpu.memref_slice %arg5[%add3A_1197, %dma_start3A_1207, %dma_start3A_1208] : memref<20480x8x128xf32, #tpu.memory_space<hbm>> -> memref<1x8x128xf32, #tpu.memory_space<hbm>>
      %dma_start3A_1210 = tpu.memref_squeeze %dma_start3A_1209 : memref<1x8x128xf32, #tpu.memory_space<hbm>> -> memref<8x128xf32, #tpu.memory_space<hbm>>
      %dma_start3A_1211 = arith.constant 0 : i32
      %dma_start3A_1212 = arith.constant 0 : i32
      %dma_start3A_1213 = tpu.memref_slice %arg12[%dma_start3A_1198, %dma_start3A_1211, %dma_start3A_1212] : memref<16x9x131xf32, #tpu.memory_space<vmem>> -> memref<1x8x128xf32, #tpu.memory_space<vmem>>
      %dma_start3A_1214 = tpu.memref_squeeze %dma_start3A_1213 : memref<1x8x128xf32, #tpu.memory_space<vmem>> -> memref<8x128xf32, #tpu.memory_space<vmem>>
      tpu.enqueue_dma source(%dma_start3A_1214 : memref<8x128xf32, #tpu.memory_space<vmem>>) target(%dma_start3A_1210 : memref<8x128xf32, #tpu.memory_space<hbm>>) target_semaphore(%arg16 : memref<!tpu.dma_semaphore, #tpu.memory_space<semaphore_mem>>)
      %mul3A_1215 = arith.constant 8 : i32
      %mul3A_1216 = arith.muli %scan3A_892, %mul3A_1215 : i32
      %add3A_1217 = arith.constant 0 : i32
      %add3A_1218 = arith.addi %mul3A_1216, %add3A_1217 : i32
      %mul3A_1219 = arith.constant 128 : i32
      %mul3A_1220 = arith.muli %add3A_1218, %mul3A_1219 : i32
      %add3A_1221 = arith.addi %mul3A_1220, %mul3A_4 : i32
      %add3A_1222 = arith.constant 0 : i32
      %add3A_1223 = arith.addi %add3A_1221, %add3A_1222 : i32
      %add3A_1224 = arith.constant 1 : i32
      %add3A_1225 = arith.addi %add3A_1223, %add3A_1224 : i32
      %dma_start3A_1226 = arith.constant 1 : i32
      %dma_start3A_1227 = arith.constant 0 : i32
      %dma_start3A_1228 = arith.constant 0 : i32
      %dma_start3A_1229 = tpu.memref_slice %arg12[%dma_start3A_1226, %dma_start3A_1227, %dma_start3A_1228] : memref<16x9x131xf32, #tpu.memory_space<vmem>> -> memref<1x8x128xf32, #tpu.memory_space<vmem>>
      %dma_start3A_1230 = tpu.memref_squeeze %dma_start3A_1229 : memref<1x8x128xf32, #tpu.memory_space<vmem>> -> memref<8x128xf32, #tpu.memory_space<vmem>>
      %dma_start3A_1231 = arith.constant 0 : i32
      %dma_start3A_1232 = arith.constant 0 : i32
      %dma_start3A_1233 = tpu.memref_slice %arg5[%add3A_1225, %dma_start3A_1231, %dma_start3A_1232] : memref<20480x8x128xf32, #tpu.memory_space<hbm>> -> memref<1x8x128xf32, #tpu.memory_space<hbm>>
      %dma_start3A_1234 = tpu.memref_squeeze %dma_start3A_1233 : memref<1x8x128xf32, #tpu.memory_space<hbm>> -> memref<8x128xf32, #tpu.memory_space<hbm>>
      %dma_start3A_1235 = arith.constant 0 : i32
      %dma_start3A_1236 = arith.constant 0 : i32
      %dma_start3A_1237 = tpu.memref_slice %arg5[%add3A_1225, %dma_start3A_1235, %dma_start3A_1236] : memref<20480x8x128xf32, #tpu.memory_space<hbm>> -> memref<1x8x128xf32, #tpu.memory_space<hbm>>
      %dma_start3A_1238 = tpu.memref_squeeze %dma_start3A_1237 : memref<1x8x128xf32, #tpu.memory_space<hbm>> -> memref<8x128xf32, #tpu.memory_space<hbm>>
      %dma_start3A_1239 = arith.constant 0 : i32
      %dma_start3A_1240 = arith.constant 0 : i32
      %dma_start3A_1241 = tpu.memref_slice %arg12[%dma_start3A_1226, %dma_start3A_1239, %dma_start3A_1240] : memref<16x9x131xf32, #tpu.memory_space<vmem>> -> memref<1x8x128xf32, #tpu.memory_space<vmem>>
      %dma_start3A_1242 = tpu.memref_squeeze %dma_start3A_1241 : memref<1x8x128xf32, #tpu.memory_space<vmem>> -> memref<8x128xf32, #tpu.memory_space<vmem>>
      tpu.enqueue_dma source(%dma_start3A_1242 : memref<8x128xf32, #tpu.memory_space<vmem>>) target(%dma_start3A_1238 : memref<8x128xf32, #tpu.memory_space<hbm>>) target_semaphore(%arg16 : memref<!tpu.dma_semaphore, #tpu.memory_space<semaphore_mem>>)
      %mul3A_1243 = arith.constant 8 : i32
      %mul3A_1244 = arith.muli %scan3A_892, %mul3A_1243 : i32
      %add3A_1245 = arith.constant 1 : i32
      %add3A_1246 = arith.addi %mul3A_1244, %add3A_1245 : i32
      %mul3A_1247 = arith.constant 128 : i32
      %mul3A_1248 = arith.muli %add3A_1246, %mul3A_1247 : i32
      %add3A_1249 = arith.addi %mul3A_1248, %mul3A_4 : i32
      %add3A_1250 = arith.constant 0 : i32
      %add3A_1251 = arith.addi %add3A_1249, %add3A_1250 : i32
      %add3A_1252 = arith.constant 0 : i32
      %add3A_1253 = arith.addi %add3A_1251, %add3A_1252 : i32
      %dma_start3A_1254 = arith.constant 2 : i32
      %dma_start3A_1255 = arith.constant 0 : i32
      %dma_start3A_1256 = arith.constant 0 : i32
      %dma_start3A_1257 = tpu.memref_slice %arg12[%dma_start3A_1254, %dma_start3A_1255, %dma_start3A_1256] : memref<16x9x131xf32, #tpu.memory_space<vmem>> -> memref<1x8x128xf32, #tpu.memory_space<vmem>>
      %dma_start3A_1258 = tpu.memref_squeeze %dma_start3A_1257 : memref<1x8x128xf32, #tpu.memory_space<vmem>> -> memref<8x128xf32, #tpu.memory_space<vmem>>
      %dma_start3A_1259 = arith.constant 0 : i32
      %dma_start3A_1260 = arith.constant 0 : i32
      %dma_start3A_1261 = tpu.memref_slice %arg5[%add3A_1253, %dma_start3A_1259, %dma_start3A_1260] : memref<20480x8x128xf32, #tpu.memory_space<hbm>> -> memref<1x8x128xf32, #tpu.memory_space<hbm>>
      %dma_start3A_1262 = tpu.memref_squeeze %dma_start3A_1261 : memref<1x8x128xf32, #tpu.memory_space<hbm>> -> memref<8x128xf32, #tpu.memory_space<hbm>>
      %dma_start3A_1263 = arith.constant 0 : i32
      %dma_start3A_1264 = arith.constant 0 : i32
      %dma_start3A_1265 = tpu.memref_slice %arg5[%add3A_1253, %dma_start3A_1263, %dma_start3A_1264] : memref<20480x8x128xf32, #tpu.memory_space<hbm>> -> memref<1x8x128xf32, #tpu.memory_space<hbm>>
      %dma_start3A_1266 = tpu.memref_squeeze %dma_start3A_1265 : memref<1x8x128xf32, #tpu.memory_space<hbm>> -> memref<8x128xf32, #tpu.memory_space<hbm>>
      %dma_start3A_1267 = arith.constant 0 : i32
      %dma_start3A_1268 = arith.constant 0 : i32
      %dma_start3A_1269 = tpu.memref_slice %arg12[%dma_start3A_1254, %dma_start3A_1267, %dma_start3A_1268] : memref<16x9x131xf32, #tpu.memory_space<vmem>> -> memref<1x8x128xf32, #tpu.memory_space<vmem>>
      %dma_start3A_1270 = tpu.memref_squeeze %dma_start3A_1269 : memref<1x8x128xf32, #tpu.memory_space<vmem>> -> memref<8x128xf32, #tpu.memory_space<vmem>>
      tpu.enqueue_dma source(%dma_start3A_1270 : memref<8x128xf32, #tpu.memory_space<vmem>>) target(%dma_start3A_1266 : memref<8x128xf32, #tpu.memory_space<hbm>>) target_semaphore(%arg16 : memref<!tpu.dma_semaphore, #tpu.memory_space<semaphore_mem>>)
      %mul3A_1271 = arith.constant 8 : i32
      %mul3A_1272 = arith.muli %scan3A_892, %mul3A_1271 : i32
      %add3A_1273 = arith.constant 1 : i32
      %add3A_1274 = arith.addi %mul3A_1272, %add3A_1273 : i32
      %mul3A_1275 = arith.constant 128 : i32
      %mul3A_1276 = arith.muli %add3A_1274, %mul3A_1275 : i32
      %add3A_1277 = arith.addi %mul3A_1276, %mul3A_4 : i32
      %add3A_1278 = arith.constant 0 : i32
      %add3A_1279 = arith.addi %add3A_1277, %add3A_1278 : i32
      %add3A_1280 = arith.constant 1 : i32
      %add3A_1281 = arith.addi %add3A_1279, %add3A_1280 : i32
      %dma_start3A_1282 = arith.constant 3 : i32
      %dma_start3A_1283 = arith.constant 0 : i32
      %dma_start3A_1284 = arith.constant 0 : i32
      %dma_start3A_1285 = tpu.memref_slice %arg12[%dma_start3A_1282, %dma_start3A_1283, %dma_start3A_1284] : memref<16x9x131xf32, #tpu.memory_space<vmem>> -> memref<1x8x128xf32, #tpu.memory_space<vmem>>
      %dma_start3A_1286 = tpu.memref_squeeze %dma_start3A_1285 : memref<1x8x128xf32, #tpu.memory_space<vmem>> -> memref<8x128xf32, #tpu.memory_space<vmem>>
      %dma_start3A_1287 = arith.constant 0 : i32
      %dma_start3A_1288 = arith.constant 0 : i32
      %dma_start3A_1289 = tpu.memref_slice %arg5[%add3A_1281, %dma_start3A_1287, %dma_start3A_1288] : memref<20480x8x128xf32, #tpu.memory_space<hbm>> -> memref<1x8x128xf32, #tpu.memory_space<hbm>>
      %dma_start3A_1290 = tpu.memref_squeeze %dma_start3A_1289 : memref<1x8x128xf32, #tpu.memory_space<hbm>> -> memref<8x128xf32, #tpu.memory_space<hbm>>
      %dma_start3A_1291 = arith.constant 0 : i32
      %dma_start3A_1292 = arith.constant 0 : i32
      %dma_start3A_1293 = tpu.memref_slice %arg5[%add3A_1281, %dma_start3A_1291, %dma_start3A_1292] : memref<20480x8x128xf32, #tpu.memory_space<hbm>> -> memref<1x8x128xf32, #tpu.memory_space<hbm>>
      %dma_start3A_1294 = tpu.memref_squeeze %dma_start3A_1293 : memref<1x8x128xf32, #tpu.memory_space<hbm>> -> memref<8x128xf32, #tpu.memory_space<hbm>>
      %dma_start3A_1295 = arith.constant 0 : i32
      %dma_start3A_1296 = arith.constant 0 : i32
      %dma_start3A_1297 = tpu.memref_slice %arg12[%dma_start3A_1282, %dma_start3A_1295, %dma_start3A_1296] : memref<16x9x131xf32, #tpu.memory_space<vmem>> -> memref<1x8x128xf32, #tpu.memory_space<vmem>>
      %dma_start3A_1298 = tpu.memref_squeeze %dma_start3A_1297 : memref<1x8x128xf32, #tpu.memory_space<vmem>> -> memref<8x128xf32, #tpu.memory_space<vmem>>
      tpu.enqueue_dma source(%dma_start3A_1298 : memref<8x128xf32, #tpu.memory_space<vmem>>) target(%dma_start3A_1294 : memref<8x128xf32, #tpu.memory_space<hbm>>) target_semaphore(%arg16 : memref<!tpu.dma_semaphore, #tpu.memory_space<semaphore_mem>>)
      %mul3A_1299 = arith.constant 8 : i32
      %mul3A_1300 = arith.muli %scan3A_892, %mul3A_1299 : i32
      %add3A_1301 = arith.constant 2 : i32
      %add3A_1302 = arith.addi %mul3A_1300, %add3A_1301 : i32
      %mul3A_1303 = arith.constant 128 : i32
      %mul3A_1304 = arith.muli %add3A_1302, %mul3A_1303 : i32
      %add3A_1305 = arith.addi %mul3A_1304, %mul3A_4 : i32
      %add3A_1306 = arith.constant 0 : i32
      %add3A_1307 = arith.addi %add3A_1305, %add3A_1306 : i32
      %add3A_1308 = arith.constant 0 : i32
      %add3A_1309 = arith.addi %add3A_1307, %add3A_1308 : i32
      %dma_start3A_1310 = arith.constant 4 : i32
      %dma_start3A_1311 = arith.constant 0 : i32
      %dma_start3A_1312 = arith.constant 0 : i32
      %dma_start3A_1313 = tpu.memref_slice %arg12[%dma_start3A_1310, %dma_start3A_1311, %dma_start3A_1312] : memref<16x9x131xf32, #tpu.memory_space<vmem>> -> memref<1x8x128xf32, #tpu.memory_space<vmem>>
      %dma_start3A_1314 = tpu.memref_squeeze %dma_start3A_1313 : memref<1x8x128xf32, #tpu.memory_space<vmem>> -> memref<8x128xf32, #tpu.memory_space<vmem>>
      %dma_start3A_1315 = arith.constant 0 : i32
      %dma_start3A_1316 = arith.constant 0 : i32
      %dma_start3A_1317 = tpu.memref_slice %arg5[%add3A_1309, %dma_start3A_1315, %dma_start3A_1316] : memref<20480x8x128xf32, #tpu.memory_space<hbm>> -> memref<1x8x128xf32, #tpu.memory_space<hbm>>
      %dma_start3A_1318 = tpu.memref_squeeze %dma_start3A_1317 : memref<1x8x128xf32, #tpu.memory_space<hbm>> -> memref<8x128xf32, #tpu.memory_space<hbm>>
      %dma_start3A_1319 = arith.constant 0 : i32
      %dma_start3A_1320 = arith.constant 0 : i32
      %dma_start3A_1321 = tpu.memref_slice %arg5[%add3A_1309, %dma_start3A_1319, %dma_start3A_1320] : memref<20480x8x128xf32, #tpu.memory_space<hbm>> -> memref<1x8x128xf32, #tpu.memory_space<hbm>>
      %dma_start3A_1322 = tpu.memref_squeeze %dma_start3A_1321 : memref<1x8x128xf32, #tpu.memory_space<hbm>> -> memref<8x128xf32, #tpu.memory_space<hbm>>
      %dma_start3A_1323 = arith.constant 0 : i32
      %dma_start3A_1324 = arith.constant 0 : i32
      %dma_start3A_1325 = tpu.memref_slice %arg12[%dma_start3A_1310, %dma_start3A_1323, %dma_start3A_1324] : memref<16x9x131xf32, #tpu.memory_space<vmem>> -> memref<1x8x128xf32, #tpu.memory_space<vmem>>
      %dma_start3A_1326 = tpu.memref_squeeze %dma_start3A_1325 : memref<1x8x128xf32, #tpu.memory_space<vmem>> -> memref<8x128xf32, #tpu.memory_space<vmem>>
      tpu.enqueue_dma source(%dma_start3A_1326 : memref<8x128xf32, #tpu.memory_space<vmem>>) target(%dma_start3A_1322 : memref<8x128xf32, #tpu.memory_space<hbm>>) target_semaphore(%arg16 : memref<!tpu.dma_semaphore, #tpu.memory_space<semaphore_mem>>)
      %mul3A_1327 = arith.constant 8 : i32
      %mul3A_1328 = arith.muli %scan3A_892, %mul3A_1327 : i32
      %add3A_1329 = arith.constant 2 : i32
      %add3A_1330 = arith.addi %mul3A_1328, %add3A_1329 : i32
      %mul3A_1331 = arith.constant 128 : i32
      %mul3A_1332 = arith.muli %add3A_1330, %mul3A_1331 : i32
      %add3A_1333 = arith.addi %mul3A_1332, %mul3A_4 : i32
      %add3A_1334 = arith.constant 0 : i32
      %add3A_1335 = arith.addi %add3A_1333, %add3A_1334 : i32
      %add3A_1336 = arith.constant 1 : i32
      %add3A_1337 = arith.addi %add3A_1335, %add3A_1336 : i32
      %dma_start3A_1338 = arith.constant 5 : i32
      %dma_start3A_1339 = arith.constant 0 : i32
      %dma_start3A_1340 = arith.constant 0 : i32
      %dma_start3A_1341 = tpu.memref_slice %arg12[%dma_start3A_1338, %dma_start3A_1339, %dma_start3A_1340] : memref<16x9x131xf32, #tpu.memory_space<vmem>> -> memref<1x8x128xf32, #tpu.memory_space<vmem>>
      %dma_start3A_1342 = tpu.memref_squeeze %dma_start3A_1341 : memref<1x8x128xf32, #tpu.memory_space<vmem>> -> memref<8x128xf32, #tpu.memory_space<vmem>>
      %dma_start3A_1343 = arith.constant 0 : i32
      %dma_start3A_1344 = arith.constant 0 : i32
      %dma_start3A_1345 = tpu.memref_slice %arg5[%add3A_1337, %dma_start3A_1343, %dma_start3A_1344] : memref<20480x8x128xf32, #tpu.memory_space<hbm>> -> memref<1x8x128xf32, #tpu.memory_space<hbm>>
      %dma_start3A_1346 = tpu.memref_squeeze %dma_start3A_1345 : memref<1x8x128xf32, #tpu.memory_space<hbm>> -> memref<8x128xf32, #tpu.memory_space<hbm>>
      %dma_start3A_1347 = arith.constant 0 : i32
      %dma_start3A_1348 = arith.constant 0 : i32
      %dma_start3A_1349 = tpu.memref_slice %arg5[%add3A_1337, %dma_start3A_1347, %dma_start3A_1348] : memref<20480x8x128xf32, #tpu.memory_space<hbm>> -> memref<1x8x128xf32, #tpu.memory_space<hbm>>
      %dma_start3A_1350 = tpu.memref_squeeze %dma_start3A_1349 : memref<1x8x128xf32, #tpu.memory_space<hbm>> -> memref<8x128xf32, #tpu.memory_space<hbm>>
      %dma_start3A_1351 = arith.constant 0 : i32
      %dma_start3A_1352 = arith.constant 0 : i32
      %dma_start3A_1353 = tpu.memref_slice %arg12[%dma_start3A_1338, %dma_start3A_1351, %dma_start3A_1352] : memref<16x9x131xf32, #tpu.memory_space<vmem>> -> memref<1x8x128xf32, #tpu.memory_space<vmem>>
      %dma_start3A_1354 = tpu.memref_squeeze %dma_start3A_1353 : memref<1x8x128xf32, #tpu.memory_space<vmem>> -> memref<8x128xf32, #tpu.memory_space<vmem>>
      tpu.enqueue_dma source(%dma_start3A_1354 : memref<8x128xf32, #tpu.memory_space<vmem>>) target(%dma_start3A_1350 : memref<8x128xf32, #tpu.memory_space<hbm>>) target_semaphore(%arg16 : memref<!tpu.dma_semaphore, #tpu.memory_space<semaphore_mem>>)
      %mul3A_1355 = arith.constant 8 : i32
      %mul3A_1356 = arith.muli %scan3A_892, %mul3A_1355 : i32
      %add3A_1357 = arith.constant 3 : i32
      %add3A_1358 = arith.addi %mul3A_1356, %add3A_1357 : i32
      %mul3A_1359 = arith.constant 128 : i32
      %mul3A_1360 = arith.muli %add3A_1358, %mul3A_1359 : i32
      %add3A_1361 = arith.addi %mul3A_1360, %mul3A_4 : i32
      %add3A_1362 = arith.constant 0 : i32
      %add3A_1363 = arith.addi %add3A_1361, %add3A_1362 : i32
      %add3A_1364 = arith.constant 0 : i32
      %add3A_1365 = arith.addi %add3A_1363, %add3A_1364 : i32
      %dma_start3A_1366 = arith.constant 6 : i32
      %dma_start3A_1367 = arith.constant 0 : i32
      %dma_start3A_1368 = arith.constant 0 : i32
      %dma_start3A_1369 = tpu.memref_slice %arg12[%dma_start3A_1366, %dma_start3A_1367, %dma_start3A_1368] : memref<16x9x131xf32, #tpu.memory_space<vmem>> -> memref<1x8x128xf32, #tpu.memory_space<vmem>>
      %dma_start3A_1370 = tpu.memref_squeeze %dma_start3A_1369 : memref<1x8x128xf32, #tpu.memory_space<vmem>> -> memref<8x128xf32, #tpu.memory_space<vmem>>
      %dma_start3A_1371 = arith.constant 0 : i32
      %dma_start3A_1372 = arith.constant 0 : i32
      %dma_start3A_1373 = tpu.memref_slice %arg5[%add3A_1365, %dma_start3A_1371, %dma_start3A_1372] : memref<20480x8x128xf32, #tpu.memory_space<hbm>> -> memref<1x8x128xf32, #tpu.memory_space<hbm>>
      %dma_start3A_1374 = tpu.memref_squeeze %dma_start3A_1373 : memref<1x8x128xf32, #tpu.memory_space<hbm>> -> memref<8x128xf32, #tpu.memory_space<hbm>>
      %dma_start3A_1375 = arith.constant 0 : i32
      %dma_start3A_1376 = arith.constant 0 : i32
      %dma_start3A_1377 = tpu.memref_slice %arg5[%add3A_1365, %dma_start3A_1375, %dma_start3A_1376] : memref<20480x8x128xf32, #tpu.memory_space<hbm>> -> memref<1x8x128xf32, #tpu.memory_space<hbm>>
      %dma_start3A_1378 = tpu.memref_squeeze %dma_start3A_1377 : memref<1x8x128xf32, #tpu.memory_space<hbm>> -> memref<8x128xf32, #tpu.memory_space<hbm>>
      %dma_start3A_1379 = arith.constant 0 : i32
      %dma_start3A_1380 = arith.constant 0 : i32
      %dma_start3A_1381 = tpu.memref_slice %arg12[%dma_start3A_1366, %dma_start3A_1379, %dma_start3A_1380] : memref<16x9x131xf32, #tpu.memory_space<vmem>> -> memref<1x8x128xf32, #tpu.memory_space<vmem>>
      %dma_start3A_1382 = tpu.memref_squeeze %dma_start3A_1381 : memref<1x8x128xf32, #tpu.memory_space<vmem>> -> memref<8x128xf32, #tpu.memory_space<vmem>>
      tpu.enqueue_dma source(%dma_start3A_1382 : memref<8x128xf32, #tpu.memory_space<vmem>>) target(%dma_start3A_1378 : memref<8x128xf32, #tpu.memory_space<hbm>>) target_semaphore(%arg16 : memref<!tpu.dma_semaphore, #tpu.memory_space<semaphore_mem>>)
      %mul3A_1383 = arith.constant 8 : i32
      %mul3A_1384 = arith.muli %scan3A_892, %mul3A_1383 : i32
      %add3A_1385 = arith.constant 3 : i32
      %add3A_1386 = arith.addi %mul3A_1384, %add3A_1385 : i32
      %mul3A_1387 = arith.constant 128 : i32
      %mul3A_1388 = arith.muli %add3A_1386, %mul3A_1387 : i32
      %add3A_1389 = arith.addi %mul3A_1388, %mul3A_4 : i32
      %add3A_1390 = arith.constant 0 : i32
      %add3A_1391 = arith.addi %add3A_1389, %add3A_1390 : i32
      %add3A_1392 = arith.constant 1 : i32
      %add3A_1393 = arith.addi %add3A_1391, %add3A_1392 : i32
      %dma_start3A_1394 = arith.constant 7 : i32
      %dma_start3A_1395 = arith.constant 0 : i32
      %dma_start3A_1396 = arith.constant 0 : i32
      %dma_start3A_1397 = tpu.memref_slice %arg12[%dma_start3A_1394, %dma_start3A_1395, %dma_start3A_1396] : memref<16x9x131xf32, #tpu.memory_space<vmem>> -> memref<1x8x128xf32, #tpu.memory_space<vmem>>
      %dma_start3A_1398 = tpu.memref_squeeze %dma_start3A_1397 : memref<1x8x128xf32, #tpu.memory_space<vmem>> -> memref<8x128xf32, #tpu.memory_space<vmem>>
      %dma_start3A_1399 = arith.constant 0 : i32
      %dma_start3A_1400 = arith.constant 0 : i32
      %dma_start3A_1401 = tpu.memref_slice %arg5[%add3A_1393, %dma_start3A_1399, %dma_start3A_1400] : memref<20480x8x128xf32, #tpu.memory_space<hbm>> -> memref<1x8x128xf32, #tpu.memory_space<hbm>>
      %dma_start3A_1402 = tpu.memref_squeeze %dma_start3A_1401 : memref<1x8x128xf32, #tpu.memory_space<hbm>> -> memref<8x128xf32, #tpu.memory_space<hbm>>
      %dma_start3A_1403 = arith.constant 0 : i32
      %dma_start3A_1404 = arith.constant 0 : i32
      %dma_start3A_1405 = tpu.memref_slice %arg5[%add3A_1393, %dma_start3A_1403, %dma_start3A_1404] : memref<20480x8x128xf32, #tpu.memory_space<hbm>> -> memref<1x8x128xf32, #tpu.memory_space<hbm>>
      %dma_start3A_1406 = tpu.memref_squeeze %dma_start3A_1405 : memref<1x8x128xf32, #tpu.memory_space<hbm>> -> memref<8x128xf32, #tpu.memory_space<hbm>>
      %dma_start3A_1407 = arith.constant 0 : i32
      %dma_start3A_1408 = arith.constant 0 : i32
      %dma_start3A_1409 = tpu.memref_slice %arg12[%dma_start3A_1394, %dma_start3A_1407, %dma_start3A_1408] : memref<16x9x131xf32, #tpu.memory_space<vmem>> -> memref<1x8x128xf32, #tpu.memory_space<vmem>>
      %dma_start3A_1410 = tpu.memref_squeeze %dma_start3A_1409 : memref<1x8x128xf32, #tpu.memory_space<vmem>> -> memref<8x128xf32, #tpu.memory_space<vmem>>
      tpu.enqueue_dma source(%dma_start3A_1410 : memref<8x128xf32, #tpu.memory_space<vmem>>) target(%dma_start3A_1406 : memref<8x128xf32, #tpu.memory_space<hbm>>) target_semaphore(%arg16 : memref<!tpu.dma_semaphore, #tpu.memory_space<semaphore_mem>>)
      %mul3A_1411 = arith.constant 8 : i32
      %mul3A_1412 = arith.muli %scan3A_892, %mul3A_1411 : i32
      %add3A_1413 = arith.constant 4 : i32
      %add3A_1414 = arith.addi %mul3A_1412, %add3A_1413 : i32
      %mul3A_1415 = arith.constant 128 : i32
      %mul3A_1416 = arith.muli %add3A_1414, %mul3A_1415 : i32
      %add3A_1417 = arith.addi %mul3A_1416, %mul3A_4 : i32
      %add3A_1418 = arith.constant 0 : i32
      %add3A_1419 = arith.addi %add3A_1417, %add3A_1418 : i32
      %add3A_1420 = arith.constant 0 : i32
      %add3A_1421 = arith.addi %add3A_1419, %add3A_1420 : i32
      %dma_start3A_1422 = arith.constant 8 : i32
      %dma_start3A_1423 = arith.constant 0 : i32
      %dma_start3A_1424 = arith.constant 0 : i32
      %dma_start3A_1425 = tpu.memref_slice %arg12[%dma_start3A_1422, %dma_start3A_1423, %dma_start3A_1424] : memref<16x9x131xf32, #tpu.memory_space<vmem>> -> memref<1x8x128xf32, #tpu.memory_space<vmem>>
      %dma_start3A_1426 = tpu.memref_squeeze %dma_start3A_1425 : memref<1x8x128xf32, #tpu.memory_space<vmem>> -> memref<8x128xf32, #tpu.memory_space<vmem>>
      %dma_start3A_1427 = arith.constant 0 : i32
      %dma_start3A_1428 = arith.constant 0 : i32
      %dma_start3A_1429 = tpu.memref_slice %arg5[%add3A_1421, %dma_start3A_1427, %dma_start3A_1428] : memref<20480x8x128xf32, #tpu.memory_space<hbm>> -> memref<1x8x128xf32, #tpu.memory_space<hbm>>
      %dma_start3A_1430 = tpu.memref_squeeze %dma_start3A_1429 : memref<1x8x128xf32, #tpu.memory_space<hbm>> -> memref<8x128xf32, #tpu.memory_space<hbm>>
      %dma_start3A_1431 = arith.constant 0 : i32
      %dma_start3A_1432 = arith.constant 0 : i32
      %dma_start3A_1433 = tpu.memref_slice %arg5[%add3A_1421, %dma_start3A_1431, %dma_start3A_1432] : memref<20480x8x128xf32, #tpu.memory_space<hbm>> -> memref<1x8x128xf32, #tpu.memory_space<hbm>>
      %dma_start3A_1434 = tpu.memref_squeeze %dma_start3A_1433 : memref<1x8x128xf32, #tpu.memory_space<hbm>> -> memref<8x128xf32, #tpu.memory_space<hbm>>
      %dma_start3A_1435 = arith.constant 0 : i32
      %dma_start3A_1436 = arith.constant 0 : i32
      %dma_start3A_1437 = tpu.memref_slice %arg12[%dma_start3A_1422, %dma_start3A_1435, %dma_start3A_1436] : memref<16x9x131xf32, #tpu.memory_space<vmem>> -> memref<1x8x128xf32, #tpu.memory_space<vmem>>
      %dma_start3A_1438 = tpu.memref_squeeze %dma_start3A_1437 : memref<1x8x128xf32, #tpu.memory_space<vmem>> -> memref<8x128xf32, #tpu.memory_space<vmem>>
      tpu.enqueue_dma source(%dma_start3A_1438 : memref<8x128xf32, #tpu.memory_space<vmem>>) target(%dma_start3A_1434 : memref<8x128xf32, #tpu.memory_space<hbm>>) target_semaphore(%arg16 : memref<!tpu.dma_semaphore, #tpu.memory_space<semaphore_mem>>)
      %mul3A_1439 = arith.constant 8 : i32
      %mul3A_1440 = arith.muli %scan3A_892, %mul3A_1439 : i32
      %add3A_1441 = arith.constant 4 : i32
      %add3A_1442 = arith.addi %mul3A_1440, %add3A_1441 : i32
      %mul3A_1443 = arith.constant 128 : i32
      %mul3A_1444 = arith.muli %add3A_1442, %mul3A_1443 : i32
      %add3A_1445 = arith.addi %mul3A_1444, %mul3A_4 : i32
      %add3A_1446 = arith.constant 0 : i32
      %add3A_1447 = arith.addi %add3A_1445, %add3A_1446 : i32
      %add3A_1448 = arith.constant 1 : i32
      %add3A_1449 = arith.addi %add3A_1447, %add3A_1448 : i32
      %dma_start3A_1450 = arith.constant 9 : i32
      %dma_start3A_1451 = arith.constant 0 : i32
      %dma_start3A_1452 = arith.constant 0 : i32
      %dma_start3A_1453 = tpu.memref_slice %arg12[%dma_start3A_1450, %dma_start3A_1451, %dma_start3A_1452] : memref<16x9x131xf32, #tpu.memory_space<vmem>> -> memref<1x8x128xf32, #tpu.memory_space<vmem>>
      %dma_start3A_1454 = tpu.memref_squeeze %dma_start3A_1453 : memref<1x8x128xf32, #tpu.memory_space<vmem>> -> memref<8x128xf32, #tpu.memory_space<vmem>>
      %dma_start3A_1455 = arith.constant 0 : i32
      %dma_start3A_1456 = arith.constant 0 : i32
      %dma_start3A_1457 = tpu.memref_slice %arg5[%add3A_1449, %dma_start3A_1455, %dma_start3A_1456] : memref<20480x8x128xf32, #tpu.memory_space<hbm>> -> memref<1x8x128xf32, #tpu.memory_space<hbm>>
      %dma_start3A_1458 = tpu.memref_squeeze %dma_start3A_1457 : memref<1x8x128xf32, #tpu.memory_space<hbm>> -> memref<8x128xf32, #tpu.memory_space<hbm>>
      %dma_start3A_1459 = arith.constant 0 : i32
      %dma_start3A_1460 = arith.constant 0 : i32
      %dma_start3A_1461 = tpu.memref_slice %arg5[%add3A_1449, %dma_start3A_1459, %dma_start3A_1460] : memref<20480x8x128xf32, #tpu.memory_space<hbm>> -> memref<1x8x128xf32, #tpu.memory_space<hbm>>
      %dma_start3A_1462 = tpu.memref_squeeze %dma_start3A_1461 : memref<1x8x128xf32, #tpu.memory_space<hbm>> -> memref<8x128xf32, #tpu.memory_space<hbm>>
      %dma_start3A_1463 = arith.constant 0 : i32
      %dma_start3A_1464 = arith.constant 0 : i32
      %dma_start3A_1465 = tpu.memref_slice %arg12[%dma_start3A_1450, %dma_start3A_1463, %dma_start3A_1464] : memref<16x9x131xf32, #tpu.memory_space<vmem>> -> memref<1x8x128xf32, #tpu.memory_space<vmem>>
      %dma_start3A_1466 = tpu.memref_squeeze %dma_start3A_1465 : memref<1x8x128xf32, #tpu.memory_space<vmem>> -> memref<8x128xf32, #tpu.memory_space<vmem>>
      tpu.enqueue_dma source(%dma_start3A_1466 : memref<8x128xf32, #tpu.memory_space<vmem>>) target(%dma_start3A_1462 : memref<8x128xf32, #tpu.memory_space<hbm>>) target_semaphore(%arg16 : memref<!tpu.dma_semaphore, #tpu.memory_space<semaphore_mem>>)
      %mul3A_1467 = arith.constant 8 : i32
      %mul3A_1468 = arith.muli %scan3A_892, %mul3A_1467 : i32
      %add3A_1469 = arith.constant 5 : i32
      %add3A_1470 = arith.addi %mul3A_1468, %add3A_1469 : i32
      %mul3A_1471 = arith.constant 128 : i32
      %mul3A_1472 = arith.muli %add3A_1470, %mul3A_1471 : i32
      %add3A_1473 = arith.addi %mul3A_1472, %mul3A_4 : i32
      %add3A_1474 = arith.constant 0 : i32
      %add3A_1475 = arith.addi %add3A_1473, %add3A_1474 : i32
      %add3A_1476 = arith.constant 0 : i32
      %add3A_1477 = arith.addi %add3A_1475, %add3A_1476 : i32
      %dma_start3A_1478 = arith.constant 10 : i32
      %dma_start3A_1479 = arith.constant 0 : i32
      %dma_start3A_1480 = arith.constant 0 : i32
      %dma_start3A_1481 = tpu.memref_slice %arg12[%dma_start3A_1478, %dma_start3A_1479, %dma_start3A_1480] : memref<16x9x131xf32, #tpu.memory_space<vmem>> -> memref<1x8x128xf32, #tpu.memory_space<vmem>>
      %dma_start3A_1482 = tpu.memref_squeeze %dma_start3A_1481 : memref<1x8x128xf32, #tpu.memory_space<vmem>> -> memref<8x128xf32, #tpu.memory_space<vmem>>
      %dma_start3A_1483 = arith.constant 0 : i32
      %dma_start3A_1484 = arith.constant 0 : i32
      %dma_start3A_1485 = tpu.memref_slice %arg5[%add3A_1477, %dma_start3A_1483, %dma_start3A_1484] : memref<20480x8x128xf32, #tpu.memory_space<hbm>> -> memref<1x8x128xf32, #tpu.memory_space<hbm>>
      %dma_start3A_1486 = tpu.memref_squeeze %dma_start3A_1485 : memref<1x8x128xf32, #tpu.memory_space<hbm>> -> memref<8x128xf32, #tpu.memory_space<hbm>>
      %dma_start3A_1487 = arith.constant 0 : i32
      %dma_start3A_1488 = arith.constant 0 : i32
      %dma_start3A_1489 = tpu.memref_slice %arg5[%add3A_1477, %dma_start3A_1487, %dma_start3A_1488] : memref<20480x8x128xf32, #tpu.memory_space<hbm>> -> memref<1x8x128xf32, #tpu.memory_space<hbm>>
      %dma_start3A_1490 = tpu.memref_squeeze %dma_start3A_1489 : memref<1x8x128xf32, #tpu.memory_space<hbm>> -> memref<8x128xf32, #tpu.memory_space<hbm>>
      %dma_start3A_1491 = arith.constant 0 : i32
      %dma_start3A_1492 = arith.constant 0 : i32
      %dma_start3A_1493 = tpu.memref_slice %arg12[%dma_start3A_1478, %dma_start3A_1491, %dma_start3A_1492] : memref<16x9x131xf32, #tpu.memory_space<vmem>> -> memref<1x8x128xf32, #tpu.memory_space<vmem>>
      %dma_start3A_1494 = tpu.memref_squeeze %dma_start3A_1493 : memref<1x8x128xf32, #tpu.memory_space<vmem>> -> memref<8x128xf32, #tpu.memory_space<vmem>>
      tpu.enqueue_dma source(%dma_start3A_1494 : memref<8x128xf32, #tpu.memory_space<vmem>>) target(%dma_start3A_1490 : memref<8x128xf32, #tpu.memory_space<hbm>>) target_semaphore(%arg16 : memref<!tpu.dma_semaphore, #tpu.memory_space<semaphore_mem>>)
      %mul3A_1495 = arith.constant 8 : i32
      %mul3A_1496 = arith.muli %scan3A_892, %mul3A_1495 : i32
      %add3A_1497 = arith.constant 5 : i32
      %add3A_1498 = arith.addi %mul3A_1496, %add3A_1497 : i32
      %mul3A_1499 = arith.constant 128 : i32
      %mul3A_1500 = arith.muli %add3A_1498, %mul3A_1499 : i32
      %add3A_1501 = arith.addi %mul3A_1500, %mul3A_4 : i32
      %add3A_1502 = arith.constant 0 : i32
      %add3A_1503 = arith.addi %add3A_1501, %add3A_1502 : i32
      %add3A_1504 = arith.constant 1 : i32
      %add3A_1505 = arith.addi %add3A_1503, %add3A_1504 : i32
      %dma_start3A_1506 = arith.constant 11 : i32
      %dma_start3A_1507 = arith.constant 0 : i32
      %dma_start3A_1508 = arith.constant 0 : i32
      %dma_start3A_1509 = tpu.memref_slice %arg12[%dma_start3A_1506, %dma_start3A_1507, %dma_start3A_1508] : memref<16x9x131xf32, #tpu.memory_space<vmem>> -> memref<1x8x128xf32, #tpu.memory_space<vmem>>
      %dma_start3A_1510 = tpu.memref_squeeze %dma_start3A_1509 : memref<1x8x128xf32, #tpu.memory_space<vmem>> -> memref<8x128xf32, #tpu.memory_space<vmem>>
      %dma_start3A_1511 = arith.constant 0 : i32
      %dma_start3A_1512 = arith.constant 0 : i32
      %dma_start3A_1513 = tpu.memref_slice %arg5[%add3A_1505, %dma_start3A_1511, %dma_start3A_1512] : memref<20480x8x128xf32, #tpu.memory_space<hbm>> -> memref<1x8x128xf32, #tpu.memory_space<hbm>>
      %dma_start3A_1514 = tpu.memref_squeeze %dma_start3A_1513 : memref<1x8x128xf32, #tpu.memory_space<hbm>> -> memref<8x128xf32, #tpu.memory_space<hbm>>
      %dma_start3A_1515 = arith.constant 0 : i32
      %dma_start3A_1516 = arith.constant 0 : i32
      %dma_start3A_1517 = tpu.memref_slice %arg5[%add3A_1505, %dma_start3A_1515, %dma_start3A_1516] : memref<20480x8x128xf32, #tpu.memory_space<hbm>> -> memref<1x8x128xf32, #tpu.memory_space<hbm>>
      %dma_start3A_1518 = tpu.memref_squeeze %dma_start3A_1517 : memref<1x8x128xf32, #tpu.memory_space<hbm>> -> memref<8x128xf32, #tpu.memory_space<hbm>>
      %dma_start3A_1519 = arith.constant 0 : i32
      %dma_start3A_1520 = arith.constant 0 : i32
      %dma_start3A_1521 = tpu.memref_slice %arg12[%dma_start3A_1506, %dma_start3A_1519, %dma_start3A_1520] : memref<16x9x131xf32, #tpu.memory_space<vmem>> -> memref<1x8x128xf32, #tpu.memory_space<vmem>>
      %dma_start3A_1522 = tpu.memref_squeeze %dma_start3A_1521 : memref<1x8x128xf32, #tpu.memory_space<vmem>> -> memref<8x128xf32, #tpu.memory_space<vmem>>
      tpu.enqueue_dma source(%dma_start3A_1522 : memref<8x128xf32, #tpu.memory_space<vmem>>) target(%dma_start3A_1518 : memref<8x128xf32, #tpu.memory_space<hbm>>) target_semaphore(%arg16 : memref<!tpu.dma_semaphore, #tpu.memory_space<semaphore_mem>>)
      %mul3A_1523 = arith.constant 8 : i32
      %mul3A_1524 = arith.muli %scan3A_892, %mul3A_1523 : i32
      %add3A_1525 = arith.constant 6 : i32
      %add3A_1526 = arith.addi %mul3A_1524, %add3A_1525 : i32
      %mul3A_1527 = arith.constant 128 : i32
      %mul3A_1528 = arith.muli %add3A_1526, %mul3A_1527 : i32
      %add3A_1529 = arith.addi %mul3A_1528, %mul3A_4 : i32
      %add3A_1530 = arith.constant 0 : i32
      %add3A_1531 = arith.addi %add3A_1529, %add3A_1530 : i32
      %add3A_1532 = arith.constant 0 : i32
      %add3A_1533 = arith.addi %add3A_1531, %add3A_1532 : i32
      %dma_start3A_1534 = arith.constant 12 : i32
      %dma_start3A_1535 = arith.constant 0 : i32
      %dma_start3A_1536 = arith.constant 0 : i32
      %dma_start3A_1537 = tpu.memref_slice %arg12[%dma_start3A_1534, %dma_start3A_1535, %dma_start3A_1536] : memref<16x9x131xf32, #tpu.memory_space<vmem>> -> memref<1x8x128xf32, #tpu.memory_space<vmem>>
      %dma_start3A_1538 = tpu.memref_squeeze %dma_start3A_1537 : memref<1x8x128xf32, #tpu.memory_space<vmem>> -> memref<8x128xf32, #tpu.memory_space<vmem>>
      %dma_start3A_1539 = arith.constant 0 : i32
      %dma_start3A_1540 = arith.constant 0 : i32
      %dma_start3A_1541 = tpu.memref_slice %arg5[%add3A_1533, %dma_start3A_1539, %dma_start3A_1540] : memref<20480x8x128xf32, #tpu.memory_space<hbm>> -> memref<1x8x128xf32, #tpu.memory_space<hbm>>
      %dma_start3A_1542 = tpu.memref_squeeze %dma_start3A_1541 : memref<1x8x128xf32, #tpu.memory_space<hbm>> -> memref<8x128xf32, #tpu.memory_space<hbm>>
      %dma_start3A_1543 = arith.constant 0 : i32
      %dma_start3A_1544 = arith.constant 0 : i32
      %dma_start3A_1545 = tpu.memref_slice %arg5[%add3A_1533, %dma_start3A_1543, %dma_start3A_1544] : memref<20480x8x128xf32, #tpu.memory_space<hbm>> -> memref<1x8x128xf32, #tpu.memory_space<hbm>>
      %dma_start3A_1546 = tpu.memref_squeeze %dma_start3A_1545 : memref<1x8x128xf32, #tpu.memory_space<hbm>> -> memref<8x128xf32, #tpu.memory_space<hbm>>
      %dma_start3A_1547 = arith.constant 0 : i32
      %dma_start3A_1548 = arith.constant 0 : i32
      %dma_start3A_1549 = tpu.memref_slice %arg12[%dma_start3A_1534, %dma_start3A_1547, %dma_start3A_1548] : memref<16x9x131xf32, #tpu.memory_space<vmem>> -> memref<1x8x128xf32, #tpu.memory_space<vmem>>
      %dma_start3A_1550 = tpu.memref_squeeze %dma_start3A_1549 : memref<1x8x128xf32, #tpu.memory_space<vmem>> -> memref<8x128xf32, #tpu.memory_space<vmem>>
      tpu.enqueue_dma source(%dma_start3A_1550 : memref<8x128xf32, #tpu.memory_space<vmem>>) target(%dma_start3A_1546 : memref<8x128xf32, #tpu.memory_space<hbm>>) target_semaphore(%arg16 : memref<!tpu.dma_semaphore, #tpu.memory_space<semaphore_mem>>)
      %mul3A_1551 = arith.constant 8 : i32
      %mul3A_1552 = arith.muli %scan3A_892, %mul3A_1551 : i32
      %add3A_1553 = arith.constant 6 : i32
      %add3A_1554 = arith.addi %mul3A_1552, %add3A_1553 : i32
      %mul3A_1555 = arith.constant 128 : i32
      %mul3A_1556 = arith.muli %add3A_1554, %mul3A_1555 : i32
      %add3A_1557 = arith.addi %mul3A_1556, %mul3A_4 : i32
      %add3A_1558 = arith.constant 0 : i32
      %add3A_1559 = arith.addi %add3A_1557, %add3A_1558 : i32
      %add3A_1560 = arith.constant 1 : i32
      %add3A_1561 = arith.addi %add3A_1559, %add3A_1560 : i32
      %dma_start3A_1562 = arith.constant 13 : i32
      %dma_start3A_1563 = arith.constant 0 : i32
      %dma_start3A_1564 = arith.constant 0 : i32
      %dma_start3A_1565 = tpu.memref_slice %arg12[%dma_start3A_1562, %dma_start3A_1563, %dma_start3A_1564] : memref<16x9x131xf32, #tpu.memory_space<vmem>> -> memref<1x8x128xf32, #tpu.memory_space<vmem>>
      %dma_start3A_1566 = tpu.memref_squeeze %dma_start3A_1565 : memref<1x8x128xf32, #tpu.memory_space<vmem>> -> memref<8x128xf32, #tpu.memory_space<vmem>>
      %dma_start3A_1567 = arith.constant 0 : i32
      %dma_start3A_1568 = arith.constant 0 : i32
      %dma_start3A_1569 = tpu.memref_slice %arg5[%add3A_1561, %dma_start3A_1567, %dma_start3A_1568] : memref<20480x8x128xf32, #tpu.memory_space<hbm>> -> memref<1x8x128xf32, #tpu.memory_space<hbm>>
      %dma_start3A_1570 = tpu.memref_squeeze %dma_start3A_1569 : memref<1x8x128xf32, #tpu.memory_space<hbm>> -> memref<8x128xf32, #tpu.memory_space<hbm>>
      %dma_start3A_1571 = arith.constant 0 : i32
      %dma_start3A_1572 = arith.constant 0 : i32
      %dma_start3A_1573 = tpu.memref_slice %arg5[%add3A_1561, %dma_start3A_1571, %dma_start3A_1572] : memref<20480x8x128xf32, #tpu.memory_space<hbm>> -> memref<1x8x128xf32, #tpu.memory_space<hbm>>
      %dma_start3A_1574 = tpu.memref_squeeze %dma_start3A_1573 : memref<1x8x128xf32, #tpu.memory_space<hbm>> -> memref<8x128xf32, #tpu.memory_space<hbm>>
      %dma_start3A_1575 = arith.constant 0 : i32
      %dma_start3A_1576 = arith.constant 0 : i32
      %dma_start3A_1577 = tpu.memref_slice %arg12[%dma_start3A_1562, %dma_start3A_1575, %dma_start3A_1576] : memref<16x9x131xf32, #tpu.memory_space<vmem>> -> memref<1x8x128xf32, #tpu.memory_space<vmem>>
      %dma_start3A_1578 = tpu.memref_squeeze %dma_start3A_1577 : memref<1x8x128xf32, #tpu.memory_space<vmem>> -> memref<8x128xf32, #tpu.memory_space<vmem>>
      tpu.enqueue_dma source(%dma_start3A_1578 : memref<8x128xf32, #tpu.memory_space<vmem>>) target(%dma_start3A_1574 : memref<8x128xf32, #tpu.memory_space<hbm>>) target_semaphore(%arg16 : memref<!tpu.dma_semaphore, #tpu.memory_space<semaphore_mem>>)
      %mul3A_1579 = arith.constant 8 : i32
      %mul3A_1580 = arith.muli %scan3A_892, %mul3A_1579 : i32
      %add3A_1581 = arith.constant 7 : i32
      %add3A_1582 = arith.addi %mul3A_1580, %add3A_1581 : i32
      %mul3A_1583 = arith.constant 128 : i32
      %mul3A_1584 = arith.muli %add3A_1582, %mul3A_1583 : i32
      %add3A_1585 = arith.addi %mul3A_1584, %mul3A_4 : i32
      %add3A_1586 = arith.constant 0 : i32
      %add3A_1587 = arith.addi %add3A_1585, %add3A_1586 : i32
      %add3A_1588 = arith.constant 0 : i32
      %add3A_1589 = arith.addi %add3A_1587, %add3A_1588 : i32
      %dma_start3A_1590 = arith.constant 14 : i32
      %dma_start3A_1591 = arith.constant 0 : i32
      %dma_start3A_1592 = arith.constant 0 : i32
      %dma_start3A_1593 = tpu.memref_slice %arg12[%dma_start3A_1590, %dma_start3A_1591, %dma_start3A_1592] : memref<16x9x131xf32, #tpu.memory_space<vmem>> -> memref<1x8x128xf32, #tpu.memory_space<vmem>>
      %dma_start3A_1594 = tpu.memref_squeeze %dma_start3A_1593 : memref<1x8x128xf32, #tpu.memory_space<vmem>> -> memref<8x128xf32, #tpu.memory_space<vmem>>
      %dma_start3A_1595 = arith.constant 0 : i32
      %dma_start3A_1596 = arith.constant 0 : i32
      %dma_start3A_1597 = tpu.memref_slice %arg5[%add3A_1589, %dma_start3A_1595, %dma_start3A_1596] : memref<20480x8x128xf32, #tpu.memory_space<hbm>> -> memref<1x8x128xf32, #tpu.memory_space<hbm>>
      %dma_start3A_1598 = tpu.memref_squeeze %dma_start3A_1597 : memref<1x8x128xf32, #tpu.memory_space<hbm>> -> memref<8x128xf32, #tpu.memory_space<hbm>>
      %dma_start3A_1599 = arith.constant 0 : i32
      %dma_start3A_1600 = arith.constant 0 : i32
      %dma_start3A_1601 = tpu.memref_slice %arg5[%add3A_1589, %dma_start3A_1599, %dma_start3A_1600] : memref<20480x8x128xf32, #tpu.memory_space<hbm>> -> memref<1x8x128xf32, #tpu.memory_space<hbm>>
      %dma_start3A_1602 = tpu.memref_squeeze %dma_start3A_1601 : memref<1x8x128xf32, #tpu.memory_space<hbm>> -> memref<8x128xf32, #tpu.memory_space<hbm>>
      %dma_start3A_1603 = arith.constant 0 : i32
      %dma_start3A_1604 = arith.constant 0 : i32
      %dma_start3A_1605 = tpu.memref_slice %arg12[%dma_start3A_1590, %dma_start3A_1603, %dma_start3A_1604] : memref<16x9x131xf32, #tpu.memory_space<vmem>> -> memref<1x8x128xf32, #tpu.memory_space<vmem>>
      %dma_start3A_1606 = tpu.memref_squeeze %dma_start3A_1605 : memref<1x8x128xf32, #tpu.memory_space<vmem>> -> memref<8x128xf32, #tpu.memory_space<vmem>>
      tpu.enqueue_dma source(%dma_start3A_1606 : memref<8x128xf32, #tpu.memory_space<vmem>>) target(%dma_start3A_1602 : memref<8x128xf32, #tpu.memory_space<hbm>>) target_semaphore(%arg16 : memref<!tpu.dma_semaphore, #tpu.memory_space<semaphore_mem>>)
      %mul3A_1607 = arith.constant 8 : i32
      %mul3A_1608 = arith.muli %scan3A_892, %mul3A_1607 : i32
      %add3A_1609 = arith.constant 7 : i32
      %add3A_1610 = arith.addi %mul3A_1608, %add3A_1609 : i32
      %mul3A_1611 = arith.constant 128 : i32
      %mul3A_1612 = arith.muli %add3A_1610, %mul3A_1611 : i32
      %add3A_1613 = arith.addi %mul3A_1612, %mul3A_4 : i32
      %add3A_1614 = arith.constant 0 : i32
      %add3A_1615 = arith.addi %add3A_1613, %add3A_1614 : i32
      %add3A_1616 = arith.constant 1 : i32
      %add3A_1617 = arith.addi %add3A_1615, %add3A_1616 : i32
      %dma_start3A_1618 = arith.constant 15 : i32
      %dma_start3A_1619 = arith.constant 0 : i32
      %dma_start3A_1620 = arith.constant 0 : i32
      %dma_start3A_1621 = tpu.memref_slice %arg12[%dma_start3A_1618, %dma_start3A_1619, %dma_start3A_1620] : memref<16x9x131xf32, #tpu.memory_space<vmem>> -> memref<1x8x128xf32, #tpu.memory_space<vmem>>
      %dma_start3A_1622 = tpu.memref_squeeze %dma_start3A_1621 : memref<1x8x128xf32, #tpu.memory_space<vmem>> -> memref<8x128xf32, #tpu.memory_space<vmem>>
      %dma_start3A_1623 = arith.constant 0 : i32
      %dma_start3A_1624 = arith.constant 0 : i32
      %dma_start3A_1625 = tpu.memref_slice %arg5[%add3A_1617, %dma_start3A_1623, %dma_start3A_1624] : memref<20480x8x128xf32, #tpu.memory_space<hbm>> -> memref<1x8x128xf32, #tpu.memory_space<hbm>>
      %dma_start3A_1626 = tpu.memref_squeeze %dma_start3A_1625 : memref<1x8x128xf32, #tpu.memory_space<hbm>> -> memref<8x128xf32, #tpu.memory_space<hbm>>
      %dma_start3A_1627 = arith.constant 0 : i32
      %dma_start3A_1628 = arith.constant 0 : i32
      %dma_start3A_1629 = tpu.memref_slice %arg5[%add3A_1617, %dma_start3A_1627, %dma_start3A_1628] : memref<20480x8x128xf32, #tpu.memory_space<hbm>> -> memref<1x8x128xf32, #tpu.memory_space<hbm>>
      %dma_start3A_1630 = tpu.memref_squeeze %dma_start3A_1629 : memref<1x8x128xf32, #tpu.memory_space<hbm>> -> memref<8x128xf32, #tpu.memory_space<hbm>>
      %dma_start3A_1631 = arith.constant 0 : i32
      %dma_start3A_1632 = arith.constant 0 : i32
      %dma_start3A_1633 = tpu.memref_slice %arg12[%dma_start3A_1618, %dma_start3A_1631, %dma_start3A_1632] : memref<16x9x131xf32, #tpu.memory_space<vmem>> -> memref<1x8x128xf32, #tpu.memory_space<vmem>>
      %dma_start3A_1634 = tpu.memref_squeeze %dma_start3A_1633 : memref<1x8x128xf32, #tpu.memory_space<vmem>> -> memref<8x128xf32, #tpu.memory_space<vmem>>
      tpu.enqueue_dma source(%dma_start3A_1634 : memref<8x128xf32, #tpu.memory_space<vmem>>) target(%dma_start3A_1630 : memref<8x128xf32, #tpu.memory_space<hbm>>) target_semaphore(%arg16 : memref<!tpu.dma_semaphore, #tpu.memory_space<semaphore_mem>>)
      %add3A_1635 = arith.constant 1 : i32
      %add3A_1636 = arith.addi %scan3A_892, %add3A_1635 : i32
      %lt3A = arith.constant 20 : i32
      %lt3A_1637 = arith.cmpi slt, %add3A_1636, %lt3A : i32
      %convert_element_type3A_1638 = arith.extui %lt3A_1637 : i1 to i32
      %cond3A_1639 = arith.constant 0 : i32
      %cond3A_1640 = arith.cmpi ne, %convert_element_type3A_1638, %cond3A_1639 : i32
      scf.if %cond3A_1640 {
        %add3A_2126 = arith.constant 1 : i32
        %add3A_2127 = arith.addi %scan3A_892, %add3A_2126 : i32
        %get3A_2128 = arith.constant 0 : index
        %get3A_2129 = tpu.vector_load %arg6[%get3A_2128] {strides = array<i32>} : memref<512xi32, #tpu.memory_space<vmem>>, vector<16xi32>,
        %get3A_2130 = arith.constant 0 : i32
        %get3A_2131 = arith.index_cast %add3A_2127 : i32 to index
        %get3A_2132 = arith.index_cast %get3A_2130 : i32 to index
        %get3A_2133 = arith.constant 0 : index
        %get3A_2134 = tpu.vector_load %arg7[%get3A_2131, %get3A_2132, %get3A_2133] {strides = array<i32>} : memref<20x4x128xi32, #tpu.memory_space<vmem>>, vector<16xi32>,
        %mul3A_2135 = arith.constant 1000 : i32
        %mul3A_2136 = vector.broadcast %mul3A_2135 : i32 to vector<16xi32>
        %mul3A_2137 = arith.muli %get3A_2129, %mul3A_2136 : vector<16xi32>
        %add3A_2138 = arith.addi %mul3A_2137, %get3A_2134 : vector<16xi32>
        %swap3A_2139 = arith.constant 0 : i32
        %swap3A_2140 = arith.index_cast %swap3A_2139 : i32 to index
        %swap3A_2141 = arith.constant 0 : index
        %swap3A_2142 = tpu.vector_load %arg8[%swap3A_2140, %swap3A_2141] {strides = array<i32>} : memref<2x128xi32, #tpu.memory_space<vmem>>, vector<16xi32>,
        tpu.vector_store %arg8[%swap3A_2140, %swap3A_2141], %add3A_2138 {strides = array<i32>} : memref<2x128xi32, #tpu.memory_space<vmem>>, vector<16xi32>,
        %get3A_2143 = arith.constant 16 : index
        %get3A_2144 = tpu.vector_load %arg6[%get3A_2143] {strides = array<i32>} : memref<512xi32, #tpu.memory_space<vmem>>, vector<16xi32>,
        %get3A_2145 = arith.constant 0 : i32
        %get3A_2146 = arith.index_cast %add3A_2127 : i32 to index
        %get3A_2147 = arith.index_cast %get3A_2145 : i32 to index
        %get3A_2148 = arith.constant 16 : index
        %get3A_2149 = tpu.vector_load %arg7[%get3A_2146, %get3A_2147, %get3A_2148] {strides = array<i32>} : memref<20x4x128xi32, #tpu.memory_space<vmem>>, vector<16xi32>,
        %mul3A_2150 = arith.constant 1000 : i32
        %mul3A_2151 = vector.broadcast %mul3A_2150 : i32 to vector<16xi32>
        %mul3A_2152 = arith.muli %get3A_2144, %mul3A_2151 : vector<16xi32>
        %add3A_2153 = arith.addi %mul3A_2152, %get3A_2149 : vector<16xi32>
        %swap3A_2154 = arith.constant 0 : i32
        %swap3A_2155 = arith.index_cast %swap3A_2154 : i32 to index
        %swap3A_2156 = arith.constant 16 : index
        %swap3A_2157 = tpu.vector_load %arg8[%swap3A_2155, %swap3A_2156] {strides = array<i32>} : memref<2x128xi32, #tpu.memory_space<vmem>>, vector<16xi32>,
        tpu.vector_store %arg8[%swap3A_2155, %swap3A_2156], %add3A_2153 {strides = array<i32>} : memref<2x128xi32, #tpu.memory_space<vmem>>, vector<16xi32>,
        %get3A_2158 = arith.constant 32 : index
        %get3A_2159 = tpu.vector_load %arg6[%get3A_2158] {strides = array<i32>} : memref<512xi32, #tpu.memory_space<vmem>>, vector<16xi32>,
        %get3A_2160 = arith.constant 0 : i32
        %get3A_2161 = arith.index_cast %add3A_2127 : i32 to index
        %get3A_2162 = arith.index_cast %get3A_2160 : i32 to index
        %get3A_2163 = arith.constant 32 : index
        %get3A_2164 = tpu.vector_load %arg7[%get3A_2161, %get3A_2162, %get3A_2163] {strides = array<i32>} : memref<20x4x128xi32, #tpu.memory_space<vmem>>, vector<16xi32>,
        %mul3A_2165 = arith.constant 1000 : i32
        %mul3A_2166 = vector.broadcast %mul3A_2165 : i32 to vector<16xi32>
        %mul3A_2167 = arith.muli %get3A_2159, %mul3A_2166 : vector<16xi32>
        %add3A_2168 = arith.addi %mul3A_2167, %get3A_2164 : vector<16xi32>
        %swap3A_2169 = arith.constant 0 : i32
        %swap3A_2170 = arith.index_cast %swap3A_2169 : i32 to index
        %swap3A_2171 = arith.constant 32 : index
        %swap3A_2172 = tpu.vector_load %arg8[%swap3A_2170, %swap3A_2171] {strides = array<i32>} : memref<2x128xi32, #tpu.memory_space<vmem>>, vector<16xi32>,
        tpu.vector_store %arg8[%swap3A_2170, %swap3A_2171], %add3A_2168 {strides = array<i32>} : memref<2x128xi32, #tpu.memory_space<vmem>>, vector<16xi32>,
        %get3A_2173 = arith.constant 48 : index
        %get3A_2174 = tpu.vector_load %arg6[%get3A_2173] {strides = array<i32>} : memref<512xi32, #tpu.memory_space<vmem>>, vector<16xi32>,
        %get3A_2175 = arith.constant 0 : i32
        %get3A_2176 = arith.index_cast %add3A_2127 : i32 to index
        %get3A_2177 = arith.index_cast %get3A_2175 : i32 to index
        %get3A_2178 = arith.constant 48 : index
        %get3A_2179 = tpu.vector_load %arg7[%get3A_2176, %get3A_2177, %get3A_2178] {strides = array<i32>} : memref<20x4x128xi32, #tpu.memory_space<vmem>>, vector<16xi32>,
        %mul3A_2180 = arith.constant 1000 : i32
        %mul3A_2181 = vector.broadcast %mul3A_2180 : i32 to vector<16xi32>
        %mul3A_2182 = arith.muli %get3A_2174, %mul3A_2181 : vector<16xi32>
        %add3A_2183 = arith.addi %mul3A_2182, %get3A_2179 : vector<16xi32>
        %swap3A_2184 = arith.constant 0 : i32
        %swap3A_2185 = arith.index_cast %swap3A_2184 : i32 to index
        %swap3A_2186 = arith.constant 48 : index
        %swap3A_2187 = tpu.vector_load %arg8[%swap3A_2185, %swap3A_2186] {strides = array<i32>} : memref<2x128xi32, #tpu.memory_space<vmem>>, vector<16xi32>,
        tpu.vector_store %arg8[%swap3A_2185, %swap3A_2186], %add3A_2183 {strides = array<i32>} : memref<2x128xi32, #tpu.memory_space<vmem>>, vector<16xi32>,
        %get3A_2188 = arith.constant 64 : index
        %get3A_2189 = tpu.vector_load %arg6[%get3A_2188] {strides = array<i32>} : memref<512xi32, #tpu.memory_space<vmem>>, vector<16xi32>,
        %get3A_2190 = arith.constant 0 : i32
        %get3A_2191 = arith.index_cast %add3A_2127 : i32 to index
        %get3A_2192 = arith.index_cast %get3A_2190 : i32 to index
        %get3A_2193 = arith.constant 64 : index
        %get3A_2194 = tpu.vector_load %arg7[%get3A_2191, %get3A_2192, %get3A_2193] {strides = array<i32>} : memref<20x4x128xi32, #tpu.memory_space<vmem>>, vector<16xi32>,
        %mul3A_2195 = arith.constant 1000 : i32
        %mul3A_2196 = vector.broadcast %mul3A_2195 : i32 to vector<16xi32>
        %mul3A_2197 = arith.muli %get3A_2189, %mul3A_2196 : vector<16xi32>
        %add3A_2198 = arith.addi %mul3A_2197, %get3A_2194 : vector<16xi32>
        %swap3A_2199 = arith.constant 0 : i32
        %swap3A_2200 = arith.index_cast %swap3A_2199 : i32 to index
        %swap3A_2201 = arith.constant 64 : index
        %swap3A_2202 = tpu.vector_load %arg8[%swap3A_2200, %swap3A_2201] {strides = array<i32>} : memref<2x128xi32, #tpu.memory_space<vmem>>, vector<16xi32>,
        tpu.vector_store %arg8[%swap3A_2200, %swap3A_2201], %add3A_2198 {strides = array<i32>} : memref<2x128xi32, #tpu.memory_space<vmem>>, vector<16xi32>,
        %get3A_2203 = arith.constant 80 : index
        %get3A_2204 = tpu.vector_load %arg6[%get3A_2203] {strides = array<i32>} : memref<512xi32, #tpu.memory_space<vmem>>, vector<16xi32>,
        %get3A_2205 = arith.constant 0 : i32
        %get3A_2206 = arith.index_cast %add3A_2127 : i32 to index
        %get3A_2207 = arith.index_cast %get3A_2205 : i32 to index
        %get3A_2208 = arith.constant 80 : index
        %get3A_2209 = tpu.vector_load %arg7[%get3A_2206, %get3A_2207, %get3A_2208] {strides = array<i32>} : memref<20x4x128xi32, #tpu.memory_space<vmem>>, vector<16xi32>,
        %mul3A_2210 = arith.constant 1000 : i32
        %mul3A_2211 = vector.broadcast %mul3A_2210 : i32 to vector<16xi32>
        %mul3A_2212 = arith.muli %get3A_2204, %mul3A_2211 : vector<16xi32>
        %add3A_2213 = arith.addi %mul3A_2212, %get3A_2209 : vector<16xi32>
        %swap3A_2214 = arith.constant 0 : i32
        %swap3A_2215 = arith.index_cast %swap3A_2214 : i32 to index
        %swap3A_2216 = arith.constant 80 : index
        %swap3A_2217 = tpu.vector_load %arg8[%swap3A_2215, %swap3A_2216] {strides = array<i32>} : memref<2x128xi32, #tpu.memory_space<vmem>>, vector<16xi32>,
        tpu.vector_store %arg8[%swap3A_2215, %swap3A_2216], %add3A_2213 {strides = array<i32>} : memref<2x128xi32, #tpu.memory_space<vmem>>, vector<16xi32>,
        %get3A_2218 = arith.constant 96 : index
        %get3A_2219 = tpu.vector_load %arg6[%get3A_2218] {strides = array<i32>} : memref<512xi32, #tpu.memory_space<vmem>>, vector<16xi32>,
        %get3A_2220 = arith.constant 0 : i32
        %get3A_2221 = arith.index_cast %add3A_2127 : i32 to index
        %get3A_2222 = arith.index_cast %get3A_2220 : i32 to index
        %get3A_2223 = arith.constant 96 : index
        %get3A_2224 = tpu.vector_load %arg7[%get3A_2221, %get3A_2222, %get3A_2223] {strides = array<i32>} : memref<20x4x128xi32, #tpu.memory_space<vmem>>, vector<16xi32>,
        %mul3A_2225 = arith.constant 1000 : i32
        %mul3A_2226 = vector.broadcast %mul3A_2225 : i32 to vector<16xi32>
        %mul3A_2227 = arith.muli %get3A_2219, %mul3A_2226 : vector<16xi32>
        %add3A_2228 = arith.addi %mul3A_2227, %get3A_2224 : vector<16xi32>
        %swap3A_2229 = arith.constant 0 : i32
        %swap3A_2230 = arith.index_cast %swap3A_2229 : i32 to index
        %swap3A_2231 = arith.constant 96 : index
        %swap3A_2232 = tpu.vector_load %arg8[%swap3A_2230, %swap3A_2231] {strides = array<i32>} : memref<2x128xi32, #tpu.memory_space<vmem>>, vector<16xi32>,
        tpu.vector_store %arg8[%swap3A_2230, %swap3A_2231], %add3A_2228 {strides = array<i32>} : memref<2x128xi32, #tpu.memory_space<vmem>>, vector<16xi32>,
        %get3A_2233 = arith.constant 112 : index
        %get3A_2234 = tpu.vector_load %arg6[%get3A_2233] {strides = array<i32>} : memref<512xi32, #tpu.memory_space<vmem>>, vector<16xi32>,
        %get3A_2235 = arith.constant 0 : i32
        %get3A_2236 = arith.index_cast %add3A_2127 : i32 to index
        %get3A_2237 = arith.index_cast %get3A_2235 : i32 to index
        %get3A_2238 = arith.constant 112 : index
        %get3A_2239 = tpu.vector_load %arg7[%get3A_2236, %get3A_2237, %get3A_2238] {strides = array<i32>} : memref<20x4x128xi32, #tpu.memory_space<vmem>>, vector<16xi32>,
        %mul3A_2240 = arith.constant 1000 : i32
        %mul3A_2241 = vector.broadcast %mul3A_2240 : i32 to vector<16xi32>
        %mul3A_2242 = arith.muli %get3A_2234, %mul3A_2241 : vector<16xi32>
        %add3A_2243 = arith.addi %mul3A_2242, %get3A_2239 : vector<16xi32>
        %swap3A_2244 = arith.constant 0 : i32
        %swap3A_2245 = arith.index_cast %swap3A_2244 : i32 to index
        %swap3A_2246 = arith.constant 112 : index
        %swap3A_2247 = tpu.vector_load %arg8[%swap3A_2245, %swap3A_2246] {strides = array<i32>} : memref<2x128xi32, #tpu.memory_space<vmem>>, vector<16xi32>,
        tpu.vector_store %arg8[%swap3A_2245, %swap3A_2246], %add3A_2243 {strides = array<i32>} : memref<2x128xi32, #tpu.memory_space<vmem>>, vector<16xi32>,
        %get3A_2248 = arith.constant 128 : index
        %get3A_2249 = tpu.vector_load %arg6[%get3A_2248] {strides = array<i32>} : memref<512xi32, #tpu.memory_space<vmem>>, vector<16xi32>,
        %get3A_2250 = arith.constant 1 : i32
        %get3A_2251 = arith.index_cast %add3A_2127 : i32 to index
        %get3A_2252 = arith.index_cast %get3A_2250 : i32 to index
        %get3A_2253 = arith.constant 0 : index
        %get3A_2254 = tpu.vector_load %arg7[%get3A_2251, %get3A_2252, %get3A_2253] {strides = array<i32>} : memref<20x4x128xi32, #tpu.memory_space<vmem>>, vector<16xi32>,
        %mul3A_2255 = arith.constant 1000 : i32
        %mul3A_2256 = vector.broadcast %mul3A_2255 : i32 to vector<16xi32>
        %mul3A_2257 = arith.muli %get3A_2249, %mul3A_2256 : vector<16xi32>
        %add3A_2258 = arith.addi %mul3A_2257, %get3A_2254 : vector<16xi32>
        %swap3A_2259 = arith.constant 1 : i32
        %swap3A_2260 = arith.index_cast %swap3A_2259 : i32 to index
        %swap3A_2261 = arith.constant 0 : index
        %swap3A_2262 = tpu.vector_load %arg8[%swap3A_2260, %swap3A_2261] {strides = array<i32>} : memref<2x128xi32, #tpu.memory_space<vmem>>, vector<16xi32>,
        tpu.vector_store %arg8[%swap3A_2260, %swap3A_2261], %add3A_2258 {strides = array<i32>} : memref<2x128xi32, #tpu.memory_space<vmem>>, vector<16xi32>,
        %get3A_2263 = arith.constant 144 : index
        %get3A_2264 = tpu.vector_load %arg6[%get3A_2263] {strides = array<i32>} : memref<512xi32, #tpu.memory_space<vmem>>, vector<16xi32>,
        %get3A_2265 = arith.constant 1 : i32
        %get3A_2266 = arith.index_cast %add3A_2127 : i32 to index
        %get3A_2267 = arith.index_cast %get3A_2265 : i32 to index
        %get3A_2268 = arith.constant 16 : index
        %get3A_2269 = tpu.vector_load %arg7[%get3A_2266, %get3A_2267, %get3A_2268] {strides = array<i32>} : memref<20x4x128xi32, #tpu.memory_space<vmem>>, vector<16xi32>,
        %mul3A_2270 = arith.constant 1000 : i32
        %mul3A_2271 = vector.broadcast %mul3A_2270 : i32 to vector<16xi32>
        %mul3A_2272 = arith.muli %get3A_2264, %mul3A_2271 : vector<16xi32>
        %add3A_2273 = arith.addi %mul3A_2272, %get3A_2269 : vector<16xi32>
        %swap3A_2274 = arith.constant 1 : i32
        %swap3A_2275 = arith.index_cast %swap3A_2274 : i32 to index
        %swap3A_2276 = arith.constant 16 : index
        %swap3A_2277 = tpu.vector_load %arg8[%swap3A_2275, %swap3A_2276] {strides = array<i32>} : memref<2x128xi32, #tpu.memory_space<vmem>>, vector<16xi32>,
        tpu.vector_store %arg8[%swap3A_2275, %swap3A_2276], %add3A_2273 {strides = array<i32>} : memref<2x128xi32, #tpu.memory_space<vmem>>, vector<16xi32>,
        %get3A_2278 = arith.constant 160 : index
        %get3A_2279 = tpu.vector_load %arg6[%get3A_2278] {strides = array<i32>} : memref<512xi32, #tpu.memory_space<vmem>>, vector<16xi32>,
        %get3A_2280 = arith.constant 1 : i32
        %get3A_2281 = arith.index_cast %add3A_2127 : i32 to index
        %get3A_2282 = arith.index_cast %get3A_2280 : i32 to index
        %get3A_2283 = arith.constant 32 : index
        %get3A_2284 = tpu.vector_load %arg7[%get3A_2281, %get3A_2282, %get3A_2283] {strides = array<i32>} : memref<20x4x128xi32, #tpu.memory_space<vmem>>, vector<16xi32>,
        %mul3A_2285 = arith.constant 1000 : i32
        %mul3A_2286 = vector.broadcast %mul3A_2285 : i32 to vector<16xi32>
        %mul3A_2287 = arith.muli %get3A_2279, %mul3A_2286 : vector<16xi32>
        %add3A_2288 = arith.addi %mul3A_2287, %get3A_2284 : vector<16xi32>
        %swap3A_2289 = arith.constant 1 : i32
        %swap3A_2290 = arith.index_cast %swap3A_2289 : i32 to index
        %swap3A_2291 = arith.constant 32 : index
        %swap3A_2292 = tpu.vector_load %arg8[%swap3A_2290, %swap3A_2291] {strides = array<i32>} : memref<2x128xi32, #tpu.memory_space<vmem>>, vector<16xi32>,
        tpu.vector_store %arg8[%swap3A_2290, %swap3A_2291], %add3A_2288 {strides = array<i32>} : memref<2x128xi32, #tpu.memory_space<vmem>>, vector<16xi32>,
        %get3A_2293 = arith.constant 176 : index
        %get3A_2294 = tpu.vector_load %arg6[%get3A_2293] {strides = array<i32>} : memref<512xi32, #tpu.memory_space<vmem>>, vector<16xi32>,
        %get3A_2295 = arith.constant 1 : i32
        %get3A_2296 = arith.index_cast %add3A_2127 : i32 to index
        %get3A_2297 = arith.index_cast %get3A_2295 : i32 to index
        %get3A_2298 = arith.constant 48 : index
        %get3A_2299 = tpu.vector_load %arg7[%get3A_2296, %get3A_2297, %get3A_2298] {strides = array<i32>} : memref<20x4x128xi32, #tpu.memory_space<vmem>>, vector<16xi32>,
        %mul3A_2300 = arith.constant 1000 : i32
        %mul3A_2301 = vector.broadcast %mul3A_2300 : i32 to vector<16xi32>
        %mul3A_2302 = arith.muli %get3A_2294, %mul3A_2301 : vector<16xi32>
        %add3A_2303 = arith.addi %mul3A_2302, %get3A_2299 : vector<16xi32>
        %swap3A_2304 = arith.constant 1 : i32
        %swap3A_2305 = arith.index_cast %swap3A_2304 : i32 to index
        %swap3A_2306 = arith.constant 48 : index
        %swap3A_2307 = tpu.vector_load %arg8[%swap3A_2305, %swap3A_2306] {strides = array<i32>} : memref<2x128xi32, #tpu.memory_space<vmem>>, vector<16xi32>,
        tpu.vector_store %arg8[%swap3A_2305, %swap3A_2306], %add3A_2303 {strides = array<i32>} : memref<2x128xi32, #tpu.memory_space<vmem>>, vector<16xi32>,
        %get3A_2308 = arith.constant 192 : index
        %get3A_2309 = tpu.vector_load %arg6[%get3A_2308] {strides = array<i32>} : memref<512xi32, #tpu.memory_space<vmem>>, vector<16xi32>,
        %get3A_2310 = arith.constant 1 : i32
        %get3A_2311 = arith.index_cast %add3A_2127 : i32 to index
        %get3A_2312 = arith.index_cast %get3A_2310 : i32 to index
        %get3A_2313 = arith.constant 64 : index
        %get3A_2314 = tpu.vector_load %arg7[%get3A_2311, %get3A_2312, %get3A_2313] {strides = array<i32>} : memref<20x4x128xi32, #tpu.memory_space<vmem>>, vector<16xi32>,
        %mul3A_2315 = arith.constant 1000 : i32
        %mul3A_2316 = vector.broadcast %mul3A_2315 : i32 to vector<16xi32>
        %mul3A_2317 = arith.muli %get3A_2309, %mul3A_2316 : vector<16xi32>
        %add3A_2318 = arith.addi %mul3A_2317, %get3A_2314 : vector<16xi32>
        %swap3A_2319 = arith.constant 1 : i32
        %swap3A_2320 = arith.index_cast %swap3A_2319 : i32 to index
        %swap3A_2321 = arith.constant 64 : index
        %swap3A_2322 = tpu.vector_load %arg8[%swap3A_2320, %swap3A_2321] {strides = array<i32>} : memref<2x128xi32, #tpu.memory_space<vmem>>, vector<16xi32>,
        tpu.vector_store %arg8[%swap3A_2320, %swap3A_2321], %add3A_2318 {strides = array<i32>} : memref<2x128xi32, #tpu.memory_space<vmem>>, vector<16xi32>,
        %get3A_2323 = arith.constant 208 : index
        %get3A_2324 = tpu.vector_load %arg6[%get3A_2323] {strides = array<i32>} : memref<512xi32, #tpu.memory_space<vmem>>, vector<16xi32>,
        %get3A_2325 = arith.constant 1 : i32
        %get3A_2326 = arith.index_cast %add3A_2127 : i32 to index
        %get3A_2327 = arith.index_cast %get3A_2325 : i32 to index
        %get3A_2328 = arith.constant 80 : index
        %get3A_2329 = tpu.vector_load %arg7[%get3A_2326, %get3A_2327, %get3A_2328] {strides = array<i32>} : memref<20x4x128xi32, #tpu.memory_space<vmem>>, vector<16xi32>,
        %mul3A_2330 = arith.constant 1000 : i32
        %mul3A_2331 = vector.broadcast %mul3A_2330 : i32 to vector<16xi32>
        %mul3A_2332 = arith.muli %get3A_2324, %mul3A_2331 : vector<16xi32>
        %add3A_2333 = arith.addi %mul3A_2332, %get3A_2329 : vector<16xi32>
        %swap3A_2334 = arith.constant 1 : i32
        %swap3A_2335 = arith.index_cast %swap3A_2334 : i32 to index
        %swap3A_2336 = arith.constant 80 : index
        %swap3A_2337 = tpu.vector_load %arg8[%swap3A_2335, %swap3A_2336] {strides = array<i32>} : memref<2x128xi32, #tpu.memory_space<vmem>>, vector<16xi32>,
        tpu.vector_store %arg8[%swap3A_2335, %swap3A_2336], %add3A_2333 {strides = array<i32>} : memref<2x128xi32, #tpu.memory_space<vmem>>, vector<16xi32>,
        %get3A_2338 = arith.constant 224 : index
        %get3A_2339 = tpu.vector_load %arg6[%get3A_2338] {strides = array<i32>} : memref<512xi32, #tpu.memory_space<vmem>>, vector<16xi32>,
        %get3A_2340 = arith.constant 1 : i32
        %get3A_2341 = arith.index_cast %add3A_2127 : i32 to index
        %get3A_2342 = arith.index_cast %get3A_2340 : i32 to index
        %get3A_2343 = arith.constant 96 : index
        %get3A_2344 = tpu.vector_load %arg7[%get3A_2341, %get3A_2342, %get3A_2343] {strides = array<i32>} : memref<20x4x128xi32, #tpu.memory_space<vmem>>, vector<16xi32>,
        %mul3A_2345 = arith.constant 1000 : i32
        %mul3A_2346 = vector.broadcast %mul3A_2345 : i32 to vector<16xi32>
        %mul3A_2347 = arith.muli %get3A_2339, %mul3A_2346 : vector<16xi32>
        %add3A_2348 = arith.addi %mul3A_2347, %get3A_2344 : vector<16xi32>
        %swap3A_2349 = arith.constant 1 : i32
        %swap3A_2350 = arith.index_cast %swap3A_2349 : i32 to index
        %swap3A_2351 = arith.constant 96 : index
        %swap3A_2352 = tpu.vector_load %arg8[%swap3A_2350, %swap3A_2351] {strides = array<i32>} : memref<2x128xi32, #tpu.memory_space<vmem>>, vector<16xi32>,
        tpu.vector_store %arg8[%swap3A_2350, %swap3A_2351], %add3A_2348 {strides = array<i32>} : memref<2x128xi32, #tpu.memory_space<vmem>>, vector<16xi32>,
        %get3A_2353 = arith.constant 240 : index
        %get3A_2354 = tpu.vector_load %arg6[%get3A_2353] {strides = array<i32>} : memref<512xi32, #tpu.memory_space<vmem>>, vector<16xi32>,
        %get3A_2355 = arith.constant 1 : i32
        %get3A_2356 = arith.index_cast %add3A_2127 : i32 to index
        %get3A_2357 = arith.index_cast %get3A_2355 : i32 to index
        %get3A_2358 = arith.constant 112 : index
        %get3A_2359 = tpu.vector_load %arg7[%get3A_2356, %get3A_2357, %get3A_2358] {strides = array<i32>} : memref<20x4x128xi32, #tpu.memory_space<vmem>>, vector<16xi32>,
        %mul3A_2360 = arith.constant 1000 : i32
        %mul3A_2361 = vector.broadcast %mul3A_2360 : i32 to vector<16xi32>
        %mul3A_2362 = arith.muli %get3A_2354, %mul3A_2361 : vector<16xi32>
        %add3A_2363 = arith.addi %mul3A_2362, %get3A_2359 : vector<16xi32>
        %swap3A_2364 = arith.constant 1 : i32
        %swap3A_2365 = arith.index_cast %swap3A_2364 : i32 to index
        %swap3A_2366 = arith.constant 112 : index
        %swap3A_2367 = tpu.vector_load %arg8[%swap3A_2365, %swap3A_2366] {strides = array<i32>} : memref<2x128xi32, #tpu.memory_space<vmem>>, vector<16xi32>,
        tpu.vector_store %arg8[%swap3A_2365, %swap3A_2366], %add3A_2363 {strides = array<i32>} : memref<2x128xi32, #tpu.memory_space<vmem>>, vector<16xi32>,
        %dma_start3A_2368 = arith.constant 0 : i32
        %dma_start3A_2369 = arith.constant 0 : i32
        %dma_start3A_2370 = arith.constant 0 : i32
        %dma_start3A_2371 = tpu.memref_slice %arg10[%dma_start3A_2369, %dma_start3A_2370] : memref<256x64xf32, #tpu.memory_space<vmem>> -> memref<128x64xf32, #tpu.memory_space<vmem>>
        %dma_start3A_2372 = arith.constant 0 : i32
        %dma_start3A_2373 = tpu.memref_slice %arg8[%dma_start3A_2368, %dma_start3A_2372] : memref<2x128xi32, #tpu.memory_space<vmem>> -> memref<1x128xi32, #tpu.memory_space<vmem>>
        %dma_start3A_2374 = tpu.memref_squeeze %dma_start3A_2373 : memref<1x128xi32, #tpu.memory_space<vmem>> -> memref<128xi32, #tpu.memory_space<vmem>>
        %dma_start3A_2375 = arith.constant 0 : i32
        %dma_start3A_2376 = arith.constant 0 : i32
        %dma_start3A_2377 = tpu.memref_slice %arg2[%dma_start3A_2375, %dma_start3A_2376] : memref<100000x64xf32, #tpu.memory_space<hbm>> -> memref<100000x64xf32, #tpu.memory_space<hbm>>
        tpu.enqueue_indirect_dma source(%dma_start3A_2377 : memref<100000x64xf32, #tpu.memory_space<hbm>>) target(%dma_start3A_2371 : memref<128x64xf32, #tpu.memory_space<vmem>>) offsets(%dma_start3A_2374 : memref<128xi32, #tpu.memory_space<vmem>>) semaphore(%arg14 : memref<!tpu.dma_semaphore, #tpu.memory_space<semaphore_mem>>)
        %dma_start3A_2378 = arith.constant 1 : i32
        %dma_start3A_2379 = arith.constant 128 : i32
        %dma_start3A_2380 = arith.constant 0 : i32
        %dma_start3A_2381 = tpu.memref_slice %arg10[%dma_start3A_2379, %dma_start3A_2380] : memref<256x64xf32, #tpu.memory_space<vmem>> -> memref<128x64xf32, #tpu.memory_space<vmem>>
        %dma_start3A_2382 = arith.constant 0 : i32
        %dma_start3A_2383 = tpu.memref_slice %arg8[%dma_start3A_2378, %dma_start3A_2382] : memref<2x128xi32, #tpu.memory_space<vmem>> -> memref<1x128xi32, #tpu.memory_space<vmem>>
        %dma_start3A_2384 = tpu.memref_squeeze %dma_start3A_2383 : memref<1x128xi32, #tpu.memory_space<vmem>> -> memref<128xi32, #tpu.memory_space<vmem>>
        %dma_start3A_2385 = arith.constant 0 : i32
        %dma_start3A_2386 = arith.constant 0 : i32
        %dma_start3A_2387 = tpu.memref_slice %arg2[%dma_start3A_2385, %dma_start3A_2386] : memref<100000x64xf32, #tpu.memory_space<hbm>> -> memref<100000x64xf32, #tpu.memory_space<hbm>>
        tpu.enqueue_indirect_dma source(%dma_start3A_2387 : memref<100000x64xf32, #tpu.memory_space<hbm>>) target(%dma_start3A_2381 : memref<128x64xf32, #tpu.memory_space<vmem>>) offsets(%dma_start3A_2384 : memref<128xi32, #tpu.memory_space<vmem>>) semaphore(%arg14 : memref<!tpu.dma_semaphore, #tpu.memory_space<semaphore_mem>>)
      } else {
      }
      %dma_wait3A_1641 = arith.constant 0 : i32
      %dma_wait3A_1642 = arith.constant 0 : i32
      %dma_wait3A_1643 = arith.constant 0 : i32
      %dma_wait3A_1644 = tpu.memref_slice %arg11[%dma_wait3A_1642, %dma_wait3A_1643] : memref<256x64xf32, #tpu.memory_space<vmem>> -> memref<128x64xf32, #tpu.memory_space<vmem>>
      %dma_wait3A_1645 = arith.constant 0 : i32
      %dma_wait3A_1646 = tpu.memref_slice %arg9[%dma_wait3A_1641, %dma_wait3A_1645] : memref<2x128xi32, #tpu.memory_space<vmem>> -> memref<1x128xi32, #tpu.memory_space<vmem>>
      %dma_wait3A_1647 = tpu.memref_squeeze %dma_wait3A_1646 : memref<1x128xi32, #tpu.memory_space<vmem>> -> memref<128xi32, #tpu.memory_space<vmem>>
      %dma_wait3A_1648 = arith.constant 0 : i32
      %dma_wait3A_1649 = arith.constant 0 : i32
      %dma_wait3A_1650 = tpu.memref_slice %arg2[%dma_wait3A_1648, %dma_wait3A_1649] : memref<100000x64xf32, #tpu.memory_space<hbm>> -> memref<100000x64xf32, #tpu.memory_space<hbm>>
      tpu.wait_indirect_dma semaphore(%arg15 : memref<!tpu.dma_semaphore, #tpu.memory_space<semaphore_mem>>) src(%dma_wait3A_1650 : memref<100000x64xf32, #tpu.memory_space<hbm>>) dst(%dma_wait3A_1644 : memref<128x64xf32, #tpu.memory_space<vmem>>)
      %dma_wait3A_1651 = arith.constant 1 : i32
      %dma_wait3A_1652 = arith.constant 128 : i32
      %dma_wait3A_1653 = arith.constant 0 : i32
      %dma_wait3A_1654 = tpu.memref_slice %arg11[%dma_wait3A_1652, %dma_wait3A_1653] : memref<256x64xf32, #tpu.memory_space<vmem>> -> memref<128x64xf32, #tpu.memory_space<vmem>>
      %dma_wait3A_1655 = arith.constant 0 : i32
      %dma_wait3A_1656 = tpu.memref_slice %arg9[%dma_wait3A_1651, %dma_wait3A_1655] : memref<2x128xi32, #tpu.memory_space<vmem>> -> memref<1x128xi32, #tpu.memory_space<vmem>>
      %dma_wait3A_1657 = tpu.memref_squeeze %dma_wait3A_1656 : memref<1x128xi32, #tpu.memory_space<vmem>> -> memref<128xi32, #tpu.memory_space<vmem>>
      %dma_wait3A_1658 = arith.constant 0 : i32
      %dma_wait3A_1659 = arith.constant 0 : i32
      %dma_wait3A_1660 = tpu.memref_slice %arg2[%dma_wait3A_1658, %dma_wait3A_1659] : memref<100000x64xf32, #tpu.memory_space<hbm>> -> memref<100000x64xf32, #tpu.memory_space<hbm>>
      tpu.wait_indirect_dma semaphore(%arg15 : memref<!tpu.dma_semaphore, #tpu.memory_space<semaphore_mem>>) src(%dma_wait3A_1660 : memref<100000x64xf32, #tpu.memory_space<hbm>>) dst(%dma_wait3A_1654 : memref<128x64xf32, #tpu.memory_space<vmem>>)
      %gt3A_1661 = arith.constant 0 : i32
      %gt3A_1662 = arith.cmpi sgt, %scan3A_892, %gt3A_1661 : i32
      %convert_element_type3A_1663 = arith.extui %gt3A_1662 : i1 to i32
      %cond3A_1664 = arith.constant 0 : i32
      %cond3A_1665 = arith.cmpi ne, %convert_element_type3A_1663, %cond3A_1664 : i32
      scf.if %cond3A_1665 {
        %dma_wait3A_2126 = arith.constant 0 : i32
        %dma_wait3A_2127 = arith.constant 0 : i32
        %dma_wait3A_2128 = arith.constant 0 : i32
        %dma_wait3A_2129 = arith.constant 0 : i32
        %dma_wait3A_2130 = tpu.memref_slice %arg13[%dma_wait3A_2126, %dma_wait3A_2128, %dma_wait3A_2129] : memref<16x9x131xf32, #tpu.memory_space<vmem>> -> memref<1x8x128xf32, #tpu.memory_space<vmem>>
        %dma_wait3A_2131 = tpu.memref_squeeze %dma_wait3A_2130 : memref<1x8x128xf32, #tpu.memory_space<vmem>> -> memref<8x128xf32, #tpu.memory_space<vmem>>
        %dma_wait3A_2132 = arith.constant 0 : i32
        %dma_wait3A_2133 = arith.constant 0 : i32
        %dma_wait3A_2134 = tpu.memref_slice %arg5[%dma_wait3A_2127, %dma_wait3A_2132, %dma_wait3A_2133] : memref<20480x8x128xf32, #tpu.memory_space<hbm>> -> memref<1x8x128xf32, #tpu.memory_space<hbm>>
        %dma_wait3A_2135 = tpu.memref_squeeze %dma_wait3A_2134 : memref<1x8x128xf32, #tpu.memory_space<hbm>> -> memref<8x128xf32, #tpu.memory_space<hbm>>
        %dma_wait3A_2136 = arith.constant 0 : i32
        %dma_wait3A_2137 = arith.constant 0 : i32
        %dma_wait3A_2138 = tpu.memref_slice %arg5[%dma_wait3A_2127, %dma_wait3A_2136, %dma_wait3A_2137] : memref<20480x8x128xf32, #tpu.memory_space<hbm>> -> memref<1x8x128xf32, #tpu.memory_space<hbm>>
        %dma_wait3A_2139 = tpu.memref_squeeze %dma_wait3A_2138 : memref<1x8x128xf32, #tpu.memory_space<hbm>> -> memref<8x128xf32, #tpu.memory_space<hbm>>
        %dma_wait3A_2140 = arith.constant 0 : i32
        %dma_wait3A_2141 = arith.constant 0 : i32
        %dma_wait3A_2142 = tpu.memref_slice %arg13[%dma_wait3A_2126, %dma_wait3A_2140, %dma_wait3A_2141] : memref<16x9x131xf32, #tpu.memory_space<vmem>> -> memref<1x8x128xf32, #tpu.memory_space<vmem>>
        %dma_wait3A_2143 = tpu.memref_squeeze %dma_wait3A_2142 : memref<1x8x128xf32, #tpu.memory_space<vmem>> -> memref<8x128xf32, #tpu.memory_space<vmem>>
        tpu.wait_dma2 semaphore(%arg17 : memref<!tpu.dma_semaphore, #tpu.memory_space<semaphore_mem>>) src(%dma_wait3A_2143 : memref<8x128xf32, #tpu.memory_space<vmem>>) dst(%dma_wait3A_2139 : memref<8x128xf32, #tpu.memory_space<hbm>>)
        %dma_wait3A_2144 = arith.constant 1 : i32
        %dma_wait3A_2145 = arith.constant 1 : i32
        %dma_wait3A_2146 = arith.constant 0 : i32
        %dma_wait3A_2147 = arith.constant 0 : i32
        %dma_wait3A_2148 = tpu.memref_slice %arg13[%dma_wait3A_2144, %dma_wait3A_2146, %dma_wait3A_2147] : memref<16x9x131xf32, #tpu.memory_space<vmem>> -> memref<1x8x128xf32, #tpu.memory_space<vmem>>
        %dma_wait3A_2149 = tpu.memref_squeeze %dma_wait3A_2148 : memref<1x8x128xf32, #tpu.memory_space<vmem>> -> memref<8x128xf32, #tpu.memory_space<vmem>>
        %dma_wait3A_2150 = arith.constant 0 : i32
        %dma_wait3A_2151 = arith.constant 0 : i32
        %dma_wait3A_2152 = tpu.memref_slice %arg5[%dma_wait3A_2145, %dma_wait3A_2150, %dma_wait3A_2151] : memref<20480x8x128xf32, #tpu.memory_space<hbm>> -> memref<1x8x128xf32, #tpu.memory_space<hbm>>
        %dma_wait3A_2153 = tpu.memref_squeeze %dma_wait3A_2152 : memref<1x8x128xf32, #tpu.memory_space<hbm>> -> memref<8x128xf32, #tpu.memory_space<hbm>>
        %dma_wait3A_2154 = arith.constant 0 : i32
        %dma_wait3A_2155 = arith.constant 0 : i32
        %dma_wait3A_2156 = tpu.memref_slice %arg5[%dma_wait3A_2145, %dma_wait3A_2154, %dma_wait3A_2155] : memref<20480x8x128xf32, #tpu.memory_space<hbm>> -> memref<1x8x128xf32, #tpu.memory_space<hbm>>
        %dma_wait3A_2157 = tpu.memref_squeeze %dma_wait3A_2156 : memref<1x8x128xf32, #tpu.memory_space<hbm>> -> memref<8x128xf32, #tpu.memory_space<hbm>>
        %dma_wait3A_2158 = arith.constant 0 : i32
        %dma_wait3A_2159 = arith.constant 0 : i32
        %dma_wait3A_2160 = tpu.memref_slice %arg13[%dma_wait3A_2144, %dma_wait3A_2158, %dma_wait3A_2159] : memref<16x9x131xf32, #tpu.memory_space<vmem>> -> memref<1x8x128xf32, #tpu.memory_space<vmem>>
        %dma_wait3A_2161 = tpu.memref_squeeze %dma_wait3A_2160 : memref<1x8x128xf32, #tpu.memory_space<vmem>> -> memref<8x128xf32, #tpu.memory_space<vmem>>
        tpu.wait_dma2 semaphore(%arg17 : memref<!tpu.dma_semaphore, #tpu.memory_space<semaphore_mem>>) src(%dma_wait3A_2161 : memref<8x128xf32, #tpu.memory_space<vmem>>) dst(%dma_wait3A_2157 : memref<8x128xf32, #tpu.memory_space<hbm>>)
        %dma_wait3A_2162 = arith.constant 2 : i32
        %dma_wait3A_2163 = arith.constant 2 : i32
        %dma_wait3A_2164 = arith.constant 0 : i32
        %dma_wait3A_2165 = arith.constant 0 : i32
        %dma_wait3A_2166 = tpu.memref_slice %arg13[%dma_wait3A_2162, %dma_wait3A_2164, %dma_wait3A_2165] : memref<16x9x131xf32, #tpu.memory_space<vmem>> -> memref<1x8x128xf32, #tpu.memory_space<vmem>>
        %dma_wait3A_2167 = tpu.memref_squeeze %dma_wait3A_2166 : memref<1x8x128xf32, #tpu.memory_space<vmem>> -> memref<8x128xf32, #tpu.memory_space<vmem>>
        %dma_wait3A_2168 = arith.constant 0 : i32
        %dma_wait3A_2169 = arith.constant 0 : i32
        %dma_wait3A_2170 = tpu.memref_slice %arg5[%dma_wait3A_2163, %dma_wait3A_2168, %dma_wait3A_2169] : memref<20480x8x128xf32, #tpu.memory_space<hbm>> -> memref<1x8x128xf32, #tpu.memory_space<hbm>>
        %dma_wait3A_2171 = tpu.memref_squeeze %dma_wait3A_2170 : memref<1x8x128xf32, #tpu.memory_space<hbm>> -> memref<8x128xf32, #tpu.memory_space<hbm>>
        %dma_wait3A_2172 = arith.constant 0 : i32
        %dma_wait3A_2173 = arith.constant 0 : i32
        %dma_wait3A_2174 = tpu.memref_slice %arg5[%dma_wait3A_2163, %dma_wait3A_2172, %dma_wait3A_2173] : memref<20480x8x128xf32, #tpu.memory_space<hbm>> -> memref<1x8x128xf32, #tpu.memory_space<hbm>>
        %dma_wait3A_2175 = tpu.memref_squeeze %dma_wait3A_2174 : memref<1x8x128xf32, #tpu.memory_space<hbm>> -> memref<8x128xf32, #tpu.memory_space<hbm>>
        %dma_wait3A_2176 = arith.constant 0 : i32
        %dma_wait3A_2177 = arith.constant 0 : i32
        %dma_wait3A_2178 = tpu.memref_slice %arg13[%dma_wait3A_2162, %dma_wait3A_2176, %dma_wait3A_2177] : memref<16x9x131xf32, #tpu.memory_space<vmem>> -> memref<1x8x128xf32, #tpu.memory_space<vmem>>
        %dma_wait3A_2179 = tpu.memref_squeeze %dma_wait3A_2178 : memref<1x8x128xf32, #tpu.memory_space<vmem>> -> memref<8x128xf32, #tpu.memory_space<vmem>>
        tpu.wait_dma2 semaphore(%arg17 : memref<!tpu.dma_semaphore, #tpu.memory_space<semaphore_mem>>) src(%dma_wait3A_2179 : memref<8x128xf32, #tpu.memory_space<vmem>>) dst(%dma_wait3A_2175 : memref<8x128xf32, #tpu.memory_space<hbm>>)
        %dma_wait3A_2180 = arith.constant 3 : i32
        %dma_wait3A_2181 = arith.constant 3 : i32
        %dma_wait3A_2182 = arith.constant 0 : i32
        %dma_wait3A_2183 = arith.constant 0 : i32
        %dma_wait3A_2184 = tpu.memref_slice %arg13[%dma_wait3A_2180, %dma_wait3A_2182, %dma_wait3A_2183] : memref<16x9x131xf32, #tpu.memory_space<vmem>> -> memref<1x8x128xf32, #tpu.memory_space<vmem>>
        %dma_wait3A_2185 = tpu.memref_squeeze %dma_wait3A_2184 : memref<1x8x128xf32, #tpu.memory_space<vmem>> -> memref<8x128xf32, #tpu.memory_space<vmem>>
        %dma_wait3A_2186 = arith.constant 0 : i32
        %dma_wait3A_2187 = arith.constant 0 : i32
        %dma_wait3A_2188 = tpu.memref_slice %arg5[%dma_wait3A_2181, %dma_wait3A_2186, %dma_wait3A_2187] : memref<20480x8x128xf32, #tpu.memory_space<hbm>> -> memref<1x8x128xf32, #tpu.memory_space<hbm>>
        %dma_wait3A_2189 = tpu.memref_squeeze %dma_wait3A_2188 : memref<1x8x128xf32, #tpu.memory_space<hbm>> -> memref<8x128xf32, #tpu.memory_space<hbm>>
        %dma_wait3A_2190 = arith.constant 0 : i32
        %dma_wait3A_2191 = arith.constant 0 : i32
        %dma_wait3A_2192 = tpu.memref_slice %arg5[%dma_wait3A_2181, %dma_wait3A_2190, %dma_wait3A_2191] : memref<20480x8x128xf32, #tpu.memory_space<hbm>> -> memref<1x8x128xf32, #tpu.memory_space<hbm>>
        %dma_wait3A_2193 = tpu.memref_squeeze %dma_wait3A_2192 : memref<1x8x128xf32, #tpu.memory_space<hbm>> -> memref<8x128xf32, #tpu.memory_space<hbm>>
        %dma_wait3A_2194 = arith.constant 0 : i32
        %dma_wait3A_2195 = arith.constant 0 : i32
        %dma_wait3A_2196 = tpu.memref_slice %arg13[%dma_wait3A_2180, %dma_wait3A_2194, %dma_wait3A_2195] : memref<16x9x131xf32, #tpu.memory_space<vmem>> -> memref<1x8x128xf32, #tpu.memory_space<vmem>>
        %dma_wait3A_2197 = tpu.memref_squeeze %dma_wait3A_2196 : memref<1x8x128xf32, #tpu.memory_space<vmem>> -> memref<8x128xf32, #tpu.memory_space<vmem>>
        tpu.wait_dma2 semaphore(%arg17 : memref<!tpu.dma_semaphore, #tpu.memory_space<semaphore_mem>>) src(%dma_wait3A_2197 : memref<8x128xf32, #tpu.memory_space<vmem>>) dst(%dma_wait3A_2193 : memref<8x128xf32, #tpu.memory_space<hbm>>)
        %dma_wait3A_2198 = arith.constant 4 : i32
        %dma_wait3A_2199 = arith.constant 4 : i32
        %dma_wait3A_2200 = arith.constant 0 : i32
        %dma_wait3A_2201 = arith.constant 0 : i32
        %dma_wait3A_2202 = tpu.memref_slice %arg13[%dma_wait3A_2198, %dma_wait3A_2200, %dma_wait3A_2201] : memref<16x9x131xf32, #tpu.memory_space<vmem>> -> memref<1x8x128xf32, #tpu.memory_space<vmem>>
        %dma_wait3A_2203 = tpu.memref_squeeze %dma_wait3A_2202 : memref<1x8x128xf32, #tpu.memory_space<vmem>> -> memref<8x128xf32, #tpu.memory_space<vmem>>
        %dma_wait3A_2204 = arith.constant 0 : i32
        %dma_wait3A_2205 = arith.constant 0 : i32
        %dma_wait3A_2206 = tpu.memref_slice %arg5[%dma_wait3A_2199, %dma_wait3A_2204, %dma_wait3A_2205] : memref<20480x8x128xf32, #tpu.memory_space<hbm>> -> memref<1x8x128xf32, #tpu.memory_space<hbm>>
        %dma_wait3A_2207 = tpu.memref_squeeze %dma_wait3A_2206 : memref<1x8x128xf32, #tpu.memory_space<hbm>> -> memref<8x128xf32, #tpu.memory_space<hbm>>
        %dma_wait3A_2208 = arith.constant 0 : i32
        %dma_wait3A_2209 = arith.constant 0 : i32
        %dma_wait3A_2210 = tpu.memref_slice %arg5[%dma_wait3A_2199, %dma_wait3A_2208, %dma_wait3A_2209] : memref<20480x8x128xf32, #tpu.memory_space<hbm>> -> memref<1x8x128xf32, #tpu.memory_space<hbm>>
        %dma_wait3A_2211 = tpu.memref_squeeze %dma_wait3A_2210 : memref<1x8x128xf32, #tpu.memory_space<hbm>> -> memref<8x128xf32, #tpu.memory_space<hbm>>
        %dma_wait3A_2212 = arith.constant 0 : i32
        %dma_wait3A_2213 = arith.constant 0 : i32
        %dma_wait3A_2214 = tpu.memref_slice %arg13[%dma_wait3A_2198, %dma_wait3A_2212, %dma_wait3A_2213] : memref<16x9x131xf32, #tpu.memory_space<vmem>> -> memref<1x8x128xf32, #tpu.memory_space<vmem>>
        %dma_wait3A_2215 = tpu.memref_squeeze %dma_wait3A_2214 : memref<1x8x128xf32, #tpu.memory_space<vmem>> -> memref<8x128xf32, #tpu.memory_space<vmem>>
        tpu.wait_dma2 semaphore(%arg17 : memref<!tpu.dma_semaphore, #tpu.memory_space<semaphore_mem>>) src(%dma_wait3A_2215 : memref<8x128xf32, #tpu.memory_space<vmem>>) dst(%dma_wait3A_2211 : memref<8x128xf32, #tpu.memory_space<hbm>>)
        %dma_wait3A_2216 = arith.constant 5 : i32
        %dma_wait3A_2217 = arith.constant 5 : i32
        %dma_wait3A_2218 = arith.constant 0 : i32
        %dma_wait3A_2219 = arith.constant 0 : i32
        %dma_wait3A_2220 = tpu.memref_slice %arg13[%dma_wait3A_2216, %dma_wait3A_2218, %dma_wait3A_2219] : memref<16x9x131xf32, #tpu.memory_space<vmem>> -> memref<1x8x128xf32, #tpu.memory_space<vmem>>
        %dma_wait3A_2221 = tpu.memref_squeeze %dma_wait3A_2220 : memref<1x8x128xf32, #tpu.memory_space<vmem>> -> memref<8x128xf32, #tpu.memory_space<vmem>>
        %dma_wait3A_2222 = arith.constant 0 : i32
        %dma_wait3A_2223 = arith.constant 0 : i32
        %dma_wait3A_2224 = tpu.memref_slice %arg5[%dma_wait3A_2217, %dma_wait3A_2222, %dma_wait3A_2223] : memref<20480x8x128xf32, #tpu.memory_space<hbm>> -> memref<1x8x128xf32, #tpu.memory_space<hbm>>
        %dma_wait3A_2225 = tpu.memref_squeeze %dma_wait3A_2224 : memref<1x8x128xf32, #tpu.memory_space<hbm>> -> memref<8x128xf32, #tpu.memory_space<hbm>>
        %dma_wait3A_2226 = arith.constant 0 : i32
        %dma_wait3A_2227 = arith.constant 0 : i32
        %dma_wait3A_2228 = tpu.memref_slice %arg5[%dma_wait3A_2217, %dma_wait3A_2226, %dma_wait3A_2227] : memref<20480x8x128xf32, #tpu.memory_space<hbm>> -> memref<1x8x128xf32, #tpu.memory_space<hbm>>
        %dma_wait3A_2229 = tpu.memref_squeeze %dma_wait3A_2228 : memref<1x8x128xf32, #tpu.memory_space<hbm>> -> memref<8x128xf32, #tpu.memory_space<hbm>>
        %dma_wait3A_2230 = arith.constant 0 : i32
        %dma_wait3A_2231 = arith.constant 0 : i32
        %dma_wait3A_2232 = tpu.memref_slice %arg13[%dma_wait3A_2216, %dma_wait3A_2230, %dma_wait3A_2231] : memref<16x9x131xf32, #tpu.memory_space<vmem>> -> memref<1x8x128xf32, #tpu.memory_space<vmem>>
        %dma_wait3A_2233 = tpu.memref_squeeze %dma_wait3A_2232 : memref<1x8x128xf32, #tpu.memory_space<vmem>> -> memref<8x128xf32, #tpu.memory_space<vmem>>
        tpu.wait_dma2 semaphore(%arg17 : memref<!tpu.dma_semaphore, #tpu.memory_space<semaphore_mem>>) src(%dma_wait3A_2233 : memref<8x128xf32, #tpu.memory_space<vmem>>) dst(%dma_wait3A_2229 : memref<8x128xf32, #tpu.memory_space<hbm>>)
        %dma_wait3A_2234 = arith.constant 6 : i32
        %dma_wait3A_2235 = arith.constant 6 : i32
        %dma_wait3A_2236 = arith.constant 0 : i32
        %dma_wait3A_2237 = arith.constant 0 : i32
        %dma_wait3A_2238 = tpu.memref_slice %arg13[%dma_wait3A_2234, %dma_wait3A_2236, %dma_wait3A_2237] : memref<16x9x131xf32, #tpu.memory_space<vmem>> -> memref<1x8x128xf32, #tpu.memory_space<vmem>>
        %dma_wait3A_2239 = tpu.memref_squeeze %dma_wait3A_2238 : memref<1x8x128xf32, #tpu.memory_space<vmem>> -> memref<8x128xf32, #tpu.memory_space<vmem>>
        %dma_wait3A_2240 = arith.constant 0 : i32
        %dma_wait3A_2241 = arith.constant 0 : i32
        %dma_wait3A_2242 = tpu.memref_slice %arg5[%dma_wait3A_2235, %dma_wait3A_2240, %dma_wait3A_2241] : memref<20480x8x128xf32, #tpu.memory_space<hbm>> -> memref<1x8x128xf32, #tpu.memory_space<hbm>>
        %dma_wait3A_2243 = tpu.memref_squeeze %dma_wait3A_2242 : memref<1x8x128xf32, #tpu.memory_space<hbm>> -> memref<8x128xf32, #tpu.memory_space<hbm>>
        %dma_wait3A_2244 = arith.constant 0 : i32
        %dma_wait3A_2245 = arith.constant 0 : i32
        %dma_wait3A_2246 = tpu.memref_slice %arg5[%dma_wait3A_2235, %dma_wait3A_2244, %dma_wait3A_2245] : memref<20480x8x128xf32, #tpu.memory_space<hbm>> -> memref<1x8x128xf32, #tpu.memory_space<hbm>>
        %dma_wait3A_2247 = tpu.memref_squeeze %dma_wait3A_2246 : memref<1x8x128xf32, #tpu.memory_space<hbm>> -> memref<8x128xf32, #tpu.memory_space<hbm>>
        %dma_wait3A_2248 = arith.constant 0 : i32
        %dma_wait3A_2249 = arith.constant 0 : i32
        %dma_wait3A_2250 = tpu.memref_slice %arg13[%dma_wait3A_2234, %dma_wait3A_2248, %dma_wait3A_2249] : memref<16x9x131xf32, #tpu.memory_space<vmem>> -> memref<1x8x128xf32, #tpu.memory_space<vmem>>
        %dma_wait3A_2251 = tpu.memref_squeeze %dma_wait3A_2250 : memref<1x8x128xf32, #tpu.memory_space<vmem>> -> memref<8x128xf32, #tpu.memory_space<vmem>>
        tpu.wait_dma2 semaphore(%arg17 : memref<!tpu.dma_semaphore, #tpu.memory_space<semaphore_mem>>) src(%dma_wait3A_2251 : memref<8x128xf32, #tpu.memory_space<vmem>>) dst(%dma_wait3A_2247 : memref<8x128xf32, #tpu.memory_space<hbm>>)
        %dma_wait3A_2252 = arith.constant 7 : i32
        %dma_wait3A_2253 = arith.constant 7 : i32
        %dma_wait3A_2254 = arith.constant 0 : i32
        %dma_wait3A_2255 = arith.constant 0 : i32
        %dma_wait3A_2256 = tpu.memref_slice %arg13[%dma_wait3A_2252, %dma_wait3A_2254, %dma_wait3A_2255] : memref<16x9x131xf32, #tpu.memory_space<vmem>> -> memref<1x8x128xf32, #tpu.memory_space<vmem>>
        %dma_wait3A_2257 = tpu.memref_squeeze %dma_wait3A_2256 : memref<1x8x128xf32, #tpu.memory_space<vmem>> -> memref<8x128xf32, #tpu.memory_space<vmem>>
        %dma_wait3A_2258 = arith.constant 0 : i32
        %dma_wait3A_2259 = arith.constant 0 : i32
        %dma_wait3A_2260 = tpu.memref_slice %arg5[%dma_wait3A_2253, %dma_wait3A_2258, %dma_wait3A_2259] : memref<20480x8x128xf32, #tpu.memory_space<hbm>> -> memref<1x8x128xf32, #tpu.memory_space<hbm>>
        %dma_wait3A_2261 = tpu.memref_squeeze %dma_wait3A_2260 : memref<1x8x128xf32, #tpu.memory_space<hbm>> -> memref<8x128xf32, #tpu.memory_space<hbm>>
        %dma_wait3A_2262 = arith.constant 0 : i32
        %dma_wait3A_2263 = arith.constant 0 : i32
        %dma_wait3A_2264 = tpu.memref_slice %arg5[%dma_wait3A_2253, %dma_wait3A_2262, %dma_wait3A_2263] : memref<20480x8x128xf32, #tpu.memory_space<hbm>> -> memref<1x8x128xf32, #tpu.memory_space<hbm>>
        %dma_wait3A_2265 = tpu.memref_squeeze %dma_wait3A_2264 : memref<1x8x128xf32, #tpu.memory_space<hbm>> -> memref<8x128xf32, #tpu.memory_space<hbm>>
        %dma_wait3A_2266 = arith.constant 0 : i32
        %dma_wait3A_2267 = arith.constant 0 : i32
        %dma_wait3A_2268 = tpu.memref_slice %arg13[%dma_wait3A_2252, %dma_wait3A_2266, %dma_wait3A_2267] : memref<16x9x131xf32, #tpu.memory_space<vmem>> -> memref<1x8x128xf32, #tpu.memory_space<vmem>>
        %dma_wait3A_2269 = tpu.memref_squeeze %dma_wait3A_2268 : memref<1x8x128xf32, #tpu.memory_space<vmem>> -> memref<8x128xf32, #tpu.memory_space<vmem>>
        tpu.wait_dma2 semaphore(%arg17 : memref<!tpu.dma_semaphore, #tpu.memory_space<semaphore_mem>>) src(%dma_wait3A_2269 : memref<8x128xf32, #tpu.memory_space<vmem>>) dst(%dma_wait3A_2265 : memref<8x128xf32, #tpu.memory_space<hbm>>)
        %dma_wait3A_2270 = arith.constant 8 : i32
        %dma_wait3A_2271 = arith.constant 8 : i32
        %dma_wait3A_2272 = arith.constant 0 : i32
        %dma_wait3A_2273 = arith.constant 0 : i32
        %dma_wait3A_2274 = tpu.memref_slice %arg13[%dma_wait3A_2270, %dma_wait3A_2272, %dma_wait3A_2273] : memref<16x9x131xf32, #tpu.memory_space<vmem>> -> memref<1x8x128xf32, #tpu.memory_space<vmem>>
        %dma_wait3A_2275 = tpu.memref_squeeze %dma_wait3A_2274 : memref<1x8x128xf32, #tpu.memory_space<vmem>> -> memref<8x128xf32, #tpu.memory_space<vmem>>
        %dma_wait3A_2276 = arith.constant 0 : i32
        %dma_wait3A_2277 = arith.constant 0 : i32
        %dma_wait3A_2278 = tpu.memref_slice %arg5[%dma_wait3A_2271, %dma_wait3A_2276, %dma_wait3A_2277] : memref<20480x8x128xf32, #tpu.memory_space<hbm>> -> memref<1x8x128xf32, #tpu.memory_space<hbm>>
        %dma_wait3A_2279 = tpu.memref_squeeze %dma_wait3A_2278 : memref<1x8x128xf32, #tpu.memory_space<hbm>> -> memref<8x128xf32, #tpu.memory_space<hbm>>
        %dma_wait3A_2280 = arith.constant 0 : i32
        %dma_wait3A_2281 = arith.constant 0 : i32
        %dma_wait3A_2282 = tpu.memref_slice %arg5[%dma_wait3A_2271, %dma_wait3A_2280, %dma_wait3A_2281] : memref<20480x8x128xf32, #tpu.memory_space<hbm>> -> memref<1x8x128xf32, #tpu.memory_space<hbm>>
        %dma_wait3A_2283 = tpu.memref_squeeze %dma_wait3A_2282 : memref<1x8x128xf32, #tpu.memory_space<hbm>> -> memref<8x128xf32, #tpu.memory_space<hbm>>
        %dma_wait3A_2284 = arith.constant 0 : i32
        %dma_wait3A_2285 = arith.constant 0 : i32
        %dma_wait3A_2286 = tpu.memref_slice %arg13[%dma_wait3A_2270, %dma_wait3A_2284, %dma_wait3A_2285] : memref<16x9x131xf32, #tpu.memory_space<vmem>> -> memref<1x8x128xf32, #tpu.memory_space<vmem>>
        %dma_wait3A_2287 = tpu.memref_squeeze %dma_wait3A_2286 : memref<1x8x128xf32, #tpu.memory_space<vmem>> -> memref<8x128xf32, #tpu.memory_space<vmem>>
        tpu.wait_dma2 semaphore(%arg17 : memref<!tpu.dma_semaphore, #tpu.memory_space<semaphore_mem>>) src(%dma_wait3A_2287 : memref<8x128xf32, #tpu.memory_space<vmem>>) dst(%dma_wait3A_2283 : memref<8x128xf32, #tpu.memory_space<hbm>>)
        %dma_wait3A_2288 = arith.constant 9 : i32
        %dma_wait3A_2289 = arith.constant 9 : i32
        %dma_wait3A_2290 = arith.constant 0 : i32
        %dma_wait3A_2291 = arith.constant 0 : i32
        %dma_wait3A_2292 = tpu.memref_slice %arg13[%dma_wait3A_2288, %dma_wait3A_2290, %dma_wait3A_2291] : memref<16x9x131xf32, #tpu.memory_space<vmem>> -> memref<1x8x128xf32, #tpu.memory_space<vmem>>
        %dma_wait3A_2293 = tpu.memref_squeeze %dma_wait3A_2292 : memref<1x8x128xf32, #tpu.memory_space<vmem>> -> memref<8x128xf32, #tpu.memory_space<vmem>>
        %dma_wait3A_2294 = arith.constant 0 : i32
        %dma_wait3A_2295 = arith.constant 0 : i32
        %dma_wait3A_2296 = tpu.memref_slice %arg5[%dma_wait3A_2289, %dma_wait3A_2294, %dma_wait3A_2295] : memref<20480x8x128xf32, #tpu.memory_space<hbm>> -> memref<1x8x128xf32, #tpu.memory_space<hbm>>
        %dma_wait3A_2297 = tpu.memref_squeeze %dma_wait3A_2296 : memref<1x8x128xf32, #tpu.memory_space<hbm>> -> memref<8x128xf32, #tpu.memory_space<hbm>>
        %dma_wait3A_2298 = arith.constant 0 : i32
        %dma_wait3A_2299 = arith.constant 0 : i32
        %dma_wait3A_2300 = tpu.memref_slice %arg5[%dma_wait3A_2289, %dma_wait3A_2298, %dma_wait3A_2299] : memref<20480x8x128xf32, #tpu.memory_space<hbm>> -> memref<1x8x128xf32, #tpu.memory_space<hbm>>
        %dma_wait3A_2301 = tpu.memref_squeeze %dma_wait3A_2300 : memref<1x8x128xf32, #tpu.memory_space<hbm>> -> memref<8x128xf32, #tpu.memory_space<hbm>>
        %dma_wait3A_2302 = arith.constant 0 : i32
        %dma_wait3A_2303 = arith.constant 0 : i32
        %dma_wait3A_2304 = tpu.memref_slice %arg13[%dma_wait3A_2288, %dma_wait3A_2302, %dma_wait3A_2303] : memref<16x9x131xf32, #tpu.memory_space<vmem>> -> memref<1x8x128xf32, #tpu.memory_space<vmem>>
        %dma_wait3A_2305 = tpu.memref_squeeze %dma_wait3A_2304 : memref<1x8x128xf32, #tpu.memory_space<vmem>> -> memref<8x128xf32, #tpu.memory_space<vmem>>
        tpu.wait_dma2 semaphore(%arg17 : memref<!tpu.dma_semaphore, #tpu.memory_space<semaphore_mem>>) src(%dma_wait3A_2305 : memref<8x128xf32, #tpu.memory_space<vmem>>) dst(%dma_wait3A_2301 : memref<8x128xf32, #tpu.memory_space<hbm>>)
        %dma_wait3A_2306 = arith.constant 10 : i32
        %dma_wait3A_2307 = arith.constant 10 : i32
        %dma_wait3A_2308 = arith.constant 0 : i32
        %dma_wait3A_2309 = arith.constant 0 : i32
        %dma_wait3A_2310 = tpu.memref_slice %arg13[%dma_wait3A_2306, %dma_wait3A_2308, %dma_wait3A_2309] : memref<16x9x131xf32, #tpu.memory_space<vmem>> -> memref<1x8x128xf32, #tpu.memory_space<vmem>>
        %dma_wait3A_2311 = tpu.memref_squeeze %dma_wait3A_2310 : memref<1x8x128xf32, #tpu.memory_space<vmem>> -> memref<8x128xf32, #tpu.memory_space<vmem>>
        %dma_wait3A_2312 = arith.constant 0 : i32
        %dma_wait3A_2313 = arith.constant 0 : i32
        %dma_wait3A_2314 = tpu.memref_slice %arg5[%dma_wait3A_2307, %dma_wait3A_2312, %dma_wait3A_2313] : memref<20480x8x128xf32, #tpu.memory_space<hbm>> -> memref<1x8x128xf32, #tpu.memory_space<hbm>>
        %dma_wait3A_2315 = tpu.memref_squeeze %dma_wait3A_2314 : memref<1x8x128xf32, #tpu.memory_space<hbm>> -> memref<8x128xf32, #tpu.memory_space<hbm>>
        %dma_wait3A_2316 = arith.constant 0 : i32
        %dma_wait3A_2317 = arith.constant 0 : i32
        %dma_wait3A_2318 = tpu.memref_slice %arg5[%dma_wait3A_2307, %dma_wait3A_2316, %dma_wait3A_2317] : memref<20480x8x128xf32, #tpu.memory_space<hbm>> -> memref<1x8x128xf32, #tpu.memory_space<hbm>>
        %dma_wait3A_2319 = tpu.memref_squeeze %dma_wait3A_2318 : memref<1x8x128xf32, #tpu.memory_space<hbm>> -> memref<8x128xf32, #tpu.memory_space<hbm>>
        %dma_wait3A_2320 = arith.constant 0 : i32
        %dma_wait3A_2321 = arith.constant 0 : i32
        %dma_wait3A_2322 = tpu.memref_slice %arg13[%dma_wait3A_2306, %dma_wait3A_2320, %dma_wait3A_2321] : memref<16x9x131xf32, #tpu.memory_space<vmem>> -> memref<1x8x128xf32, #tpu.memory_space<vmem>>
        %dma_wait3A_2323 = tpu.memref_squeeze %dma_wait3A_2322 : memref<1x8x128xf32, #tpu.memory_space<vmem>> -> memref<8x128xf32, #tpu.memory_space<vmem>>
        tpu.wait_dma2 semaphore(%arg17 : memref<!tpu.dma_semaphore, #tpu.memory_space<semaphore_mem>>) src(%dma_wait3A_2323 : memref<8x128xf32, #tpu.memory_space<vmem>>) dst(%dma_wait3A_2319 : memref<8x128xf32, #tpu.memory_space<hbm>>)
        %dma_wait3A_2324 = arith.constant 11 : i32
        %dma_wait3A_2325 = arith.constant 11 : i32
        %dma_wait3A_2326 = arith.constant 0 : i32
        %dma_wait3A_2327 = arith.constant 0 : i32
        %dma_wait3A_2328 = tpu.memref_slice %arg13[%dma_wait3A_2324, %dma_wait3A_2326, %dma_wait3A_2327] : memref<16x9x131xf32, #tpu.memory_space<vmem>> -> memref<1x8x128xf32, #tpu.memory_space<vmem>>
        %dma_wait3A_2329 = tpu.memref_squeeze %dma_wait3A_2328 : memref<1x8x128xf32, #tpu.memory_space<vmem>> -> memref<8x128xf32, #tpu.memory_space<vmem>>
        %dma_wait3A_2330 = arith.constant 0 : i32
        %dma_wait3A_2331 = arith.constant 0 : i32
        %dma_wait3A_2332 = tpu.memref_slice %arg5[%dma_wait3A_2325, %dma_wait3A_2330, %dma_wait3A_2331] : memref<20480x8x128xf32, #tpu.memory_space<hbm>> -> memref<1x8x128xf32, #tpu.memory_space<hbm>>
        %dma_wait3A_2333 = tpu.memref_squeeze %dma_wait3A_2332 : memref<1x8x128xf32, #tpu.memory_space<hbm>> -> memref<8x128xf32, #tpu.memory_space<hbm>>
        %dma_wait3A_2334 = arith.constant 0 : i32
        %dma_wait3A_2335 = arith.constant 0 : i32
        %dma_wait3A_2336 = tpu.memref_slice %arg5[%dma_wait3A_2325, %dma_wait3A_2334, %dma_wait3A_2335] : memref<20480x8x128xf32, #tpu.memory_space<hbm>> -> memref<1x8x128xf32, #tpu.memory_space<hbm>>
        %dma_wait3A_2337 = tpu.memref_squeeze %dma_wait3A_2336 : memref<1x8x128xf32, #tpu.memory_space<hbm>> -> memref<8x128xf32, #tpu.memory_space<hbm>>
        %dma_wait3A_2338 = arith.constant 0 : i32
        %dma_wait3A_2339 = arith.constant 0 : i32
        %dma_wait3A_2340 = tpu.memref_slice %arg13[%dma_wait3A_2324, %dma_wait3A_2338, %dma_wait3A_2339] : memref<16x9x131xf32, #tpu.memory_space<vmem>> -> memref<1x8x128xf32, #tpu.memory_space<vmem>>
        %dma_wait3A_2341 = tpu.memref_squeeze %dma_wait3A_2340 : memref<1x8x128xf32, #tpu.memory_space<vmem>> -> memref<8x128xf32, #tpu.memory_space<vmem>>
        tpu.wait_dma2 semaphore(%arg17 : memref<!tpu.dma_semaphore, #tpu.memory_space<semaphore_mem>>) src(%dma_wait3A_2341 : memref<8x128xf32, #tpu.memory_space<vmem>>) dst(%dma_wait3A_2337 : memref<8x128xf32, #tpu.memory_space<hbm>>)
        %dma_wait3A_2342 = arith.constant 12 : i32
        %dma_wait3A_2343 = arith.constant 12 : i32
        %dma_wait3A_2344 = arith.constant 0 : i32
        %dma_wait3A_2345 = arith.constant 0 : i32
        %dma_wait3A_2346 = tpu.memref_slice %arg13[%dma_wait3A_2342, %dma_wait3A_2344, %dma_wait3A_2345] : memref<16x9x131xf32, #tpu.memory_space<vmem>> -> memref<1x8x128xf32, #tpu.memory_space<vmem>>
        %dma_wait3A_2347 = tpu.memref_squeeze %dma_wait3A_2346 : memref<1x8x128xf32, #tpu.memory_space<vmem>> -> memref<8x128xf32, #tpu.memory_space<vmem>>
        %dma_wait3A_2348 = arith.constant 0 : i32
        %dma_wait3A_2349 = arith.constant 0 : i32
        %dma_wait3A_2350 = tpu.memref_slice %arg5[%dma_wait3A_2343, %dma_wait3A_2348, %dma_wait3A_2349] : memref<20480x8x128xf32, #tpu.memory_space<hbm>> -> memref<1x8x128xf32, #tpu.memory_space<hbm>>
        %dma_wait3A_2351 = tpu.memref_squeeze %dma_wait3A_2350 : memref<1x8x128xf32, #tpu.memory_space<hbm>> -> memref<8x128xf32, #tpu.memory_space<hbm>>
        %dma_wait3A_2352 = arith.constant 0 : i32
        %dma_wait3A_2353 = arith.constant 0 : i32
        %dma_wait3A_2354 = tpu.memref_slice %arg5[%dma_wait3A_2343, %dma_wait3A_2352, %dma_wait3A_2353] : memref<20480x8x128xf32, #tpu.memory_space<hbm>> -> memref<1x8x128xf32, #tpu.memory_space<hbm>>
        %dma_wait3A_2355 = tpu.memref_squeeze %dma_wait3A_2354 : memref<1x8x128xf32, #tpu.memory_space<hbm>> -> memref<8x128xf32, #tpu.memory_space<hbm>>
        %dma_wait3A_2356 = arith.constant 0 : i32
        %dma_wait3A_2357 = arith.constant 0 : i32
        %dma_wait3A_2358 = tpu.memref_slice %arg13[%dma_wait3A_2342, %dma_wait3A_2356, %dma_wait3A_2357] : memref<16x9x131xf32, #tpu.memory_space<vmem>> -> memref<1x8x128xf32, #tpu.memory_space<vmem>>
        %dma_wait3A_2359 = tpu.memref_squeeze %dma_wait3A_2358 : memref<1x8x128xf32, #tpu.memory_space<vmem>> -> memref<8x128xf32, #tpu.memory_space<vmem>>
        tpu.wait_dma2 semaphore(%arg17 : memref<!tpu.dma_semaphore, #tpu.memory_space<semaphore_mem>>) src(%dma_wait3A_2359 : memref<8x128xf32, #tpu.memory_space<vmem>>) dst(%dma_wait3A_2355 : memref<8x128xf32, #tpu.memory_space<hbm>>)
        %dma_wait3A_2360 = arith.constant 13 : i32
        %dma_wait3A_2361 = arith.constant 13 : i32
        %dma_wait3A_2362 = arith.constant 0 : i32
        %dma_wait3A_2363 = arith.constant 0 : i32
        %dma_wait3A_2364 = tpu.memref_slice %arg13[%dma_wait3A_2360, %dma_wait3A_2362, %dma_wait3A_2363] : memref<16x9x131xf32, #tpu.memory_space<vmem>> -> memref<1x8x128xf32, #tpu.memory_space<vmem>>
        %dma_wait3A_2365 = tpu.memref_squeeze %dma_wait3A_2364 : memref<1x8x128xf32, #tpu.memory_space<vmem>> -> memref<8x128xf32, #tpu.memory_space<vmem>>
        %dma_wait3A_2366 = arith.constant 0 : i32
        %dma_wait3A_2367 = arith.constant 0 : i32
        %dma_wait3A_2368 = tpu.memref_slice %arg5[%dma_wait3A_2361, %dma_wait3A_2366, %dma_wait3A_2367] : memref<20480x8x128xf32, #tpu.memory_space<hbm>> -> memref<1x8x128xf32, #tpu.memory_space<hbm>>
        %dma_wait3A_2369 = tpu.memref_squeeze %dma_wait3A_2368 : memref<1x8x128xf32, #tpu.memory_space<hbm>> -> memref<8x128xf32, #tpu.memory_space<hbm>>
        %dma_wait3A_2370 = arith.constant 0 : i32
        %dma_wait3A_2371 = arith.constant 0 : i32
        %dma_wait3A_2372 = tpu.memref_slice %arg5[%dma_wait3A_2361, %dma_wait3A_2370, %dma_wait3A_2371] : memref<20480x8x128xf32, #tpu.memory_space<hbm>> -> memref<1x8x128xf32, #tpu.memory_space<hbm>>
        %dma_wait3A_2373 = tpu.memref_squeeze %dma_wait3A_2372 : memref<1x8x128xf32, #tpu.memory_space<hbm>> -> memref<8x128xf32, #tpu.memory_space<hbm>>
        %dma_wait3A_2374 = arith.constant 0 : i32
        %dma_wait3A_2375 = arith.constant 0 : i32
        %dma_wait3A_2376 = tpu.memref_slice %arg13[%dma_wait3A_2360, %dma_wait3A_2374, %dma_wait3A_2375] : memref<16x9x131xf32, #tpu.memory_space<vmem>> -> memref<1x8x128xf32, #tpu.memory_space<vmem>>
        %dma_wait3A_2377 = tpu.memref_squeeze %dma_wait3A_2376 : memref<1x8x128xf32, #tpu.memory_space<vmem>> -> memref<8x128xf32, #tpu.memory_space<vmem>>
        tpu.wait_dma2 semaphore(%arg17 : memref<!tpu.dma_semaphore, #tpu.memory_space<semaphore_mem>>) src(%dma_wait3A_2377 : memref<8x128xf32, #tpu.memory_space<vmem>>) dst(%dma_wait3A_2373 : memref<8x128xf32, #tpu.memory_space<hbm>>)
        %dma_wait3A_2378 = arith.constant 14 : i32
        %dma_wait3A_2379 = arith.constant 14 : i32
        %dma_wait3A_2380 = arith.constant 0 : i32
        %dma_wait3A_2381 = arith.constant 0 : i32
        %dma_wait3A_2382 = tpu.memref_slice %arg13[%dma_wait3A_2378, %dma_wait3A_2380, %dma_wait3A_2381] : memref<16x9x131xf32, #tpu.memory_space<vmem>> -> memref<1x8x128xf32, #tpu.memory_space<vmem>>
        %dma_wait3A_2383 = tpu.memref_squeeze %dma_wait3A_2382 : memref<1x8x128xf32, #tpu.memory_space<vmem>> -> memref<8x128xf32, #tpu.memory_space<vmem>>
        %dma_wait3A_2384 = arith.constant 0 : i32
        %dma_wait3A_2385 = arith.constant 0 : i32
        %dma_wait3A_2386 = tpu.memref_slice %arg5[%dma_wait3A_2379, %dma_wait3A_2384, %dma_wait3A_2385] : memref<20480x8x128xf32, #tpu.memory_space<hbm>> -> memref<1x8x128xf32, #tpu.memory_space<hbm>>
        %dma_wait3A_2387 = tpu.memref_squeeze %dma_wait3A_2386 : memref<1x8x128xf32, #tpu.memory_space<hbm>> -> memref<8x128xf32, #tpu.memory_space<hbm>>
        %dma_wait3A_2388 = arith.constant 0 : i32
        %dma_wait3A_2389 = arith.constant 0 : i32
        %dma_wait3A_2390 = tpu.memref_slice %arg5[%dma_wait3A_2379, %dma_wait3A_2388, %dma_wait3A_2389] : memref<20480x8x128xf32, #tpu.memory_space<hbm>> -> memref<1x8x128xf32, #tpu.memory_space<hbm>>
        %dma_wait3A_2391 = tpu.memref_squeeze %dma_wait3A_2390 : memref<1x8x128xf32, #tpu.memory_space<hbm>> -> memref<8x128xf32, #tpu.memory_space<hbm>>
        %dma_wait3A_2392 = arith.constant 0 : i32
        %dma_wait3A_2393 = arith.constant 0 : i32
        %dma_wait3A_2394 = tpu.memref_slice %arg13[%dma_wait3A_2378, %dma_wait3A_2392, %dma_wait3A_2393] : memref<16x9x131xf32, #tpu.memory_space<vmem>> -> memref<1x8x128xf32, #tpu.memory_space<vmem>>
        %dma_wait3A_2395 = tpu.memref_squeeze %dma_wait3A_2394 : memref<1x8x128xf32, #tpu.memory_space<vmem>> -> memref<8x128xf32, #tpu.memory_space<vmem>>
        tpu.wait_dma2 semaphore(%arg17 : memref<!tpu.dma_semaphore, #tpu.memory_space<semaphore_mem>>) src(%dma_wait3A_2395 : memref<8x128xf32, #tpu.memory_space<vmem>>) dst(%dma_wait3A_2391 : memref<8x128xf32, #tpu.memory_space<hbm>>)
        %dma_wait3A_2396 = arith.constant 15 : i32
        %dma_wait3A_2397 = arith.constant 15 : i32
        %dma_wait3A_2398 = arith.constant 0 : i32
        %dma_wait3A_2399 = arith.constant 0 : i32
        %dma_wait3A_2400 = tpu.memref_slice %arg13[%dma_wait3A_2396, %dma_wait3A_2398, %dma_wait3A_2399] : memref<16x9x131xf32, #tpu.memory_space<vmem>> -> memref<1x8x128xf32, #tpu.memory_space<vmem>>
        %dma_wait3A_2401 = tpu.memref_squeeze %dma_wait3A_2400 : memref<1x8x128xf32, #tpu.memory_space<vmem>> -> memref<8x128xf32, #tpu.memory_space<vmem>>
        %dma_wait3A_2402 = arith.constant 0 : i32
        %dma_wait3A_2403 = arith.constant 0 : i32
        %dma_wait3A_2404 = tpu.memref_slice %arg5[%dma_wait3A_2397, %dma_wait3A_2402, %dma_wait3A_2403] : memref<20480x8x128xf32, #tpu.memory_space<hbm>> -> memref<1x8x128xf32, #tpu.memory_space<hbm>>
        %dma_wait3A_2405 = tpu.memref_squeeze %dma_wait3A_2404 : memref<1x8x128xf32, #tpu.memory_space<hbm>> -> memref<8x128xf32, #tpu.memory_space<hbm>>
        %dma_wait3A_2406 = arith.constant 0 : i32
        %dma_wait3A_2407 = arith.constant 0 : i32
        %dma_wait3A_2408 = tpu.memref_slice %arg5[%dma_wait3A_2397, %dma_wait3A_2406, %dma_wait3A_2407] : memref<20480x8x128xf32, #tpu.memory_space<hbm>> -> memref<1x8x128xf32, #tpu.memory_space<hbm>>
        %dma_wait3A_2409 = tpu.memref_squeeze %dma_wait3A_2408 : memref<1x8x128xf32, #tpu.memory_space<hbm>> -> memref<8x128xf32, #tpu.memory_space<hbm>>
        %dma_wait3A_2410 = arith.constant 0 : i32
        %dma_wait3A_2411 = arith.constant 0 : i32
        %dma_wait3A_2412 = tpu.memref_slice %arg13[%dma_wait3A_2396, %dma_wait3A_2410, %dma_wait3A_2411] : memref<16x9x131xf32, #tpu.memory_space<vmem>> -> memref<1x8x128xf32, #tpu.memory_space<vmem>>
        %dma_wait3A_2413 = tpu.memref_squeeze %dma_wait3A_2412 : memref<1x8x128xf32, #tpu.memory_space<vmem>> -> memref<8x128xf32, #tpu.memory_space<vmem>>
        tpu.wait_dma2 semaphore(%arg17 : memref<!tpu.dma_semaphore, #tpu.memory_space<semaphore_mem>>) src(%dma_wait3A_2413 : memref<8x128xf32, #tpu.memory_space<vmem>>) dst(%dma_wait3A_2409 : memref<8x128xf32, #tpu.memory_space<hbm>>)
      } else {
      }
      %scan3A_1666 = arith.constant 0 : i32
      %scan3A_1667 = arith.constant 0 : i32
      %scan3A_1668 = arith.constant 128 : i32
      %scan3A_1669 = arith.addi %scan3A_1667, %scan3A_1668 : i32
      %scan3A_1670 = arith.constant 4 : i32
      scf.for %scan3A_2126 = %scan3A_1667 to %scan3A_1669 step %scan3A_1670  : i32 {
        %add3A_2127 = vector.broadcast %scan3A_2126 : i32 to vector<16xi32>
        %add3A_2128 = arith.addi %mul3A_14, %add3A_2127 : vector<16xi32>
        %add3A_2129 = arith.constant 0 : i32
        %add3A_2130 = arith.addi %add3A_2129, %scan3A_2126 : i32
        %get3A_2131 = arith.index_cast %add3A_2130 : i32 to index
        %get3A_2132 = arith.constant 0 : index
        %get3A_2133 = tpu.vector_load %arg11[%get3A_2131, %get3A_2132] {strides = array<i32>} : memref<256x64xf32, #tpu.memory_space<vmem>>, vector<16xf32>,
        tpu.vector_store_idx %arg13[%add3A_17, %rem3A_6, %add3A_2128], %get3A_2133 : memref<16x9x131xf32, #tpu.memory_space<vmem>>[vector<16xi32>, vector<16xi32>, vector<16xi32>], vector<16xf32>,
        %get3A_2134 = arith.index_cast %add3A_2130 : i32 to index
        %get3A_2135 = arith.constant 16 : index
        %get3A_2136 = tpu.vector_load %arg11[%get3A_2134, %get3A_2135] {strides = array<i32>} : memref<256x64xf32, #tpu.memory_space<vmem>>, vector<16xf32>,
        tpu.vector_store_idx %arg13[%add3A_20, %rem3A_6, %add3A_2128], %get3A_2136 : memref<16x9x131xf32, #tpu.memory_space<vmem>>[vector<16xi32>, vector<16xi32>, vector<16xi32>], vector<16xf32>,
        %get3A_2137 = arith.index_cast %add3A_2130 : i32 to index
        %get3A_2138 = arith.constant 32 : index
        %get3A_2139 = tpu.vector_load %arg11[%get3A_2137, %get3A_2138] {strides = array<i32>} : memref<256x64xf32, #tpu.memory_space<vmem>>, vector<16xf32>,
        tpu.vector_store_idx %arg13[%add3A_23, %rem3A_6, %add3A_2128], %get3A_2139 : memref<16x9x131xf32, #tpu.memory_space<vmem>>[vector<16xi32>, vector<16xi32>, vector<16xi32>], vector<16xf32>,
        %get3A_2140 = arith.index_cast %add3A_2130 : i32 to index
        %get3A_2141 = arith.constant 48 : index
        %get3A_2142 = tpu.vector_load %arg11[%get3A_2140, %get3A_2141] {strides = array<i32>} : memref<256x64xf32, #tpu.memory_space<vmem>>, vector<16xf32>,
        tpu.vector_store_idx %arg13[%add3A_26, %rem3A_6, %add3A_2128], %get3A_2142 : memref<16x9x131xf32, #tpu.memory_space<vmem>>[vector<16xi32>, vector<16xi32>, vector<16xi32>], vector<16xf32>,
        %scan3A_2143 = arith.constant 1 : i32
        %scan3A_2144 = arith.addi %scan3A_2126, %scan3A_2143 : i32
        %add3A_2145 = vector.broadcast %scan3A_2144 : i32 to vector<16xi32>
        %add3A_2146 = arith.addi %mul3A_14, %add3A_2145 : vector<16xi32>
        %add3A_2147 = arith.constant 0 : i32
        %add3A_2148 = arith.addi %add3A_2147, %scan3A_2144 : i32
        %get3A_2149 = arith.index_cast %add3A_2148 : i32 to index
        %get3A_2150 = arith.constant 0 : index
        %get3A_2151 = tpu.vector_load %arg11[%get3A_2149, %get3A_2150] {strides = array<i32>} : memref<256x64xf32, #tpu.memory_space<vmem>>, vector<16xf32>,
        tpu.vector_store_idx %arg13[%add3A_17, %rem3A_6, %add3A_2146], %get3A_2151 : memref<16x9x131xf32, #tpu.memory_space<vmem>>[vector<16xi32>, vector<16xi32>, vector<16xi32>], vector<16xf32>,
        %get3A_2152 = arith.index_cast %add3A_2148 : i32 to index
        %get3A_2153 = arith.constant 16 : index
        %get3A_2154 = tpu.vector_load %arg11[%get3A_2152, %get3A_2153] {strides = array<i32>} : memref<256x64xf32, #tpu.memory_space<vmem>>, vector<16xf32>,
        tpu.vector_store_idx %arg13[%add3A_20, %rem3A_6, %add3A_2146], %get3A_2154 : memref<16x9x131xf32, #tpu.memory_space<vmem>>[vector<16xi32>, vector<16xi32>, vector<16xi32>], vector<16xf32>,
        %get3A_2155 = arith.index_cast %add3A_2148 : i32 to index
        %get3A_2156 = arith.constant 32 : index
        %get3A_2157 = tpu.vector_load %arg11[%get3A_2155, %get3A_2156] {strides = array<i32>} : memref<256x64xf32, #tpu.memory_space<vmem>>, vector<16xf32>,
        tpu.vector_store_idx %arg13[%add3A_23, %rem3A_6, %add3A_2146], %get3A_2157 : memref<16x9x131xf32, #tpu.memory_space<vmem>>[vector<16xi32>, vector<16xi32>, vector<16xi32>], vector<16xf32>,
        %get3A_2158 = arith.index_cast %add3A_2148 : i32 to index
        %get3A_2159 = arith.constant 48 : index
        %get3A_2160 = tpu.vector_load %arg11[%get3A_2158, %get3A_2159] {strides = array<i32>} : memref<256x64xf32, #tpu.memory_space<vmem>>, vector<16xf32>,
        tpu.vector_store_idx %arg13[%add3A_26, %rem3A_6, %add3A_2146], %get3A_2160 : memref<16x9x131xf32, #tpu.memory_space<vmem>>[vector<16xi32>, vector<16xi32>, vector<16xi32>], vector<16xf32>,
        %scan3A_2161 = arith.constant 2 : i32
        %scan3A_2162 = arith.addi %scan3A_2126, %scan3A_2161 : i32
        %add3A_2163 = vector.broadcast %scan3A_2162 : i32 to vector<16xi32>
        %add3A_2164 = arith.addi %mul3A_14, %add3A_2163 : vector<16xi32>
        %add3A_2165 = arith.constant 0 : i32
        %add3A_2166 = arith.addi %add3A_2165, %scan3A_2162 : i32
        %get3A_2167 = arith.index_cast %add3A_2166 : i32 to index
        %get3A_2168 = arith.constant 0 : index
        %get3A_2169 = tpu.vector_load %arg11[%get3A_2167, %get3A_2168] {strides = array<i32>} : memref<256x64xf32, #tpu.memory_space<vmem>>, vector<16xf32>,
        tpu.vector_store_idx %arg13[%add3A_17, %rem3A_6, %add3A_2164], %get3A_2169 : memref<16x9x131xf32, #tpu.memory_space<vmem>>[vector<16xi32>, vector<16xi32>, vector<16xi32>], vector<16xf32>,
        %get3A_2170 = arith.index_cast %add3A_2166 : i32 to index
        %get3A_2171 = arith.constant 16 : index
        %get3A_2172 = tpu.vector_load %arg11[%get3A_2170, %get3A_2171] {strides = array<i32>} : memref<256x64xf32, #tpu.memory_space<vmem>>, vector<16xf32>,
        tpu.vector_store_idx %arg13[%add3A_20, %rem3A_6, %add3A_2164], %get3A_2172 : memref<16x9x131xf32, #tpu.memory_space<vmem>>[vector<16xi32>, vector<16xi32>, vector<16xi32>], vector<16xf32>,
        %get3A_2173 = arith.index_cast %add3A_2166 : i32 to index
        %get3A_2174 = arith.constant 32 : index
        %get3A_2175 = tpu.vector_load %arg11[%get3A_2173, %get3A_2174] {strides = array<i32>} : memref<256x64xf32, #tpu.memory_space<vmem>>, vector<16xf32>,
        tpu.vector_store_idx %arg13[%add3A_23, %rem3A_6, %add3A_2164], %get3A_2175 : memref<16x9x131xf32, #tpu.memory_space<vmem>>[vector<16xi32>, vector<16xi32>, vector<16xi32>], vector<16xf32>,
        %get3A_2176 = arith.index_cast %add3A_2166 : i32 to index
        %get3A_2177 = arith.constant 48 : index
        %get3A_2178 = tpu.vector_load %arg11[%get3A_2176, %get3A_2177] {strides = array<i32>} : memref<256x64xf32, #tpu.memory_space<vmem>>, vector<16xf32>,
        tpu.vector_store_idx %arg13[%add3A_26, %rem3A_6, %add3A_2164], %get3A_2178 : memref<16x9x131xf32, #tpu.memory_space<vmem>>[vector<16xi32>, vector<16xi32>, vector<16xi32>], vector<16xf32>,
        %scan3A_2179 = arith.constant 3 : i32
        %scan3A_2180 = arith.addi %scan3A_2126, %scan3A_2179 : i32
        %add3A_2181 = vector.broadcast %scan3A_2180 : i32 to vector<16xi32>
        %add3A_2182 = arith.addi %mul3A_14, %add3A_2181 : vector<16xi32>
        %add3A_2183 = arith.constant 0 : i32
        %add3A_2184 = arith.addi %add3A_2183, %scan3A_2180 : i32
        %get3A_2185 = arith.index_cast %add3A_2184 : i32 to index
        %get3A_2186 = arith.constant 0 : index
        %get3A_2187 = tpu.vector_load %arg11[%get3A_2185, %get3A_2186] {strides = array<i32>} : memref<256x64xf32, #tpu.memory_space<vmem>>, vector<16xf32>,
        tpu.vector_store_idx %arg13[%add3A_17, %rem3A_6, %add3A_2182], %get3A_2187 : memref<16x9x131xf32, #tpu.memory_space<vmem>>[vector<16xi32>, vector<16xi32>, vector<16xi32>], vector<16xf32>,
        %get3A_2188 = arith.index_cast %add3A_2184 : i32 to index
        %get3A_2189 = arith.constant 16 : index
        %get3A_2190 = tpu.vector_load %arg11[%get3A_2188, %get3A_2189] {strides = array<i32>} : memref<256x64xf32, #tpu.memory_space<vmem>>, vector<16xf32>,
        tpu.vector_store_idx %arg13[%add3A_20, %rem3A_6, %add3A_2182], %get3A_2190 : memref<16x9x131xf32, #tpu.memory_space<vmem>>[vector<16xi32>, vector<16xi32>, vector<16xi32>], vector<16xf32>,
        %get3A_2191 = arith.index_cast %add3A_2184 : i32 to index
        %get3A_2192 = arith.constant 32 : index
        %get3A_2193 = tpu.vector_load %arg11[%get3A_2191, %get3A_2192] {strides = array<i32>} : memref<256x64xf32, #tpu.memory_space<vmem>>, vector<16xf32>,
        tpu.vector_store_idx %arg13[%add3A_23, %rem3A_6, %add3A_2182], %get3A_2193 : memref<16x9x131xf32, #tpu.memory_space<vmem>>[vector<16xi32>, vector<16xi32>, vector<16xi32>], vector<16xf32>,
        %get3A_2194 = arith.index_cast %add3A_2184 : i32 to index
        %get3A_2195 = arith.constant 48 : index
        %get3A_2196 = tpu.vector_load %arg11[%get3A_2194, %get3A_2195] {strides = array<i32>} : memref<256x64xf32, #tpu.memory_space<vmem>>, vector<16xf32>,
        tpu.vector_store_idx %arg13[%add3A_26, %rem3A_6, %add3A_2182], %get3A_2196 : memref<16x9x131xf32, #tpu.memory_space<vmem>>[vector<16xi32>, vector<16xi32>, vector<16xi32>], vector<16xf32>,
      }
      %scan3A_1671 = arith.constant 128 : i32
      %scan3A_1672 = arith.constant 0 : i32
      %scan3A_1673 = arith.constant 0 : i32
      %scan3A_1674 = arith.constant 128 : i32
      %scan3A_1675 = arith.addi %scan3A_1673, %scan3A_1674 : i32
      %scan3A_1676 = arith.constant 4 : i32
      scf.for %scan3A_2126 = %scan3A_1673 to %scan3A_1675 step %scan3A_1676  : i32 {
        %add3A_2127 = vector.broadcast %scan3A_2126 : i32 to vector<16xi32>
        %add3A_2128 = arith.addi %mul3A_14, %add3A_2127 : vector<16xi32>
        %add3A_2129 = arith.constant 128 : i32
        %add3A_2130 = arith.addi %add3A_2129, %scan3A_2126 : i32
        %get3A_2131 = arith.index_cast %add3A_2130 : i32 to index
        %get3A_2132 = arith.constant 0 : index
        %get3A_2133 = tpu.vector_load %arg11[%get3A_2131, %get3A_2132] {strides = array<i32>} : memref<256x64xf32, #tpu.memory_space<vmem>>, vector<16xf32>,
        tpu.vector_store_idx %arg13[%add3A_29, %rem3A_6, %add3A_2128], %get3A_2133 : memref<16x9x131xf32, #tpu.memory_space<vmem>>[vector<16xi32>, vector<16xi32>, vector<16xi32>], vector<16xf32>,
        %get3A_2134 = arith.index_cast %add3A_2130 : i32 to index
        %get3A_2135 = arith.constant 16 : index
        %get3A_2136 = tpu.vector_load %arg11[%get3A_2134, %get3A_2135] {strides = array<i32>} : memref<256x64xf32, #tpu.memory_space<vmem>>, vector<16xf32>,
        tpu.vector_store_idx %arg13[%add3A_32, %rem3A_6, %add3A_2128], %get3A_2136 : memref<16x9x131xf32, #tpu.memory_space<vmem>>[vector<16xi32>, vector<16xi32>, vector<16xi32>], vector<16xf32>,
        %get3A_2137 = arith.index_cast %add3A_2130 : i32 to index
        %get3A_2138 = arith.constant 32 : index
        %get3A_2139 = tpu.vector_load %arg11[%get3A_2137, %get3A_2138] {strides = array<i32>} : memref<256x64xf32, #tpu.memory_space<vmem>>, vector<16xf32>,
        tpu.vector_store_idx %arg13[%add3A_35, %rem3A_6, %add3A_2128], %get3A_2139 : memref<16x9x131xf32, #tpu.memory_space<vmem>>[vector<16xi32>, vector<16xi32>, vector<16xi32>], vector<16xf32>,
        %get3A_2140 = arith.index_cast %add3A_2130 : i32 to index
        %get3A_2141 = arith.constant 48 : index
        %get3A_2142 = tpu.vector_load %arg11[%get3A_2140, %get3A_2141] {strides = array<i32>} : memref<256x64xf32, #tpu.memory_space<vmem>>, vector<16xf32>,
        tpu.vector_store_idx %arg13[%add3A_38, %rem3A_6, %add3A_2128], %get3A_2142 : memref<16x9x131xf32, #tpu.memory_space<vmem>>[vector<16xi32>, vector<16xi32>, vector<16xi32>], vector<16xf32>,
        %scan3A_2143 = arith.constant 1 : i32
        %scan3A_2144 = arith.addi %scan3A_2126, %scan3A_2143 : i32
        %add3A_2145 = vector.broadcast %scan3A_2144 : i32 to vector<16xi32>
        %add3A_2146 = arith.addi %mul3A_14, %add3A_2145 : vector<16xi32>
        %add3A_2147 = arith.constant 128 : i32
        %add3A_2148 = arith.addi %add3A_2147, %scan3A_2144 : i32
        %get3A_2149 = arith.index_cast %add3A_2148 : i32 to index
        %get3A_2150 = arith.constant 0 : index
        %get3A_2151 = tpu.vector_load %arg11[%get3A_2149, %get3A_2150] {strides = array<i32>} : memref<256x64xf32, #tpu.memory_space<vmem>>, vector<16xf32>,
        tpu.vector_store_idx %arg13[%add3A_29, %rem3A_6, %add3A_2146], %get3A_2151 : memref<16x9x131xf32, #tpu.memory_space<vmem>>[vector<16xi32>, vector<16xi32>, vector<16xi32>], vector<16xf32>,
        %get3A_2152 = arith.index_cast %add3A_2148 : i32 to index
        %get3A_2153 = arith.constant 16 : index
        %get3A_2154 = tpu.vector_load %arg11[%get3A_2152, %get3A_2153] {strides = array<i32>} : memref<256x64xf32, #tpu.memory_space<vmem>>, vector<16xf32>,
        tpu.vector_store_idx %arg13[%add3A_32, %rem3A_6, %add3A_2146], %get3A_2154 : memref<16x9x131xf32, #tpu.memory_space<vmem>>[vector<16xi32>, vector<16xi32>, vector<16xi32>], vector<16xf32>,
        %get3A_2155 = arith.index_cast %add3A_2148 : i32 to index
        %get3A_2156 = arith.constant 32 : index
        %get3A_2157 = tpu.vector_load %arg11[%get3A_2155, %get3A_2156] {strides = array<i32>} : memref<256x64xf32, #tpu.memory_space<vmem>>, vector<16xf32>,
        tpu.vector_store_idx %arg13[%add3A_35, %rem3A_6, %add3A_2146], %get3A_2157 : memref<16x9x131xf32, #tpu.memory_space<vmem>>[vector<16xi32>, vector<16xi32>, vector<16xi32>], vector<16xf32>,
        %get3A_2158 = arith.index_cast %add3A_2148 : i32 to index
        %get3A_2159 = arith.constant 48 : index
        %get3A_2160 = tpu.vector_load %arg11[%get3A_2158, %get3A_2159] {strides = array<i32>} : memref<256x64xf32, #tpu.memory_space<vmem>>, vector<16xf32>,
        tpu.vector_store_idx %arg13[%add3A_38, %rem3A_6, %add3A_2146], %get3A_2160 : memref<16x9x131xf32, #tpu.memory_space<vmem>>[vector<16xi32>, vector<16xi32>, vector<16xi32>], vector<16xf32>,
        %scan3A_2161 = arith.constant 2 : i32
        %scan3A_2162 = arith.addi %scan3A_2126, %scan3A_2161 : i32
        %add3A_2163 = vector.broadcast %scan3A_2162 : i32 to vector<16xi32>
        %add3A_2164 = arith.addi %mul3A_14, %add3A_2163 : vector<16xi32>
        %add3A_2165 = arith.constant 128 : i32
        %add3A_2166 = arith.addi %add3A_2165, %scan3A_2162 : i32
        %get3A_2167 = arith.index_cast %add3A_2166 : i32 to index
        %get3A_2168 = arith.constant 0 : index
        %get3A_2169 = tpu.vector_load %arg11[%get3A_2167, %get3A_2168] {strides = array<i32>} : memref<256x64xf32, #tpu.memory_space<vmem>>, vector<16xf32>,
        tpu.vector_store_idx %arg13[%add3A_29, %rem3A_6, %add3A_2164], %get3A_2169 : memref<16x9x131xf32, #tpu.memory_space<vmem>>[vector<16xi32>, vector<16xi32>, vector<16xi32>], vector<16xf32>,
        %get3A_2170 = arith.index_cast %add3A_2166 : i32 to index
        %get3A_2171 = arith.constant 16 : index
        %get3A_2172 = tpu.vector_load %arg11[%get3A_2170, %get3A_2171] {strides = array<i32>} : memref<256x64xf32, #tpu.memory_space<vmem>>, vector<16xf32>,
        tpu.vector_store_idx %arg13[%add3A_32, %rem3A_6, %add3A_2164], %get3A_2172 : memref<16x9x131xf32, #tpu.memory_space<vmem>>[vector<16xi32>, vector<16xi32>, vector<16xi32>], vector<16xf32>,
        %get3A_2173 = arith.index_cast %add3A_2166 : i32 to index
        %get3A_2174 = arith.constant 32 : index
        %get3A_2175 = tpu.vector_load %arg11[%get3A_2173, %get3A_2174] {strides = array<i32>} : memref<256x64xf32, #tpu.memory_space<vmem>>, vector<16xf32>,
        tpu.vector_store_idx %arg13[%add3A_35, %rem3A_6, %add3A_2164], %get3A_2175 : memref<16x9x131xf32, #tpu.memory_space<vmem>>[vector<16xi32>, vector<16xi32>, vector<16xi32>], vector<16xf32>,
        %get3A_2176 = arith.index_cast %add3A_2166 : i32 to index
        %get3A_2177 = arith.constant 48 : index
        %get3A_2178 = tpu.vector_load %arg11[%get3A_2176, %get3A_2177] {strides = array<i32>} : memref<256x64xf32, #tpu.memory_space<vmem>>, vector<16xf32>,
        tpu.vector_store_idx %arg13[%add3A_38, %rem3A_6, %add3A_2164], %get3A_2178 : memref<16x9x131xf32, #tpu.memory_space<vmem>>[vector<16xi32>, vector<16xi32>, vector<16xi32>], vector<16xf32>,
        %scan3A_2179 = arith.constant 3 : i32
        %scan3A_2180 = arith.addi %scan3A_2126, %scan3A_2179 : i32
        %add3A_2181 = vector.broadcast %scan3A_2180 : i32 to vector<16xi32>
        %add3A_2182 = arith.addi %mul3A_14, %add3A_2181 : vector<16xi32>
        %add3A_2183 = arith.constant 128 : i32
        %add3A_2184 = arith.addi %add3A_2183, %scan3A_2180 : i32
        %get3A_2185 = arith.index_cast %add3A_2184 : i32 to index
        %get3A_2186 = arith.constant 0 : index
        %get3A_2187 = tpu.vector_load %arg11[%get3A_2185, %get3A_2186] {strides = array<i32>} : memref<256x64xf32, #tpu.memory_space<vmem>>, vector<16xf32>,
        tpu.vector_store_idx %arg13[%add3A_29, %rem3A_6, %add3A_2182], %get3A_2187 : memref<16x9x131xf32, #tpu.memory_space<vmem>>[vector<16xi32>, vector<16xi32>, vector<16xi32>], vector<16xf32>,
        %get3A_2188 = arith.index_cast %add3A_2184 : i32 to index
        %get3A_2189 = arith.constant 16 : index
        %get3A_2190 = tpu.vector_load %arg11[%get3A_2188, %get3A_2189] {strides = array<i32>} : memref<256x64xf32, #tpu.memory_space<vmem>>, vector<16xf32>,
        tpu.vector_store_idx %arg13[%add3A_32, %rem3A_6, %add3A_2182], %get3A_2190 : memref<16x9x131xf32, #tpu.memory_space<vmem>>[vector<16xi32>, vector<16xi32>, vector<16xi32>], vector<16xf32>,
        %get3A_2191 = arith.index_cast %add3A_2184 : i32 to index
        %get3A_2192 = arith.constant 32 : index
        %get3A_2193 = tpu.vector_load %arg11[%get3A_2191, %get3A_2192] {strides = array<i32>} : memref<256x64xf32, #tpu.memory_space<vmem>>, vector<16xf32>,
        tpu.vector_store_idx %arg13[%add3A_35, %rem3A_6, %add3A_2182], %get3A_2193 : memref<16x9x131xf32, #tpu.memory_space<vmem>>[vector<16xi32>, vector<16xi32>, vector<16xi32>], vector<16xf32>,
        %get3A_2194 = arith.index_cast %add3A_2184 : i32 to index
        %get3A_2195 = arith.constant 48 : index
        %get3A_2196 = tpu.vector_load %arg11[%get3A_2194, %get3A_2195] {strides = array<i32>} : memref<256x64xf32, #tpu.memory_space<vmem>>, vector<16xf32>,
        tpu.vector_store_idx %arg13[%add3A_38, %rem3A_6, %add3A_2182], %get3A_2196 : memref<16x9x131xf32, #tpu.memory_space<vmem>>[vector<16xi32>, vector<16xi32>, vector<16xi32>], vector<16xf32>,
      }
      %scan3A_1677 = arith.constant 128 : i32
      %mul3A_1678 = arith.constant 8 : i32
      %mul3A_1679 = arith.muli %scan3A_892, %mul3A_1678 : i32
      %add3A_1680 = arith.constant 0 : i32
      %add3A_1681 = arith.addi %mul3A_1679, %add3A_1680 : i32
      %mul3A_1682 = arith.constant 128 : i32
      %mul3A_1683 = arith.muli %add3A_1681, %mul3A_1682 : i32
      %add3A_1684 = arith.addi %mul3A_1683, %mul3A_4 : i32
      %add3A_1685 = arith.constant 2 : i32
      %add3A_1686 = arith.addi %add3A_1684, %add3A_1685 : i32
      %add3A_1687 = arith.constant 0 : i32
      %add3A_1688 = arith.addi %add3A_1686, %add3A_1687 : i32
      %dma_start3A_1689 = arith.constant 0 : i32
      %dma_start3A_1690 = arith.constant 0 : i32
      %dma_start3A_1691 = arith.constant 0 : i32
      %dma_start3A_1692 = tpu.memref_slice %arg13[%dma_start3A_1689, %dma_start3A_1690, %dma_start3A_1691] : memref<16x9x131xf32, #tpu.memory_space<vmem>> -> memref<1x8x128xf32, #tpu.memory_space<vmem>>
      %dma_start3A_1693 = tpu.memref_squeeze %dma_start3A_1692 : memref<1x8x128xf32, #tpu.memory_space<vmem>> -> memref<8x128xf32, #tpu.memory_space<vmem>>
      %dma_start3A_1694 = arith.constant 0 : i32
      %dma_start3A_1695 = arith.constant 0 : i32
      %dma_start3A_1696 = tpu.memref_slice %arg5[%add3A_1688, %dma_start3A_1694, %dma_start3A_1695] : memref<20480x8x128xf32, #tpu.memory_space<hbm>> -> memref<1x8x128xf32, #tpu.memory_space<hbm>>
      %dma_start3A_1697 = tpu.memref_squeeze %dma_start3A_1696 : memref<1x8x128xf32, #tpu.memory_space<hbm>> -> memref<8x128xf32, #tpu.memory_space<hbm>>
      %dma_start3A_1698 = arith.constant 0 : i32
      %dma_start3A_1699 = arith.constant 0 : i32
      %dma_start3A_1700 = tpu.memref_slice %arg5[%add3A_1688, %dma_start3A_1698, %dma_start3A_1699] : memref<20480x8x128xf32, #tpu.memory_space<hbm>> -> memref<1x8x128xf32, #tpu.memory_space<hbm>>
      %dma_start3A_1701 = tpu.memref_squeeze %dma_start3A_1700 : memref<1x8x128xf32, #tpu.memory_space<hbm>> -> memref<8x128xf32, #tpu.memory_space<hbm>>
      %dma_start3A_1702 = arith.constant 0 : i32
      %dma_start3A_1703 = arith.constant 0 : i32
      %dma_start3A_1704 = tpu.memref_slice %arg13[%dma_start3A_1689, %dma_start3A_1702, %dma_start3A_1703] : memref<16x9x131xf32, #tpu.memory_space<vmem>> -> memref<1x8x128xf32, #tpu.memory_space<vmem>>
      %dma_start3A_1705 = tpu.memref_squeeze %dma_start3A_1704 : memref<1x8x128xf32, #tpu.memory_space<vmem>> -> memref<8x128xf32, #tpu.memory_space<vmem>>
      tpu.enqueue_dma source(%dma_start3A_1705 : memref<8x128xf32, #tpu.memory_space<vmem>>) target(%dma_start3A_1701 : memref<8x128xf32, #tpu.memory_space<hbm>>) target_semaphore(%arg17 : memref<!tpu.dma_semaphore, #tpu.memory_space<semaphore_mem>>)
      %mul3A_1706 = arith.constant 8 : i32
      %mul3A_1707 = arith.muli %scan3A_892, %mul3A_1706 : i32
      %add3A_1708 = arith.constant 0 : i32
      %add3A_1709 = arith.addi %mul3A_1707, %add3A_1708 : i32
      %mul3A_1710 = arith.constant 128 : i32
      %mul3A_1711 = arith.muli %add3A_1709, %mul3A_1710 : i32
      %add3A_1712 = arith.addi %mul3A_1711, %mul3A_4 : i32
      %add3A_1713 = arith.constant 2 : i32
      %add3A_1714 = arith.addi %add3A_1712, %add3A_1713 : i32
      %add3A_1715 = arith.constant 1 : i32
      %add3A_1716 = arith.addi %add3A_1714, %add3A_1715 : i32
      %dma_start3A_1717 = arith.constant 1 : i32
      %dma_start3A_1718 = arith.constant 0 : i32
      %dma_start3A_1719 = arith.constant 0 : i32
      %dma_start3A_1720 = tpu.memref_slice %arg13[%dma_start3A_1717, %dma_start3A_1718, %dma_start3A_1719] : memref<16x9x131xf32, #tpu.memory_space<vmem>> -> memref<1x8x128xf32, #tpu.memory_space<vmem>>
      %dma_start3A_1721 = tpu.memref_squeeze %dma_start3A_1720 : memref<1x8x128xf32, #tpu.memory_space<vmem>> -> memref<8x128xf32, #tpu.memory_space<vmem>>
      %dma_start3A_1722 = arith.constant 0 : i32
      %dma_start3A_1723 = arith.constant 0 : i32
      %dma_start3A_1724 = tpu.memref_slice %arg5[%add3A_1716, %dma_start3A_1722, %dma_start3A_1723] : memref<20480x8x128xf32, #tpu.memory_space<hbm>> -> memref<1x8x128xf32, #tpu.memory_space<hbm>>
      %dma_start3A_1725 = tpu.memref_squeeze %dma_start3A_1724 : memref<1x8x128xf32, #tpu.memory_space<hbm>> -> memref<8x128xf32, #tpu.memory_space<hbm>>
      %dma_start3A_1726 = arith.constant 0 : i32
      %dma_start3A_1727 = arith.constant 0 : i32
      %dma_start3A_1728 = tpu.memref_slice %arg5[%add3A_1716, %dma_start3A_1726, %dma_start3A_1727] : memref<20480x8x128xf32, #tpu.memory_space<hbm>> -> memref<1x8x128xf32, #tpu.memory_space<hbm>>
      %dma_start3A_1729 = tpu.memref_squeeze %dma_start3A_1728 : memref<1x8x128xf32, #tpu.memory_space<hbm>> -> memref<8x128xf32, #tpu.memory_space<hbm>>
      %dma_start3A_1730 = arith.constant 0 : i32
      %dma_start3A_1731 = arith.constant 0 : i32
      %dma_start3A_1732 = tpu.memref_slice %arg13[%dma_start3A_1717, %dma_start3A_1730, %dma_start3A_1731] : memref<16x9x131xf32, #tpu.memory_space<vmem>> -> memref<1x8x128xf32, #tpu.memory_space<vmem>>
      %dma_start3A_1733 = tpu.memref_squeeze %dma_start3A_1732 : memref<1x8x128xf32, #tpu.memory_space<vmem>> -> memref<8x128xf32, #tpu.memory_space<vmem>>
      tpu.enqueue_dma source(%dma_start3A_1733 : memref<8x128xf32, #tpu.memory_space<vmem>>) target(%dma_start3A_1729 : memref<8x128xf32, #tpu.memory_space<hbm>>) target_semaphore(%arg17 : memref<!tpu.dma_semaphore, #tpu.memory_space<semaphore_mem>>)
      %mul3A_1734 = arith.constant 8 : i32
      %mul3A_1735 = arith.muli %scan3A_892, %mul3A_1734 : i32
      %add3A_1736 = arith.constant 1 : i32
      %add3A_1737 = arith.addi %mul3A_1735, %add3A_1736 : i32
      %mul3A_1738 = arith.constant 128 : i32
      %mul3A_1739 = arith.muli %add3A_1737, %mul3A_1738 : i32
      %add3A_1740 = arith.addi %mul3A_1739, %mul3A_4 : i32
      %add3A_1741 = arith.constant 2 : i32
      %add3A_1742 = arith.addi %add3A_1740, %add3A_1741 : i32
      %add3A_1743 = arith.constant 0 : i32
      %add3A_1744 = arith.addi %add3A_1742, %add3A_1743 : i32
      %dma_start3A_1745 = arith.constant 2 : i32
      %dma_start3A_1746 = arith.constant 0 : i32
      %dma_start3A_1747 = arith.constant 0 : i32
      %dma_start3A_1748 = tpu.memref_slice %arg13[%dma_start3A_1745, %dma_start3A_1746, %dma_start3A_1747] : memref<16x9x131xf32, #tpu.memory_space<vmem>> -> memref<1x8x128xf32, #tpu.memory_space<vmem>>
      %dma_start3A_1749 = tpu.memref_squeeze %dma_start3A_1748 : memref<1x8x128xf32, #tpu.memory_space<vmem>> -> memref<8x128xf32, #tpu.memory_space<vmem>>
      %dma_start3A_1750 = arith.constant 0 : i32
      %dma_start3A_1751 = arith.constant 0 : i32
      %dma_start3A_1752 = tpu.memref_slice %arg5[%add3A_1744, %dma_start3A_1750, %dma_start3A_1751] : memref<20480x8x128xf32, #tpu.memory_space<hbm>> -> memref<1x8x128xf32, #tpu.memory_space<hbm>>
      %dma_start3A_1753 = tpu.memref_squeeze %dma_start3A_1752 : memref<1x8x128xf32, #tpu.memory_space<hbm>> -> memref<8x128xf32, #tpu.memory_space<hbm>>
      %dma_start3A_1754 = arith.constant 0 : i32
      %dma_start3A_1755 = arith.constant 0 : i32
      %dma_start3A_1756 = tpu.memref_slice %arg5[%add3A_1744, %dma_start3A_1754, %dma_start3A_1755] : memref<20480x8x128xf32, #tpu.memory_space<hbm>> -> memref<1x8x128xf32, #tpu.memory_space<hbm>>
      %dma_start3A_1757 = tpu.memref_squeeze %dma_start3A_1756 : memref<1x8x128xf32, #tpu.memory_space<hbm>> -> memref<8x128xf32, #tpu.memory_space<hbm>>
      %dma_start3A_1758 = arith.constant 0 : i32
      %dma_start3A_1759 = arith.constant 0 : i32
      %dma_start3A_1760 = tpu.memref_slice %arg13[%dma_start3A_1745, %dma_start3A_1758, %dma_start3A_1759] : memref<16x9x131xf32, #tpu.memory_space<vmem>> -> memref<1x8x128xf32, #tpu.memory_space<vmem>>
      %dma_start3A_1761 = tpu.memref_squeeze %dma_start3A_1760 : memref<1x8x128xf32, #tpu.memory_space<vmem>> -> memref<8x128xf32, #tpu.memory_space<vmem>>
      tpu.enqueue_dma source(%dma_start3A_1761 : memref<8x128xf32, #tpu.memory_space<vmem>>) target(%dma_start3A_1757 : memref<8x128xf32, #tpu.memory_space<hbm>>) target_semaphore(%arg17 : memref<!tpu.dma_semaphore, #tpu.memory_space<semaphore_mem>>)
      %mul3A_1762 = arith.constant 8 : i32
      %mul3A_1763 = arith.muli %scan3A_892, %mul3A_1762 : i32
      %add3A_1764 = arith.constant 1 : i32
      %add3A_1765 = arith.addi %mul3A_1763, %add3A_1764 : i32
      %mul3A_1766 = arith.constant 128 : i32
      %mul3A_1767 = arith.muli %add3A_1765, %mul3A_1766 : i32
      %add3A_1768 = arith.addi %mul3A_1767, %mul3A_4 : i32
      %add3A_1769 = arith.constant 2 : i32
      %add3A_1770 = arith.addi %add3A_1768, %add3A_1769 : i32
      %add3A_1771 = arith.constant 1 : i32
      %add3A_1772 = arith.addi %add3A_1770, %add3A_1771 : i32
      %dma_start3A_1773 = arith.constant 3 : i32
      %dma_start3A_1774 = arith.constant 0 : i32
      %dma_start3A_1775 = arith.constant 0 : i32
      %dma_start3A_1776 = tpu.memref_slice %arg13[%dma_start3A_1773, %dma_start3A_1774, %dma_start3A_1775] : memref<16x9x131xf32, #tpu.memory_space<vmem>> -> memref<1x8x128xf32, #tpu.memory_space<vmem>>
      %dma_start3A_1777 = tpu.memref_squeeze %dma_start3A_1776 : memref<1x8x128xf32, #tpu.memory_space<vmem>> -> memref<8x128xf32, #tpu.memory_space<vmem>>
      %dma_start3A_1778 = arith.constant 0 : i32
      %dma_start3A_1779 = arith.constant 0 : i32
      %dma_start3A_1780 = tpu.memref_slice %arg5[%add3A_1772, %dma_start3A_1778, %dma_start3A_1779] : memref<20480x8x128xf32, #tpu.memory_space<hbm>> -> memref<1x8x128xf32, #tpu.memory_space<hbm>>
      %dma_start3A_1781 = tpu.memref_squeeze %dma_start3A_1780 : memref<1x8x128xf32, #tpu.memory_space<hbm>> -> memref<8x128xf32, #tpu.memory_space<hbm>>
      %dma_start3A_1782 = arith.constant 0 : i32
      %dma_start3A_1783 = arith.constant 0 : i32
      %dma_start3A_1784 = tpu.memref_slice %arg5[%add3A_1772, %dma_start3A_1782, %dma_start3A_1783] : memref<20480x8x128xf32, #tpu.memory_space<hbm>> -> memref<1x8x128xf32, #tpu.memory_space<hbm>>
      %dma_start3A_1785 = tpu.memref_squeeze %dma_start3A_1784 : memref<1x8x128xf32, #tpu.memory_space<hbm>> -> memref<8x128xf32, #tpu.memory_space<hbm>>
      %dma_start3A_1786 = arith.constant 0 : i32
      %dma_start3A_1787 = arith.constant 0 : i32
      %dma_start3A_1788 = tpu.memref_slice %arg13[%dma_start3A_1773, %dma_start3A_1786, %dma_start3A_1787] : memref<16x9x131xf32, #tpu.memory_space<vmem>> -> memref<1x8x128xf32, #tpu.memory_space<vmem>>
      %dma_start3A_1789 = tpu.memref_squeeze %dma_start3A_1788 : memref<1x8x128xf32, #tpu.memory_space<vmem>> -> memref<8x128xf32, #tpu.memory_space<vmem>>
      tpu.enqueue_dma source(%dma_start3A_1789 : memref<8x128xf32, #tpu.memory_space<vmem>>) target(%dma_start3A_1785 : memref<8x128xf32, #tpu.memory_space<hbm>>) target_semaphore(%arg17 : memref<!tpu.dma_semaphore, #tpu.memory_space<semaphore_mem>>)
      %mul3A_1790 = arith.constant 8 : i32
      %mul3A_1791 = arith.muli %scan3A_892, %mul3A_1790 : i32
      %add3A_1792 = arith.constant 2 : i32
      %add3A_1793 = arith.addi %mul3A_1791, %add3A_1792 : i32
      %mul3A_1794 = arith.constant 128 : i32
      %mul3A_1795 = arith.muli %add3A_1793, %mul3A_1794 : i32
      %add3A_1796 = arith.addi %mul3A_1795, %mul3A_4 : i32
      %add3A_1797 = arith.constant 2 : i32
      %add3A_1798 = arith.addi %add3A_1796, %add3A_1797 : i32
      %add3A_1799 = arith.constant 0 : i32
      %add3A_1800 = arith.addi %add3A_1798, %add3A_1799 : i32
      %dma_start3A_1801 = arith.constant 4 : i32
      %dma_start3A_1802 = arith.constant 0 : i32
      %dma_start3A_1803 = arith.constant 0 : i32
      %dma_start3A_1804 = tpu.memref_slice %arg13[%dma_start3A_1801, %dma_start3A_1802, %dma_start3A_1803] : memref<16x9x131xf32, #tpu.memory_space<vmem>> -> memref<1x8x128xf32, #tpu.memory_space<vmem>>
      %dma_start3A_1805 = tpu.memref_squeeze %dma_start3A_1804 : memref<1x8x128xf32, #tpu.memory_space<vmem>> -> memref<8x128xf32, #tpu.memory_space<vmem>>
      %dma_start3A_1806 = arith.constant 0 : i32
      %dma_start3A_1807 = arith.constant 0 : i32
      %dma_start3A_1808 = tpu.memref_slice %arg5[%add3A_1800, %dma_start3A_1806, %dma_start3A_1807] : memref<20480x8x128xf32, #tpu.memory_space<hbm>> -> memref<1x8x128xf32, #tpu.memory_space<hbm>>
      %dma_start3A_1809 = tpu.memref_squeeze %dma_start3A_1808 : memref<1x8x128xf32, #tpu.memory_space<hbm>> -> memref<8x128xf32, #tpu.memory_space<hbm>>
      %dma_start3A_1810 = arith.constant 0 : i32
      %dma_start3A_1811 = arith.constant 0 : i32
      %dma_start3A_1812 = tpu.memref_slice %arg5[%add3A_1800, %dma_start3A_1810, %dma_start3A_1811] : memref<20480x8x128xf32, #tpu.memory_space<hbm>> -> memref<1x8x128xf32, #tpu.memory_space<hbm>>
      %dma_start3A_1813 = tpu.memref_squeeze %dma_start3A_1812 : memref<1x8x128xf32, #tpu.memory_space<hbm>> -> memref<8x128xf32, #tpu.memory_space<hbm>>
      %dma_start3A_1814 = arith.constant 0 : i32
      %dma_start3A_1815 = arith.constant 0 : i32
      %dma_start3A_1816 = tpu.memref_slice %arg13[%dma_start3A_1801, %dma_start3A_1814, %dma_start3A_1815] : memref<16x9x131xf32, #tpu.memory_space<vmem>> -> memref<1x8x128xf32, #tpu.memory_space<vmem>>
      %dma_start3A_1817 = tpu.memref_squeeze %dma_start3A_1816 : memref<1x8x128xf32, #tpu.memory_space<vmem>> -> memref<8x128xf32, #tpu.memory_space<vmem>>
      tpu.enqueue_dma source(%dma_start3A_1817 : memref<8x128xf32, #tpu.memory_space<vmem>>) target(%dma_start3A_1813 : memref<8x128xf32, #tpu.memory_space<hbm>>) target_semaphore(%arg17 : memref<!tpu.dma_semaphore, #tpu.memory_space<semaphore_mem>>)
      %mul3A_1818 = arith.constant 8 : i32
      %mul3A_1819 = arith.muli %scan3A_892, %mul3A_1818 : i32
      %add3A_1820 = arith.constant 2 : i32
      %add3A_1821 = arith.addi %mul3A_1819, %add3A_1820 : i32
      %mul3A_1822 = arith.constant 128 : i32
      %mul3A_1823 = arith.muli %add3A_1821, %mul3A_1822 : i32
      %add3A_1824 = arith.addi %mul3A_1823, %mul3A_4 : i32
      %add3A_1825 = arith.constant 2 : i32
      %add3A_1826 = arith.addi %add3A_1824, %add3A_1825 : i32
      %add3A_1827 = arith.constant 1 : i32
      %add3A_1828 = arith.addi %add3A_1826, %add3A_1827 : i32
      %dma_start3A_1829 = arith.constant 5 : i32
      %dma_start3A_1830 = arith.constant 0 : i32
      %dma_start3A_1831 = arith.constant 0 : i32
      %dma_start3A_1832 = tpu.memref_slice %arg13[%dma_start3A_1829, %dma_start3A_1830, %dma_start3A_1831] : memref<16x9x131xf32, #tpu.memory_space<vmem>> -> memref<1x8x128xf32, #tpu.memory_space<vmem>>
      %dma_start3A_1833 = tpu.memref_squeeze %dma_start3A_1832 : memref<1x8x128xf32, #tpu.memory_space<vmem>> -> memref<8x128xf32, #tpu.memory_space<vmem>>
      %dma_start3A_1834 = arith.constant 0 : i32
      %dma_start3A_1835 = arith.constant 0 : i32
      %dma_start3A_1836 = tpu.memref_slice %arg5[%add3A_1828, %dma_start3A_1834, %dma_start3A_1835] : memref<20480x8x128xf32, #tpu.memory_space<hbm>> -> memref<1x8x128xf32, #tpu.memory_space<hbm>>
      %dma_start3A_1837 = tpu.memref_squeeze %dma_start3A_1836 : memref<1x8x128xf32, #tpu.memory_space<hbm>> -> memref<8x128xf32, #tpu.memory_space<hbm>>
      %dma_start3A_1838 = arith.constant 0 : i32
      %dma_start3A_1839 = arith.constant 0 : i32
      %dma_start3A_1840 = tpu.memref_slice %arg5[%add3A_1828, %dma_start3A_1838, %dma_start3A_1839] : memref<20480x8x128xf32, #tpu.memory_space<hbm>> -> memref<1x8x128xf32, #tpu.memory_space<hbm>>
      %dma_start3A_1841 = tpu.memref_squeeze %dma_start3A_1840 : memref<1x8x128xf32, #tpu.memory_space<hbm>> -> memref<8x128xf32, #tpu.memory_space<hbm>>
      %dma_start3A_1842 = arith.constant 0 : i32
      %dma_start3A_1843 = arith.constant 0 : i32
      %dma_start3A_1844 = tpu.memref_slice %arg13[%dma_start3A_1829, %dma_start3A_1842, %dma_start3A_1843] : memref<16x9x131xf32, #tpu.memory_space<vmem>> -> memref<1x8x128xf32, #tpu.memory_space<vmem>>
      %dma_start3A_1845 = tpu.memref_squeeze %dma_start3A_1844 : memref<1x8x128xf32, #tpu.memory_space<vmem>> -> memref<8x128xf32, #tpu.memory_space<vmem>>
      tpu.enqueue_dma source(%dma_start3A_1845 : memref<8x128xf32, #tpu.memory_space<vmem>>) target(%dma_start3A_1841 : memref<8x128xf32, #tpu.memory_space<hbm>>) target_semaphore(%arg17 : memref<!tpu.dma_semaphore, #tpu.memory_space<semaphore_mem>>)
      %mul3A_1846 = arith.constant 8 : i32
      %mul3A_1847 = arith.muli %scan3A_892, %mul3A_1846 : i32
      %add3A_1848 = arith.constant 3 : i32
      %add3A_1849 = arith.addi %mul3A_1847, %add3A_1848 : i32
      %mul3A_1850 = arith.constant 128 : i32
      %mul3A_1851 = arith.muli %add3A_1849, %mul3A_1850 : i32
      %add3A_1852 = arith.addi %mul3A_1851, %mul3A_4 : i32
      %add3A_1853 = arith.constant 2 : i32
      %add3A_1854 = arith.addi %add3A_1852, %add3A_1853 : i32
      %add3A_1855 = arith.constant 0 : i32
      %add3A_1856 = arith.addi %add3A_1854, %add3A_1855 : i32
      %dma_start3A_1857 = arith.constant 6 : i32
      %dma_start3A_1858 = arith.constant 0 : i32
      %dma_start3A_1859 = arith.constant 0 : i32
      %dma_start3A_1860 = tpu.memref_slice %arg13[%dma_start3A_1857, %dma_start3A_1858, %dma_start3A_1859] : memref<16x9x131xf32, #tpu.memory_space<vmem>> -> memref<1x8x128xf32, #tpu.memory_space<vmem>>
      %dma_start3A_1861 = tpu.memref_squeeze %dma_start3A_1860 : memref<1x8x128xf32, #tpu.memory_space<vmem>> -> memref<8x128xf32, #tpu.memory_space<vmem>>
      %dma_start3A_1862 = arith.constant 0 : i32
      %dma_start3A_1863 = arith.constant 0 : i32
      %dma_start3A_1864 = tpu.memref_slice %arg5[%add3A_1856, %dma_start3A_1862, %dma_start3A_1863] : memref<20480x8x128xf32, #tpu.memory_space<hbm>> -> memref<1x8x128xf32, #tpu.memory_space<hbm>>
      %dma_start3A_1865 = tpu.memref_squeeze %dma_start3A_1864 : memref<1x8x128xf32, #tpu.memory_space<hbm>> -> memref<8x128xf32, #tpu.memory_space<hbm>>
      %dma_start3A_1866 = arith.constant 0 : i32
      %dma_start3A_1867 = arith.constant 0 : i32
      %dma_start3A_1868 = tpu.memref_slice %arg5[%add3A_1856, %dma_start3A_1866, %dma_start3A_1867] : memref<20480x8x128xf32, #tpu.memory_space<hbm>> -> memref<1x8x128xf32, #tpu.memory_space<hbm>>
      %dma_start3A_1869 = tpu.memref_squeeze %dma_start3A_1868 : memref<1x8x128xf32, #tpu.memory_space<hbm>> -> memref<8x128xf32, #tpu.memory_space<hbm>>
      %dma_start3A_1870 = arith.constant 0 : i32
      %dma_start3A_1871 = arith.constant 0 : i32
      %dma_start3A_1872 = tpu.memref_slice %arg13[%dma_start3A_1857, %dma_start3A_1870, %dma_start3A_1871] : memref<16x9x131xf32, #tpu.memory_space<vmem>> -> memref<1x8x128xf32, #tpu.memory_space<vmem>>
      %dma_start3A_1873 = tpu.memref_squeeze %dma_start3A_1872 : memref<1x8x128xf32, #tpu.memory_space<vmem>> -> memref<8x128xf32, #tpu.memory_space<vmem>>
      tpu.enqueue_dma source(%dma_start3A_1873 : memref<8x128xf32, #tpu.memory_space<vmem>>) target(%dma_start3A_1869 : memref<8x128xf32, #tpu.memory_space<hbm>>) target_semaphore(%arg17 : memref<!tpu.dma_semaphore, #tpu.memory_space<semaphore_mem>>)
      %mul3A_1874 = arith.constant 8 : i32
      %mul3A_1875 = arith.muli %scan3A_892, %mul3A_1874 : i32
      %add3A_1876 = arith.constant 3 : i32
      %add3A_1877 = arith.addi %mul3A_1875, %add3A_1876 : i32
      %mul3A_1878 = arith.constant 128 : i32
      %mul3A_1879 = arith.muli %add3A_1877, %mul3A_1878 : i32
      %add3A_1880 = arith.addi %mul3A_1879, %mul3A_4 : i32
      %add3A_1881 = arith.constant 2 : i32
      %add3A_1882 = arith.addi %add3A_1880, %add3A_1881 : i32
      %add3A_1883 = arith.constant 1 : i32
      %add3A_1884 = arith.addi %add3A_1882, %add3A_1883 : i32
      %dma_start3A_1885 = arith.constant 7 : i32
      %dma_start3A_1886 = arith.constant 0 : i32
      %dma_start3A_1887 = arith.constant 0 : i32
      %dma_start3A_1888 = tpu.memref_slice %arg13[%dma_start3A_1885, %dma_start3A_1886, %dma_start3A_1887] : memref<16x9x131xf32, #tpu.memory_space<vmem>> -> memref<1x8x128xf32, #tpu.memory_space<vmem>>
      %dma_start3A_1889 = tpu.memref_squeeze %dma_start3A_1888 : memref<1x8x128xf32, #tpu.memory_space<vmem>> -> memref<8x128xf32, #tpu.memory_space<vmem>>
      %dma_start3A_1890 = arith.constant 0 : i32
      %dma_start3A_1891 = arith.constant 0 : i32
      %dma_start3A_1892 = tpu.memref_slice %arg5[%add3A_1884, %dma_start3A_1890, %dma_start3A_1891] : memref<20480x8x128xf32, #tpu.memory_space<hbm>> -> memref<1x8x128xf32, #tpu.memory_space<hbm>>
      %dma_start3A_1893 = tpu.memref_squeeze %dma_start3A_1892 : memref<1x8x128xf32, #tpu.memory_space<hbm>> -> memref<8x128xf32, #tpu.memory_space<hbm>>
      %dma_start3A_1894 = arith.constant 0 : i32
      %dma_start3A_1895 = arith.constant 0 : i32
      %dma_start3A_1896 = tpu.memref_slice %arg5[%add3A_1884, %dma_start3A_1894, %dma_start3A_1895] : memref<20480x8x128xf32, #tpu.memory_space<hbm>> -> memref<1x8x128xf32, #tpu.memory_space<hbm>>
      %dma_start3A_1897 = tpu.memref_squeeze %dma_start3A_1896 : memref<1x8x128xf32, #tpu.memory_space<hbm>> -> memref<8x128xf32, #tpu.memory_space<hbm>>
      %dma_start3A_1898 = arith.constant 0 : i32
      %dma_start3A_1899 = arith.constant 0 : i32
      %dma_start3A_1900 = tpu.memref_slice %arg13[%dma_start3A_1885, %dma_start3A_1898, %dma_start3A_1899] : memref<16x9x131xf32, #tpu.memory_space<vmem>> -> memref<1x8x128xf32, #tpu.memory_space<vmem>>
      %dma_start3A_1901 = tpu.memref_squeeze %dma_start3A_1900 : memref<1x8x128xf32, #tpu.memory_space<vmem>> -> memref<8x128xf32, #tpu.memory_space<vmem>>
      tpu.enqueue_dma source(%dma_start3A_1901 : memref<8x128xf32, #tpu.memory_space<vmem>>) target(%dma_start3A_1897 : memref<8x128xf32, #tpu.memory_space<hbm>>) target_semaphore(%arg17 : memref<!tpu.dma_semaphore, #tpu.memory_space<semaphore_mem>>)
      %mul3A_1902 = arith.constant 8 : i32
      %mul3A_1903 = arith.muli %scan3A_892, %mul3A_1902 : i32
      %add3A_1904 = arith.constant 4 : i32
      %add3A_1905 = arith.addi %mul3A_1903, %add3A_1904 : i32
      %mul3A_1906 = arith.constant 128 : i32
      %mul3A_1907 = arith.muli %add3A_1905, %mul3A_1906 : i32
      %add3A_1908 = arith.addi %mul3A_1907, %mul3A_4 : i32
      %add3A_1909 = arith.constant 2 : i32
      %add3A_1910 = arith.addi %add3A_1908, %add3A_1909 : i32
      %add3A_1911 = arith.constant 0 : i32
      %add3A_1912 = arith.addi %add3A_1910, %add3A_1911 : i32
      %dma_start3A_1913 = arith.constant 8 : i32
      %dma_start3A_1914 = arith.constant 0 : i32
      %dma_start3A_1915 = arith.constant 0 : i32
      %dma_start3A_1916 = tpu.memref_slice %arg13[%dma_start3A_1913, %dma_start3A_1914, %dma_start3A_1915] : memref<16x9x131xf32, #tpu.memory_space<vmem>> -> memref<1x8x128xf32, #tpu.memory_space<vmem>>
      %dma_start3A_1917 = tpu.memref_squeeze %dma_start3A_1916 : memref<1x8x128xf32, #tpu.memory_space<vmem>> -> memref<8x128xf32, #tpu.memory_space<vmem>>
      %dma_start3A_1918 = arith.constant 0 : i32
      %dma_start3A_1919 = arith.constant 0 : i32
      %dma_start3A_1920 = tpu.memref_slice %arg5[%add3A_1912, %dma_start3A_1918, %dma_start3A_1919] : memref<20480x8x128xf32, #tpu.memory_space<hbm>> -> memref<1x8x128xf32, #tpu.memory_space<hbm>>
      %dma_start3A_1921 = tpu.memref_squeeze %dma_start3A_1920 : memref<1x8x128xf32, #tpu.memory_space<hbm>> -> memref<8x128xf32, #tpu.memory_space<hbm>>
      %dma_start3A_1922 = arith.constant 0 : i32
      %dma_start3A_1923 = arith.constant 0 : i32
      %dma_start3A_1924 = tpu.memref_slice %arg5[%add3A_1912, %dma_start3A_1922, %dma_start3A_1923] : memref<20480x8x128xf32, #tpu.memory_space<hbm>> -> memref<1x8x128xf32, #tpu.memory_space<hbm>>
      %dma_start3A_1925 = tpu.memref_squeeze %dma_start3A_1924 : memref<1x8x128xf32, #tpu.memory_space<hbm>> -> memref<8x128xf32, #tpu.memory_space<hbm>>
      %dma_start3A_1926 = arith.constant 0 : i32
      %dma_start3A_1927 = arith.constant 0 : i32
      %dma_start3A_1928 = tpu.memref_slice %arg13[%dma_start3A_1913, %dma_start3A_1926, %dma_start3A_1927] : memref<16x9x131xf32, #tpu.memory_space<vmem>> -> memref<1x8x128xf32, #tpu.memory_space<vmem>>
      %dma_start3A_1929 = tpu.memref_squeeze %dma_start3A_1928 : memref<1x8x128xf32, #tpu.memory_space<vmem>> -> memref<8x128xf32, #tpu.memory_space<vmem>>
      tpu.enqueue_dma source(%dma_start3A_1929 : memref<8x128xf32, #tpu.memory_space<vmem>>) target(%dma_start3A_1925 : memref<8x128xf32, #tpu.memory_space<hbm>>) target_semaphore(%arg17 : memref<!tpu.dma_semaphore, #tpu.memory_space<semaphore_mem>>)
      %mul3A_1930 = arith.constant 8 : i32
      %mul3A_1931 = arith.muli %scan3A_892, %mul3A_1930 : i32
      %add3A_1932 = arith.constant 4 : i32
      %add3A_1933 = arith.addi %mul3A_1931, %add3A_1932 : i32
      %mul3A_1934 = arith.constant 128 : i32
      %mul3A_1935 = arith.muli %add3A_1933, %mul3A_1934 : i32
      %add3A_1936 = arith.addi %mul3A_1935, %mul3A_4 : i32
      %add3A_1937 = arith.constant 2 : i32
      %add3A_1938 = arith.addi %add3A_1936, %add3A_1937 : i32
      %add3A_1939 = arith.constant 1 : i32
      %add3A_1940 = arith.addi %add3A_1938, %add3A_1939 : i32
      %dma_start3A_1941 = arith.constant 9 : i32
      %dma_start3A_1942 = arith.constant 0 : i32
      %dma_start3A_1943 = arith.constant 0 : i32
      %dma_start3A_1944 = tpu.memref_slice %arg13[%dma_start3A_1941, %dma_start3A_1942, %dma_start3A_1943] : memref<16x9x131xf32, #tpu.memory_space<vmem>> -> memref<1x8x128xf32, #tpu.memory_space<vmem>>
      %dma_start3A_1945 = tpu.memref_squeeze %dma_start3A_1944 : memref<1x8x128xf32, #tpu.memory_space<vmem>> -> memref<8x128xf32, #tpu.memory_space<vmem>>
      %dma_start3A_1946 = arith.constant 0 : i32
      %dma_start3A_1947 = arith.constant 0 : i32
      %dma_start3A_1948 = tpu.memref_slice %arg5[%add3A_1940, %dma_start3A_1946, %dma_start3A_1947] : memref<20480x8x128xf32, #tpu.memory_space<hbm>> -> memref<1x8x128xf32, #tpu.memory_space<hbm>>
      %dma_start3A_1949 = tpu.memref_squeeze %dma_start3A_1948 : memref<1x8x128xf32, #tpu.memory_space<hbm>> -> memref<8x128xf32, #tpu.memory_space<hbm>>
      %dma_start3A_1950 = arith.constant 0 : i32
      %dma_start3A_1951 = arith.constant 0 : i32
      %dma_start3A_1952 = tpu.memref_slice %arg5[%add3A_1940, %dma_start3A_1950, %dma_start3A_1951] : memref<20480x8x128xf32, #tpu.memory_space<hbm>> -> memref<1x8x128xf32, #tpu.memory_space<hbm>>
      %dma_start3A_1953 = tpu.memref_squeeze %dma_start3A_1952 : memref<1x8x128xf32, #tpu.memory_space<hbm>> -> memref<8x128xf32, #tpu.memory_space<hbm>>
      %dma_start3A_1954 = arith.constant 0 : i32
      %dma_start3A_1955 = arith.constant 0 : i32
      %dma_start3A_1956 = tpu.memref_slice %arg13[%dma_start3A_1941, %dma_start3A_1954, %dma_start3A_1955] : memref<16x9x131xf32, #tpu.memory_space<vmem>> -> memref<1x8x128xf32, #tpu.memory_space<vmem>>
      %dma_start3A_1957 = tpu.memref_squeeze %dma_start3A_1956 : memref<1x8x128xf32, #tpu.memory_space<vmem>> -> memref<8x128xf32, #tpu.memory_space<vmem>>
      tpu.enqueue_dma source(%dma_start3A_1957 : memref<8x128xf32, #tpu.memory_space<vmem>>) target(%dma_start3A_1953 : memref<8x128xf32, #tpu.memory_space<hbm>>) target_semaphore(%arg17 : memref<!tpu.dma_semaphore, #tpu.memory_space<semaphore_mem>>)
      %mul3A_1958 = arith.constant 8 : i32
      %mul3A_1959 = arith.muli %scan3A_892, %mul3A_1958 : i32
      %add3A_1960 = arith.constant 5 : i32
      %add3A_1961 = arith.addi %mul3A_1959, %add3A_1960 : i32
      %mul3A_1962 = arith.constant 128 : i32
      %mul3A_1963 = arith.muli %add3A_1961, %mul3A_1962 : i32
      %add3A_1964 = arith.addi %mul3A_1963, %mul3A_4 : i32
      %add3A_1965 = arith.constant 2 : i32
      %add3A_1966 = arith.addi %add3A_1964, %add3A_1965 : i32
      %add3A_1967 = arith.constant 0 : i32
      %add3A_1968 = arith.addi %add3A_1966, %add3A_1967 : i32
      %dma_start3A_1969 = arith.constant 10 : i32
      %dma_start3A_1970 = arith.constant 0 : i32
      %dma_start3A_1971 = arith.constant 0 : i32
      %dma_start3A_1972 = tpu.memref_slice %arg13[%dma_start3A_1969, %dma_start3A_1970, %dma_start3A_1971] : memref<16x9x131xf32, #tpu.memory_space<vmem>> -> memref<1x8x128xf32, #tpu.memory_space<vmem>>
      %dma_start3A_1973 = tpu.memref_squeeze %dma_start3A_1972 : memref<1x8x128xf32, #tpu.memory_space<vmem>> -> memref<8x128xf32, #tpu.memory_space<vmem>>
      %dma_start3A_1974 = arith.constant 0 : i32
      %dma_start3A_1975 = arith.constant 0 : i32
      %dma_start3A_1976 = tpu.memref_slice %arg5[%add3A_1968, %dma_start3A_1974, %dma_start3A_1975] : memref<20480x8x128xf32, #tpu.memory_space<hbm>> -> memref<1x8x128xf32, #tpu.memory_space<hbm>>
      %dma_start3A_1977 = tpu.memref_squeeze %dma_start3A_1976 : memref<1x8x128xf32, #tpu.memory_space<hbm>> -> memref<8x128xf32, #tpu.memory_space<hbm>>
      %dma_start3A_1978 = arith.constant 0 : i32
      %dma_start3A_1979 = arith.constant 0 : i32
      %dma_start3A_1980 = tpu.memref_slice %arg5[%add3A_1968, %dma_start3A_1978, %dma_start3A_1979] : memref<20480x8x128xf32, #tpu.memory_space<hbm>> -> memref<1x8x128xf32, #tpu.memory_space<hbm>>
      %dma_start3A_1981 = tpu.memref_squeeze %dma_start3A_1980 : memref<1x8x128xf32, #tpu.memory_space<hbm>> -> memref<8x128xf32, #tpu.memory_space<hbm>>
      %dma_start3A_1982 = arith.constant 0 : i32
      %dma_start3A_1983 = arith.constant 0 : i32
      %dma_start3A_1984 = tpu.memref_slice %arg13[%dma_start3A_1969, %dma_start3A_1982, %dma_start3A_1983] : memref<16x9x131xf32, #tpu.memory_space<vmem>> -> memref<1x8x128xf32, #tpu.memory_space<vmem>>
      %dma_start3A_1985 = tpu.memref_squeeze %dma_start3A_1984 : memref<1x8x128xf32, #tpu.memory_space<vmem>> -> memref<8x128xf32, #tpu.memory_space<vmem>>
      tpu.enqueue_dma source(%dma_start3A_1985 : memref<8x128xf32, #tpu.memory_space<vmem>>) target(%dma_start3A_1981 : memref<8x128xf32, #tpu.memory_space<hbm>>) target_semaphore(%arg17 : memref<!tpu.dma_semaphore, #tpu.memory_space<semaphore_mem>>)
      %mul3A_1986 = arith.constant 8 : i32
      %mul3A_1987 = arith.muli %scan3A_892, %mul3A_1986 : i32
      %add3A_1988 = arith.constant 5 : i32
      %add3A_1989 = arith.addi %mul3A_1987, %add3A_1988 : i32
      %mul3A_1990 = arith.constant 128 : i32
      %mul3A_1991 = arith.muli %add3A_1989, %mul3A_1990 : i32
      %add3A_1992 = arith.addi %mul3A_1991, %mul3A_4 : i32
      %add3A_1993 = arith.constant 2 : i32
      %add3A_1994 = arith.addi %add3A_1992, %add3A_1993 : i32
      %add3A_1995 = arith.constant 1 : i32
      %add3A_1996 = arith.addi %add3A_1994, %add3A_1995 : i32
      %dma_start3A_1997 = arith.constant 11 : i32
      %dma_start3A_1998 = arith.constant 0 : i32
      %dma_start3A_1999 = arith.constant 0 : i32
      %dma_start3A_2000 = tpu.memref_slice %arg13[%dma_start3A_1997, %dma_start3A_1998, %dma_start3A_1999] : memref<16x9x131xf32, #tpu.memory_space<vmem>> -> memref<1x8x128xf32, #tpu.memory_space<vmem>>
      %dma_start3A_2001 = tpu.memref_squeeze %dma_start3A_2000 : memref<1x8x128xf32, #tpu.memory_space<vmem>> -> memref<8x128xf32, #tpu.memory_space<vmem>>
      %dma_start3A_2002 = arith.constant 0 : i32
      %dma_start3A_2003 = arith.constant 0 : i32
      %dma_start3A_2004 = tpu.memref_slice %arg5[%add3A_1996, %dma_start3A_2002, %dma_start3A_2003] : memref<20480x8x128xf32, #tpu.memory_space<hbm>> -> memref<1x8x128xf32, #tpu.memory_space<hbm>>
      %dma_start3A_2005 = tpu.memref_squeeze %dma_start3A_2004 : memref<1x8x128xf32, #tpu.memory_space<hbm>> -> memref<8x128xf32, #tpu.memory_space<hbm>>
      %dma_start3A_2006 = arith.constant 0 : i32
      %dma_start3A_2007 = arith.constant 0 : i32
      %dma_start3A_2008 = tpu.memref_slice %arg5[%add3A_1996, %dma_start3A_2006, %dma_start3A_2007] : memref<20480x8x128xf32, #tpu.memory_space<hbm>> -> memref<1x8x128xf32, #tpu.memory_space<hbm>>
      %dma_start3A_2009 = tpu.memref_squeeze %dma_start3A_2008 : memref<1x8x128xf32, #tpu.memory_space<hbm>> -> memref<8x128xf32, #tpu.memory_space<hbm>>
      %dma_start3A_2010 = arith.constant 0 : i32
      %dma_start3A_2011 = arith.constant 0 : i32
      %dma_start3A_2012 = tpu.memref_slice %arg13[%dma_start3A_1997, %dma_start3A_2010, %dma_start3A_2011] : memref<16x9x131xf32, #tpu.memory_space<vmem>> -> memref<1x8x128xf32, #tpu.memory_space<vmem>>
      %dma_start3A_2013 = tpu.memref_squeeze %dma_start3A_2012 : memref<1x8x128xf32, #tpu.memory_space<vmem>> -> memref<8x128xf32, #tpu.memory_space<vmem>>
      tpu.enqueue_dma source(%dma_start3A_2013 : memref<8x128xf32, #tpu.memory_space<vmem>>) target(%dma_start3A_2009 : memref<8x128xf32, #tpu.memory_space<hbm>>) target_semaphore(%arg17 : memref<!tpu.dma_semaphore, #tpu.memory_space<semaphore_mem>>)
      %mul3A_2014 = arith.constant 8 : i32
      %mul3A_2015 = arith.muli %scan3A_892, %mul3A_2014 : i32
      %add3A_2016 = arith.constant 6 : i32
      %add3A_2017 = arith.addi %mul3A_2015, %add3A_2016 : i32
      %mul3A_2018 = arith.constant 128 : i32
      %mul3A_2019 = arith.muli %add3A_2017, %mul3A_2018 : i32
      %add3A_2020 = arith.addi %mul3A_2019, %mul3A_4 : i32
      %add3A_2021 = arith.constant 2 : i32
      %add3A_2022 = arith.addi %add3A_2020, %add3A_2021 : i32
      %add3A_2023 = arith.constant 0 : i32
      %add3A_2024 = arith.addi %add3A_2022, %add3A_2023 : i32
      %dma_start3A_2025 = arith.constant 12 : i32
      %dma_start3A_2026 = arith.constant 0 : i32
      %dma_start3A_2027 = arith.constant 0 : i32
      %dma_start3A_2028 = tpu.memref_slice %arg13[%dma_start3A_2025, %dma_start3A_2026, %dma_start3A_2027] : memref<16x9x131xf32, #tpu.memory_space<vmem>> -> memref<1x8x128xf32, #tpu.memory_space<vmem>>
      %dma_start3A_2029 = tpu.memref_squeeze %dma_start3A_2028 : memref<1x8x128xf32, #tpu.memory_space<vmem>> -> memref<8x128xf32, #tpu.memory_space<vmem>>
      %dma_start3A_2030 = arith.constant 0 : i32
      %dma_start3A_2031 = arith.constant 0 : i32
      %dma_start3A_2032 = tpu.memref_slice %arg5[%add3A_2024, %dma_start3A_2030, %dma_start3A_2031] : memref<20480x8x128xf32, #tpu.memory_space<hbm>> -> memref<1x8x128xf32, #tpu.memory_space<hbm>>
      %dma_start3A_2033 = tpu.memref_squeeze %dma_start3A_2032 : memref<1x8x128xf32, #tpu.memory_space<hbm>> -> memref<8x128xf32, #tpu.memory_space<hbm>>
      %dma_start3A_2034 = arith.constant 0 : i32
      %dma_start3A_2035 = arith.constant 0 : i32
      %dma_start3A_2036 = tpu.memref_slice %arg5[%add3A_2024, %dma_start3A_2034, %dma_start3A_2035] : memref<20480x8x128xf32, #tpu.memory_space<hbm>> -> memref<1x8x128xf32, #tpu.memory_space<hbm>>
      %dma_start3A_2037 = tpu.memref_squeeze %dma_start3A_2036 : memref<1x8x128xf32, #tpu.memory_space<hbm>> -> memref<8x128xf32, #tpu.memory_space<hbm>>
      %dma_start3A_2038 = arith.constant 0 : i32
      %dma_start3A_2039 = arith.constant 0 : i32
      %dma_start3A_2040 = tpu.memref_slice %arg13[%dma_start3A_2025, %dma_start3A_2038, %dma_start3A_2039] : memref<16x9x131xf32, #tpu.memory_space<vmem>> -> memref<1x8x128xf32, #tpu.memory_space<vmem>>
      %dma_start3A_2041 = tpu.memref_squeeze %dma_start3A_2040 : memref<1x8x128xf32, #tpu.memory_space<vmem>> -> memref<8x128xf32, #tpu.memory_space<vmem>>
      tpu.enqueue_dma source(%dma_start3A_2041 : memref<8x128xf32, #tpu.memory_space<vmem>>) target(%dma_start3A_2037 : memref<8x128xf32, #tpu.memory_space<hbm>>) target_semaphore(%arg17 : memref<!tpu.dma_semaphore, #tpu.memory_space<semaphore_mem>>)
      %mul3A_2042 = arith.constant 8 : i32
      %mul3A_2043 = arith.muli %scan3A_892, %mul3A_2042 : i32
      %add3A_2044 = arith.constant 6 : i32
      %add3A_2045 = arith.addi %mul3A_2043, %add3A_2044 : i32
      %mul3A_2046 = arith.constant 128 : i32
      %mul3A_2047 = arith.muli %add3A_2045, %mul3A_2046 : i32
      %add3A_2048 = arith.addi %mul3A_2047, %mul3A_4 : i32
      %add3A_2049 = arith.constant 2 : i32
      %add3A_2050 = arith.addi %add3A_2048, %add3A_2049 : i32
      %add3A_2051 = arith.constant 1 : i32
      %add3A_2052 = arith.addi %add3A_2050, %add3A_2051 : i32
      %dma_start3A_2053 = arith.constant 13 : i32
      %dma_start3A_2054 = arith.constant 0 : i32
      %dma_start3A_2055 = arith.constant 0 : i32
      %dma_start3A_2056 = tpu.memref_slice %arg13[%dma_start3A_2053, %dma_start3A_2054, %dma_start3A_2055] : memref<16x9x131xf32, #tpu.memory_space<vmem>> -> memref<1x8x128xf32, #tpu.memory_space<vmem>>
      %dma_start3A_2057 = tpu.memref_squeeze %dma_start3A_2056 : memref<1x8x128xf32, #tpu.memory_space<vmem>> -> memref<8x128xf32, #tpu.memory_space<vmem>>
      %dma_start3A_2058 = arith.constant 0 : i32
      %dma_start3A_2059 = arith.constant 0 : i32
      %dma_start3A_2060 = tpu.memref_slice %arg5[%add3A_2052, %dma_start3A_2058, %dma_start3A_2059] : memref<20480x8x128xf32, #tpu.memory_space<hbm>> -> memref<1x8x128xf32, #tpu.memory_space<hbm>>
      %dma_start3A_2061 = tpu.memref_squeeze %dma_start3A_2060 : memref<1x8x128xf32, #tpu.memory_space<hbm>> -> memref<8x128xf32, #tpu.memory_space<hbm>>
      %dma_start3A_2062 = arith.constant 0 : i32
      %dma_start3A_2063 = arith.constant 0 : i32
      %dma_start3A_2064 = tpu.memref_slice %arg5[%add3A_2052, %dma_start3A_2062, %dma_start3A_2063] : memref<20480x8x128xf32, #tpu.memory_space<hbm>> -> memref<1x8x128xf32, #tpu.memory_space<hbm>>
      %dma_start3A_2065 = tpu.memref_squeeze %dma_start3A_2064 : memref<1x8x128xf32, #tpu.memory_space<hbm>> -> memref<8x128xf32, #tpu.memory_space<hbm>>
      %dma_start3A_2066 = arith.constant 0 : i32
      %dma_start3A_2067 = arith.constant 0 : i32
      %dma_start3A_2068 = tpu.memref_slice %arg13[%dma_start3A_2053, %dma_start3A_2066, %dma_start3A_2067] : memref<16x9x131xf32, #tpu.memory_space<vmem>> -> memref<1x8x128xf32, #tpu.memory_space<vmem>>
      %dma_start3A_2069 = tpu.memref_squeeze %dma_start3A_2068 : memref<1x8x128xf32, #tpu.memory_space<vmem>> -> memref<8x128xf32, #tpu.memory_space<vmem>>
      tpu.enqueue_dma source(%dma_start3A_2069 : memref<8x128xf32, #tpu.memory_space<vmem>>) target(%dma_start3A_2065 : memref<8x128xf32, #tpu.memory_space<hbm>>) target_semaphore(%arg17 : memref<!tpu.dma_semaphore, #tpu.memory_space<semaphore_mem>>)
      %mul3A_2070 = arith.constant 8 : i32
      %mul3A_2071 = arith.muli %scan3A_892, %mul3A_2070 : i32
      %add3A_2072 = arith.constant 7 : i32
      %add3A_2073 = arith.addi %mul3A_2071, %add3A_2072 : i32
      %mul3A_2074 = arith.constant 128 : i32
      %mul3A_2075 = arith.muli %add3A_2073, %mul3A_2074 : i32
      %add3A_2076 = arith.addi %mul3A_2075, %mul3A_4 : i32
      %add3A_2077 = arith.constant 2 : i32
      %add3A_2078 = arith.addi %add3A_2076, %add3A_2077 : i32
      %add3A_2079 = arith.constant 0 : i32
      %add3A_2080 = arith.addi %add3A_2078, %add3A_2079 : i32
      %dma_start3A_2081 = arith.constant 14 : i32
      %dma_start3A_2082 = arith.constant 0 : i32
      %dma_start3A_2083 = arith.constant 0 : i32
      %dma_start3A_2084 = tpu.memref_slice %arg13[%dma_start3A_2081, %dma_start3A_2082, %dma_start3A_2083] : memref<16x9x131xf32, #tpu.memory_space<vmem>> -> memref<1x8x128xf32, #tpu.memory_space<vmem>>
      %dma_start3A_2085 = tpu.memref_squeeze %dma_start3A_2084 : memref<1x8x128xf32, #tpu.memory_space<vmem>> -> memref<8x128xf32, #tpu.memory_space<vmem>>
      %dma_start3A_2086 = arith.constant 0 : i32
      %dma_start3A_2087 = arith.constant 0 : i32
      %dma_start3A_2088 = tpu.memref_slice %arg5[%add3A_2080, %dma_start3A_2086, %dma_start3A_2087] : memref<20480x8x128xf32, #tpu.memory_space<hbm>> -> memref<1x8x128xf32, #tpu.memory_space<hbm>>
      %dma_start3A_2089 = tpu.memref_squeeze %dma_start3A_2088 : memref<1x8x128xf32, #tpu.memory_space<hbm>> -> memref<8x128xf32, #tpu.memory_space<hbm>>
      %dma_start3A_2090 = arith.constant 0 : i32
      %dma_start3A_2091 = arith.constant 0 : i32
      %dma_start3A_2092 = tpu.memref_slice %arg5[%add3A_2080, %dma_start3A_2090, %dma_start3A_2091] : memref<20480x8x128xf32, #tpu.memory_space<hbm>> -> memref<1x8x128xf32, #tpu.memory_space<hbm>>
      %dma_start3A_2093 = tpu.memref_squeeze %dma_start3A_2092 : memref<1x8x128xf32, #tpu.memory_space<hbm>> -> memref<8x128xf32, #tpu.memory_space<hbm>>
      %dma_start3A_2094 = arith.constant 0 : i32
      %dma_start3A_2095 = arith.constant 0 : i32
      %dma_start3A_2096 = tpu.memref_slice %arg13[%dma_start3A_2081, %dma_start3A_2094, %dma_start3A_2095] : memref<16x9x131xf32, #tpu.memory_space<vmem>> -> memref<1x8x128xf32, #tpu.memory_space<vmem>>
      %dma_start3A_2097 = tpu.memref_squeeze %dma_start3A_2096 : memref<1x8x128xf32, #tpu.memory_space<vmem>> -> memref<8x128xf32, #tpu.memory_space<vmem>>
      tpu.enqueue_dma source(%dma_start3A_2097 : memref<8x128xf32, #tpu.memory_space<vmem>>) target(%dma_start3A_2093 : memref<8x128xf32, #tpu.memory_space<hbm>>) target_semaphore(%arg17 : memref<!tpu.dma_semaphore, #tpu.memory_space<semaphore_mem>>)
      %mul3A_2098 = arith.constant 8 : i32
      %mul3A_2099 = arith.muli %scan3A_892, %mul3A_2098 : i32
      %add3A_2100 = arith.constant 7 : i32
      %add3A_2101 = arith.addi %mul3A_2099, %add3A_2100 : i32
      %mul3A_2102 = arith.constant 128 : i32
      %mul3A_2103 = arith.muli %add3A_2101, %mul3A_2102 : i32
      %add3A_2104 = arith.addi %mul3A_2103, %mul3A_4 : i32
      %add3A_2105 = arith.constant 2 : i32
      %add3A_2106 = arith.addi %add3A_2104, %add3A_2105 : i32
      %add3A_2107 = arith.constant 1 : i32
      %add3A_2108 = arith.addi %add3A_2106, %add3A_2107 : i32
      %dma_start3A_2109 = arith.constant 15 : i32
      %dma_start3A_2110 = arith.constant 0 : i32
      %dma_start3A_2111 = arith.constant 0 : i32
      %dma_start3A_2112 = tpu.memref_slice %arg13[%dma_start3A_2109, %dma_start3A_2110, %dma_start3A_2111] : memref<16x9x131xf32, #tpu.memory_space<vmem>> -> memref<1x8x128xf32, #tpu.memory_space<vmem>>
      %dma_start3A_2113 = tpu.memref_squeeze %dma_start3A_2112 : memref<1x8x128xf32, #tpu.memory_space<vmem>> -> memref<8x128xf32, #tpu.memory_space<vmem>>
      %dma_start3A_2114 = arith.constant 0 : i32
      %dma_start3A_2115 = arith.constant 0 : i32
      %dma_start3A_2116 = tpu.memref_slice %arg5[%add3A_2108, %dma_start3A_2114, %dma_start3A_2115] : memref<20480x8x128xf32, #tpu.memory_space<hbm>> -> memref<1x8x128xf32, #tpu.memory_space<hbm>>
      %dma_start3A_2117 = tpu.memref_squeeze %dma_start3A_2116 : memref<1x8x128xf32, #tpu.memory_space<hbm>> -> memref<8x128xf32, #tpu.memory_space<hbm>>
      %dma_start3A_2118 = arith.constant 0 : i32
      %dma_start3A_2119 = arith.constant 0 : i32
      %dma_start3A_2120 = tpu.memref_slice %arg5[%add3A_2108, %dma_start3A_2118, %dma_start3A_2119] : memref<20480x8x128xf32, #tpu.memory_space<hbm>> -> memref<1x8x128xf32, #tpu.memory_space<hbm>>
      %dma_start3A_2121 = tpu.memref_squeeze %dma_start3A_2120 : memref<1x8x128xf32, #tpu.memory_space<hbm>> -> memref<8x128xf32, #tpu.memory_space<hbm>>
      %dma_start3A_2122 = arith.constant 0 : i32
      %dma_start3A_2123 = arith.constant 0 : i32
      %dma_start3A_2124 = tpu.memref_slice %arg13[%dma_start3A_2109, %dma_start3A_2122, %dma_start3A_2123] : memref<16x9x131xf32, #tpu.memory_space<vmem>> -> memref<1x8x128xf32, #tpu.memory_space<vmem>>
      %dma_start3A_2125 = tpu.memref_squeeze %dma_start3A_2124 : memref<1x8x128xf32, #tpu.memory_space<vmem>> -> memref<8x128xf32, #tpu.memory_space<vmem>>
      tpu.enqueue_dma source(%dma_start3A_2125 : memref<8x128xf32, #tpu.memory_space<vmem>>) target(%dma_start3A_2121 : memref<8x128xf32, #tpu.memory_space<hbm>>) target_semaphore(%arg17 : memref<!tpu.dma_semaphore, #tpu.memory_space<semaphore_mem>>)
    }
    %scan3A_316 = arith.constant 20 : i32
    %dma_wait3A = arith.constant 0 : i32
    %dma_wait3A_317 = arith.constant 0 : i32
    %dma_wait3A_318 = arith.constant 0 : i32
    %dma_wait3A_319 = arith.constant 0 : i32
    %dma_wait3A_320 = tpu.memref_slice %arg12[%dma_wait3A, %dma_wait3A_318, %dma_wait3A_319] : memref<16x9x131xf32, #tpu.memory_space<vmem>> -> memref<1x8x128xf32, #tpu.memory_space<vmem>>
    %dma_wait3A_321 = tpu.memref_squeeze %dma_wait3A_320 : memref<1x8x128xf32, #tpu.memory_space<vmem>> -> memref<8x128xf32, #tpu.memory_space<vmem>>
    %dma_wait3A_322 = arith.constant 0 : i32
    %dma_wait3A_323 = arith.constant 0 : i32
    %dma_wait3A_324 = tpu.memref_slice %arg5[%dma_wait3A_317, %dma_wait3A_322, %dma_wait3A_323] : memref<20480x8x128xf32, #tpu.memory_space<hbm>> -> memref<1x8x128xf32, #tpu.memory_space<hbm>>
    %dma_wait3A_325 = tpu.memref_squeeze %dma_wait3A_324 : memref<1x8x128xf32, #tpu.memory_space<hbm>> -> memref<8x128xf32, #tpu.memory_space<hbm>>
    %dma_wait3A_326 = arith.constant 0 : i32
    %dma_wait3A_327 = arith.constant 0 : i32
    %dma_wait3A_328 = tpu.memref_slice %arg5[%dma_wait3A_317, %dma_wait3A_326, %dma_wait3A_327] : memref<20480x8x128xf32, #tpu.memory_space<hbm>> -> memref<1x8x128xf32, #tpu.memory_space<hbm>>
    %dma_wait3A_329 = tpu.memref_squeeze %dma_wait3A_328 : memref<1x8x128xf32, #tpu.memory_space<hbm>> -> memref<8x128xf32, #tpu.memory_space<hbm>>
    %dma_wait3A_330 = arith.constant 0 : i32
    %dma_wait3A_331 = arith.constant 0 : i32
    %dma_wait3A_332 = tpu.memref_slice %arg12[%dma_wait3A, %dma_wait3A_330, %dma_wait3A_331] : memref<16x9x131xf32, #tpu.memory_space<vmem>> -> memref<1x8x128xf32, #tpu.memory_space<vmem>>
    %dma_wait3A_333 = tpu.memref_squeeze %dma_wait3A_332 : memref<1x8x128xf32, #tpu.memory_space<vmem>> -> memref<8x128xf32, #tpu.memory_space<vmem>>
    tpu.wait_dma2 semaphore(%arg16 : memref<!tpu.dma_semaphore, #tpu.memory_space<semaphore_mem>>) src(%dma_wait3A_333 : memref<8x128xf32, #tpu.memory_space<vmem>>) dst(%dma_wait3A_329 : memref<8x128xf32, #tpu.memory_space<hbm>>)
    %dma_wait3A_334 = arith.constant 1 : i32
    %dma_wait3A_335 = arith.constant 1 : i32
    %dma_wait3A_336 = arith.constant 0 : i32
    %dma_wait3A_337 = arith.constant 0 : i32
    %dma_wait3A_338 = tpu.memref_slice %arg12[%dma_wait3A_334, %dma_wait3A_336, %dma_wait3A_337] : memref<16x9x131xf32, #tpu.memory_space<vmem>> -> memref<1x8x128xf32, #tpu.memory_space<vmem>>
    %dma_wait3A_339 = tpu.memref_squeeze %dma_wait3A_338 : memref<1x8x128xf32, #tpu.memory_space<vmem>> -> memref<8x128xf32, #tpu.memory_space<vmem>>
    %dma_wait3A_340 = arith.constant 0 : i32
    %dma_wait3A_341 = arith.constant 0 : i32
    %dma_wait3A_342 = tpu.memref_slice %arg5[%dma_wait3A_335, %dma_wait3A_340, %dma_wait3A_341] : memref<20480x8x128xf32, #tpu.memory_space<hbm>> -> memref<1x8x128xf32, #tpu.memory_space<hbm>>
    %dma_wait3A_343 = tpu.memref_squeeze %dma_wait3A_342 : memref<1x8x128xf32, #tpu.memory_space<hbm>> -> memref<8x128xf32, #tpu.memory_space<hbm>>
    %dma_wait3A_344 = arith.constant 0 : i32
    %dma_wait3A_345 = arith.constant 0 : i32
    %dma_wait3A_346 = tpu.memref_slice %arg5[%dma_wait3A_335, %dma_wait3A_344, %dma_wait3A_345] : memref<20480x8x128xf32, #tpu.memory_space<hbm>> -> memref<1x8x128xf32, #tpu.memory_space<hbm>>
    %dma_wait3A_347 = tpu.memref_squeeze %dma_wait3A_346 : memref<1x8x128xf32, #tpu.memory_space<hbm>> -> memref<8x128xf32, #tpu.memory_space<hbm>>
    %dma_wait3A_348 = arith.constant 0 : i32
    %dma_wait3A_349 = arith.constant 0 : i32
    %dma_wait3A_350 = tpu.memref_slice %arg12[%dma_wait3A_334, %dma_wait3A_348, %dma_wait3A_349] : memref<16x9x131xf32, #tpu.memory_space<vmem>> -> memref<1x8x128xf32, #tpu.memory_space<vmem>>
    %dma_wait3A_351 = tpu.memref_squeeze %dma_wait3A_350 : memref<1x8x128xf32, #tpu.memory_space<vmem>> -> memref<8x128xf32, #tpu.memory_space<vmem>>
    tpu.wait_dma2 semaphore(%arg16 : memref<!tpu.dma_semaphore, #tpu.memory_space<semaphore_mem>>) src(%dma_wait3A_351 : memref<8x128xf32, #tpu.memory_space<vmem>>) dst(%dma_wait3A_347 : memref<8x128xf32, #tpu.memory_space<hbm>>)
    %dma_wait3A_352 = arith.constant 2 : i32
    %dma_wait3A_353 = arith.constant 2 : i32
    %dma_wait3A_354 = arith.constant 0 : i32
    %dma_wait3A_355 = arith.constant 0 : i32
    %dma_wait3A_356 = tpu.memref_slice %arg12[%dma_wait3A_352, %dma_wait3A_354, %dma_wait3A_355] : memref<16x9x131xf32, #tpu.memory_space<vmem>> -> memref<1x8x128xf32, #tpu.memory_space<vmem>>
    %dma_wait3A_357 = tpu.memref_squeeze %dma_wait3A_356 : memref<1x8x128xf32, #tpu.memory_space<vmem>> -> memref<8x128xf32, #tpu.memory_space<vmem>>
    %dma_wait3A_358 = arith.constant 0 : i32
    %dma_wait3A_359 = arith.constant 0 : i32
    %dma_wait3A_360 = tpu.memref_slice %arg5[%dma_wait3A_353, %dma_wait3A_358, %dma_wait3A_359] : memref<20480x8x128xf32, #tpu.memory_space<hbm>> -> memref<1x8x128xf32, #tpu.memory_space<hbm>>
    %dma_wait3A_361 = tpu.memref_squeeze %dma_wait3A_360 : memref<1x8x128xf32, #tpu.memory_space<hbm>> -> memref<8x128xf32, #tpu.memory_space<hbm>>
    %dma_wait3A_362 = arith.constant 0 : i32
    %dma_wait3A_363 = arith.constant 0 : i32
    %dma_wait3A_364 = tpu.memref_slice %arg5[%dma_wait3A_353, %dma_wait3A_362, %dma_wait3A_363] : memref<20480x8x128xf32, #tpu.memory_space<hbm>> -> memref<1x8x128xf32, #tpu.memory_space<hbm>>
    %dma_wait3A_365 = tpu.memref_squeeze %dma_wait3A_364 : memref<1x8x128xf32, #tpu.memory_space<hbm>> -> memref<8x128xf32, #tpu.memory_space<hbm>>
    %dma_wait3A_366 = arith.constant 0 : i32
    %dma_wait3A_367 = arith.constant 0 : i32
    %dma_wait3A_368 = tpu.memref_slice %arg12[%dma_wait3A_352, %dma_wait3A_366, %dma_wait3A_367] : memref<16x9x131xf32, #tpu.memory_space<vmem>> -> memref<1x8x128xf32, #tpu.memory_space<vmem>>
    %dma_wait3A_369 = tpu.memref_squeeze %dma_wait3A_368 : memref<1x8x128xf32, #tpu.memory_space<vmem>> -> memref<8x128xf32, #tpu.memory_space<vmem>>
    tpu.wait_dma2 semaphore(%arg16 : memref<!tpu.dma_semaphore, #tpu.memory_space<semaphore_mem>>) src(%dma_wait3A_369 : memref<8x128xf32, #tpu.memory_space<vmem>>) dst(%dma_wait3A_365 : memref<8x128xf32, #tpu.memory_space<hbm>>)
    %dma_wait3A_370 = arith.constant 3 : i32
    %dma_wait3A_371 = arith.constant 3 : i32
    %dma_wait3A_372 = arith.constant 0 : i32
    %dma_wait3A_373 = arith.constant 0 : i32
    %dma_wait3A_374 = tpu.memref_slice %arg12[%dma_wait3A_370, %dma_wait3A_372, %dma_wait3A_373] : memref<16x9x131xf32, #tpu.memory_space<vmem>> -> memref<1x8x128xf32, #tpu.memory_space<vmem>>
    %dma_wait3A_375 = tpu.memref_squeeze %dma_wait3A_374 : memref<1x8x128xf32, #tpu.memory_space<vmem>> -> memref<8x128xf32, #tpu.memory_space<vmem>>
    %dma_wait3A_376 = arith.constant 0 : i32
    %dma_wait3A_377 = arith.constant 0 : i32
    %dma_wait3A_378 = tpu.memref_slice %arg5[%dma_wait3A_371, %dma_wait3A_376, %dma_wait3A_377] : memref<20480x8x128xf32, #tpu.memory_space<hbm>> -> memref<1x8x128xf32, #tpu.memory_space<hbm>>
    %dma_wait3A_379 = tpu.memref_squeeze %dma_wait3A_378 : memref<1x8x128xf32, #tpu.memory_space<hbm>> -> memref<8x128xf32, #tpu.memory_space<hbm>>
    %dma_wait3A_380 = arith.constant 0 : i32
    %dma_wait3A_381 = arith.constant 0 : i32
    %dma_wait3A_382 = tpu.memref_slice %arg5[%dma_wait3A_371, %dma_wait3A_380, %dma_wait3A_381] : memref<20480x8x128xf32, #tpu.memory_space<hbm>> -> memref<1x8x128xf32, #tpu.memory_space<hbm>>
    %dma_wait3A_383 = tpu.memref_squeeze %dma_wait3A_382 : memref<1x8x128xf32, #tpu.memory_space<hbm>> -> memref<8x128xf32, #tpu.memory_space<hbm>>
    %dma_wait3A_384 = arith.constant 0 : i32
    %dma_wait3A_385 = arith.constant 0 : i32
    %dma_wait3A_386 = tpu.memref_slice %arg12[%dma_wait3A_370, %dma_wait3A_384, %dma_wait3A_385] : memref<16x9x131xf32, #tpu.memory_space<vmem>> -> memref<1x8x128xf32, #tpu.memory_space<vmem>>
    %dma_wait3A_387 = tpu.memref_squeeze %dma_wait3A_386 : memref<1x8x128xf32, #tpu.memory_space<vmem>> -> memref<8x128xf32, #tpu.memory_space<vmem>>
    tpu.wait_dma2 semaphore(%arg16 : memref<!tpu.dma_semaphore, #tpu.memory_space<semaphore_mem>>) src(%dma_wait3A_387 : memref<8x128xf32, #tpu.memory_space<vmem>>) dst(%dma_wait3A_383 : memref<8x128xf32, #tpu.memory_space<hbm>>)
    %dma_wait3A_388 = arith.constant 4 : i32
    %dma_wait3A_389 = arith.constant 4 : i32
    %dma_wait3A_390 = arith.constant 0 : i32
    %dma_wait3A_391 = arith.constant 0 : i32
    %dma_wait3A_392 = tpu.memref_slice %arg12[%dma_wait3A_388, %dma_wait3A_390, %dma_wait3A_391] : memref<16x9x131xf32, #tpu.memory_space<vmem>> -> memref<1x8x128xf32, #tpu.memory_space<vmem>>
    %dma_wait3A_393 = tpu.memref_squeeze %dma_wait3A_392 : memref<1x8x128xf32, #tpu.memory_space<vmem>> -> memref<8x128xf32, #tpu.memory_space<vmem>>
    %dma_wait3A_394 = arith.constant 0 : i32
    %dma_wait3A_395 = arith.constant 0 : i32
    %dma_wait3A_396 = tpu.memref_slice %arg5[%dma_wait3A_389, %dma_wait3A_394, %dma_wait3A_395] : memref<20480x8x128xf32, #tpu.memory_space<hbm>> -> memref<1x8x128xf32, #tpu.memory_space<hbm>>
    %dma_wait3A_397 = tpu.memref_squeeze %dma_wait3A_396 : memref<1x8x128xf32, #tpu.memory_space<hbm>> -> memref<8x128xf32, #tpu.memory_space<hbm>>
    %dma_wait3A_398 = arith.constant 0 : i32
    %dma_wait3A_399 = arith.constant 0 : i32
    %dma_wait3A_400 = tpu.memref_slice %arg5[%dma_wait3A_389, %dma_wait3A_398, %dma_wait3A_399] : memref<20480x8x128xf32, #tpu.memory_space<hbm>> -> memref<1x8x128xf32, #tpu.memory_space<hbm>>
    %dma_wait3A_401 = tpu.memref_squeeze %dma_wait3A_400 : memref<1x8x128xf32, #tpu.memory_space<hbm>> -> memref<8x128xf32, #tpu.memory_space<hbm>>
    %dma_wait3A_402 = arith.constant 0 : i32
    %dma_wait3A_403 = arith.constant 0 : i32
    %dma_wait3A_404 = tpu.memref_slice %arg12[%dma_wait3A_388, %dma_wait3A_402, %dma_wait3A_403] : memref<16x9x131xf32, #tpu.memory_space<vmem>> -> memref<1x8x128xf32, #tpu.memory_space<vmem>>
    %dma_wait3A_405 = tpu.memref_squeeze %dma_wait3A_404 : memref<1x8x128xf32, #tpu.memory_space<vmem>> -> memref<8x128xf32, #tpu.memory_space<vmem>>
    tpu.wait_dma2 semaphore(%arg16 : memref<!tpu.dma_semaphore, #tpu.memory_space<semaphore_mem>>) src(%dma_wait3A_405 : memref<8x128xf32, #tpu.memory_space<vmem>>) dst(%dma_wait3A_401 : memref<8x128xf32, #tpu.memory_space<hbm>>)
    %dma_wait3A_406 = arith.constant 5 : i32
    %dma_wait3A_407 = arith.constant 5 : i32
    %dma_wait3A_408 = arith.constant 0 : i32
    %dma_wait3A_409 = arith.constant 0 : i32
    %dma_wait3A_410 = tpu.memref_slice %arg12[%dma_wait3A_406, %dma_wait3A_408, %dma_wait3A_409] : memref<16x9x131xf32, #tpu.memory_space<vmem>> -> memref<1x8x128xf32, #tpu.memory_space<vmem>>
    %dma_wait3A_411 = tpu.memref_squeeze %dma_wait3A_410 : memref<1x8x128xf32, #tpu.memory_space<vmem>> -> memref<8x128xf32, #tpu.memory_space<vmem>>
    %dma_wait3A_412 = arith.constant 0 : i32
    %dma_wait3A_413 = arith.constant 0 : i32
    %dma_wait3A_414 = tpu.memref_slice %arg5[%dma_wait3A_407, %dma_wait3A_412, %dma_wait3A_413] : memref<20480x8x128xf32, #tpu.memory_space<hbm>> -> memref<1x8x128xf32, #tpu.memory_space<hbm>>
    %dma_wait3A_415 = tpu.memref_squeeze %dma_wait3A_414 : memref<1x8x128xf32, #tpu.memory_space<hbm>> -> memref<8x128xf32, #tpu.memory_space<hbm>>
    %dma_wait3A_416 = arith.constant 0 : i32
    %dma_wait3A_417 = arith.constant 0 : i32
    %dma_wait3A_418 = tpu.memref_slice %arg5[%dma_wait3A_407, %dma_wait3A_416, %dma_wait3A_417] : memref<20480x8x128xf32, #tpu.memory_space<hbm>> -> memref<1x8x128xf32, #tpu.memory_space<hbm>>
    %dma_wait3A_419 = tpu.memref_squeeze %dma_wait3A_418 : memref<1x8x128xf32, #tpu.memory_space<hbm>> -> memref<8x128xf32, #tpu.memory_space<hbm>>
    %dma_wait3A_420 = arith.constant 0 : i32
    %dma_wait3A_421 = arith.constant 0 : i32
    %dma_wait3A_422 = tpu.memref_slice %arg12[%dma_wait3A_406, %dma_wait3A_420, %dma_wait3A_421] : memref<16x9x131xf32, #tpu.memory_space<vmem>> -> memref<1x8x128xf32, #tpu.memory_space<vmem>>
    %dma_wait3A_423 = tpu.memref_squeeze %dma_wait3A_422 : memref<1x8x128xf32, #tpu.memory_space<vmem>> -> memref<8x128xf32, #tpu.memory_space<vmem>>
    tpu.wait_dma2 semaphore(%arg16 : memref<!tpu.dma_semaphore, #tpu.memory_space<semaphore_mem>>) src(%dma_wait3A_423 : memref<8x128xf32, #tpu.memory_space<vmem>>) dst(%dma_wait3A_419 : memref<8x128xf32, #tpu.memory_space<hbm>>)
    %dma_wait3A_424 = arith.constant 6 : i32
    %dma_wait3A_425 = arith.constant 6 : i32
    %dma_wait3A_426 = arith.constant 0 : i32
    %dma_wait3A_427 = arith.constant 0 : i32
    %dma_wait3A_428 = tpu.memref_slice %arg12[%dma_wait3A_424, %dma_wait3A_426, %dma_wait3A_427] : memref<16x9x131xf32, #tpu.memory_space<vmem>> -> memref<1x8x128xf32, #tpu.memory_space<vmem>>
    %dma_wait3A_429 = tpu.memref_squeeze %dma_wait3A_428 : memref<1x8x128xf32, #tpu.memory_space<vmem>> -> memref<8x128xf32, #tpu.memory_space<vmem>>
    %dma_wait3A_430 = arith.constant 0 : i32
    %dma_wait3A_431 = arith.constant 0 : i32
    %dma_wait3A_432 = tpu.memref_slice %arg5[%dma_wait3A_425, %dma_wait3A_430, %dma_wait3A_431] : memref<20480x8x128xf32, #tpu.memory_space<hbm>> -> memref<1x8x128xf32, #tpu.memory_space<hbm>>
    %dma_wait3A_433 = tpu.memref_squeeze %dma_wait3A_432 : memref<1x8x128xf32, #tpu.memory_space<hbm>> -> memref<8x128xf32, #tpu.memory_space<hbm>>
    %dma_wait3A_434 = arith.constant 0 : i32
    %dma_wait3A_435 = arith.constant 0 : i32
    %dma_wait3A_436 = tpu.memref_slice %arg5[%dma_wait3A_425, %dma_wait3A_434, %dma_wait3A_435] : memref<20480x8x128xf32, #tpu.memory_space<hbm>> -> memref<1x8x128xf32, #tpu.memory_space<hbm>>
    %dma_wait3A_437 = tpu.memref_squeeze %dma_wait3A_436 : memref<1x8x128xf32, #tpu.memory_space<hbm>> -> memref<8x128xf32, #tpu.memory_space<hbm>>
    %dma_wait3A_438 = arith.constant 0 : i32
    %dma_wait3A_439 = arith.constant 0 : i32
    %dma_wait3A_440 = tpu.memref_slice %arg12[%dma_wait3A_424, %dma_wait3A_438, %dma_wait3A_439] : memref<16x9x131xf32, #tpu.memory_space<vmem>> -> memref<1x8x128xf32, #tpu.memory_space<vmem>>
    %dma_wait3A_441 = tpu.memref_squeeze %dma_wait3A_440 : memref<1x8x128xf32, #tpu.memory_space<vmem>> -> memref<8x128xf32, #tpu.memory_space<vmem>>
    tpu.wait_dma2 semaphore(%arg16 : memref<!tpu.dma_semaphore, #tpu.memory_space<semaphore_mem>>) src(%dma_wait3A_441 : memref<8x128xf32, #tpu.memory_space<vmem>>) dst(%dma_wait3A_437 : memref<8x128xf32, #tpu.memory_space<hbm>>)
    %dma_wait3A_442 = arith.constant 7 : i32
    %dma_wait3A_443 = arith.constant 7 : i32
    %dma_wait3A_444 = arith.constant 0 : i32
    %dma_wait3A_445 = arith.constant 0 : i32
    %dma_wait3A_446 = tpu.memref_slice %arg12[%dma_wait3A_442, %dma_wait3A_444, %dma_wait3A_445] : memref<16x9x131xf32, #tpu.memory_space<vmem>> -> memref<1x8x128xf32, #tpu.memory_space<vmem>>
    %dma_wait3A_447 = tpu.memref_squeeze %dma_wait3A_446 : memref<1x8x128xf32, #tpu.memory_space<vmem>> -> memref<8x128xf32, #tpu.memory_space<vmem>>
    %dma_wait3A_448 = arith.constant 0 : i32
    %dma_wait3A_449 = arith.constant 0 : i32
    %dma_wait3A_450 = tpu.memref_slice %arg5[%dma_wait3A_443, %dma_wait3A_448, %dma_wait3A_449] : memref<20480x8x128xf32, #tpu.memory_space<hbm>> -> memref<1x8x128xf32, #tpu.memory_space<hbm>>
    %dma_wait3A_451 = tpu.memref_squeeze %dma_wait3A_450 : memref<1x8x128xf32, #tpu.memory_space<hbm>> -> memref<8x128xf32, #tpu.memory_space<hbm>>
    %dma_wait3A_452 = arith.constant 0 : i32
    %dma_wait3A_453 = arith.constant 0 : i32
    %dma_wait3A_454 = tpu.memref_slice %arg5[%dma_wait3A_443, %dma_wait3A_452, %dma_wait3A_453] : memref<20480x8x128xf32, #tpu.memory_space<hbm>> -> memref<1x8x128xf32, #tpu.memory_space<hbm>>
    %dma_wait3A_455 = tpu.memref_squeeze %dma_wait3A_454 : memref<1x8x128xf32, #tpu.memory_space<hbm>> -> memref<8x128xf32, #tpu.memory_space<hbm>>
    %dma_wait3A_456 = arith.constant 0 : i32
    %dma_wait3A_457 = arith.constant 0 : i32
    %dma_wait3A_458 = tpu.memref_slice %arg12[%dma_wait3A_442, %dma_wait3A_456, %dma_wait3A_457] : memref<16x9x131xf32, #tpu.memory_space<vmem>> -> memref<1x8x128xf32, #tpu.memory_space<vmem>>
    %dma_wait3A_459 = tpu.memref_squeeze %dma_wait3A_458 : memref<1x8x128xf32, #tpu.memory_space<vmem>> -> memref<8x128xf32, #tpu.memory_space<vmem>>
    tpu.wait_dma2 semaphore(%arg16 : memref<!tpu.dma_semaphore, #tpu.memory_space<semaphore_mem>>) src(%dma_wait3A_459 : memref<8x128xf32, #tpu.memory_space<vmem>>) dst(%dma_wait3A_455 : memref<8x128xf32, #tpu.memory_space<hbm>>)
    %dma_wait3A_460 = arith.constant 8 : i32
    %dma_wait3A_461 = arith.constant 8 : i32
    %dma_wait3A_462 = arith.constant 0 : i32
    %dma_wait3A_463 = arith.constant 0 : i32
    %dma_wait3A_464 = tpu.memref_slice %arg12[%dma_wait3A_460, %dma_wait3A_462, %dma_wait3A_463] : memref<16x9x131xf32, #tpu.memory_space<vmem>> -> memref<1x8x128xf32, #tpu.memory_space<vmem>>
    %dma_wait3A_465 = tpu.memref_squeeze %dma_wait3A_464 : memref<1x8x128xf32, #tpu.memory_space<vmem>> -> memref<8x128xf32, #tpu.memory_space<vmem>>
    %dma_wait3A_466 = arith.constant 0 : i32
    %dma_wait3A_467 = arith.constant 0 : i32
    %dma_wait3A_468 = tpu.memref_slice %arg5[%dma_wait3A_461, %dma_wait3A_466, %dma_wait3A_467] : memref<20480x8x128xf32, #tpu.memory_space<hbm>> -> memref<1x8x128xf32, #tpu.memory_space<hbm>>
    %dma_wait3A_469 = tpu.memref_squeeze %dma_wait3A_468 : memref<1x8x128xf32, #tpu.memory_space<hbm>> -> memref<8x128xf32, #tpu.memory_space<hbm>>
    %dma_wait3A_470 = arith.constant 0 : i32
    %dma_wait3A_471 = arith.constant 0 : i32
    %dma_wait3A_472 = tpu.memref_slice %arg5[%dma_wait3A_461, %dma_wait3A_470, %dma_wait3A_471] : memref<20480x8x128xf32, #tpu.memory_space<hbm>> -> memref<1x8x128xf32, #tpu.memory_space<hbm>>
    %dma_wait3A_473 = tpu.memref_squeeze %dma_wait3A_472 : memref<1x8x128xf32, #tpu.memory_space<hbm>> -> memref<8x128xf32, #tpu.memory_space<hbm>>
    %dma_wait3A_474 = arith.constant 0 : i32
    %dma_wait3A_475 = arith.constant 0 : i32
    %dma_wait3A_476 = tpu.memref_slice %arg12[%dma_wait3A_460, %dma_wait3A_474, %dma_wait3A_475] : memref<16x9x131xf32, #tpu.memory_space<vmem>> -> memref<1x8x128xf32, #tpu.memory_space<vmem>>
    %dma_wait3A_477 = tpu.memref_squeeze %dma_wait3A_476 : memref<1x8x128xf32, #tpu.memory_space<vmem>> -> memref<8x128xf32, #tpu.memory_space<vmem>>
    tpu.wait_dma2 semaphore(%arg16 : memref<!tpu.dma_semaphore, #tpu.memory_space<semaphore_mem>>) src(%dma_wait3A_477 : memref<8x128xf32, #tpu.memory_space<vmem>>) dst(%dma_wait3A_473 : memref<8x128xf32, #tpu.memory_space<hbm>>)
    %dma_wait3A_478 = arith.constant 9 : i32
    %dma_wait3A_479 = arith.constant 9 : i32
    %dma_wait3A_480 = arith.constant 0 : i32
    %dma_wait3A_481 = arith.constant 0 : i32
    %dma_wait3A_482 = tpu.memref_slice %arg12[%dma_wait3A_478, %dma_wait3A_480, %dma_wait3A_481] : memref<16x9x131xf32, #tpu.memory_space<vmem>> -> memref<1x8x128xf32, #tpu.memory_space<vmem>>
    %dma_wait3A_483 = tpu.memref_squeeze %dma_wait3A_482 : memref<1x8x128xf32, #tpu.memory_space<vmem>> -> memref<8x128xf32, #tpu.memory_space<vmem>>
    %dma_wait3A_484 = arith.constant 0 : i32
    %dma_wait3A_485 = arith.constant 0 : i32
    %dma_wait3A_486 = tpu.memref_slice %arg5[%dma_wait3A_479, %dma_wait3A_484, %dma_wait3A_485] : memref<20480x8x128xf32, #tpu.memory_space<hbm>> -> memref<1x8x128xf32, #tpu.memory_space<hbm>>
    %dma_wait3A_487 = tpu.memref_squeeze %dma_wait3A_486 : memref<1x8x128xf32, #tpu.memory_space<hbm>> -> memref<8x128xf32, #tpu.memory_space<hbm>>
    %dma_wait3A_488 = arith.constant 0 : i32
    %dma_wait3A_489 = arith.constant 0 : i32
    %dma_wait3A_490 = tpu.memref_slice %arg5[%dma_wait3A_479, %dma_wait3A_488, %dma_wait3A_489] : memref<20480x8x128xf32, #tpu.memory_space<hbm>> -> memref<1x8x128xf32, #tpu.memory_space<hbm>>
    %dma_wait3A_491 = tpu.memref_squeeze %dma_wait3A_490 : memref<1x8x128xf32, #tpu.memory_space<hbm>> -> memref<8x128xf32, #tpu.memory_space<hbm>>
    %dma_wait3A_492 = arith.constant 0 : i32
    %dma_wait3A_493 = arith.constant 0 : i32
    %dma_wait3A_494 = tpu.memref_slice %arg12[%dma_wait3A_478, %dma_wait3A_492, %dma_wait3A_493] : memref<16x9x131xf32, #tpu.memory_space<vmem>> -> memref<1x8x128xf32, #tpu.memory_space<vmem>>
    %dma_wait3A_495 = tpu.memref_squeeze %dma_wait3A_494 : memref<1x8x128xf32, #tpu.memory_space<vmem>> -> memref<8x128xf32, #tpu.memory_space<vmem>>
    tpu.wait_dma2 semaphore(%arg16 : memref<!tpu.dma_semaphore, #tpu.memory_space<semaphore_mem>>) src(%dma_wait3A_495 : memref<8x128xf32, #tpu.memory_space<vmem>>) dst(%dma_wait3A_491 : memref<8x128xf32, #tpu.memory_space<hbm>>)
    %dma_wait3A_496 = arith.constant 10 : i32
    %dma_wait3A_497 = arith.constant 10 : i32
    %dma_wait3A_498 = arith.constant 0 : i32
    %dma_wait3A_499 = arith.constant 0 : i32
    %dma_wait3A_500 = tpu.memref_slice %arg12[%dma_wait3A_496, %dma_wait3A_498, %dma_wait3A_499] : memref<16x9x131xf32, #tpu.memory_space<vmem>> -> memref<1x8x128xf32, #tpu.memory_space<vmem>>
    %dma_wait3A_501 = tpu.memref_squeeze %dma_wait3A_500 : memref<1x8x128xf32, #tpu.memory_space<vmem>> -> memref<8x128xf32, #tpu.memory_space<vmem>>
    %dma_wait3A_502 = arith.constant 0 : i32
    %dma_wait3A_503 = arith.constant 0 : i32
    %dma_wait3A_504 = tpu.memref_slice %arg5[%dma_wait3A_497, %dma_wait3A_502, %dma_wait3A_503] : memref<20480x8x128xf32, #tpu.memory_space<hbm>> -> memref<1x8x128xf32, #tpu.memory_space<hbm>>
    %dma_wait3A_505 = tpu.memref_squeeze %dma_wait3A_504 : memref<1x8x128xf32, #tpu.memory_space<hbm>> -> memref<8x128xf32, #tpu.memory_space<hbm>>
    %dma_wait3A_506 = arith.constant 0 : i32
    %dma_wait3A_507 = arith.constant 0 : i32
    %dma_wait3A_508 = tpu.memref_slice %arg5[%dma_wait3A_497, %dma_wait3A_506, %dma_wait3A_507] : memref<20480x8x128xf32, #tpu.memory_space<hbm>> -> memref<1x8x128xf32, #tpu.memory_space<hbm>>
    %dma_wait3A_509 = tpu.memref_squeeze %dma_wait3A_508 : memref<1x8x128xf32, #tpu.memory_space<hbm>> -> memref<8x128xf32, #tpu.memory_space<hbm>>
    %dma_wait3A_510 = arith.constant 0 : i32
    %dma_wait3A_511 = arith.constant 0 : i32
    %dma_wait3A_512 = tpu.memref_slice %arg12[%dma_wait3A_496, %dma_wait3A_510, %dma_wait3A_511] : memref<16x9x131xf32, #tpu.memory_space<vmem>> -> memref<1x8x128xf32, #tpu.memory_space<vmem>>
    %dma_wait3A_513 = tpu.memref_squeeze %dma_wait3A_512 : memref<1x8x128xf32, #tpu.memory_space<vmem>> -> memref<8x128xf32, #tpu.memory_space<vmem>>
    tpu.wait_dma2 semaphore(%arg16 : memref<!tpu.dma_semaphore, #tpu.memory_space<semaphore_mem>>) src(%dma_wait3A_513 : memref<8x128xf32, #tpu.memory_space<vmem>>) dst(%dma_wait3A_509 : memref<8x128xf32, #tpu.memory_space<hbm>>)
    %dma_wait3A_514 = arith.constant 11 : i32
    %dma_wait3A_515 = arith.constant 11 : i32
    %dma_wait3A_516 = arith.constant 0 : i32
    %dma_wait3A_517 = arith.constant 0 : i32
    %dma_wait3A_518 = tpu.memref_slice %arg12[%dma_wait3A_514, %dma_wait3A_516, %dma_wait3A_517] : memref<16x9x131xf32, #tpu.memory_space<vmem>> -> memref<1x8x128xf32, #tpu.memory_space<vmem>>
    %dma_wait3A_519 = tpu.memref_squeeze %dma_wait3A_518 : memref<1x8x128xf32, #tpu.memory_space<vmem>> -> memref<8x128xf32, #tpu.memory_space<vmem>>
    %dma_wait3A_520 = arith.constant 0 : i32
    %dma_wait3A_521 = arith.constant 0 : i32
    %dma_wait3A_522 = tpu.memref_slice %arg5[%dma_wait3A_515, %dma_wait3A_520, %dma_wait3A_521] : memref<20480x8x128xf32, #tpu.memory_space<hbm>> -> memref<1x8x128xf32, #tpu.memory_space<hbm>>
    %dma_wait3A_523 = tpu.memref_squeeze %dma_wait3A_522 : memref<1x8x128xf32, #tpu.memory_space<hbm>> -> memref<8x128xf32, #tpu.memory_space<hbm>>
    %dma_wait3A_524 = arith.constant 0 : i32
    %dma_wait3A_525 = arith.constant 0 : i32
    %dma_wait3A_526 = tpu.memref_slice %arg5[%dma_wait3A_515, %dma_wait3A_524, %dma_wait3A_525] : memref<20480x8x128xf32, #tpu.memory_space<hbm>> -> memref<1x8x128xf32, #tpu.memory_space<hbm>>
    %dma_wait3A_527 = tpu.memref_squeeze %dma_wait3A_526 : memref<1x8x128xf32, #tpu.memory_space<hbm>> -> memref<8x128xf32, #tpu.memory_space<hbm>>
    %dma_wait3A_528 = arith.constant 0 : i32
    %dma_wait3A_529 = arith.constant 0 : i32
    %dma_wait3A_530 = tpu.memref_slice %arg12[%dma_wait3A_514, %dma_wait3A_528, %dma_wait3A_529] : memref<16x9x131xf32, #tpu.memory_space<vmem>> -> memref<1x8x128xf32, #tpu.memory_space<vmem>>
    %dma_wait3A_531 = tpu.memref_squeeze %dma_wait3A_530 : memref<1x8x128xf32, #tpu.memory_space<vmem>> -> memref<8x128xf32, #tpu.memory_space<vmem>>
    tpu.wait_dma2 semaphore(%arg16 : memref<!tpu.dma_semaphore, #tpu.memory_space<semaphore_mem>>) src(%dma_wait3A_531 : memref<8x128xf32, #tpu.memory_space<vmem>>) dst(%dma_wait3A_527 : memref<8x128xf32, #tpu.memory_space<hbm>>)
    %dma_wait3A_532 = arith.constant 12 : i32
    %dma_wait3A_533 = arith.constant 12 : i32
    %dma_wait3A_534 = arith.constant 0 : i32
    %dma_wait3A_535 = arith.constant 0 : i32
    %dma_wait3A_536 = tpu.memref_slice %arg12[%dma_wait3A_532, %dma_wait3A_534, %dma_wait3A_535] : memref<16x9x131xf32, #tpu.memory_space<vmem>> -> memref<1x8x128xf32, #tpu.memory_space<vmem>>
    %dma_wait3A_537 = tpu.memref_squeeze %dma_wait3A_536 : memref<1x8x128xf32, #tpu.memory_space<vmem>> -> memref<8x128xf32, #tpu.memory_space<vmem>>
    %dma_wait3A_538 = arith.constant 0 : i32
    %dma_wait3A_539 = arith.constant 0 : i32
    %dma_wait3A_540 = tpu.memref_slice %arg5[%dma_wait3A_533, %dma_wait3A_538, %dma_wait3A_539] : memref<20480x8x128xf32, #tpu.memory_space<hbm>> -> memref<1x8x128xf32, #tpu.memory_space<hbm>>
    %dma_wait3A_541 = tpu.memref_squeeze %dma_wait3A_540 : memref<1x8x128xf32, #tpu.memory_space<hbm>> -> memref<8x128xf32, #tpu.memory_space<hbm>>
    %dma_wait3A_542 = arith.constant 0 : i32
    %dma_wait3A_543 = arith.constant 0 : i32
    %dma_wait3A_544 = tpu.memref_slice %arg5[%dma_wait3A_533, %dma_wait3A_542, %dma_wait3A_543] : memref<20480x8x128xf32, #tpu.memory_space<hbm>> -> memref<1x8x128xf32, #tpu.memory_space<hbm>>
    %dma_wait3A_545 = tpu.memref_squeeze %dma_wait3A_544 : memref<1x8x128xf32, #tpu.memory_space<hbm>> -> memref<8x128xf32, #tpu.memory_space<hbm>>
    %dma_wait3A_546 = arith.constant 0 : i32
    %dma_wait3A_547 = arith.constant 0 : i32
    %dma_wait3A_548 = tpu.memref_slice %arg12[%dma_wait3A_532, %dma_wait3A_546, %dma_wait3A_547] : memref<16x9x131xf32, #tpu.memory_space<vmem>> -> memref<1x8x128xf32, #tpu.memory_space<vmem>>
    %dma_wait3A_549 = tpu.memref_squeeze %dma_wait3A_548 : memref<1x8x128xf32, #tpu.memory_space<vmem>> -> memref<8x128xf32, #tpu.memory_space<vmem>>
    tpu.wait_dma2 semaphore(%arg16 : memref<!tpu.dma_semaphore, #tpu.memory_space<semaphore_mem>>) src(%dma_wait3A_549 : memref<8x128xf32, #tpu.memory_space<vmem>>) dst(%dma_wait3A_545 : memref<8x128xf32, #tpu.memory_space<hbm>>)
    %dma_wait3A_550 = arith.constant 13 : i32
    %dma_wait3A_551 = arith.constant 13 : i32
    %dma_wait3A_552 = arith.constant 0 : i32
    %dma_wait3A_553 = arith.constant 0 : i32
    %dma_wait3A_554 = tpu.memref_slice %arg12[%dma_wait3A_550, %dma_wait3A_552, %dma_wait3A_553] : memref<16x9x131xf32, #tpu.memory_space<vmem>> -> memref<1x8x128xf32, #tpu.memory_space<vmem>>
    %dma_wait3A_555 = tpu.memref_squeeze %dma_wait3A_554 : memref<1x8x128xf32, #tpu.memory_space<vmem>> -> memref<8x128xf32, #tpu.memory_space<vmem>>
    %dma_wait3A_556 = arith.constant 0 : i32
    %dma_wait3A_557 = arith.constant 0 : i32
    %dma_wait3A_558 = tpu.memref_slice %arg5[%dma_wait3A_551, %dma_wait3A_556, %dma_wait3A_557] : memref<20480x8x128xf32, #tpu.memory_space<hbm>> -> memref<1x8x128xf32, #tpu.memory_space<hbm>>
    %dma_wait3A_559 = tpu.memref_squeeze %dma_wait3A_558 : memref<1x8x128xf32, #tpu.memory_space<hbm>> -> memref<8x128xf32, #tpu.memory_space<hbm>>
    %dma_wait3A_560 = arith.constant 0 : i32
    %dma_wait3A_561 = arith.constant 0 : i32
    %dma_wait3A_562 = tpu.memref_slice %arg5[%dma_wait3A_551, %dma_wait3A_560, %dma_wait3A_561] : memref<20480x8x128xf32, #tpu.memory_space<hbm>> -> memref<1x8x128xf32, #tpu.memory_space<hbm>>
    %dma_wait3A_563 = tpu.memref_squeeze %dma_wait3A_562 : memref<1x8x128xf32, #tpu.memory_space<hbm>> -> memref<8x128xf32, #tpu.memory_space<hbm>>
    %dma_wait3A_564 = arith.constant 0 : i32
    %dma_wait3A_565 = arith.constant 0 : i32
    %dma_wait3A_566 = tpu.memref_slice %arg12[%dma_wait3A_550, %dma_wait3A_564, %dma_wait3A_565] : memref<16x9x131xf32, #tpu.memory_space<vmem>> -> memref<1x8x128xf32, #tpu.memory_space<vmem>>
    %dma_wait3A_567 = tpu.memref_squeeze %dma_wait3A_566 : memref<1x8x128xf32, #tpu.memory_space<vmem>> -> memref<8x128xf32, #tpu.memory_space<vmem>>
    tpu.wait_dma2 semaphore(%arg16 : memref<!tpu.dma_semaphore, #tpu.memory_space<semaphore_mem>>) src(%dma_wait3A_567 : memref<8x128xf32, #tpu.memory_space<vmem>>) dst(%dma_wait3A_563 : memref<8x128xf32, #tpu.memory_space<hbm>>)
    %dma_wait3A_568 = arith.constant 14 : i32
    %dma_wait3A_569 = arith.constant 14 : i32
    %dma_wait3A_570 = arith.constant 0 : i32
    %dma_wait3A_571 = arith.constant 0 : i32
    %dma_wait3A_572 = tpu.memref_slice %arg12[%dma_wait3A_568, %dma_wait3A_570, %dma_wait3A_571] : memref<16x9x131xf32, #tpu.memory_space<vmem>> -> memref<1x8x128xf32, #tpu.memory_space<vmem>>
    %dma_wait3A_573 = tpu.memref_squeeze %dma_wait3A_572 : memref<1x8x128xf32, #tpu.memory_space<vmem>> -> memref<8x128xf32, #tpu.memory_space<vmem>>
    %dma_wait3A_574 = arith.constant 0 : i32
    %dma_wait3A_575 = arith.constant 0 : i32
    %dma_wait3A_576 = tpu.memref_slice %arg5[%dma_wait3A_569, %dma_wait3A_574, %dma_wait3A_575] : memref<20480x8x128xf32, #tpu.memory_space<hbm>> -> memref<1x8x128xf32, #tpu.memory_space<hbm>>
    %dma_wait3A_577 = tpu.memref_squeeze %dma_wait3A_576 : memref<1x8x128xf32, #tpu.memory_space<hbm>> -> memref<8x128xf32, #tpu.memory_space<hbm>>
    %dma_wait3A_578 = arith.constant 0 : i32
    %dma_wait3A_579 = arith.constant 0 : i32
    %dma_wait3A_580 = tpu.memref_slice %arg5[%dma_wait3A_569, %dma_wait3A_578, %dma_wait3A_579] : memref<20480x8x128xf32, #tpu.memory_space<hbm>> -> memref<1x8x128xf32, #tpu.memory_space<hbm>>
    %dma_wait3A_581 = tpu.memref_squeeze %dma_wait3A_580 : memref<1x8x128xf32, #tpu.memory_space<hbm>> -> memref<8x128xf32, #tpu.memory_space<hbm>>
    %dma_wait3A_582 = arith.constant 0 : i32
    %dma_wait3A_583 = arith.constant 0 : i32
    %dma_wait3A_584 = tpu.memref_slice %arg12[%dma_wait3A_568, %dma_wait3A_582, %dma_wait3A_583] : memref<16x9x131xf32, #tpu.memory_space<vmem>> -> memref<1x8x128xf32, #tpu.memory_space<vmem>>
    %dma_wait3A_585 = tpu.memref_squeeze %dma_wait3A_584 : memref<1x8x128xf32, #tpu.memory_space<vmem>> -> memref<8x128xf32, #tpu.memory_space<vmem>>
    tpu.wait_dma2 semaphore(%arg16 : memref<!tpu.dma_semaphore, #tpu.memory_space<semaphore_mem>>) src(%dma_wait3A_585 : memref<8x128xf32, #tpu.memory_space<vmem>>) dst(%dma_wait3A_581 : memref<8x128xf32, #tpu.memory_space<hbm>>)
    %dma_wait3A_586 = arith.constant 15 : i32
    %dma_wait3A_587 = arith.constant 15 : i32
    %dma_wait3A_588 = arith.constant 0 : i32
    %dma_wait3A_589 = arith.constant 0 : i32
    %dma_wait3A_590 = tpu.memref_slice %arg12[%dma_wait3A_586, %dma_wait3A_588, %dma_wait3A_589] : memref<16x9x131xf32, #tpu.memory_space<vmem>> -> memref<1x8x128xf32, #tpu.memory_space<vmem>>
    %dma_wait3A_591 = tpu.memref_squeeze %dma_wait3A_590 : memref<1x8x128xf32, #tpu.memory_space<vmem>> -> memref<8x128xf32, #tpu.memory_space<vmem>>
    %dma_wait3A_592 = arith.constant 0 : i32
    %dma_wait3A_593 = arith.constant 0 : i32
    %dma_wait3A_594 = tpu.memref_slice %arg5[%dma_wait3A_587, %dma_wait3A_592, %dma_wait3A_593] : memref<20480x8x128xf32, #tpu.memory_space<hbm>> -> memref<1x8x128xf32, #tpu.memory_space<hbm>>
    %dma_wait3A_595 = tpu.memref_squeeze %dma_wait3A_594 : memref<1x8x128xf32, #tpu.memory_space<hbm>> -> memref<8x128xf32, #tpu.memory_space<hbm>>
    %dma_wait3A_596 = arith.constant 0 : i32
    %dma_wait3A_597 = arith.constant 0 : i32
    %dma_wait3A_598 = tpu.memref_slice %arg5[%dma_wait3A_587, %dma_wait3A_596, %dma_wait3A_597] : memref<20480x8x128xf32, #tpu.memory_space<hbm>> -> memref<1x8x128xf32, #tpu.memory_space<hbm>>
    %dma_wait3A_599 = tpu.memref_squeeze %dma_wait3A_598 : memref<1x8x128xf32, #tpu.memory_space<hbm>> -> memref<8x128xf32, #tpu.memory_space<hbm>>
    %dma_wait3A_600 = arith.constant 0 : i32
    %dma_wait3A_601 = arith.constant 0 : i32
    %dma_wait3A_602 = tpu.memref_slice %arg12[%dma_wait3A_586, %dma_wait3A_600, %dma_wait3A_601] : memref<16x9x131xf32, #tpu.memory_space<vmem>> -> memref<1x8x128xf32, #tpu.memory_space<vmem>>
    %dma_wait3A_603 = tpu.memref_squeeze %dma_wait3A_602 : memref<1x8x128xf32, #tpu.memory_space<vmem>> -> memref<8x128xf32, #tpu.memory_space<vmem>>
    tpu.wait_dma2 semaphore(%arg16 : memref<!tpu.dma_semaphore, #tpu.memory_space<semaphore_mem>>) src(%dma_wait3A_603 : memref<8x128xf32, #tpu.memory_space<vmem>>) dst(%dma_wait3A_599 : memref<8x128xf32, #tpu.memory_space<hbm>>)
    %dma_wait3A_604 = arith.constant 0 : i32
    %dma_wait3A_605 = arith.constant 0 : i32
    %dma_wait3A_606 = arith.constant 0 : i32
    %dma_wait3A_607 = arith.constant 0 : i32
    %dma_wait3A_608 = tpu.memref_slice %arg13[%dma_wait3A_604, %dma_wait3A_606, %dma_wait3A_607] : memref<16x9x131xf32, #tpu.memory_space<vmem>> -> memref<1x8x128xf32, #tpu.memory_space<vmem>>
    %dma_wait3A_609 = tpu.memref_squeeze %dma_wait3A_608 : memref<1x8x128xf32, #tpu.memory_space<vmem>> -> memref<8x128xf32, #tpu.memory_space<vmem>>
    %dma_wait3A_610 = arith.constant 0 : i32
    %dma_wait3A_611 = arith.constant 0 : i32
    %dma_wait3A_612 = tpu.memref_slice %arg5[%dma_wait3A_605, %dma_wait3A_610, %dma_wait3A_611] : memref<20480x8x128xf32, #tpu.memory_space<hbm>> -> memref<1x8x128xf32, #tpu.memory_space<hbm>>
    %dma_wait3A_613 = tpu.memref_squeeze %dma_wait3A_612 : memref<1x8x128xf32, #tpu.memory_space<hbm>> -> memref<8x128xf32, #tpu.memory_space<hbm>>
    %dma_wait3A_614 = arith.constant 0 : i32
    %dma_wait3A_615 = arith.constant 0 : i32
    %dma_wait3A_616 = tpu.memref_slice %arg5[%dma_wait3A_605, %dma_wait3A_614, %dma_wait3A_615] : memref<20480x8x128xf32, #tpu.memory_space<hbm>> -> memref<1x8x128xf32, #tpu.memory_space<hbm>>
    %dma_wait3A_617 = tpu.memref_squeeze %dma_wait3A_616 : memref<1x8x128xf32, #tpu.memory_space<hbm>> -> memref<8x128xf32, #tpu.memory_space<hbm>>
    %dma_wait3A_618 = arith.constant 0 : i32
    %dma_wait3A_619 = arith.constant 0 : i32
    %dma_wait3A_620 = tpu.memref_slice %arg13[%dma_wait3A_604, %dma_wait3A_618, %dma_wait3A_619] : memref<16x9x131xf32, #tpu.memory_space<vmem>> -> memref<1x8x128xf32, #tpu.memory_space<vmem>>
    %dma_wait3A_621 = tpu.memref_squeeze %dma_wait3A_620 : memref<1x8x128xf32, #tpu.memory_space<vmem>> -> memref<8x128xf32, #tpu.memory_space<vmem>>
    tpu.wait_dma2 semaphore(%arg17 : memref<!tpu.dma_semaphore, #tpu.memory_space<semaphore_mem>>) src(%dma_wait3A_621 : memref<8x128xf32, #tpu.memory_space<vmem>>) dst(%dma_wait3A_617 : memref<8x128xf32, #tpu.memory_space<hbm>>)
    %dma_wait3A_622 = arith.constant 1 : i32
    %dma_wait3A_623 = arith.constant 1 : i32
    %dma_wait3A_624 = arith.constant 0 : i32
    %dma_wait3A_625 = arith.constant 0 : i32
    %dma_wait3A_626 = tpu.memref_slice %arg13[%dma_wait3A_622, %dma_wait3A_624, %dma_wait3A_625] : memref<16x9x131xf32, #tpu.memory_space<vmem>> -> memref<1x8x128xf32, #tpu.memory_space<vmem>>
    %dma_wait3A_627 = tpu.memref_squeeze %dma_wait3A_626 : memref<1x8x128xf32, #tpu.memory_space<vmem>> -> memref<8x128xf32, #tpu.memory_space<vmem>>
    %dma_wait3A_628 = arith.constant 0 : i32
    %dma_wait3A_629 = arith.constant 0 : i32
    %dma_wait3A_630 = tpu.memref_slice %arg5[%dma_wait3A_623, %dma_wait3A_628, %dma_wait3A_629] : memref<20480x8x128xf32, #tpu.memory_space<hbm>> -> memref<1x8x128xf32, #tpu.memory_space<hbm>>
    %dma_wait3A_631 = tpu.memref_squeeze %dma_wait3A_630 : memref<1x8x128xf32, #tpu.memory_space<hbm>> -> memref<8x128xf32, #tpu.memory_space<hbm>>
    %dma_wait3A_632 = arith.constant 0 : i32
    %dma_wait3A_633 = arith.constant 0 : i32
    %dma_wait3A_634 = tpu.memref_slice %arg5[%dma_wait3A_623, %dma_wait3A_632, %dma_wait3A_633] : memref<20480x8x128xf32, #tpu.memory_space<hbm>> -> memref<1x8x128xf32, #tpu.memory_space<hbm>>
    %dma_wait3A_635 = tpu.memref_squeeze %dma_wait3A_634 : memref<1x8x128xf32, #tpu.memory_space<hbm>> -> memref<8x128xf32, #tpu.memory_space<hbm>>
    %dma_wait3A_636 = arith.constant 0 : i32
    %dma_wait3A_637 = arith.constant 0 : i32
    %dma_wait3A_638 = tpu.memref_slice %arg13[%dma_wait3A_622, %dma_wait3A_636, %dma_wait3A_637] : memref<16x9x131xf32, #tpu.memory_space<vmem>> -> memref<1x8x128xf32, #tpu.memory_space<vmem>>
    %dma_wait3A_639 = tpu.memref_squeeze %dma_wait3A_638 : memref<1x8x128xf32, #tpu.memory_space<vmem>> -> memref<8x128xf32, #tpu.memory_space<vmem>>
    tpu.wait_dma2 semaphore(%arg17 : memref<!tpu.dma_semaphore, #tpu.memory_space<semaphore_mem>>) src(%dma_wait3A_639 : memref<8x128xf32, #tpu.memory_space<vmem>>) dst(%dma_wait3A_635 : memref<8x128xf32, #tpu.memory_space<hbm>>)
    %dma_wait3A_640 = arith.constant 2 : i32
    %dma_wait3A_641 = arith.constant 2 : i32
    %dma_wait3A_642 = arith.constant 0 : i32
    %dma_wait3A_643 = arith.constant 0 : i32
    %dma_wait3A_644 = tpu.memref_slice %arg13[%dma_wait3A_640, %dma_wait3A_642, %dma_wait3A_643] : memref<16x9x131xf32, #tpu.memory_space<vmem>> -> memref<1x8x128xf32, #tpu.memory_space<vmem>>
    %dma_wait3A_645 = tpu.memref_squeeze %dma_wait3A_644 : memref<1x8x128xf32, #tpu.memory_space<vmem>> -> memref<8x128xf32, #tpu.memory_space<vmem>>
    %dma_wait3A_646 = arith.constant 0 : i32
    %dma_wait3A_647 = arith.constant 0 : i32
    %dma_wait3A_648 = tpu.memref_slice %arg5[%dma_wait3A_641, %dma_wait3A_646, %dma_wait3A_647] : memref<20480x8x128xf32, #tpu.memory_space<hbm>> -> memref<1x8x128xf32, #tpu.memory_space<hbm>>
    %dma_wait3A_649 = tpu.memref_squeeze %dma_wait3A_648 : memref<1x8x128xf32, #tpu.memory_space<hbm>> -> memref<8x128xf32, #tpu.memory_space<hbm>>
    %dma_wait3A_650 = arith.constant 0 : i32
    %dma_wait3A_651 = arith.constant 0 : i32
    %dma_wait3A_652 = tpu.memref_slice %arg5[%dma_wait3A_641, %dma_wait3A_650, %dma_wait3A_651] : memref<20480x8x128xf32, #tpu.memory_space<hbm>> -> memref<1x8x128xf32, #tpu.memory_space<hbm>>
    %dma_wait3A_653 = tpu.memref_squeeze %dma_wait3A_652 : memref<1x8x128xf32, #tpu.memory_space<hbm>> -> memref<8x128xf32, #tpu.memory_space<hbm>>
    %dma_wait3A_654 = arith.constant 0 : i32
    %dma_wait3A_655 = arith.constant 0 : i32
    %dma_wait3A_656 = tpu.memref_slice %arg13[%dma_wait3A_640, %dma_wait3A_654, %dma_wait3A_655] : memref<16x9x131xf32, #tpu.memory_space<vmem>> -> memref<1x8x128xf32, #tpu.memory_space<vmem>>
    %dma_wait3A_657 = tpu.memref_squeeze %dma_wait3A_656 : memref<1x8x128xf32, #tpu.memory_space<vmem>> -> memref<8x128xf32, #tpu.memory_space<vmem>>
    tpu.wait_dma2 semaphore(%arg17 : memref<!tpu.dma_semaphore, #tpu.memory_space<semaphore_mem>>) src(%dma_wait3A_657 : memref<8x128xf32, #tpu.memory_space<vmem>>) dst(%dma_wait3A_653 : memref<8x128xf32, #tpu.memory_space<hbm>>)
    %dma_wait3A_658 = arith.constant 3 : i32
    %dma_wait3A_659 = arith.constant 3 : i32
    %dma_wait3A_660 = arith.constant 0 : i32
    %dma_wait3A_661 = arith.constant 0 : i32
    %dma_wait3A_662 = tpu.memref_slice %arg13[%dma_wait3A_658, %dma_wait3A_660, %dma_wait3A_661] : memref<16x9x131xf32, #tpu.memory_space<vmem>> -> memref<1x8x128xf32, #tpu.memory_space<vmem>>
    %dma_wait3A_663 = tpu.memref_squeeze %dma_wait3A_662 : memref<1x8x128xf32, #tpu.memory_space<vmem>> -> memref<8x128xf32, #tpu.memory_space<vmem>>
    %dma_wait3A_664 = arith.constant 0 : i32
    %dma_wait3A_665 = arith.constant 0 : i32
    %dma_wait3A_666 = tpu.memref_slice %arg5[%dma_wait3A_659, %dma_wait3A_664, %dma_wait3A_665] : memref<20480x8x128xf32, #tpu.memory_space<hbm>> -> memref<1x8x128xf32, #tpu.memory_space<hbm>>
    %dma_wait3A_667 = tpu.memref_squeeze %dma_wait3A_666 : memref<1x8x128xf32, #tpu.memory_space<hbm>> -> memref<8x128xf32, #tpu.memory_space<hbm>>
    %dma_wait3A_668 = arith.constant 0 : i32
    %dma_wait3A_669 = arith.constant 0 : i32
    %dma_wait3A_670 = tpu.memref_slice %arg5[%dma_wait3A_659, %dma_wait3A_668, %dma_wait3A_669] : memref<20480x8x128xf32, #tpu.memory_space<hbm>> -> memref<1x8x128xf32, #tpu.memory_space<hbm>>
    %dma_wait3A_671 = tpu.memref_squeeze %dma_wait3A_670 : memref<1x8x128xf32, #tpu.memory_space<hbm>> -> memref<8x128xf32, #tpu.memory_space<hbm>>
    %dma_wait3A_672 = arith.constant 0 : i32
    %dma_wait3A_673 = arith.constant 0 : i32
    %dma_wait3A_674 = tpu.memref_slice %arg13[%dma_wait3A_658, %dma_wait3A_672, %dma_wait3A_673] : memref<16x9x131xf32, #tpu.memory_space<vmem>> -> memref<1x8x128xf32, #tpu.memory_space<vmem>>
    %dma_wait3A_675 = tpu.memref_squeeze %dma_wait3A_674 : memref<1x8x128xf32, #tpu.memory_space<vmem>> -> memref<8x128xf32, #tpu.memory_space<vmem>>
    tpu.wait_dma2 semaphore(%arg17 : memref<!tpu.dma_semaphore, #tpu.memory_space<semaphore_mem>>) src(%dma_wait3A_675 : memref<8x128xf32, #tpu.memory_space<vmem>>) dst(%dma_wait3A_671 : memref<8x128xf32, #tpu.memory_space<hbm>>)
    %dma_wait3A_676 = arith.constant 4 : i32
    %dma_wait3A_677 = arith.constant 4 : i32
    %dma_wait3A_678 = arith.constant 0 : i32
    %dma_wait3A_679 = arith.constant 0 : i32
    %dma_wait3A_680 = tpu.memref_slice %arg13[%dma_wait3A_676, %dma_wait3A_678, %dma_wait3A_679] : memref<16x9x131xf32, #tpu.memory_space<vmem>> -> memref<1x8x128xf32, #tpu.memory_space<vmem>>
    %dma_wait3A_681 = tpu.memref_squeeze %dma_wait3A_680 : memref<1x8x128xf32, #tpu.memory_space<vmem>> -> memref<8x128xf32, #tpu.memory_space<vmem>>
    %dma_wait3A_682 = arith.constant 0 : i32
    %dma_wait3A_683 = arith.constant 0 : i32
    %dma_wait3A_684 = tpu.memref_slice %arg5[%dma_wait3A_677, %dma_wait3A_682, %dma_wait3A_683] : memref<20480x8x128xf32, #tpu.memory_space<hbm>> -> memref<1x8x128xf32, #tpu.memory_space<hbm>>
    %dma_wait3A_685 = tpu.memref_squeeze %dma_wait3A_684 : memref<1x8x128xf32, #tpu.memory_space<hbm>> -> memref<8x128xf32, #tpu.memory_space<hbm>>
    %dma_wait3A_686 = arith.constant 0 : i32
    %dma_wait3A_687 = arith.constant 0 : i32
    %dma_wait3A_688 = tpu.memref_slice %arg5[%dma_wait3A_677, %dma_wait3A_686, %dma_wait3A_687] : memref<20480x8x128xf32, #tpu.memory_space<hbm>> -> memref<1x8x128xf32, #tpu.memory_space<hbm>>
    %dma_wait3A_689 = tpu.memref_squeeze %dma_wait3A_688 : memref<1x8x128xf32, #tpu.memory_space<hbm>> -> memref<8x128xf32, #tpu.memory_space<hbm>>
    %dma_wait3A_690 = arith.constant 0 : i32
    %dma_wait3A_691 = arith.constant 0 : i32
    %dma_wait3A_692 = tpu.memref_slice %arg13[%dma_wait3A_676, %dma_wait3A_690, %dma_wait3A_691] : memref<16x9x131xf32, #tpu.memory_space<vmem>> -> memref<1x8x128xf32, #tpu.memory_space<vmem>>
    %dma_wait3A_693 = tpu.memref_squeeze %dma_wait3A_692 : memref<1x8x128xf32, #tpu.memory_space<vmem>> -> memref<8x128xf32, #tpu.memory_space<vmem>>
    tpu.wait_dma2 semaphore(%arg17 : memref<!tpu.dma_semaphore, #tpu.memory_space<semaphore_mem>>) src(%dma_wait3A_693 : memref<8x128xf32, #tpu.memory_space<vmem>>) dst(%dma_wait3A_689 : memref<8x128xf32, #tpu.memory_space<hbm>>)
    %dma_wait3A_694 = arith.constant 5 : i32
    %dma_wait3A_695 = arith.constant 5 : i32
    %dma_wait3A_696 = arith.constant 0 : i32
    %dma_wait3A_697 = arith.constant 0 : i32
    %dma_wait3A_698 = tpu.memref_slice %arg13[%dma_wait3A_694, %dma_wait3A_696, %dma_wait3A_697] : memref<16x9x131xf32, #tpu.memory_space<vmem>> -> memref<1x8x128xf32, #tpu.memory_space<vmem>>
    %dma_wait3A_699 = tpu.memref_squeeze %dma_wait3A_698 : memref<1x8x128xf32, #tpu.memory_space<vmem>> -> memref<8x128xf32, #tpu.memory_space<vmem>>
    %dma_wait3A_700 = arith.constant 0 : i32
    %dma_wait3A_701 = arith.constant 0 : i32
    %dma_wait3A_702 = tpu.memref_slice %arg5[%dma_wait3A_695, %dma_wait3A_700, %dma_wait3A_701] : memref<20480x8x128xf32, #tpu.memory_space<hbm>> -> memref<1x8x128xf32, #tpu.memory_space<hbm>>
    %dma_wait3A_703 = tpu.memref_squeeze %dma_wait3A_702 : memref<1x8x128xf32, #tpu.memory_space<hbm>> -> memref<8x128xf32, #tpu.memory_space<hbm>>
    %dma_wait3A_704 = arith.constant 0 : i32
    %dma_wait3A_705 = arith.constant 0 : i32
    %dma_wait3A_706 = tpu.memref_slice %arg5[%dma_wait3A_695, %dma_wait3A_704, %dma_wait3A_705] : memref<20480x8x128xf32, #tpu.memory_space<hbm>> -> memref<1x8x128xf32, #tpu.memory_space<hbm>>
    %dma_wait3A_707 = tpu.memref_squeeze %dma_wait3A_706 : memref<1x8x128xf32, #tpu.memory_space<hbm>> -> memref<8x128xf32, #tpu.memory_space<hbm>>
    %dma_wait3A_708 = arith.constant 0 : i32
    %dma_wait3A_709 = arith.constant 0 : i32
    %dma_wait3A_710 = tpu.memref_slice %arg13[%dma_wait3A_694, %dma_wait3A_708, %dma_wait3A_709] : memref<16x9x131xf32, #tpu.memory_space<vmem>> -> memref<1x8x128xf32, #tpu.memory_space<vmem>>
    %dma_wait3A_711 = tpu.memref_squeeze %dma_wait3A_710 : memref<1x8x128xf32, #tpu.memory_space<vmem>> -> memref<8x128xf32, #tpu.memory_space<vmem>>
    tpu.wait_dma2 semaphore(%arg17 : memref<!tpu.dma_semaphore, #tpu.memory_space<semaphore_mem>>) src(%dma_wait3A_711 : memref<8x128xf32, #tpu.memory_space<vmem>>) dst(%dma_wait3A_707 : memref<8x128xf32, #tpu.memory_space<hbm>>)
    %dma_wait3A_712 = arith.constant 6 : i32
    %dma_wait3A_713 = arith.constant 6 : i32
    %dma_wait3A_714 = arith.constant 0 : i32
    %dma_wait3A_715 = arith.constant 0 : i32
    %dma_wait3A_716 = tpu.memref_slice %arg13[%dma_wait3A_712, %dma_wait3A_714, %dma_wait3A_715] : memref<16x9x131xf32, #tpu.memory_space<vmem>> -> memref<1x8x128xf32, #tpu.memory_space<vmem>>
    %dma_wait3A_717 = tpu.memref_squeeze %dma_wait3A_716 : memref<1x8x128xf32, #tpu.memory_space<vmem>> -> memref<8x128xf32, #tpu.memory_space<vmem>>
    %dma_wait3A_718 = arith.constant 0 : i32
    %dma_wait3A_719 = arith.constant 0 : i32
    %dma_wait3A_720 = tpu.memref_slice %arg5[%dma_wait3A_713, %dma_wait3A_718, %dma_wait3A_719] : memref<20480x8x128xf32, #tpu.memory_space<hbm>> -> memref<1x8x128xf32, #tpu.memory_space<hbm>>
    %dma_wait3A_721 = tpu.memref_squeeze %dma_wait3A_720 : memref<1x8x128xf32, #tpu.memory_space<hbm>> -> memref<8x128xf32, #tpu.memory_space<hbm>>
    %dma_wait3A_722 = arith.constant 0 : i32
    %dma_wait3A_723 = arith.constant 0 : i32
    %dma_wait3A_724 = tpu.memref_slice %arg5[%dma_wait3A_713, %dma_wait3A_722, %dma_wait3A_723] : memref<20480x8x128xf32, #tpu.memory_space<hbm>> -> memref<1x8x128xf32, #tpu.memory_space<hbm>>
    %dma_wait3A_725 = tpu.memref_squeeze %dma_wait3A_724 : memref<1x8x128xf32, #tpu.memory_space<hbm>> -> memref<8x128xf32, #tpu.memory_space<hbm>>
    %dma_wait3A_726 = arith.constant 0 : i32
    %dma_wait3A_727 = arith.constant 0 : i32
    %dma_wait3A_728 = tpu.memref_slice %arg13[%dma_wait3A_712, %dma_wait3A_726, %dma_wait3A_727] : memref<16x9x131xf32, #tpu.memory_space<vmem>> -> memref<1x8x128xf32, #tpu.memory_space<vmem>>
    %dma_wait3A_729 = tpu.memref_squeeze %dma_wait3A_728 : memref<1x8x128xf32, #tpu.memory_space<vmem>> -> memref<8x128xf32, #tpu.memory_space<vmem>>
    tpu.wait_dma2 semaphore(%arg17 : memref<!tpu.dma_semaphore, #tpu.memory_space<semaphore_mem>>) src(%dma_wait3A_729 : memref<8x128xf32, #tpu.memory_space<vmem>>) dst(%dma_wait3A_725 : memref<8x128xf32, #tpu.memory_space<hbm>>)
    %dma_wait3A_730 = arith.constant 7 : i32
    %dma_wait3A_731 = arith.constant 7 : i32
    %dma_wait3A_732 = arith.constant 0 : i32
    %dma_wait3A_733 = arith.constant 0 : i32
    %dma_wait3A_734 = tpu.memref_slice %arg13[%dma_wait3A_730, %dma_wait3A_732, %dma_wait3A_733] : memref<16x9x131xf32, #tpu.memory_space<vmem>> -> memref<1x8x128xf32, #tpu.memory_space<vmem>>
    %dma_wait3A_735 = tpu.memref_squeeze %dma_wait3A_734 : memref<1x8x128xf32, #tpu.memory_space<vmem>> -> memref<8x128xf32, #tpu.memory_space<vmem>>
    %dma_wait3A_736 = arith.constant 0 : i32
    %dma_wait3A_737 = arith.constant 0 : i32
    %dma_wait3A_738 = tpu.memref_slice %arg5[%dma_wait3A_731, %dma_wait3A_736, %dma_wait3A_737] : memref<20480x8x128xf32, #tpu.memory_space<hbm>> -> memref<1x8x128xf32, #tpu.memory_space<hbm>>
    %dma_wait3A_739 = tpu.memref_squeeze %dma_wait3A_738 : memref<1x8x128xf32, #tpu.memory_space<hbm>> -> memref<8x128xf32, #tpu.memory_space<hbm>>
    %dma_wait3A_740 = arith.constant 0 : i32
    %dma_wait3A_741 = arith.constant 0 : i32
    %dma_wait3A_742 = tpu.memref_slice %arg5[%dma_wait3A_731, %dma_wait3A_740, %dma_wait3A_741] : memref<20480x8x128xf32, #tpu.memory_space<hbm>> -> memref<1x8x128xf32, #tpu.memory_space<hbm>>
    %dma_wait3A_743 = tpu.memref_squeeze %dma_wait3A_742 : memref<1x8x128xf32, #tpu.memory_space<hbm>> -> memref<8x128xf32, #tpu.memory_space<hbm>>
    %dma_wait3A_744 = arith.constant 0 : i32
    %dma_wait3A_745 = arith.constant 0 : i32
    %dma_wait3A_746 = tpu.memref_slice %arg13[%dma_wait3A_730, %dma_wait3A_744, %dma_wait3A_745] : memref<16x9x131xf32, #tpu.memory_space<vmem>> -> memref<1x8x128xf32, #tpu.memory_space<vmem>>
    %dma_wait3A_747 = tpu.memref_squeeze %dma_wait3A_746 : memref<1x8x128xf32, #tpu.memory_space<vmem>> -> memref<8x128xf32, #tpu.memory_space<vmem>>
    tpu.wait_dma2 semaphore(%arg17 : memref<!tpu.dma_semaphore, #tpu.memory_space<semaphore_mem>>) src(%dma_wait3A_747 : memref<8x128xf32, #tpu.memory_space<vmem>>) dst(%dma_wait3A_743 : memref<8x128xf32, #tpu.memory_space<hbm>>)
    %dma_wait3A_748 = arith.constant 8 : i32
    %dma_wait3A_749 = arith.constant 8 : i32
    %dma_wait3A_750 = arith.constant 0 : i32
    %dma_wait3A_751 = arith.constant 0 : i32
    %dma_wait3A_752 = tpu.memref_slice %arg13[%dma_wait3A_748, %dma_wait3A_750, %dma_wait3A_751] : memref<16x9x131xf32, #tpu.memory_space<vmem>> -> memref<1x8x128xf32, #tpu.memory_space<vmem>>
    %dma_wait3A_753 = tpu.memref_squeeze %dma_wait3A_752 : memref<1x8x128xf32, #tpu.memory_space<vmem>> -> memref<8x128xf32, #tpu.memory_space<vmem>>
    %dma_wait3A_754 = arith.constant 0 : i32
    %dma_wait3A_755 = arith.constant 0 : i32
    %dma_wait3A_756 = tpu.memref_slice %arg5[%dma_wait3A_749, %dma_wait3A_754, %dma_wait3A_755] : memref<20480x8x128xf32, #tpu.memory_space<hbm>> -> memref<1x8x128xf32, #tpu.memory_space<hbm>>
    %dma_wait3A_757 = tpu.memref_squeeze %dma_wait3A_756 : memref<1x8x128xf32, #tpu.memory_space<hbm>> -> memref<8x128xf32, #tpu.memory_space<hbm>>
    %dma_wait3A_758 = arith.constant 0 : i32
    %dma_wait3A_759 = arith.constant 0 : i32
    %dma_wait3A_760 = tpu.memref_slice %arg5[%dma_wait3A_749, %dma_wait3A_758, %dma_wait3A_759] : memref<20480x8x128xf32, #tpu.memory_space<hbm>> -> memref<1x8x128xf32, #tpu.memory_space<hbm>>
    %dma_wait3A_761 = tpu.memref_squeeze %dma_wait3A_760 : memref<1x8x128xf32, #tpu.memory_space<hbm>> -> memref<8x128xf32, #tpu.memory_space<hbm>>
    %dma_wait3A_762 = arith.constant 0 : i32
    %dma_wait3A_763 = arith.constant 0 : i32
    %dma_wait3A_764 = tpu.memref_slice %arg13[%dma_wait3A_748, %dma_wait3A_762, %dma_wait3A_763] : memref<16x9x131xf32, #tpu.memory_space<vmem>> -> memref<1x8x128xf32, #tpu.memory_space<vmem>>
    %dma_wait3A_765 = tpu.memref_squeeze %dma_wait3A_764 : memref<1x8x128xf32, #tpu.memory_space<vmem>> -> memref<8x128xf32, #tpu.memory_space<vmem>>
    tpu.wait_dma2 semaphore(%arg17 : memref<!tpu.dma_semaphore, #tpu.memory_space<semaphore_mem>>) src(%dma_wait3A_765 : memref<8x128xf32, #tpu.memory_space<vmem>>) dst(%dma_wait3A_761 : memref<8x128xf32, #tpu.memory_space<hbm>>)
    %dma_wait3A_766 = arith.constant 9 : i32
    %dma_wait3A_767 = arith.constant 9 : i32
    %dma_wait3A_768 = arith.constant 0 : i32
    %dma_wait3A_769 = arith.constant 0 : i32
    %dma_wait3A_770 = tpu.memref_slice %arg13[%dma_wait3A_766, %dma_wait3A_768, %dma_wait3A_769] : memref<16x9x131xf32, #tpu.memory_space<vmem>> -> memref<1x8x128xf32, #tpu.memory_space<vmem>>
    %dma_wait3A_771 = tpu.memref_squeeze %dma_wait3A_770 : memref<1x8x128xf32, #tpu.memory_space<vmem>> -> memref<8x128xf32, #tpu.memory_space<vmem>>
    %dma_wait3A_772 = arith.constant 0 : i32
    %dma_wait3A_773 = arith.constant 0 : i32
    %dma_wait3A_774 = tpu.memref_slice %arg5[%dma_wait3A_767, %dma_wait3A_772, %dma_wait3A_773] : memref<20480x8x128xf32, #tpu.memory_space<hbm>> -> memref<1x8x128xf32, #tpu.memory_space<hbm>>
    %dma_wait3A_775 = tpu.memref_squeeze %dma_wait3A_774 : memref<1x8x128xf32, #tpu.memory_space<hbm>> -> memref<8x128xf32, #tpu.memory_space<hbm>>
    %dma_wait3A_776 = arith.constant 0 : i32
    %dma_wait3A_777 = arith.constant 0 : i32
    %dma_wait3A_778 = tpu.memref_slice %arg5[%dma_wait3A_767, %dma_wait3A_776, %dma_wait3A_777] : memref<20480x8x128xf32, #tpu.memory_space<hbm>> -> memref<1x8x128xf32, #tpu.memory_space<hbm>>
    %dma_wait3A_779 = tpu.memref_squeeze %dma_wait3A_778 : memref<1x8x128xf32, #tpu.memory_space<hbm>> -> memref<8x128xf32, #tpu.memory_space<hbm>>
    %dma_wait3A_780 = arith.constant 0 : i32
    %dma_wait3A_781 = arith.constant 0 : i32
    %dma_wait3A_782 = tpu.memref_slice %arg13[%dma_wait3A_766, %dma_wait3A_780, %dma_wait3A_781] : memref<16x9x131xf32, #tpu.memory_space<vmem>> -> memref<1x8x128xf32, #tpu.memory_space<vmem>>
    %dma_wait3A_783 = tpu.memref_squeeze %dma_wait3A_782 : memref<1x8x128xf32, #tpu.memory_space<vmem>> -> memref<8x128xf32, #tpu.memory_space<vmem>>
    tpu.wait_dma2 semaphore(%arg17 : memref<!tpu.dma_semaphore, #tpu.memory_space<semaphore_mem>>) src(%dma_wait3A_783 : memref<8x128xf32, #tpu.memory_space<vmem>>) dst(%dma_wait3A_779 : memref<8x128xf32, #tpu.memory_space<hbm>>)
    %dma_wait3A_784 = arith.constant 10 : i32
    %dma_wait3A_785 = arith.constant 10 : i32
    %dma_wait3A_786 = arith.constant 0 : i32
    %dma_wait3A_787 = arith.constant 0 : i32
    %dma_wait3A_788 = tpu.memref_slice %arg13[%dma_wait3A_784, %dma_wait3A_786, %dma_wait3A_787] : memref<16x9x131xf32, #tpu.memory_space<vmem>> -> memref<1x8x128xf32, #tpu.memory_space<vmem>>
    %dma_wait3A_789 = tpu.memref_squeeze %dma_wait3A_788 : memref<1x8x128xf32, #tpu.memory_space<vmem>> -> memref<8x128xf32, #tpu.memory_space<vmem>>
    %dma_wait3A_790 = arith.constant 0 : i32
    %dma_wait3A_791 = arith.constant 0 : i32
    %dma_wait3A_792 = tpu.memref_slice %arg5[%dma_wait3A_785, %dma_wait3A_790, %dma_wait3A_791] : memref<20480x8x128xf32, #tpu.memory_space<hbm>> -> memref<1x8x128xf32, #tpu.memory_space<hbm>>
    %dma_wait3A_793 = tpu.memref_squeeze %dma_wait3A_792 : memref<1x8x128xf32, #tpu.memory_space<hbm>> -> memref<8x128xf32, #tpu.memory_space<hbm>>
    %dma_wait3A_794 = arith.constant 0 : i32
    %dma_wait3A_795 = arith.constant 0 : i32
    %dma_wait3A_796 = tpu.memref_slice %arg5[%dma_wait3A_785, %dma_wait3A_794, %dma_wait3A_795] : memref<20480x8x128xf32, #tpu.memory_space<hbm>> -> memref<1x8x128xf32, #tpu.memory_space<hbm>>
    %dma_wait3A_797 = tpu.memref_squeeze %dma_wait3A_796 : memref<1x8x128xf32, #tpu.memory_space<hbm>> -> memref<8x128xf32, #tpu.memory_space<hbm>>
    %dma_wait3A_798 = arith.constant 0 : i32
    %dma_wait3A_799 = arith.constant 0 : i32
    %dma_wait3A_800 = tpu.memref_slice %arg13[%dma_wait3A_784, %dma_wait3A_798, %dma_wait3A_799] : memref<16x9x131xf32, #tpu.memory_space<vmem>> -> memref<1x8x128xf32, #tpu.memory_space<vmem>>
    %dma_wait3A_801 = tpu.memref_squeeze %dma_wait3A_800 : memref<1x8x128xf32, #tpu.memory_space<vmem>> -> memref<8x128xf32, #tpu.memory_space<vmem>>
    tpu.wait_dma2 semaphore(%arg17 : memref<!tpu.dma_semaphore, #tpu.memory_space<semaphore_mem>>) src(%dma_wait3A_801 : memref<8x128xf32, #tpu.memory_space<vmem>>) dst(%dma_wait3A_797 : memref<8x128xf32, #tpu.memory_space<hbm>>)
    %dma_wait3A_802 = arith.constant 11 : i32
    %dma_wait3A_803 = arith.constant 11 : i32
    %dma_wait3A_804 = arith.constant 0 : i32
    %dma_wait3A_805 = arith.constant 0 : i32
    %dma_wait3A_806 = tpu.memref_slice %arg13[%dma_wait3A_802, %dma_wait3A_804, %dma_wait3A_805] : memref<16x9x131xf32, #tpu.memory_space<vmem>> -> memref<1x8x128xf32, #tpu.memory_space<vmem>>
    %dma_wait3A_807 = tpu.memref_squeeze %dma_wait3A_806 : memref<1x8x128xf32, #tpu.memory_space<vmem>> -> memref<8x128xf32, #tpu.memory_space<vmem>>
    %dma_wait3A_808 = arith.constant 0 : i32
    %dma_wait3A_809 = arith.constant 0 : i32
    %dma_wait3A_810 = tpu.memref_slice %arg5[%dma_wait3A_803, %dma_wait3A_808, %dma_wait3A_809] : memref<20480x8x128xf32, #tpu.memory_space<hbm>> -> memref<1x8x128xf32, #tpu.memory_space<hbm>>
    %dma_wait3A_811 = tpu.memref_squeeze %dma_wait3A_810 : memref<1x8x128xf32, #tpu.memory_space<hbm>> -> memref<8x128xf32, #tpu.memory_space<hbm>>
    %dma_wait3A_812 = arith.constant 0 : i32
    %dma_wait3A_813 = arith.constant 0 : i32
    %dma_wait3A_814 = tpu.memref_slice %arg5[%dma_wait3A_803, %dma_wait3A_812, %dma_wait3A_813] : memref<20480x8x128xf32, #tpu.memory_space<hbm>> -> memref<1x8x128xf32, #tpu.memory_space<hbm>>
    %dma_wait3A_815 = tpu.memref_squeeze %dma_wait3A_814 : memref<1x8x128xf32, #tpu.memory_space<hbm>> -> memref<8x128xf32, #tpu.memory_space<hbm>>
    %dma_wait3A_816 = arith.constant 0 : i32
    %dma_wait3A_817 = arith.constant 0 : i32
    %dma_wait3A_818 = tpu.memref_slice %arg13[%dma_wait3A_802, %dma_wait3A_816, %dma_wait3A_817] : memref<16x9x131xf32, #tpu.memory_space<vmem>> -> memref<1x8x128xf32, #tpu.memory_space<vmem>>
    %dma_wait3A_819 = tpu.memref_squeeze %dma_wait3A_818 : memref<1x8x128xf32, #tpu.memory_space<vmem>> -> memref<8x128xf32, #tpu.memory_space<vmem>>
    tpu.wait_dma2 semaphore(%arg17 : memref<!tpu.dma_semaphore, #tpu.memory_space<semaphore_mem>>) src(%dma_wait3A_819 : memref<8x128xf32, #tpu.memory_space<vmem>>) dst(%dma_wait3A_815 : memref<8x128xf32, #tpu.memory_space<hbm>>)
    %dma_wait3A_820 = arith.constant 12 : i32
    %dma_wait3A_821 = arith.constant 12 : i32
    %dma_wait3A_822 = arith.constant 0 : i32
    %dma_wait3A_823 = arith.constant 0 : i32
    %dma_wait3A_824 = tpu.memref_slice %arg13[%dma_wait3A_820, %dma_wait3A_822, %dma_wait3A_823] : memref<16x9x131xf32, #tpu.memory_space<vmem>> -> memref<1x8x128xf32, #tpu.memory_space<vmem>>
    %dma_wait3A_825 = tpu.memref_squeeze %dma_wait3A_824 : memref<1x8x128xf32, #tpu.memory_space<vmem>> -> memref<8x128xf32, #tpu.memory_space<vmem>>
    %dma_wait3A_826 = arith.constant 0 : i32
    %dma_wait3A_827 = arith.constant 0 : i32
    %dma_wait3A_828 = tpu.memref_slice %arg5[%dma_wait3A_821, %dma_wait3A_826, %dma_wait3A_827] : memref<20480x8x128xf32, #tpu.memory_space<hbm>> -> memref<1x8x128xf32, #tpu.memory_space<hbm>>
    %dma_wait3A_829 = tpu.memref_squeeze %dma_wait3A_828 : memref<1x8x128xf32, #tpu.memory_space<hbm>> -> memref<8x128xf32, #tpu.memory_space<hbm>>
    %dma_wait3A_830 = arith.constant 0 : i32
    %dma_wait3A_831 = arith.constant 0 : i32
    %dma_wait3A_832 = tpu.memref_slice %arg5[%dma_wait3A_821, %dma_wait3A_830, %dma_wait3A_831] : memref<20480x8x128xf32, #tpu.memory_space<hbm>> -> memref<1x8x128xf32, #tpu.memory_space<hbm>>
    %dma_wait3A_833 = tpu.memref_squeeze %dma_wait3A_832 : memref<1x8x128xf32, #tpu.memory_space<hbm>> -> memref<8x128xf32, #tpu.memory_space<hbm>>
    %dma_wait3A_834 = arith.constant 0 : i32
    %dma_wait3A_835 = arith.constant 0 : i32
    %dma_wait3A_836 = tpu.memref_slice %arg13[%dma_wait3A_820, %dma_wait3A_834, %dma_wait3A_835] : memref<16x9x131xf32, #tpu.memory_space<vmem>> -> memref<1x8x128xf32, #tpu.memory_space<vmem>>
    %dma_wait3A_837 = tpu.memref_squeeze %dma_wait3A_836 : memref<1x8x128xf32, #tpu.memory_space<vmem>> -> memref<8x128xf32, #tpu.memory_space<vmem>>
    tpu.wait_dma2 semaphore(%arg17 : memref<!tpu.dma_semaphore, #tpu.memory_space<semaphore_mem>>) src(%dma_wait3A_837 : memref<8x128xf32, #tpu.memory_space<vmem>>) dst(%dma_wait3A_833 : memref<8x128xf32, #tpu.memory_space<hbm>>)
    %dma_wait3A_838 = arith.constant 13 : i32
    %dma_wait3A_839 = arith.constant 13 : i32
    %dma_wait3A_840 = arith.constant 0 : i32
    %dma_wait3A_841 = arith.constant 0 : i32
    %dma_wait3A_842 = tpu.memref_slice %arg13[%dma_wait3A_838, %dma_wait3A_840, %dma_wait3A_841] : memref<16x9x131xf32, #tpu.memory_space<vmem>> -> memref<1x8x128xf32, #tpu.memory_space<vmem>>
    %dma_wait3A_843 = tpu.memref_squeeze %dma_wait3A_842 : memref<1x8x128xf32, #tpu.memory_space<vmem>> -> memref<8x128xf32, #tpu.memory_space<vmem>>
    %dma_wait3A_844 = arith.constant 0 : i32
    %dma_wait3A_845 = arith.constant 0 : i32
    %dma_wait3A_846 = tpu.memref_slice %arg5[%dma_wait3A_839, %dma_wait3A_844, %dma_wait3A_845] : memref<20480x8x128xf32, #tpu.memory_space<hbm>> -> memref<1x8x128xf32, #tpu.memory_space<hbm>>
    %dma_wait3A_847 = tpu.memref_squeeze %dma_wait3A_846 : memref<1x8x128xf32, #tpu.memory_space<hbm>> -> memref<8x128xf32, #tpu.memory_space<hbm>>
    %dma_wait3A_848 = arith.constant 0 : i32
    %dma_wait3A_849 = arith.constant 0 : i32
    %dma_wait3A_850 = tpu.memref_slice %arg5[%dma_wait3A_839, %dma_wait3A_848, %dma_wait3A_849] : memref<20480x8x128xf32, #tpu.memory_space<hbm>> -> memref<1x8x128xf32, #tpu.memory_space<hbm>>
    %dma_wait3A_851 = tpu.memref_squeeze %dma_wait3A_850 : memref<1x8x128xf32, #tpu.memory_space<hbm>> -> memref<8x128xf32, #tpu.memory_space<hbm>>
    %dma_wait3A_852 = arith.constant 0 : i32
    %dma_wait3A_853 = arith.constant 0 : i32
    %dma_wait3A_854 = tpu.memref_slice %arg13[%dma_wait3A_838, %dma_wait3A_852, %dma_wait3A_853] : memref<16x9x131xf32, #tpu.memory_space<vmem>> -> memref<1x8x128xf32, #tpu.memory_space<vmem>>
    %dma_wait3A_855 = tpu.memref_squeeze %dma_wait3A_854 : memref<1x8x128xf32, #tpu.memory_space<vmem>> -> memref<8x128xf32, #tpu.memory_space<vmem>>
    tpu.wait_dma2 semaphore(%arg17 : memref<!tpu.dma_semaphore, #tpu.memory_space<semaphore_mem>>) src(%dma_wait3A_855 : memref<8x128xf32, #tpu.memory_space<vmem>>) dst(%dma_wait3A_851 : memref<8x128xf32, #tpu.memory_space<hbm>>)
    %dma_wait3A_856 = arith.constant 14 : i32
    %dma_wait3A_857 = arith.constant 14 : i32
    %dma_wait3A_858 = arith.constant 0 : i32
    %dma_wait3A_859 = arith.constant 0 : i32
    %dma_wait3A_860 = tpu.memref_slice %arg13[%dma_wait3A_856, %dma_wait3A_858, %dma_wait3A_859] : memref<16x9x131xf32, #tpu.memory_space<vmem>> -> memref<1x8x128xf32, #tpu.memory_space<vmem>>
    %dma_wait3A_861 = tpu.memref_squeeze %dma_wait3A_860 : memref<1x8x128xf32, #tpu.memory_space<vmem>> -> memref<8x128xf32, #tpu.memory_space<vmem>>
    %dma_wait3A_862 = arith.constant 0 : i32
    %dma_wait3A_863 = arith.constant 0 : i32
    %dma_wait3A_864 = tpu.memref_slice %arg5[%dma_wait3A_857, %dma_wait3A_862, %dma_wait3A_863] : memref<20480x8x128xf32, #tpu.memory_space<hbm>> -> memref<1x8x128xf32, #tpu.memory_space<hbm>>
    %dma_wait3A_865 = tpu.memref_squeeze %dma_wait3A_864 : memref<1x8x128xf32, #tpu.memory_space<hbm>> -> memref<8x128xf32, #tpu.memory_space<hbm>>
    %dma_wait3A_866 = arith.constant 0 : i32
    %dma_wait3A_867 = arith.constant 0 : i32
    %dma_wait3A_868 = tpu.memref_slice %arg5[%dma_wait3A_857, %dma_wait3A_866, %dma_wait3A_867] : memref<20480x8x128xf32, #tpu.memory_space<hbm>> -> memref<1x8x128xf32, #tpu.memory_space<hbm>>
    %dma_wait3A_869 = tpu.memref_squeeze %dma_wait3A_868 : memref<1x8x128xf32, #tpu.memory_space<hbm>> -> memref<8x128xf32, #tpu.memory_space<hbm>>
    %dma_wait3A_870 = arith.constant 0 : i32
    %dma_wait3A_871 = arith.constant 0 : i32
    %dma_wait3A_872 = tpu.memref_slice %arg13[%dma_wait3A_856, %dma_wait3A_870, %dma_wait3A_871] : memref<16x9x131xf32, #tpu.memory_space<vmem>> -> memref<1x8x128xf32, #tpu.memory_space<vmem>>
    %dma_wait3A_873 = tpu.memref_squeeze %dma_wait3A_872 : memref<1x8x128xf32, #tpu.memory_space<vmem>> -> memref<8x128xf32, #tpu.memory_space<vmem>>
    tpu.wait_dma2 semaphore(%arg17 : memref<!tpu.dma_semaphore, #tpu.memory_space<semaphore_mem>>) src(%dma_wait3A_873 : memref<8x128xf32, #tpu.memory_space<vmem>>) dst(%dma_wait3A_869 : memref<8x128xf32, #tpu.memory_space<hbm>>)
    %dma_wait3A_874 = arith.constant 15 : i32
    %dma_wait3A_875 = arith.constant 15 : i32
    %dma_wait3A_876 = arith.constant 0 : i32
    %dma_wait3A_877 = arith.constant 0 : i32
    %dma_wait3A_878 = tpu.memref_slice %arg13[%dma_wait3A_874, %dma_wait3A_876, %dma_wait3A_877] : memref<16x9x131xf32, #tpu.memory_space<vmem>> -> memref<1x8x128xf32, #tpu.memory_space<vmem>>
    %dma_wait3A_879 = tpu.memref_squeeze %dma_wait3A_878 : memref<1x8x128xf32, #tpu.memory_space<vmem>> -> memref<8x128xf32, #tpu.memory_space<vmem>>
    %dma_wait3A_880 = arith.constant 0 : i32
    %dma_wait3A_881 = arith.constant 0 : i32
    %dma_wait3A_882 = tpu.memref_slice %arg5[%dma_wait3A_875, %dma_wait3A_880, %dma_wait3A_881] : memref<20480x8x128xf32, #tpu.memory_space<hbm>> -> memref<1x8x128xf32, #tpu.memory_space<hbm>>
    %dma_wait3A_883 = tpu.memref_squeeze %dma_wait3A_882 : memref<1x8x128xf32, #tpu.memory_space<hbm>> -> memref<8x128xf32, #tpu.memory_space<hbm>>
    %dma_wait3A_884 = arith.constant 0 : i32
    %dma_wait3A_885 = arith.constant 0 : i32
    %dma_wait3A_886 = tpu.memref_slice %arg5[%dma_wait3A_875, %dma_wait3A_884, %dma_wait3A_885] : memref<20480x8x128xf32, #tpu.memory_space<hbm>> -> memref<1x8x128xf32, #tpu.memory_space<hbm>>
    %dma_wait3A_887 = tpu.memref_squeeze %dma_wait3A_886 : memref<1x8x128xf32, #tpu.memory_space<hbm>> -> memref<8x128xf32, #tpu.memory_space<hbm>>
    %dma_wait3A_888 = arith.constant 0 : i32
    %dma_wait3A_889 = arith.constant 0 : i32
    %dma_wait3A_890 = tpu.memref_slice %arg13[%dma_wait3A_874, %dma_wait3A_888, %dma_wait3A_889] : memref<16x9x131xf32, #tpu.memory_space<vmem>> -> memref<1x8x128xf32, #tpu.memory_space<vmem>>
    %dma_wait3A_891 = tpu.memref_squeeze %dma_wait3A_890 : memref<1x8x128xf32, #tpu.memory_space<vmem>> -> memref<8x128xf32, #tpu.memory_space<vmem>>
    tpu.wait_dma2 semaphore(%arg17 : memref<!tpu.dma_semaphore, #tpu.memory_space<semaphore_mem>>) src(%dma_wait3A_891 : memref<8x128xf32, #tpu.memory_space<vmem>>) dst(%dma_wait3A_887 : memref<8x128xf32, #tpu.memory_space<hbm>>)
    return
  }
}

module attributes {stable_mosaic.version = 14 : i64} {
  func.func @_table_body(%arg0: i32, %arg1: memref<1000x128xf32, #tpu.memory_space<vmem>>, %arg2: memref<500x128xf32, #tpu.memory_space<vmem>>, %arg3: memref<1000x128xf32, #tpu.memory_space<vmem>>) attributes {dimension_semantics = [#tpu.dimension_semantics<arbitrary>], iteration_bounds = array<i64: 50>, scalar_prefetch = 0 : i64, scratch_operands = 0 : i64, tpu.core_type = #tpu.core_type<tc>, window_params = [{transform_indices = @transform_0, window_bounds = array<i64: 1000, 128>}, {pipeline_mode = #tpu.pipeline_mode<synchronous>, transform_indices = @transform_1, window_bounds = array<i64: 500, 128>}, {transform_indices = @transform_2, window_bounds = array<i64: 1000, 128>}]} {
    %get3A = arith.constant 0 : index
    %get3A_0 = arith.constant 0 : index
    %get3A_1 = vector.load %arg2[%get3A, %get3A_0] : memref<500x128xf32, #tpu.memory_space<vmem>>, vector<500x128xf32>
    %concatenate3A = tpu.concatenate %get3A_1, %get3A_1 in 0 : vector<500x128xf32>, vector<500x128xf32> -> vector<1000x128xf32>
    %get3A_2 = arith.constant 0 : index
    %get3A_3 = arith.constant 0 : index
    %get3A_4 = vector.load %arg1[%get3A_2, %get3A_3] : memref<1000x128xf32, #tpu.memory_space<vmem>>, vector<1000x128xf32>
    %tanh3A = math.tanh %get3A_4 : vector<1000x128xf32>
    %mul3A = arith.constant 2.000000e-01 : f32
    %mul3A_5 = vector.broadcast %mul3A : f32 to vector<1000x128xf32>
    %mul3A_6 = arith.mulf %mul3A_5, %tanh3A : vector<1000x128xf32>
    %add3A = arith.constant 1.000000e+00 : f32
    %add3A_7 = vector.broadcast %add3A : f32 to vector<1000x128xf32>
    %add3A_8 = arith.addf %add3A_7, %mul3A_6 : vector<1000x128xf32>
    %mul3A_9 = arith.mulf %concatenate3A, %add3A_8 : vector<1000x128xf32>
    %swap3A = arith.constant 0 : index
    %swap3A_10 = arith.constant 0 : index
    %swap3A_11 = vector.load %arg3[%swap3A, %swap3A_10] : memref<1000x128xf32, #tpu.memory_space<vmem>>, vector<1000x128xf32>
    tpu.vector_store %arg3[%swap3A, %swap3A_10], %mul3A_9 {strides = array<i32>} : memref<1000x128xf32, #tpu.memory_space<vmem>>, vector<1000x128xf32>,
    return
  }
  func.func @transform_0(%arg0: i32) -> (i32, i32) {
    %c0_i32 = arith.constant 0 : i32
    %c0_i32_0 = arith.constant 0 : i32
    return %arg0, %c0_i32 : i32, i32
  }
  func.func @transform_1(%arg0: i32) -> (i32, i32) {
    %c0_i32 = arith.constant 0 : i32
    %c0_i32_0 = arith.constant 0 : i32
    %c0_i32_1 = arith.constant 0 : i32
    return %c0_i32, %c0_i32_0 : i32, i32
  }
  func.func @transform_2(%arg0: i32) -> (i32, i32) {
    %c0_i32 = arith.constant 0 : i32
    %c0_i32_0 = arith.constant 0 : i32
    return %arg0, %c0_i32 : i32, i32
  }
}

</mosaic_0001>

<sc_bundles>
// kernel: kernel.4.cloned.1.call-start
scs
__scs_entry_jumppad:
0x0: {  	(pc) =	sbr.rel $0x88, $3  }
0x1: {  	(tag) =	ssettag $0x0;
	lr =	simm.s32 $0x1  }
0x2: {  	[smem:$0x3F9D] =	sst lr;
	_ =	strace $0xD0000000  }
0x3: {  	_ = 	snop  }
0x4: {  	_ = 	snop  }
0x5: {  	_ = 	snop  }
0x6: {  	_ = 	snop  }
0x7: {  	_ = 	snop  }
__scs_overlays_trampoline_lowered:
0x8: {  	[smem:$0x3FAC] =	sst s0  }
0x9: {  	[smem:$0x3FAD] =	sst s1  }
0xa: {  	[smem:$0x3FAE] =	sst s2  }
0xb: {  	[smem:$0x3FAF] =	sst s3  }
0xc: {  	[smem:$0x3FB0] =	sst s4  }
0xd: {  	[smem:$0x3FB1] =	sst s5  }
0xe: {  	[smem:$0x3FB2] =	sst s6  }
0xf: {  	[smem:$0x3FB3] =	sst s7  }
0x10: {  	[smem:$0x3FB4] =	sst s8  }
0x11: {  	[smem:$0x3FB5] =	sst s9;
	s0 =	simm.s32 @!p0 $0x0  }
0x12: {  	s1 =	sld [smem:$0x3F9B];
	s0 =	simm.s32 @p0 $0x1  }
0x13: {  	[smem:$0x3FB6] =	sst s0;
	s0 =	simm.s32 @!p1 $0x0  }
0x14: {  	s2 =	sld [smem:$0x3F9A];
	s0 =	simm.s32 @p1 $0x1  }
0x15: {  	[smem:$0x3FB7] =	sst s0;
	s0 =	simm.s32 @!p2 $0x0  }
0x16: {  	s3 =	sld [smem:$0x3FDB];
	s0 =	simm.s32 @p2 $0x1  }
0x17: {  	s4 =	simm.s32 $0x1BF5;
	[smem:$0x3FB9] =	sst s0  }
0x18: {  	s0 =	sld [smem:$0x3F9C];
	_ =	swait.ge [sflag:s4], $0x0  }
0x19: {  	s7 =	sld [smem:$0x3F9D]  }
0x1a: {  	s8 =	sadd.s32 $0xFFFFE003, lr  }
0x1b: {  	s9 =	sadd.s32 $0xFFFFFEF7, lr;
	s5 =	simm.s32 $0xFFFFFFFF;
	p2 =	slt.u32 s8, $0xFFFFF086  }
0x1c: {  	p1 =	slt.u32 s9, $0xF7A;
	s5 =	simm.s32 @!p2 $0x0  }
0x1d: {  	s5 =	simm.s32 @p1 $0x1;
	p0 =	seq.s32 s7, s2  }
0x1e: {  	s7 =	smul.u32 @!p0 $0xF7A, s2;
	p2 =	seq.s32 @!p0 s5, $0x0  }
0x1f: {  	s9 =	smul.u32 $0xF7A, s1;
	s8 =	simm.s32 @!p0 $0x1BF5;
	p2 =	por !p2, p0  }
0x20: {  	[sflag:s8] =	ssyncset.s32 @!p0 $0xFFFFF086;
	s6 =	sadd.s32 @!p0 s3, s7;
	s7 =	simm.s32 @!p0 $0x108  }
0x21: {  	s3 =	sadd.s32 s3, s9;
	s6 =	sadd.s32 @!p0 $0x88, s6;
	s7 =	simm.s32 @p2 $0x1082  }
0x22: {  	[simem:s7], [sflag:s8] =	dma.local @!p0 [hbm:s6], $0xF7A  }
0x23: {  	s9 =	sor.u32 $0xD0000000, s2;
	s6 =	simm.s32 $0x108;
	_ =	swait.ge @!p0 [sflag:s8], $0x0  }
0x24: {  	s3 =	sadd.s32 $0x88, s3;
	s6 =	simm.s32 @!p1 $0x1082;
	[sflag:s4] =	ssyncset.s32 $0xFFFFF086  }
0x25: {  	[simem:s6], [sflag:s4] =	dma.local [hbm:s3], $0xF7A  }
0x26: {  	[smem:$0x3F9D] =	sst s1;
	(tag) =	ssettag s2;
	_ =	strace s9  }
0x27: {  	s1 =	sld [smem:$0x3FAD]  }
0x28: {  	s2 =	sld [smem:$0x3FAE]  }
0x29: {  	s4 =	sld [smem:$0x3FB0]  }
0x2a: {  	p0 =	seq.s32 s5, $0x0;
	s5 =	sld [smem:$0x3FB1]  }
0x2b: {  	s6 =	sld [smem:$0x3FB2]  }
0x2c: {  	s7 =	sld [smem:$0x3FB3]  }
0x2d: {  	s3 =	simm.s32 $0x108;
	s8 =	sld [smem:$0x3FB4]  }
0x2e: {  	s3 =	simm.s32 @!p0 $0x1082;
	s9 =	sld [smem:$0x3FB5]  }
0x2f: {  	lr =	sadd.s32 s0, s3;
	s0 =	sld [smem:$0x3FAC]  }
0x30: {  	s3 =	sld [smem:$0x3FAF]  }
0x31: {  	[smem:$0x3FB8] =	sst s10  }
0x32: {  	s10 =	sld [smem:$0x3FB6];
	_ =	sdelay $0x3  }
0x33: {  	p0 =	seq.s32 s10, $0x1;
	s10 =	sld [smem:$0x3FB8];
	_ =	sdelay $0x3  }
0x34: {  	[smem:$0x3FB8] =	sst s10  }
0x35: {  	s10 =	sld [smem:$0x3FB7];
	_ =	sdelay $0x3  }
0x36: {  	p1 =	seq.s32 s10, $0x1;
	s10 =	sld [smem:$0x3FB8];
	_ =	sdelay $0x3  }
0x37: {  	[smem:$0x3FB8] =	sst s10  }
0x38: {  	s10 =	sld [smem:$0x3FB9]  }
0x39: {  	_ = 	snop;
	(pc) =	sbr.ind lr, $3  }
0x3a: {  	_ = 	snop  }
0x3b: {  	_ = 	snop  }
0x3c: {  	p2 =	seq.s32 s10, $0x1;
	s10 =	sld [smem:$0x3FB8]  }
0x3d: {  	_ =	shalt  }
0x3e: {  	_ =	shalt  }
0x3f: {  	_ =	shalt  }
0x40: {  	_ =	shalt  }
0x41: {  	_ =	shalt  }
0x42: {  	_ =	shalt  }
0x43: {  	_ =	shalt  }
0x44: {  	_ =	shalt  }
0x45: {  	_ =	shalt  }
0x46: {  	_ =	shalt  }
0x47: {  	_ =	shalt  }
0x48: {  	_ =	shalt  }
0x49: {  	_ =	shalt  }
0x4a: {  	_ =	shalt  }
0x4b: {  	_ =	shalt  }
0x4c: {  	_ =	shalt  }
0x4d: {  	_ =	shalt  }
0x4e: {  	_ =	shalt  }
0x4f: {  	_ =	shalt  }
0x50: {  	_ =	shalt  }
0x51: {  	_ =	shalt  }
0x52: {  	_ =	shalt  }
0x53: {  	_ =	shalt  }
0x54: {  	_ =	shalt  }
0x55: {  	_ =	shalt  }
0x56: {  	_ =	shalt  }
0x57: {  	_ =	shalt  }
0x58: {  	_ =	shalt  }
0x59: {  	_ =	shalt  }
0x5a: {  	_ =	shalt  }
0x5b: {  	_ =	shalt  }
0x5c: {  	_ =	shalt  }
0x5d: {  	_ =	shalt  }
0x5e: {  	_ =	shalt  }
0x5f: {  	_ =	shalt  }
0x60: {  	_ =	shalt  }
0x61: {  	_ =	shalt  }
0x62: {  	_ =	shalt  }
0x63: {  	_ =	shalt  }
0x64: {  	_ =	shalt  }
0x65: {  	_ =	shalt  }
0x66: {  	_ =	shalt  }
0x67: {  	_ =	shalt  }
0x68: {  	_ =	shalt  }
0x69: {  	_ =	shalt  }
0x6a: {  	_ =	shalt  }
0x6b: {  	_ =	shalt  }
0x6c: {  	_ =	shalt  }
0x6d: {  	_ =	shalt  }
0x6e: {  	_ =	shalt  }
0x6f: {  	_ =	shalt  }
0x70: {  	_ =	shalt  }
0x71: {  	_ =	shalt  }
0x72: {  	_ =	shalt  }
0x73: {  	_ =	shalt  }
0x74: {  	_ =	shalt  }
0x75: {  	_ =	shalt  }
0x76: {  	_ =	shalt  }
0x77: {  	_ =	shalt  }
0x78: {  	_ =	shalt  }
0x79: {  	_ =	shalt  }
0x7a: {  	_ =	shalt  }
0x7b: {  	_ =	shalt  }
0x7c: {  	_ =	shalt  }
0x7d: {  	_ =	shalt  }
0x7e: {  	_ =	shalt  }
0x7f: {  	_ =	shalt  }
0x80: {  	_ =	shalt  }
0x81: {  	_ =	shalt  }
0x82: {  	_ =	shalt  }
0x83: {  	_ =	shalt  }
0x84: {  	_ =	shalt  }
0x85: {  	_ =	shalt  }
0x86: {  	_ =	shalt  }
0x87: {  	_ =	shalt  }
.Lfunc_end0:
.L_simem_size_0:
called_computation_lowered:
.L_overlay_start_0:
0x88: {  	s2 =	sld [smem:$0x3FD9]  }
0x89: {  	s3 =	sld [smem:$0x3FFE];
	_ =	sdelay $0x1  }
0x8a: {  	s1 =	srdreg.scid  }
0x8b: {  	s0 =	sand.u32 $0x1, s1  }
0x8c: {  	s17 =	sshll.u32 s0, $0xA;
	s2 =	sadd.s32 s3, s2  }
0x8d: {  	s2 =	sadd.s32 s2, s17  }
0x8e: {  	[smem:$0x3FC4] =	sst s2  }
0x8f: {  	_ = 	snop  }
0x90: {  	s2 =	sld [smem:$0x3FC8]  }
0x91: {  	s18 =	sld [smem:$0x3FD0];
	(tm) =	ssettm $0x1  }
0x92: {  	s4 =	sld [smem:$0x3FFB];
	_ =	sdelay $0x3  }
0x93: {  	_ =	strace s4  }
0x94: {  	s4 =	sld [smem:$0x3FFC];
	_ =	sdelay $0x3  }
0x95: {  	_ =	strace s4  }
0x96: {  	s4 =	sld [smem:$0x3FFD];
	_ =	sdelay $0x3  }
0x97: {  	_ =	strace s4  }
0x98: {  	_ =	strace $0x8FFFFFFF  }
0x99: {  	s19 =	sld [smem:$0x3FDB];
	_ =	sdelay $0x1  }
0x9a: {  	s5 =	simm.s32 $_scs_section_size  }
0x9b: {  	s6 =	simm.s32 $_size__tile_overlayer_lowered;
	s7 =	simm.s32 $_tile_overlayer_lowered  }
0x9c: {  	s22 =	simm.s32 $0x1BFF;
	s21 =	sshll.u32 s7, $0x1;
	s4 =	sadd.s32 s5, s19  }
0x9d: {  	s8 =	simm.s32 $0x0;
	s20 =	sshll.u32 s6, $0x1;
	s6 =	sadd.s32 s21, s4  }
0x9e: {  	[timem:s8], [sflag:s22] =	dma.local [hbm:s6], s20  }
0x9f: {  	_ =	swait.ge [sflag:s22], s20  }
0xa0: {  	s5 =	ssub.s32 $0x0, s20;
	[sflag:s22] =	ssyncset.done $0x0  }
0xa1: {  	[sflag:s22] =	ssyncadd.s32 s5;
	_ =	sdelay $0x1  }
0xa2: {  	s23 =	simm.s32 $0x1B8B  }
0xa3: {  	_ =	swait.ge [sflag:s23], $0x1  }
0xa4: {  	[sflag:s23] =	ssyncset.done $0x0  }
0xa5: {  	s25 =	simm.s32 $0x1B8E;
	s24 =	sld [smem:$0x3FFE];
	[sflag:s23] =	ssyncadd.s32 $0xFFFFFFFF  }
0xa6: {  	s26 =	simm.s32 $execute0_lowered;
	[smem:$0x3FD2] =	sst s25  }
0xa7: {  	s6 =	sshll.u32 s26, $0x1;
	_ =	strace $0x80000046;
	[dreg:$0x1] =	wrdreg $0xFFFFFFFF  }
0xa8: {  	s28 =	simm.s32 $_size_execute0_lowered;
	s4 =	sadd.s32 s4, s6;
	[dreg:$0x0] =	wrdreg $0x0  }
0xa9: {  	s6 =	sshll.u32 s28, $0x1;
	[dreg:$0x2] =	wrdreg s4  }
0xaa: {  	[dreg:$0x3] =	wrdreg s6  }
0xab: {  	[dreg:$0x4] =	wrdreg $0xC0  }
0xac: {  	_ =	task [dreg:s8], $0x5FFFF  }
0xad: {  	[dreg:$0x1] =	wrdreg $0xFFFFFFFF  }
0xae: {  	[dreg:$0x0] =	wrdreg $0x60  }
0xaf: {  	[dreg:$0x2] =	wrdreg s24  }
0xb0: {  	[dreg:$0x3] =	wrdreg s2  }
0xb1: {  	[dreg:$0x4] =	wrdreg s18  }
0xb2: {  	[dreg:$0x5] =	wrdreg $0x9  }
0xb3: {  	_ =	task.clear_ibuf [dreg:s8], $0x6FFFF;
	_ =	strace $0x90000046  }
0xb4: {  	s29 =	simm.s32 $0x9;
	_ =	strace $0x80000048  }
0xb5: {  	_ =	swait.ge [sflag:s29], $0x1  }
0xb6: {  	[sflag:s29] =	ssyncadd.s32 $0xFFFFFFFF  }
0xb7: {  	_ =	strace $0x90000048  }
0xb8: {  	_ =	sfence  }
0xb9: {  	s30 =	sld [smem:$0x0];
	_ =	sdelay $0x2  }
0xba: {  	s31 =	sshll.u32 s1, $0xD;
	s1 =	sshrl.u32 s1, $0x2  }
0xbb: {  	s3 =	sand.u32 $0x4000, s31;
	s1 =	sadd.s32 s1, s30  }
0xbc: {  	s0 =	sor.u32 s3, s0;
	s1 =	sshll.u32 s1, $0x11  }
0xbd: {  	s0 =	sor.u32 s1, s0  }
0xbe: {  	s0 =	sadd.s32 $0x8F2B, s0  }
0xbf: {  	[sflag:s0] =	ssyncadd.remote.s32 $0x1  }
0xc0: {  	_ =	sfence.sel $0xFFFF  }
0xc1: {  	[dreg:$0x0] =	wrdreg $0xFFFFFFFF;
	(pc) =	sbr.abs _section_cstart, $3  }
0xc2: {  	[dreg:$0x1] =	wrdreg $0xFFFFFFFF  }
0xc3: {  	_ =	task.clear_ibuf [dreg:s8], $0x2FFFF;
	_ =	strace $0x9FFFFFFF  }
0xc4: {  	(tm) =	ssettm $0x7FFFFFFF  }
0xc5: {  	_ =	shalt  }
tec
execute0_lowered:
.L_overlay_start_1:
0x0: {  	(tag) =	ssettag $0x1  }
0x1: {  	v0 =	vimm.s32 $0xD48;
	vm0 =	vcmask $0x300  }
0x2: {  	v1 =	vimm.s32 $0x2068;
	vm1 =	vcmask $0x704;
	vm2 =	vcmask $0xB08  }
0x3: {  	vm3 =	vcmask $0xF0C;
	vm4 =	vcmask $0x1310;
	vm5 =	vcmask $0x1714  }
0x4: {  	vm6 =	vcmask $0x1B18;
	vm7 =	vcmask $0x1F1C;
	vm8 =	vcmask $0x2320  }
0x5: {  	vm9 =	vcmask $0x2724;
	vm10 =	vcmask $0x2B28;
	vm11 =	vcmask $0x2F2C  }
0x6: {  	vm12 =	vcmask $0x3330;
	vm13 =	vcmask $0x3734;
	vm14 =	vcmask $0x3B38  }
0x7: {  	v2 =	vimm.s32 $0x3388;
	v3 =	vimm.s32 $0x46A8;
	v4 =	vimm.s32 $0x1210  }
0x8: {  	v5 =	vimm.s32 $0x2530;
	v6 =	vimm.s32 $0x3850;
	v7 =	vimm.s32 $0x4B70  }
0x9: {  	v0 =	vsel vm0, $0x0, v0;
	v1 =	vsel vm0, $0x1320, v1;
	v2 =	vsel vm0, $0x2640, v2  }
0xa: {  	v3 =	vsel vm0, $0x3960, v3;
	v4 =	vsel vm0, $0x4C8, v4;
	v5 =	vsel vm0, $0x17E8, v5  }
0xb: {  	v6 =	vsel vm0, $0x2B08, v6;
	v7 =	vsel vm0, $0x3E28, v7;
	v0 =	vsel vm1, $0x88, v0  }
0xc: {  	v1 =	vsel vm1, $0x13A8, v1;
	v2 =	vsel vm1, $0x26C8, v2;
	v3 =	vsel vm1, $0x39E8, v3  }
0xd: {  	v4 =	vsel vm1, $0x550, v4;
	v5 =	vsel vm1, $0x1870, v5;
	v6 =	vsel vm1, $0x2B90, v6  }
0xe: {  	v7 =	vsel vm1, $0x3EB0, v7;
	v0 =	vsel vm2, $0x110, v0;
	v1 =	vsel vm2, $0x1430, v1  }
0xf: {  	v2 =	vsel vm2, $0x2750, v2;
	v3 =	vsel vm2, $0x3A70, v3;
	v4 =	vsel vm2, $0x5D8, v4  }
0x10: {  	v5 =	vsel vm2, $0x18F8, v5;
	v6 =	vsel vm2, $0x2C18, v6;
	v7 =	vsel vm2, $0x3F38, v7  }
0x11: {  	v0 =	vsel vm3, $0x198, v0;
	v1 =	vsel vm3, $0x14B8, v1;
	v2 =	vsel vm3, $0x27D8, v2  }
0x12: {  	v3 =	vsel vm3, $0x3AF8, v3;
	v4 =	vsel vm3, $0x660, v4;
	v5 =	vsel vm3, $0x1980, v5  }
0x13: {  	v6 =	vsel vm3, $0x2CA0, v6;
	v7 =	vsel vm3, $0x3FC0, v7;
	v0 =	vsel vm4, $0x220, v0  }
0x14: {  	v1 =	vsel vm4, $0x1540, v1;
	v2 =	vsel vm4, $0x2860, v2;
	v3 =	vsel vm4, $0x3B80, v3  }
0x15: {  	s0 =	rddreg [dreg:$0x0];
	v4 =	vsel vm4, $0x6E8, v4;
	v5 =	vsel vm4, $0x1A08, v5;
	v6 =	vsel vm4, $0x2D28, v6  }
0x16: {  	s1 =	rddreg [dreg:$0x1];
	v7 =	vsel vm4, $0x4048, v7;
	v0 =	vsel vm5, $0x2A8, v0;
	v1 =	vsel vm5, $0x15C8, v1  }
0x17: {  	s9 =	rddreg [dreg:$0x2];
	s3 =	simm.s32 $0x0;
	v2 =	vsel vm5, $0x28E8, v2;
	v3 =	vsel vm5, $0x3C08, v3;
	v4 =	vsel vm5, $0x770, v4  }
0x18: {  	[smem:$0x7FF] =	sst s3;
	s11 =	sadd.s32 $0x80, s9;
	v5 =	vsel vm5, $0x1A90, v5;
	v6 =	vsel vm5, $0x2DB0, v6;
	v7 =	vsel vm5, $0x40D0, v7  }
0x19: {  	s12 =	sadd.s32 $0x4000, s9;
	_ =	strace $0x80000047;
	[dreg:$0x7] =	wrdreg s11;
	v0 =	vsel vm6, $0x330, v0;
	v1 =	vsel vm6, $0x1650, v1;
	v2 =	vsel vm6, $0x2970, v2  }
0x1a: {  	s13 =	sadd.s32 $0x4080, s9;
	[dreg:$0x8] =	wrdreg s12;
	v3 =	vsel vm6, $0x3C90, v3;
	v4 =	vsel vm6, $0x7F8, v4;
	v5 =	vsel vm6, $0x1B18, v5  }
0x1b: {  	s2 =	srdreg.scid;
	s14 =	sadd.s32 $0x8000, s9;
	[dreg:$0x9] =	wrdreg s13;
	v6 =	vsel vm6, $0x2E38, v6;
	v7 =	vsel vm6, $0x4158, v7;
	v0 =	vsel vm7, $0x3B8, v0  }
0x1c: {  	s4 =	stileid.u32;
	s15 =	sadd.s32 $0x8080, s9;
	[dreg:$0xa] =	wrdreg s14;
	v1 =	vsel vm7, $0x16D8, v1;
	v2 =	vsel vm7, $0x29F8, v2;
	v3 =	vsel vm7, $0x3D18, v3  }
0x1d: {  	s10 =	simm.s32 $0x80;
	s16 =	sadd.s32 $0xC000, s9;
	[dreg:$0xb] =	wrdreg s15;
	v4 =	vsel vm7, $0x880, v4;
	v5 =	vsel vm7, $0x1BA0, v5;
	v6 =	vsel vm7, $0x2EC0, v6  }
0x1e: {  	s2 =	sand.u32 $0x1, s2;
	s17 =	sadd.s32 $0xC080, s9;
	[dreg:$0xc] =	wrdreg s16;
	v7 =	vsel vm7, $0x41E0, v7;
	v0 =	vsel vm8, $0x990, v0;
	v1 =	vsel vm8, $0x1CB0, v1  }
0x1f: {  	s4 =	sshll.u32 s4, $0x1;
	s18 =	sadd.s32 $0x10000, s9;
	[dreg:$0xd] =	wrdreg s17;
	v2 =	vsel vm8, $0x2FD0, v2;
	v3 =	vsel vm8, $0x42F0, v3;
	v4 =	vsel vm8, $0xE58, v4  }
0x20: {  	s19 =	sadd.s32 $0x10080, s9;
	s20 =	sadd.s32 $0x14000, s9;
	[dreg:$0xe] =	wrdreg s18;
	v5 =	vsel vm8, $0x2178, v5;
	v6 =	vsel vm8, $0x3498, v6;
	v7 =	vsel vm8, $0x47B8, v7  }
0x21: {  	s21 =	sadd.s32 $0x14080, s9;
	s22 =	sadd.s32 $0x18000, s9;
	[dreg:$0xf] =	wrdreg s19;
	v0 =	vsel vm9, $0xA18, v0;
	v1 =	vsel vm9, $0x1D38, v1;
	v2 =	vsel vm9, $0x3058, v2  }
0x22: {  	s23 =	sadd.s32 $0x18080, s9;
	s24 =	sadd.s32 $0x1C000, s9;
	[dreg:$0x10] =	wrdreg s20;
	v3 =	vsel vm9, $0x4378, v3;
	v4 =	vsel vm9, $0xEE0, v4;
	v5 =	vsel vm9, $0x2200, v5  }
0x23: {  	s25 =	sadd.s32 $0x1C080, s9;
	s28 =	sadd.s32 $0x4180, s9;
	[dreg:$0x11] =	wrdreg s21;
	v6 =	vsel vm9, $0x3520, v6;
	v7 =	vsel vm9, $0x4840, v7;
	v0 =	vsel vm10, $0xAA0, v0  }
0x24: {  	s29 =	sadd.s32 $0x8100, s9;
	s30 =	sadd.s32 $0x8180, s9;
	[dreg:$0x12] =	wrdreg s22;
	v1 =	vsel vm10, $0x1DC0, v1;
	v2 =	vsel vm10, $0x30E0, v2;
	v3 =	vsel vm10, $0x4400, v3  }
0x25: {  	s31 =	sadd.s32 $0xC100, s9;
	s8 =	sadd.s32 $0x1C100, s9;
	[dreg:$0x13] =	wrdreg s23;
	v4 =	vsel vm10, $0xF68, v4;
	v5 =	vsel vm10, $0x2288, v5;
	v6 =	vsel vm10, $0x35A8, v6  }
0x26: {  	s5 =	sor.u32 s2, s4;
	s2 =	ssub.s32 $0x2, s2;
	[dreg:$0x14] =	wrdreg s24;
	v7 =	vsel vm10, $0x48C8, v7;
	v0 =	vsel vm11, $0xB28, v0;
	v1 =	vsel vm11, $0x1E48, v1  }
0x27: {  	s4 =	sadd.s32 $0xCDA00, s0;
	[dreg:$0x15] =	wrdreg s25;
	s23 =	sadd.s32 $0x100, s9;
	v2 =	vsel vm11, $0x3168, v2;
	v3 =	vsel vm11, $0x4488, v3;
	v4 =	vsel vm11, $0xFF0, v4  }
0x28: {  	s24 =	sadd.s32 $0x180, s9;
	s25 =	sadd.s32 $0x14180, s9;
	s11 =	simm.s32 $0x1;
	v5 =	vsel vm11, $0x2310, v5;
	v6 =	vsel vm11, $0x3630, v6;
	v7 =	vsel vm11, $0x4950, v7  }
0x29: {  	s12 =	simm.s32 $0xAC00;
	s13 =	simm.s32 $0x2;
	s14 =	simm.s32 $0xF880;
	v0 =	vsel vm12, $0xBB0, v0;
	v1 =	vsel vm12, $0x1ED0, v1;
	v2 =	vsel vm12, $0x31F0, v2  }
0x2a: {  	s17 =	simm.s32 $0x0;
	s6 =	sshll.u32 s5, $0x6;
	s7 =	sshrl.u32 s2, $0x1;
	v3 =	vsel vm12, $0x4510, v3;
	v4 =	vsel vm12, $0x1078, v4;
	v5 =	vsel vm12, $0x2398, v5  }
0x2b: {  	s5 =	sshll.u32 s5, $0x9;
	s0 =	sadd.s32 s6, s0;
	s2 =	ssub.s32 s2, s7;
	v6 =	vsel vm12, $0x36B8, v6;
	v7 =	vsel vm12, $0x49D8, v7;
	v0 =	vsel vm13, $0xC38, v0  }
0x2c: {  	[dreg:$0x4] =	wrdreg s5;
	s1 =	sadd.s32 s1, s6;
	s6 =	sadd.s32 $0x10180, s9;
	v1 =	vsel vm13, $0x1F58, v1;
	v2 =	vsel vm13, $0x3278, v2;
	v3 =	vsel vm13, $0x4598, v3  }
0x2d: {  	s7 =	sadd.s32 $0x14100, s9;
	[dreg:$0x5] =	wrdreg s1;
	s0 =	sadd.s32 $0x400, s0;
	v4 =	vsel vm13, $0x1100, v4;
	v5 =	vsel vm13, $0x2420, v5;
	v6 =	vsel vm13, $0x3740, v6  }
0x2e: {  	s5 =	sadd.s32 $0x18180, s9;
	s26 =	smax.u32 s2, $0x1;
	[dreg:$0x6] =	wrdreg s0;
	v7 =	vsel vm13, $0x4A60, v7;
	v0 =	vsel vm14, $0xCC0, v0;
	v1 =	vsel vm14, $0x1FE0, v1  }
0x2f: {  	s1 =	sadd.s32 $0x10100, s9;
	s2 =	sadd.s32 $0x18100, s9;
	[dreg:$0x16] =	wrdreg s26;
	v2 =	vsel vm14, $0x3300, v2;
	v3 =	vsel vm14, $0x4620, v3;
	v4 =	vsel vm14, $0x1188, v4  }
0x30: {  	s26 =	sadd.s32 $0x4100, s9;
	s0 =	sadd.s32 $0xC180, s9;
	s9 =	sadd.s32 $0x1C180, s9;
	v5 =	vsel vm14, $0x24A8, v5;
	v6 =	vsel vm14, $0x37C8, v6;
	v7 =	vsel vm14, $0x4AE8, v7  }
.LBB2_1:
0x31: {  	[dreg:$0x17] =	wrdreg s17  }
0x32: {  	s15 =	rddreg [dreg:$0x5];
	s16 =	simm.s32 $0x5  }
0x33: {  	[tilespmem:s3], [sflag:$0x5] =	stream.linear.gather [hbm4b:s15+s3], $0x200, $0x38;
	[tilespmem:$0x14500] =	vst v63  }
0x34: {  	_ =	swait.ge [sflag:s16], $0x200  }
0x35: {  	s22 =	simm.s32 $0x4000;
	[sflag:s16] =	ssyncset.done $0x0  }
0x36: {  	s18 =	simm.s32 $0x200;
	s21 =	rddreg [dreg:$0x6];
	[sflag:s16] =	ssyncadd.s32 $0xFFFFFE00  }
0x37: {  	[tilespmem:s18], [sflag:$0x5] =	stream.strided.gather [hbm4b:s21+s18], $0x2800, s22, s18, $0x38;
	[tilespmem:$0x14500] =	vst v63  }
0x38: {  	_ =	swait.ge [sflag:s16], $0x2800  }
0x39: {  	[sflag:s16] =	ssyncset.done $0x0  }
0x3a: {  	[sflag:s16] =	ssyncadd.s32 $0xFFFFD800  }
0x3b: {  	v8 =	vld [tilespmem:$0x0]  }
0x3c: {  	v9 =	vld [tilespmem:$0x200]  }
0x3d: {  	v10 =	vld [tilespmem:$0x10]  }
0x3e: {  	v11 =	vld [tilespmem:$0x210]  }
0x3f: {  	v12 =	vld [tilespmem:$0x20]  }
0x40: {  	v13 =	vld [tilespmem:$0x220]  }
0x41: {  	v14 =	vld [tilespmem:$0x30]  }
0x42: {  	v15 =	vld [tilespmem:$0x230]  }
0x43: {  	v16 =	vld [tilespmem:$0x40]  }
0x44: {  	v17 =	vld [tilespmem:$0x240]  }
0x45: {  	v18 =	vld [tilespmem:$0x50]  }
0x46: {  	v19 =	vld [tilespmem:$0x250]  }
0x47: {  	v20 =	vld [tilespmem:$0x60]  }
0x48: {  	v21 =	vld [tilespmem:$0x260]  }
0x49: {  	v22 =	vld [tilespmem:$0x70]  }
0x4a: {  	v23 =	vld [tilespmem:$0x270]  }
0x4b: {  	v24 =	vld [tilespmem:$0x80]  }
0x4c: {  	v25 =	vld [tilespmem:$0x280]  }
0x4d: {  	v26 =	vld [tilespmem:$0x90]  }
0x4e: {  	v27 =	vld [tilespmem:$0x290];
	v8 =	vmul.u32 $0x3E8, v8  }
0x4f: {  	v28 =	vld [tilespmem:$0xA0];
	v10 =	vmul.u32 $0x3E8, v10  }
0x50: {  	v40 =	vld [tilespmem:$0x2A0];
	v39 =	vmul.u32 $0x3E8, v12;
	v8 =	vadd.s32 v9, v8  }
0x51: {  	v42 =	vld [tilespmem:$0xB0];
	v41 =	vmul.u32 $0x3E8, v14;
	[tilespmem:$0x2A00] =	vst v8;
	v8 =	vadd.s32 v11, v10  }
0x52: {  	v44 =	vld [tilespmem:$0x2B0];
	v43 =	vmul.u32 $0x3E8, v16;
	[tilespmem:$0x2A10] =	vst v8;
	v8 =	vadd.s32 v13, v39  }
0x53: {  	v46 =	vld [tilespmem:$0xC0];
	v45 =	vmul.u32 $0x3E8, v18;
	[tilespmem:$0x2A20] =	vst v8;
	v8 =	vadd.s32 v15, v41  }
0x54: {  	v48 =	vld [tilespmem:$0x2C0];
	v47 =	vmul.u32 $0x3E8, v20;
	[tilespmem:$0x2A30] =	vst v8;
	v8 =	vadd.s32 v17, v43  }
0x55: {  	v50 =	vld [tilespmem:$0xD0];
	v49 =	vmul.u32 $0x3E8, v22;
	[tilespmem:$0x2A40] =	vst v8;
	v8 =	vadd.s32 v19, v45  }
0x56: {  	v52 =	vld [tilespmem:$0x2D0];
	v51 =	vmul.u32 $0x3E8, v24;
	[tilespmem:$0x2A50] =	vst v8;
	v8 =	vadd.s32 v21, v47  }
0x57: {  	v54 =	vld [tilespmem:$0xE0];
	v53 =	vmul.u32 $0x3E8, v26;
	[tilespmem:$0x2A60] =	vst v8;
	v8 =	vadd.s32 v23, v49  }
0x58: {  	v56 =	vld [tilespmem:$0xF0];
	v55 =	vmul.u32 $0x3E8, v28;
	[tilespmem:$0x2A70] =	vst v8;
	v8 =	vadd.s32 v25, v51  }
0x59: {  	v58 =	vld [tilespmem:$0x2E0];
	v57 =	vmul.u32 $0x3E8, v42;
	[tilespmem:$0x2A80] =	vst v8;
	v8 =	vadd.s32 v27, v53  }
0x5a: {  	v60 =	vld [tilespmem:$0x2F0];
	v59 =	vmul.u32 $0x3E8, v46;
	[tilespmem:$0x2A90] =	vst v8;
	v8 =	vadd.s32 v40, v55  }
0x5b: {  	v61 =	vmul.u32 $0x3E8, v50;
	[tilespmem:$0x2AA0] =	vst v8;
	v8 =	vadd.s32 v44, v57  }
0x5c: {  	v62 =	vmul.u32 $0x3E8, v54;
	[tilespmem:$0x2AB0] =	vst v8;
	v8 =	vadd.s32 v48, v59  }
0x5d: {  	v63 =	vmul.u32 $0x3E8, v56;
	[tilespmem:$0x2AC0] =	vst v8;
	v8 =	vadd.s32 v52, v61  }
0x5e: {  	[tilespmem:$0x2AD0] =	vst v8;
	v8 =	vadd.s32 v58, v62  }
0x5f: {  	[tilespmem:$0x2AE0] =	vst v8;
	v8 =	vadd.s32 v60, v63  }
0x60: {  	s19 =	simm.s32 $0x2A00;
	s20 =	simm.s32 $0x2C00;
	[tilespmem:$0x2AF0] =	vst v8  }
0x61: {  	[tilespmem:s20], [sflag:$0x1] =	stream.indirect.gather [hbm4b:s4+s10], $0x40, s19, s10, $0xb8;
	[tilespmem:$0x14500] =	vst v63  }
0x62: {  	s21 =	simm.s32 $0x2A80;
	s22 =	simm.s32 $0x4C00;
	s16 =	simm.s32 $0x0  }
0x63: {  	[tilespmem:s22], [sflag:$0x1] =	stream.indirect.gather [hbm4b:s4+s10], $0x40, s21, s10, $0xb8;
	[tilespmem:$0x14500] =	vst v63  }
.LBB2_2:
0x64: {  	v8 =	vld [tilespmem:$0x100];
	s15 =	sshll.u32 s16, $0x9  }
0x65: {  	s15 =	sand.u32 $0x3FFFFE00, s15  }
0x66: {  	v9 =	vld [tilespmem:s15+$0x300];
	_ =	sdelay $0x2  }
0x67: {  	v8 =	vmul.u32 $0x3E8, v8;
	_ =	sdelay $0x1  }
0x68: {  	v8 =	vadd.s32 v9, v8;
	v9 =	vld [tilespmem:$0x110]  }
0x69: {  	[tilespmem:$0x2B00] =	vst v8  }
0x6a: {  	v8 =	vld [tilespmem:s15+$0x310];
	_ =	sdelay $0x2  }
0x6b: {  	v9 =	vmul.u32 $0x3E8, v9;
	_ =	sdelay $0x1  }
0x6c: {  	v8 =	vadd.s32 v8, v9;
	v9 =	vld [tilespmem:$0x120]  }
0x6d: {  	[tilespmem:$0x2B10] =	vst v8  }
0x6e: {  	v8 =	vld [tilespmem:s15+$0x320];
	_ =	sdelay $0x2  }
0x6f: {  	v9 =	vmul.u32 $0x3E8, v9;
	_ =	sdelay $0x1  }
0x70: {  	v8 =	vadd.s32 v8, v9;
	v9 =	vld [tilespmem:$0x130]  }
0x71: {  	[tilespmem:$0x2B20] =	vst v8  }
0x72: {  	v8 =	vld [tilespmem:s15+$0x330];
	_ =	sdelay $0x2  }
0x73: {  	v9 =	vmul.u32 $0x3E8, v9;
	_ =	sdelay $0x1  }
0x74: {  	v8 =	vadd.s32 v8, v9;
	v9 =	vld [tilespmem:$0x140]  }
0x75: {  	[tilespmem:$0x2B30] =	vst v8  }
0x76: {  	v8 =	vld [tilespmem:s15+$0x340];
	_ =	sdelay $0x2  }
0x77: {  	v9 =	vmul.u32 $0x3E8, v9;
	_ =	sdelay $0x1  }
0x78: {  	v8 =	vadd.s32 v8, v9;
	v9 =	vld [tilespmem:$0x150]  }
0x79: {  	[tilespmem:$0x2B40] =	vst v8  }
0x7a: {  	v8 =	vld [tilespmem:s15+$0x350];
	_ =	sdelay $0x2  }
0x7b: {  	v9 =	vmul.u32 $0x3E8, v9;
	_ =	sdelay $0x1  }
0x7c: {  	v8 =	vadd.s32 v8, v9;
	v9 =	vld [tilespmem:$0x160]  }
0x7d: {  	[tilespmem:$0x2B50] =	vst v8  }
0x7e: {  	v8 =	vld [tilespmem:s15+$0x360];
	_ =	sdelay $0x2  }
0x7f: {  	v9 =	vmul.u32 $0x3E8, v9;
	_ =	sdelay $0x1  }
0x80: {  	v8 =	vadd.s32 v8, v9;
	v9 =	vld [tilespmem:$0x170]  }
0x81: {  	[tilespmem:$0x2B60] =	vst v8  }
0x82: {  	v8 =	vld [tilespmem:s15+$0x370];
	_ =	sdelay $0x2  }
0x83: {  	v9 =	vmul.u32 $0x3E8, v9;
	_ =	sdelay $0x1  }
0x84: {  	v8 =	vadd.s32 v8, v9;
	v9 =	vld [tilespmem:$0x180]  }
0x85: {  	[tilespmem:$0x2B70] =	vst v8  }
0x86: {  	v8 =	vld [tilespmem:s15+$0x380];
	_ =	sdelay $0x2  }
0x87: {  	v9 =	vmul.u32 $0x3E8, v9;
	_ =	sdelay $0x1  }
0x88: {  	v8 =	vadd.s32 v8, v9;
	v9 =	vld [tilespmem:$0x190]  }
0x89: {  	[tilespmem:$0x2B80] =	vst v8  }
0x8a: {  	v8 =	vld [tilespmem:s15+$0x390];
	_ =	sdelay $0x2  }
0x8b: {  	v9 =	vmul.u32 $0x3E8, v9;
	_ =	sdelay $0x1  }
0x8c: {  	v8 =	vadd.s32 v8, v9;
	v9 =	vld [tilespmem:$0x1A0]  }
0x8d: {  	[tilespmem:$0x2B90] =	vst v8  }
0x8e: {  	v8 =	vld [tilespmem:s15+$0x3A0];
	_ =	sdelay $0x2  }
0x8f: {  	v9 =	vmul.u32 $0x3E8, v9;
	_ =	sdelay $0x1  }
0x90: {  	v8 =	vadd.s32 v8, v9;
	v9 =	vld [tilespmem:$0x1B0]  }
0x91: {  	[tilespmem:$0x2BA0] =	vst v8  }
0x92: {  	v8 =	vld [tilespmem:s15+$0x3B0];
	_ =	sdelay $0x2  }
0x93: {  	v9 =	vmul.u32 $0x3E8, v9;
	_ =	sdelay $0x1  }
0x94: {  	v8 =	vadd.s32 v8, v9;
	v9 =	vld [tilespmem:$0x1C0]  }
0x95: {  	[tilespmem:$0x2BB0] =	vst v8  }
0x96: {  	v8 =	vld [tilespmem:s15+$0x3C0];
	_ =	sdelay $0x2  }
0x97: {  	v9 =	vmul.u32 $0x3E8, v9;
	_ =	sdelay $0x1  }
0x98: {  	v8 =	vadd.s32 v8, v9;
	v9 =	vld [tilespmem:$0x1D0]  }
0x99: {  	[tilespmem:$0x2BC0] =	vst v8  }
0x9a: {  	v8 =	vld [tilespmem:s15+$0x3D0];
	_ =	sdelay $0x2  }
0x9b: {  	v9 =	vmul.u32 $0x3E8, v9;
	_ =	sdelay $0x1  }
0x9c: {  	v8 =	vadd.s32 v8, v9;
	v9 =	vld [tilespmem:$0x1E0]  }
0x9d: {  	[tilespmem:$0x2BD0] =	vst v8  }
0x9e: {  	v8 =	vld [tilespmem:s15+$0x3E0];
	_ =	sdelay $0x2  }
0x9f: {  	v9 =	vmul.u32 $0x3E8, v9;
	_ =	sdelay $0x1  }
0xa0: {  	v8 =	vadd.s32 v8, v9;
	v9 =	vld [tilespmem:$0x1F0]  }
0xa1: {  	[tilespmem:$0x2BE0] =	vst v8  }
0xa2: {  	v8 =	vld [tilespmem:s15+$0x3F0];
	_ =	sdelay $0x2  }
0xa3: {  	v9 =	vmul.u32 $0x3E8, v9;
	_ =	sdelay $0x1  }
0xa4: {  	v8 =	vadd.s32 v8, v9  }
0xa5: {  	s22 =	simm.s32 $0x2B00;
	s17 =	simm.s32 $0x6C00;
	[tilespmem:$0x2BF0] =	vst v8  }
0xa6: {  	[tilespmem:s17], [sflag:$0x2] =	stream.indirect.gather [hbm4b:s4+s10], $0x40, s22, s10, $0xb8;
	[tilespmem:$0x14500] =	vst v63  }
0xa7: {  	s18 =	simm.s32 $0x8C00;
	s17 =	simm.s32 $0x2B80  }
0xa8: {  	[tilespmem:s18], [sflag:$0x2] =	stream.indirect.gather [hbm4b:s4+s10], $0x40, s17, s10, $0xb8;
	[tilespmem:$0x14500] =	vst v63  }
0xa9: {  	_ =	swait.ge [sflag:s11], $0x2000  }
0xaa: {  	[sflag:s11] =	ssyncset.done $0x0  }
0xab: {  	[sflag:s11] =	ssyncadd.s32 $0xFFFFE000  }
0xac: {  	_ =	swait.ge [sflag:s11], $0x2000  }
0xad: {  	p0 =	seq.s32 s16, $0x0;
	[sflag:s11] =	ssyncset.done $0x0  }
0xae: {  	s15 =	simm.s32 @!p0 $0x3;
	[sflag:s11] =	ssyncadd.s32 $0xFFFFE000  }
0xaf: {  	_ =	swait.ge @!p0 [sflag:s15], $0x400  }
0xb0: {  	[sflag:s15] =	ssyncset.done @!p0 $0x0  }
0xb1: {  	[sflag:s15] =	ssyncadd.s32 @!p0 $0xFFFFFC00  }
0xb2: {  	_ =	swait.ge @!p0 [sflag:s15], $0x400  }
0xb3: {  	[sflag:s15] =	ssyncset.done @!p0 $0x0  }
0xb4: {  	[sflag:s15] =	ssyncadd.s32 @!p0 $0xFFFFFC00  }
0xb5: {  	_ =	swait.ge @!p0 [sflag:s15], $0x400  }
0xb6: {  	[sflag:s15] =	ssyncset.done @!p0 $0x0  }
0xb7: {  	[sflag:s15] =	ssyncadd.s32 @!p0 $0xFFFFFC00  }
0xb8: {  	_ =	swait.ge @!p0 [sflag:s15], $0x400  }
0xb9: {  	[sflag:s15] =	ssyncset.done @!p0 $0x0  }
0xba: {  	[sflag:s15] =	ssyncadd.s32 @!p0 $0xFFFFFC00  }
0xbb: {  	_ =	swait.ge @!p0 [sflag:s15], $0x400  }
0xbc: {  	[sflag:s15] =	ssyncset.done @!p0 $0x0  }
0xbd: {  	[sflag:s15] =	ssyncadd.s32 @!p0 $0xFFFFFC00  }
0xbe: {  	_ =	swait.ge @!p0 [sflag:s15], $0x400  }
0xbf: {  	[sflag:s15] =	ssyncset.done @!p0 $0x0  }
0xc0: {  	[sflag:s15] =	ssyncadd.s32 @!p0 $0xFFFFFC00  }
0xc1: {  	_ =	swait.ge @!p0 [sflag:s15], $0x400  }
0xc2: {  	[sflag:s15] =	ssyncset.done @!p0 $0x0  }
0xc3: {  	[sflag:s15] =	ssyncadd.s32 @!p0 $0xFFFFFC00  }
0xc4: {  	_ =	swait.ge @!p0 [sflag:s15], $0x400  }
0xc5: {  	[sflag:s15] =	ssyncset.done @!p0 $0x0  }
0xc6: {  	[sflag:s15] =	ssyncadd.s32 @!p0 $0xFFFFFC00  }
0xc7: {  	_ =	swait.ge @!p0 [sflag:s15], $0x400  }
0xc8: {  	[sflag:s15] =	ssyncset.done @!p0 $0x0  }
0xc9: {  	[sflag:s15] =	ssyncadd.s32 @!p0 $0xFFFFFC00  }
0xca: {  	_ =	swait.ge @!p0 [sflag:s15], $0x400  }
0xcb: {  	[sflag:s15] =	ssyncset.done @!p0 $0x0  }
0xcc: {  	[sflag:s15] =	ssyncadd.s32 @!p0 $0xFFFFFC00  }
0xcd: {  	_ =	swait.ge @!p0 [sflag:s15], $0x400  }
0xce: {  	[sflag:s15] =	ssyncset.done @!p0 $0x0  }
0xcf: {  	[sflag:s15] =	ssyncadd.s32 @!p0 $0xFFFFFC00  }
0xd0: {  	_ =	swait.ge @!p0 [sflag:s15], $0x400  }
0xd1: {  	[sflag:s15] =	ssyncset.done @!p0 $0x0  }
0xd2: {  	[sflag:s15] =	ssyncadd.s32 @!p0 $0xFFFFFC00  }
0xd3: {  	_ =	swait.ge @!p0 [sflag:s15], $0x400  }
0xd4: {  	[sflag:s15] =	ssyncset.done @!p0 $0x0  }
0xd5: {  	[sflag:s15] =	ssyncadd.s32 @!p0 $0xFFFFFC00  }
0xd6: {  	_ =	swait.ge @!p0 [sflag:s15], $0x400  }
0xd7: {  	[sflag:s15] =	ssyncset.done @!p0 $0x0  }
0xd8: {  	[sflag:s15] =	ssyncadd.s32 @!p0 $0xFFFFFC00  }
0xd9: {  	_ =	swait.ge @!p0 [sflag:s15], $0x400  }
0xda: {  	[sflag:s15] =	ssyncset.done @!p0 $0x0  }
0xdb: {  	[sflag:s15] =	ssyncadd.s32 @!p0 $0xFFFFFC00  }
0xdc: {  	s19 =	simm.s32 $0x0;
	_ =	swait.ge @!p0 [sflag:s15], $0x400  }
0xdd: {  	v8 =	vmov s19;
	[sflag:s15] =	ssyncset.done @!p0 $0x0  }
0xde: {  	v8 =	vand.u32 $0x7C, v8;
	s18 =	simm.s32 $0x2C80;
	[sflag:s15] =	ssyncadd.s32 @!p0 $0xFFFFFC00  }
0xdf: {  	v10 =	vadd.s32 v0, v8;
	v9 =	vld [tilespmem:s18+$0xFFFFFF80];
	_ =	sdelay $0x4  }
0xe0: {  	[tilespmem:v10+s12+$0x0] =	vst.idx.msk $0xffff, v9  }
0xe1: {  	v10 =	vadd.s32 v1, v8;
	v9 =	vld [tilespmem:s18+$0xFFFFFF90];
	_ =	sdelay $0x4  }
0xe2: {  	[tilespmem:v10+s12+$0x0] =	vst.idx.msk $0xffff, v9  }
0xe3: {  	v10 =	vadd.s32 v2, v8;
	v9 =	vld [tilespmem:s18+$0xFFFFFFA0];
	_ =	sdelay $0x4  }
0xe4: {  	[tilespmem:v10+s12+$0x0] =	vst.idx.msk $0xffff, v9  }
0xe5: {  	v10 =	vadd.s32 v3, v8;
	v9 =	vld [tilespmem:s18+$0xFFFFFFB0];
	_ =	sdelay $0x2  }
0xe6: {  	s20 =	simm.s32 $0x1  }
0xe7: {  	v11 =	vmov s20  }
0xe8: {  	[tilespmem:v10+s12+$0x0] =	vst.idx.msk $0xffff, v9;
	v9 =	vand.u32 $0x7D, v11  }
0xe9: {  	v10 =	vld [tilespmem:s18+$0xFFFFFFC0];
	v11 =	vadd.s32 v0, v9;
	_ =	sdelay $0x4  }
0xea: {  	[tilespmem:v11+s12+$0x0] =	vst.idx.msk $0xffff, v10  }
0xeb: {  	v11 =	vadd.s32 v1, v9;
	v10 =	vld [tilespmem:s18+$0xFFFFFFD0];
	_ =	sdelay $0x4  }
0xec: {  	[tilespmem:v11+s12+$0x0] =	vst.idx.msk $0xffff, v10  }
0xed: {  	v11 =	vadd.s32 v2, v9;
	v10 =	vld [tilespmem:s18+$0xFFFFFFE0];
	_ =	sdelay $0x4  }
0xee: {  	[tilespmem:v11+s12+$0x0] =	vst.idx.msk $0xffff, v10  }
0xef: {  	v11 =	vadd.s32 v3, v9;
	v10 =	vld [tilespmem:s18+$0xFFFFFFF0];
	_ =	sdelay $0x2  }
0xf0: {  	s21 =	simm.s32 $0x2  }
0xf1: {  	v12 =	vmov s21  }
0xf2: {  	[tilespmem:v11+s12+$0x0] =	vst.idx.msk $0xffff, v10;
	v10 =	vand.u32 $0x7E, v12  }
0xf3: {  	v11 =	vld [tilespmem:s18+$0x0];
	v12 =	vadd.s32 v0, v10;
	_ =	sdelay $0x4  }
0xf4: {  	[tilespmem:v12+s12+$0x0] =	vst.idx.msk $0xffff, v11  }
0xf5: {  	v12 =	vadd.s32 v1, v10;
	v11 =	vld [tilespmem:s18+$0x10];
	_ =	sdelay $0x4  }
0xf6: {  	[tilespmem:v12+s12+$0x0] =	vst.idx.msk $0xffff, v11  }
0xf7: {  	v12 =	vadd.s32 v2, v10;
	v11 =	vld [tilespmem:s18+$0x20];
	_ =	sdelay $0x4  }
0xf8: {  	[tilespmem:v12+s12+$0x0] =	vst.idx.msk $0xffff, v11  }
0xf9: {  	v12 =	vadd.s32 v3, v10;
	v11 =	vld [tilespmem:s18+$0x30];
	_ =	sdelay $0x2  }
0xfa: {  	s22 =	simm.s32 $0x3  }
0xfb: {  	v13 =	vmov s22  }
0xfc: {  	[tilespmem:v12+s12+$0x0] =	vst.idx.msk $0xffff, v11;
	v11 =	vand.u32 $0x7F, v13  }
0xfd: {  	v12 =	vld [tilespmem:s18+$0x40];
	v13 =	vadd.s32 v0, v11;
	_ =	sdelay $0x4  }
0xfe: {  	[tilespmem:v13+s12+$0x0] =	vst.idx.msk $0xffff, v12  }
0xff: {  	v13 =	vadd.s32 v1, v11;
	v12 =	vld [tilespmem:s18+$0x50];
	_ =	sdelay $0x4  }
0x100: {  	[tilespmem:v13+s12+$0x0] =	vst.idx.msk $0xffff, v12  }
0x101: {  	v13 =	vadd.s32 v2, v11;
	v12 =	vld [tilespmem:s18+$0x60];
	_ =	sdelay $0x4  }
0x102: {  	[tilespmem:v13+s12+$0x0] =	vst.idx.msk $0xffff, v12  }
0x103: {  	v13 =	vadd.s32 v3, v11;
	v12 =	vld [tilespmem:s18+$0x70];
	_ =	sdelay $0x2  }
0x104: {  	s15 =	simm.s32 $0x4  }
0x105: {  	s20 =	simm.s32 $0x8;
	s19 =	simm.s32 $0x4;
	v14 =	vmov s15  }
.LBB2_3:
0x106: {  	p1 =	slt.u32 s20, $0x7C;
	v14 =	vand.u32 $0x7C, v14;
	[tilespmem:v13+s12+$0x0] =	vst.idx.msk $0xffff, v12;
	s18 =	sadd.s32 $0x100, s18;
	s17 =	simm.s32 $0x4CF0  }
0x107: {  	v12 =	vld [tilespmem:s18+$0xFFFFFF80];
	v13 =	vadd.s32 v0, v14;
	_ =	sdelay $0x4  }
0x108: {  	[tilespmem:v13+s12+$0x0] =	vst.idx.msk $0xffff, v12  }
0x109: {  	v13 =	vadd.s32 v1, v14;
	v12 =	vld [tilespmem:s18+$0xFFFFFF90];
	_ =	sdelay $0x4  }
0x10a: {  	[tilespmem:v13+s12+$0x0] =	vst.idx.msk $0xffff, v12  }
0x10b: {  	v13 =	vadd.s32 v2, v14;
	v12 =	vld [tilespmem:s18+$0xFFFFFFA0];
	_ =	sdelay $0x4  }
0x10c: {  	[tilespmem:v13+s12+$0x0] =	vst.idx.msk $0xffff, v12  }
0x10d: {  	v13 =	vadd.s32 v3, v14;
	v12 =	vld [tilespmem:s18+$0xFFFFFFB0];
	_ =	sdelay $0x2  }
0x10e: {  	s21 =	sadd.s32 $0x1, s19  }
0x10f: {  	v14 =	vmov s21  }
0x110: {  	[tilespmem:v13+s12+$0x0] =	vst.idx.msk $0xffff, v12;
	v12 =	vand.u32 $0x7D, v14  }
0x111: {  	v13 =	vld [tilespmem:s18+$0xFFFFFFC0];
	v14 =	vadd.s32 v0, v12;
	_ =	sdelay $0x4  }
0x112: {  	[tilespmem:v14+s12+$0x0] =	vst.idx.msk $0xffff, v13  }
0x113: {  	v14 =	vadd.s32 v1, v12;
	v13 =	vld [tilespmem:s18+$0xFFFFFFD0];
	_ =	sdelay $0x4  }
0x114: {  	[tilespmem:v14+s12+$0x0] =	vst.idx.msk $0xffff, v13  }
0x115: {  	v14 =	vadd.s32 v2, v12;
	v13 =	vld [tilespmem:s18+$0xFFFFFFE0];
	_ =	sdelay $0x4  }
0x116: {  	[tilespmem:v14+s12+$0x0] =	vst.idx.msk $0xffff, v13  }
0x117: {  	v12 =	vadd.s32 v3, v12;
	v13 =	vld [tilespmem:s18+$0xFFFFFFF0];
	_ =	sdelay $0x2  }
0x118: {  	s21 =	sadd.s32 $0x2, s19  }
0x119: {  	v14 =	vmov s21  }
0x11a: {  	[tilespmem:v12+s12+$0x0] =	vst.idx.msk $0xffff, v13;
	v12 =	vand.u32 $0x7E, v14  }
0x11b: {  	v13 =	vld [tilespmem:s18+$0x0];
	v14 =	vadd.s32 v0, v12;
	_ =	sdelay $0x4  }
0x11c: {  	[tilespmem:v14+s12+$0x0] =	vst.idx.msk $0xffff, v13  }
0x11d: {  	v14 =	vadd.s32 v1, v12;
	v13 =	vld [tilespmem:s18+$0x10];
	_ =	sdelay $0x4  }
0x11e: {  	[tilespmem:v14+s12+$0x0] =	vst.idx.msk $0xffff, v13  }
0x11f: {  	v14 =	vadd.s32 v2, v12;
	v13 =	vld [tilespmem:s18+$0x20];
	_ =	sdelay $0x4  }
0x120: {  	[tilespmem:v14+s12+$0x0] =	vst.idx.msk $0xffff, v13  }
0x121: {  	v12 =	vadd.s32 v3, v12;
	v13 =	vld [tilespmem:s18+$0x30];
	_ =	sdelay $0x2  }
0x122: {  	s21 =	sadd.s32 $0x3, s19;
	s19 =	smov.u32 s20  }
0x123: {  	v14 =	vmov s21  }
0x124: {  	[tilespmem:v12+s12+$0x0] =	vst.idx.msk $0xffff, v13;
	v13 =	vand.u32 $0x7F, v14  }
0x125: {  	v12 =	vld [tilespmem:s18+$0x40];
	v14 =	vadd.s32 v0, v13;
	_ =	sdelay $0x4  }
0x126: {  	[tilespmem:v14+s12+$0x0] =	vst.idx.msk $0xffff, v12  }
0x127: {  	v14 =	vadd.s32 v1, v13;
	v12 =	vld [tilespmem:s18+$0x50];
	_ =	sdelay $0x4  }
0x128: {  	[tilespmem:v14+s12+$0x0] =	vst.idx.msk $0xffff, v12  }
0x129: {  	v14 =	vadd.s32 v2, v13;
	v12 =	vld [tilespmem:s18+$0x60];
	_ =	sdelay $0x4  }
0x12a: {  	[tilespmem:v14+s12+$0x0] =	vst.idx.msk $0xffff, v12  }
.Ltmp0:
0x12b: {  	v13 =	vadd.s32 v3, v13;
	v12 =	vld [tilespmem:s18+$0x70];
	(pc) =	sbr.rel @p1 .LBB2_3-.Ltmp0, $2  }
0x12c: {  	_ =	sdelay $0x2  }
0x12d: {  	s20 =	sadd.s32 $0x4, s20;
	v14 =	vmov s19  }
0x12e: {  	_ =	sdelay $0x3  }
0x12f: {  	v14 =	vand.u32 $0x7C, v14;
	[tilespmem:v13+s12+$0x0] =	vst.idx.msk $0xffff, v12;
	s18 =	sadd.s32 $0x100, s18  }
0x130: {  	v12 =	vld [tilespmem:s18+$0xFFFFFF80];
	v42 =	vadd.s32 v0, v14;
	_ =	sdelay $0x4  }
0x131: {  	[tilespmem:v42+s12+$0x0] =	vst.idx.msk $0xffff, v12  }
0x132: {  	v43 =	vadd.s32 v1, v14;
	v12 =	vld [tilespmem:s18+$0xFFFFFF90];
	_ =	sdelay $0x4  }
0x133: {  	[tilespmem:v43+s12+$0x0] =	vst.idx.msk $0xffff, v12  }
0x134: {  	v44 =	vadd.s32 v2, v14;
	v12 =	vld [tilespmem:s18+$0xFFFFFFA0];
	_ =	sdelay $0x4  }
0x135: {  	[tilespmem:v44+s12+$0x0] =	vst.idx.msk $0xffff, v12  }
0x136: {  	v45 =	vadd.s32 v3, v14;
	v12 =	vld [tilespmem:s18+$0xFFFFFFB0];
	_ =	sdelay $0x2  }
0x137: {  	s20 =	sadd.s32 $0x1, s19  }
0x138: {  	v46 =	vmov s20  }
0x139: {  	v47 =	vand.u32 $0x7D, v46;
	[tilespmem:v45+s12+$0x0] =	vst.idx.msk $0xffff, v12  }
0x13a: {  	v14 =	vadd.s32 v0, v47;
	v13 =	vld [tilespmem:s18+$0xFFFFFFC0];
	_ =	sdelay $0x4  }
0x13b: {  	[tilespmem:v14+s12+$0x0] =	vst.idx.msk $0xffff, v13  }
0x13c: {  	v48 =	vadd.s32 v1, v47;
	v13 =	vld [tilespmem:s18+$0xFFFFFFD0];
	_ =	sdelay $0x4  }
0x13d: {  	[tilespmem:v48+s12+$0x0] =	vst.idx.msk $0xffff, v13  }
0x13e: {  	v49 =	vadd.s32 v2, v47;
	v13 =	vld [tilespmem:s18+$0xFFFFFFE0];
	_ =	sdelay $0x4  }
0x13f: {  	[tilespmem:v49+s12+$0x0] =	vst.idx.msk $0xffff, v13  }
0x140: {  	v12 =	vadd.s32 v3, v47;
	v13 =	vld [tilespmem:s18+$0xFFFFFFF0];
	_ =	sdelay $0x2  }
0x141: {  	s21 =	sadd.s32 $0x2, s19  }
0x142: {  	v50 =	vmov s21  }
0x143: {  	v51 =	vand.u32 $0x7E, v50;
	[tilespmem:v12+s12+$0x0] =	vst.idx.msk $0xffff, v13  }
0x144: {  	v14 =	vadd.s32 v0, v51;
	v13 =	vld [tilespmem:s18+$0x0];
	_ =	sdelay $0x4  }
0x145: {  	[tilespmem:v14+s12+$0x0] =	vst.idx.msk $0xffff, v13  }
0x146: {  	v52 =	vadd.s32 v1, v51;
	v13 =	vld [tilespmem:s18+$0x10];
	_ =	sdelay $0x4  }
0x147: {  	[tilespmem:v52+s12+$0x0] =	vst.idx.msk $0xffff, v13  }
0x148: {  	v53 =	vadd.s32 v2, v51;
	v13 =	vld [tilespmem:s18+$0x20];
	_ =	sdelay $0x4  }
0x149: {  	[tilespmem:v53+s12+$0x0] =	vst.idx.msk $0xffff, v13  }
0x14a: {  	v12 =	vadd.s32 v3, v51;
	v13 =	vld [tilespmem:s18+$0x30];
	_ =	sdelay $0x2  }
0x14b: {  	s22 =	sadd.s32 $0x3, s19  }
0x14c: {  	v54 =	vmov s22  }
0x14d: {  	v55 =	vand.u32 $0x7F, v54;
	[tilespmem:v12+s12+$0x0] =	vst.idx.msk $0xffff, v13  }
0x14e: {  	v14 =	vadd.s32 v0, v55;
	v13 =	vld [tilespmem:s18+$0x40];
	_ =	sdelay $0x4  }
0x14f: {  	[tilespmem:v14+s12+$0x0] =	vst.idx.msk $0xffff, v13  }
0x150: {  	v56 =	vadd.s32 v1, v55;
	v13 =	vld [tilespmem:s18+$0x50];
	_ =	sdelay $0x4  }
0x151: {  	[tilespmem:v56+s12+$0x0] =	vst.idx.msk $0xffff, v13  }
0x152: {  	v57 =	vadd.s32 v2, v55;
	v13 =	vld [tilespmem:s18+$0x60];
	_ =	sdelay $0x4  }
0x153: {  	[tilespmem:v57+s12+$0x0] =	vst.idx.msk $0xffff, v13  }
0x154: {  	v12 =	vadd.s32 v3, v55;
	v13 =	vld [tilespmem:s18+$0x70];
	_ =	sdelay $0x4  }
0x155: {  	[tilespmem:v12+s12+$0x0] =	vst.idx.msk $0xffff, v13  }
0x156: {  	v58 =	vadd.s32 v4, v8;
	v12 =	vld [tilespmem:s17+$0xFFFFFF10];
	_ =	sdelay $0x4  }
0x157: {  	[tilespmem:v58+s12+$0x0] =	vst.idx.msk $0xffff, v12  }
0x158: {  	v59 =	vadd.s32 v5, v8;
	v12 =	vld [tilespmem:s17+$0xFFFFFF20];
	_ =	sdelay $0x4  }
0x159: {  	[tilespmem:v59+s12+$0x0] =	vst.idx.msk $0xffff, v12  }
0x15a: {  	v60 =	vadd.s32 v6, v8;
	v12 =	vld [tilespmem:s17+$0xFFFFFF30];
	_ =	sdelay $0x4  }
0x15b: {  	[tilespmem:v60+s12+$0x0] =	vst.idx.msk $0xffff, v12  }
0x15c: {  	v8 =	vadd.s32 v7, v8;
	v12 =	vld [tilespmem:s17+$0xFFFFFF40];
	_ =	sdelay $0x4  }
0x15d: {  	[tilespmem:v8+s12+$0x0] =	vst.idx.msk $0xffff, v12  }
0x15e: {  	v61 =	vadd.s32 v4, v9;
	v8 =	vld [tilespmem:s17+$0xFFFFFF50];
	_ =	sdelay $0x4  }
0x15f: {  	[tilespmem:v61+s12+$0x0] =	vst.idx.msk $0xffff, v8  }
0x160: {  	v62 =	vadd.s32 v5, v9;
	v8 =	vld [tilespmem:s17+$0xFFFFFF60];
	_ =	sdelay $0x4  }
0x161: {  	[tilespmem:v62+s12+$0x0] =	vst.idx.msk $0xffff, v8  }
0x162: {  	v63 =	vadd.s32 v6, v9;
	v8 =	vld [tilespmem:s17+$0xFFFFFF70];
	_ =	sdelay $0x4  }
0x163: {  	[tilespmem:v63+s12+$0x0] =	vst.idx.msk $0xffff, v8  }
0x164: {  	v9 =	vadd.s32 v7, v9;
	v8 =	vld [tilespmem:s17+$0xFFFFFF80];
	_ =	sdelay $0x4  }
0x165: {  	[tilespmem:v9+s12+$0x0] =	vst.idx.msk $0xffff, v8  }
0x166: {  	v9 =	vadd.s32 v4, v10;
	v8 =	vld [tilespmem:s17+$0xFFFFFF90];
	_ =	sdelay $0x4  }
0x167: {  	[tilespmem:v9+s12+$0x0] =	vst.idx.msk $0xffff, v8  }
0x168: {  	v9 =	vadd.s32 v5, v10;
	v8 =	vld [tilespmem:s17+$0xFFFFFFA0];
	_ =	sdelay $0x4  }
0x169: {  	[tilespmem:v9+s12+$0x0] =	vst.idx.msk $0xffff, v8  }
0x16a: {  	v9 =	vadd.s32 v6, v10;
	v8 =	vld [tilespmem:s17+$0xFFFFFFB0];
	_ =	sdelay $0x4  }
0x16b: {  	[tilespmem:v9+s12+$0x0] =	vst.idx.msk $0xffff, v8  }
0x16c: {  	v9 =	vadd.s32 v7, v10;
	v8 =	vld [tilespmem:s17+$0xFFFFFFC0];
	_ =	sdelay $0x4  }
0x16d: {  	[tilespmem:v9+s12+$0x0] =	vst.idx.msk $0xffff, v8  }
0x16e: {  	v9 =	vadd.s32 v4, v11;
	v8 =	vld [tilespmem:s17+$0xFFFFFFD0];
	_ =	sdelay $0x4  }
0x16f: {  	[tilespmem:v9+s12+$0x0] =	vst.idx.msk $0xffff, v8  }
0x170: {  	v9 =	vadd.s32 v5, v11;
	v8 =	vld [tilespmem:s17+$0xFFFFFFE0];
	_ =	sdelay $0x4  }
0x171: {  	[tilespmem:v9+s12+$0x0] =	vst.idx.msk $0xffff, v8  }
0x172: {  	v9 =	vadd.s32 v6, v11;
	v8 =	vld [tilespmem:s17+$0xFFFFFFF0];
	_ =	sdelay $0x4  }
0x173: {  	[tilespmem:v9+s12+$0x0] =	vst.idx.msk $0xffff, v8  }
0x174: {  	v9 =	vadd.s32 v7, v11;
	v8 =	vld [tilespmem:s17+$0x0];
	_ =	sdelay $0x3  }
0x175: {  	s18 =	simm.s32 $0x8;
	v10 =	vmov s15  }
.LBB2_5:
0x176: {  	p1 =	slt.u32 s18, $0x7C;
	v10 =	vand.u32 $0x7C, v10;
	[tilespmem:v9+s12+$0x0] =	vst.idx.msk $0xffff, v8;
	s17 =	sadd.s32 $0x100, s17  }
0x177: {  	v8 =	vld [tilespmem:s17+$0xFFFFFF10];
	v9 =	vadd.s32 v4, v10;
	_ =	sdelay $0x4  }
0x178: {  	[tilespmem:v9+s12+$0x0] =	vst.idx.msk $0xffff, v8  }
0x179: {  	v9 =	vadd.s32 v5, v10;
	v8 =	vld [tilespmem:s17+$0xFFFFFF20];
	_ =	sdelay $0x4  }
0x17a: {  	[tilespmem:v9+s12+$0x0] =	vst.idx.msk $0xffff, v8  }
0x17b: {  	v9 =	vadd.s32 v6, v10;
	v8 =	vld [tilespmem:s17+$0xFFFFFF30];
	_ =	sdelay $0x4  }
0x17c: {  	[tilespmem:v9+s12+$0x0] =	vst.idx.msk $0xffff, v8  }
0x17d: {  	v9 =	vadd.s32 v7, v10;
	v8 =	vld [tilespmem:s17+$0xFFFFFF40];
	_ =	sdelay $0x2  }
0x17e: {  	s19 =	sadd.s32 $0x1, s15  }
0x17f: {  	v10 =	vmov s19  }
0x180: {  	[tilespmem:v9+s12+$0x0] =	vst.idx.msk $0xffff, v8;
	v8 =	vand.u32 $0x7D, v10  }
0x181: {  	v9 =	vld [tilespmem:s17+$0xFFFFFF50];
	v10 =	vadd.s32 v4, v8;
	_ =	sdelay $0x4  }
0x182: {  	[tilespmem:v10+s12+$0x0] =	vst.idx.msk $0xffff, v9  }
0x183: {  	v10 =	vadd.s32 v5, v8;
	v9 =	vld [tilespmem:s17+$0xFFFFFF60];
	_ =	sdelay $0x4  }
0x184: {  	[tilespmem:v10+s12+$0x0] =	vst.idx.msk $0xffff, v9  }
0x185: {  	v10 =	vadd.s32 v6, v8;
	v9 =	vld [tilespmem:s17+$0xFFFFFF70];
	_ =	sdelay $0x4  }
0x186: {  	[tilespmem:v10+s12+$0x0] =	vst.idx.msk $0xffff, v9  }
0x187: {  	v8 =	vadd.s32 v7, v8;
	v9 =	vld [tilespmem:s17+$0xFFFFFF80];
	_ =	sdelay $0x2  }
0x188: {  	s19 =	sadd.s32 $0x2, s15  }
0x189: {  	v10 =	vmov s19  }
0x18a: {  	[tilespmem:v8+s12+$0x0] =	vst.idx.msk $0xffff, v9;
	v8 =	vand.u32 $0x7E, v10  }
0x18b: {  	v9 =	vld [tilespmem:s17+$0xFFFFFF90];
	v10 =	vadd.s32 v4, v8;
	_ =	sdelay $0x4  }
0x18c: {  	[tilespmem:v10+s12+$0x0] =	vst.idx.msk $0xffff, v9  }
0x18d: {  	v10 =	vadd.s32 v5, v8;
	v9 =	vld [tilespmem:s17+$0xFFFFFFA0];
	_ =	sdelay $0x4  }
0x18e: {  	[tilespmem:v10+s12+$0x0] =	vst.idx.msk $0xffff, v9  }
0x18f: {  	v10 =	vadd.s32 v6, v8;
	v9 =	vld [tilespmem:s17+$0xFFFFFFB0];
	_ =	sdelay $0x4  }
0x190: {  	[tilespmem:v10+s12+$0x0] =	vst.idx.msk $0xffff, v9  }
0x191: {  	v8 =	vadd.s32 v7, v8;
	v9 =	vld [tilespmem:s17+$0xFFFFFFC0];
	_ =	sdelay $0x2  }
0x192: {  	s19 =	sadd.s32 $0x3, s15;
	s15 =	smov.u32 s18  }
0x193: {  	v10 =	vmov s19  }
0x194: {  	[tilespmem:v8+s12+$0x0] =	vst.idx.msk $0xffff, v9;
	v9 =	vand.u32 $0x7F, v10  }
0x195: {  	v8 =	vld [tilespmem:s17+$0xFFFFFFD0];
	v10 =	vadd.s32 v4, v9;
	_ =	sdelay $0x4  }
0x196: {  	[tilespmem:v10+s12+$0x0] =	vst.idx.msk $0xffff, v8  }
0x197: {  	v10 =	vadd.s32 v5, v9;
	v8 =	vld [tilespmem:s17+$0xFFFFFFE0];
	_ =	sdelay $0x4  }
0x198: {  	[tilespmem:v10+s12+$0x0] =	vst.idx.msk $0xffff, v8  }
0x199: {  	v10 =	vadd.s32 v6, v9;
	v8 =	vld [tilespmem:s17+$0xFFFFFFF0];
	_ =	sdelay $0x4  }
0x19a: {  	[tilespmem:v10+s12+$0x0] =	vst.idx.msk $0xffff, v8  }
.Ltmp1:
0x19b: {  	v9 =	vadd.s32 v7, v9;
	v8 =	vld [tilespmem:s17+$0x0];
	(pc) =	sbr.rel @p1 .LBB2_5-.Ltmp1, $2  }
0x19c: {  	_ =	sdelay $0x2  }
0x19d: {  	s18 =	sadd.s32 $0x4, s18;
	v10 =	vmov s15  }
0x19e: {  	_ =	sdelay $0x3  }
0x19f: {  	v10 =	vand.u32 $0x7C, v10;
	[tilespmem:v9+s12+$0x0] =	vst.idx.msk $0xffff, v8;
	s17 =	sadd.s32 $0x100, s17  }
0x1a0: {  	v8 =	vld [tilespmem:s17+$0xFFFFFF10];
	v51 =	vadd.s32 v4, v10;
	_ =	sdelay $0x4  }
0x1a1: {  	[tilespmem:v51+s12+$0x0] =	vst.idx.msk $0xffff, v8  }
0x1a2: {  	v52 =	vadd.s32 v5, v10;
	v8 =	vld [tilespmem:s17+$0xFFFFFF20];
	_ =	sdelay $0x4  }
0x1a3: {  	[tilespmem:v52+s12+$0x0] =	vst.idx.msk $0xffff, v8  }
0x1a4: {  	v53 =	vadd.s32 v6, v10;
	v8 =	vld [tilespmem:s17+$0xFFFFFF30];
	_ =	sdelay $0x4  }
0x1a5: {  	[tilespmem:v53+s12+$0x0] =	vst.idx.msk $0xffff, v8  }
0x1a6: {  	v54 =	vadd.s32 v7, v10;
	v8 =	vld [tilespmem:s17+$0xFFFFFF40];
	_ =	sdelay $0x2  }
0x1a7: {  	s18 =	sadd.s32 $0x1, s15  }
0x1a8: {  	v55 =	vmov s18  }
0x1a9: {  	[tilespmem:v54+s12+$0x0] =	vst.idx.msk $0xffff, v8;
	v8 =	vand.u32 $0x7D, v55  }
0x1aa: {  	v9 =	vld [tilespmem:s17+$0xFFFFFF50];
	v10 =	vadd.s32 v4, v8;
	_ =	sdelay $0x4  }
0x1ab: {  	[tilespmem:v10+s12+$0x0] =	vst.idx.msk $0xffff, v9  }
0x1ac: {  	v56 =	vadd.s32 v5, v8;
	v9 =	vld [tilespmem:s17+$0xFFFFFF60];
	_ =	sdelay $0x4  }
0x1ad: {  	[tilespmem:v56+s12+$0x0] =	vst.idx.msk $0xffff, v9  }
0x1ae: {  	v57 =	vadd.s32 v6, v8;
	v9 =	vld [tilespmem:s17+$0xFFFFFF70];
	_ =	sdelay $0x4  }
0x1af: {  	[tilespmem:v57+s12+$0x0] =	vst.idx.msk $0xffff, v9  }
0x1b0: {  	v8 =	vadd.s32 v7, v8;
	v9 =	vld [tilespmem:s17+$0xFFFFFF80];
	_ =	sdelay $0x2  }
0x1b1: {  	s22 =	sadd.s32 $0x2, s15  }
0x1b2: {  	v58 =	vmov s22  }
0x1b3: {  	[tilespmem:v8+s12+$0x0] =	vst.idx.msk $0xffff, v9;
	v8 =	vand.u32 $0x7E, v58  }
0x1b4: {  	v9 =	vld [tilespmem:s17+$0xFFFFFF90];
	v10 =	vadd.s32 v4, v8;
	_ =	sdelay $0x4  }
0x1b5: {  	[tilespmem:v10+s12+$0x0] =	vst.idx.msk $0xffff, v9  }
0x1b6: {  	v59 =	vadd.s32 v5, v8;
	v9 =	vld [tilespmem:s17+$0xFFFFFFA0];
	_ =	sdelay $0x4  }
0x1b7: {  	[tilespmem:v59+s12+$0x0] =	vst.idx.msk $0xffff, v9  }
0x1b8: {  	v60 =	vadd.s32 v6, v8;
	v9 =	vld [tilespmem:s17+$0xFFFFFFB0];
	_ =	sdelay $0x4  }
0x1b9: {  	[tilespmem:v60+s12+$0x0] =	vst.idx.msk $0xffff, v9  }
0x1ba: {  	v8 =	vadd.s32 v7, v8;
	v9 =	vld [tilespmem:s17+$0xFFFFFFC0];
	_ =	sdelay $0x2  }
0x1bb: {  	s18 =	sadd.s32 $0x3, s15  }
0x1bc: {  	v61 =	vmov s18  }
0x1bd: {  	[tilespmem:v8+s12+$0x0] =	vst.idx.msk $0xffff, v9;
	v8 =	vand.u32 $0x7F, v61  }
0x1be: {  	v9 =	vld [tilespmem:s17+$0xFFFFFFD0];
	v10 =	vadd.s32 v4, v8;
	_ =	sdelay $0x4  }
0x1bf: {  	[tilespmem:v10+s12+$0x0] =	vst.idx.msk $0xffff, v9  }
0x1c0: {  	v62 =	vadd.s32 v5, v8;
	v9 =	vld [tilespmem:s17+$0xFFFFFFE0];
	_ =	sdelay $0x4  }
0x1c1: {  	[tilespmem:v62+s12+$0x0] =	vst.idx.msk $0xffff, v9  }
0x1c2: {  	v63 =	vadd.s32 v6, v8;
	v9 =	vld [tilespmem:s17+$0xFFFFFFF0];
	_ =	sdelay $0x4  }
0x1c3: {  	[tilespmem:v63+s12+$0x0] =	vst.idx.msk $0xffff, v9  }
0x1c4: {  	v8 =	vadd.s32 v7, v8;
	v9 =	vld [tilespmem:s17+$0x0];
	_ =	sdelay $0x2  }
0x1c5: {  	s19 =	sshll.u32 s16, $0x11;
	s20 =	rddreg [dreg:$0x4]  }
0x1c6: {  	s21 =	rddreg [dreg:$0x2];
	s15 =	sor.u32 s20, s19  }
0x1c7: {  	s17 =	sadd.s32 s21, s15;
	[tilespmem:v8+s12+$0x0] =	vst.idx.msk $0xffff, v9  }
0x1c8: {  	[hbm4b:s17+s3] =	stream.linear.scatter [tilespmem:s12], [sflag:$0x3], $0x80, $0x38;
	[tilespmem:$0x14500] =	vst v63  }
0x1c9: {  	s19 =	simm.s32 $0xAC88;
	s22 =	sadd.s32 $0x10, s17  }
0x1ca: {  	[hbm4b:s22+s3] =	stream.linear.scatter [tilespmem:s19], [sflag:$0x3], $0x80, $0x38;
	[tilespmem:$0x14500] =	vst v63  }
0x1cb: {  	s20 =	simm.s32 $0xAD10;
	s19 =	sadd.s32 $0x20, s17  }
0x1cc: {  	[hbm4b:s19+s3] =	stream.linear.scatter [tilespmem:s20], [sflag:$0x3], $0x80, $0x38;
	[tilespmem:$0x14500] =	vst v63  }
0x1cd: {  	s21 =	sadd.s32 $0x30, s17;
	s22 =	simm.s32 $0xAD98  }
0x1ce: {  	[hbm4b:s21+s3] =	stream.linear.scatter [tilespmem:s22], [sflag:$0x3], $0x80, $0x38;
	[tilespmem:$0x14500] =	vst v63  }
0x1cf: {  	s19 =	sadd.s32 $0x40, s17;
	s20 =	simm.s32 $0xAE20  }
0x1d0: {  	[hbm4b:s19+s3] =	stream.linear.scatter [tilespmem:s20], [sflag:$0x3], $0x80, $0x38;
	[tilespmem:$0x14500] =	vst v63  }
0x1d1: {  	s21 =	sadd.s32 $0x50, s17;
	s22 =	simm.s32 $0xAEA8  }
0x1d2: {  	[hbm4b:s21+s3] =	stream.linear.scatter [tilespmem:s22], [sflag:$0x3], $0x80, $0x38;
	[tilespmem:$0x14500] =	vst v63  }
0x1d3: {  	s20 =	sadd.s32 $0x60, s17;
	s21 =	simm.s32 $0xAF30  }
0x1d4: {  	[hbm4b:s20+s3] =	stream.linear.scatter [tilespmem:s21], [sflag:$0x3], $0x80, $0x38;
	[tilespmem:$0x14500] =	vst v63  }
0x1d5: {  	s17 =	sadd.s32 $0x70, s17;
	s19 =	rddreg [dreg:$0x7];
	s22 =	simm.s32 $0xAFB8  }
0x1d6: {  	[hbm4b:s17+s3] =	stream.linear.scatter [tilespmem:s22], [sflag:$0x3], $0x80, $0x38;
	[tilespmem:$0x14500] =	vst v63  }
0x1d7: {  	s20 =	simm.s32 $0xB0C8;
	s17 =	sadd.s32 s15, s19  }
0x1d8: {  	[hbm4b:s17+s3] =	stream.linear.scatter [tilespmem:s20], [sflag:$0x3], $0x80, $0x38;
	[tilespmem:$0x14500] =	vst v63  }
0x1d9: {  	s22 =	simm.s32 $0xB150;
	s21 =	sadd.s32 $0x10, s17  }
0x1da: {  	[hbm4b:s21+s3] =	stream.linear.scatter [tilespmem:s22], [sflag:$0x3], $0x80, $0x38;
	[tilespmem:$0x14500] =	vst v63  }
0x1db: {  	s19 =	sadd.s32 $0x20, s17;
	s20 =	simm.s32 $0xB1D8  }
0x1dc: {  	[hbm4b:s19+s3] =	stream.linear.scatter [tilespmem:s20], [sflag:$0x3], $0x80, $0x38;
	[tilespmem:$0x14500] =	vst v63  }
0x1dd: {  	s21 =	sadd.s32 $0x30, s17;
	s22 =	simm.s32 $0xB260  }
0x1de: {  	[hbm4b:s21+s3] =	stream.linear.scatter [tilespmem:s22], [sflag:$0x3], $0x80, $0x38;
	[tilespmem:$0x14500] =	vst v63  }
0x1df: {  	s19 =	sadd.s32 $0x40, s17;
	s20 =	simm.s32 $0xB2E8  }
0x1e0: {  	[hbm4b:s19+s3] =	stream.linear.scatter [tilespmem:s20], [sflag:$0x3], $0x80, $0x38;
	[tilespmem:$0x14500] =	vst v63  }
0x1e1: {  	s21 =	sadd.s32 $0x50, s17;
	s22 =	simm.s32 $0xB370  }
0x1e2: {  	[hbm4b:s21+s3] =	stream.linear.scatter [tilespmem:s22], [sflag:$0x3], $0x80, $0x38;
	[tilespmem:$0x14500] =	vst v63  }
0x1e3: {  	s20 =	sadd.s32 $0x60, s17;
	s21 =	simm.s32 $0xB3F8  }
0x1e4: {  	[hbm4b:s20+s3] =	stream.linear.scatter [tilespmem:s21], [sflag:$0x3], $0x80, $0x38;
	[tilespmem:$0x14500] =	vst v63  }
0x1e5: {  	s17 =	sadd.s32 $0x70, s17;
	s19 =	rddreg [dreg:$0x8];
	s22 =	simm.s32 $0xB480  }
0x1e6: {  	[hbm4b:s17+s3] =	stream.linear.scatter [tilespmem:s22], [sflag:$0x3], $0x80, $0x38;
	[tilespmem:$0x14500] =	vst v63  }
0x1e7: {  	s20 =	simm.s32 $0xB590;
	s17 =	sadd.s32 s15, s19  }
0x1e8: {  	[hbm4b:s17+s3] =	stream.linear.scatter [tilespmem:s20], [sflag:$0x3], $0x80, $0x38;
	[tilespmem:$0x14500] =	vst v63  }
0x1e9: {  	s22 =	simm.s32 $0xB618;
	s21 =	sadd.s32 $0x10, s17  }
0x1ea: {  	[hbm4b:s21+s3] =	stream.linear.scatter [tilespmem:s22], [sflag:$0x3], $0x80, $0x38;
	[tilespmem:$0x14500] =	vst v63  }
0x1eb: {  	s19 =	sadd.s32 $0x20, s17;
	s20 =	simm.s32 $0xB6A0  }
0x1ec: {  	[hbm4b:s19+s3] =	stream.linear.scatter [tilespmem:s20], [sflag:$0x3], $0x80, $0x38;
	[tilespmem:$0x14500] =	vst v63  }
0x1ed: {  	s21 =	sadd.s32 $0x30, s17;
	s22 =	simm.s32 $0xB728  }
0x1ee: {  	[hbm4b:s21+s3] =	stream.linear.scatter [tilespmem:s22], [sflag:$0x3], $0x80, $0x38;
	[tilespmem:$0x14500] =	vst v63  }
0x1ef: {  	s19 =	sadd.s32 $0x40, s17;
	s20 =	simm.s32 $0xB7B0  }
0x1f0: {  	[hbm4b:s19+s3] =	stream.linear.scatter [tilespmem:s20], [sflag:$0x3], $0x80, $0x38;
	[tilespmem:$0x14500] =	vst v63  }
0x1f1: {  	s21 =	sadd.s32 $0x50, s17;
	s22 =	simm.s32 $0xB838  }
0x1f2: {  	[hbm4b:s21+s3] =	stream.linear.scatter [tilespmem:s22], [sflag:$0x3], $0x80, $0x38;
	[tilespmem:$0x14500] =	vst v63  }
0x1f3: {  	s20 =	sadd.s32 $0x60, s17;
	s21 =	simm.s32 $0xB8C0  }
0x1f4: {  	[hbm4b:s20+s3] =	stream.linear.scatter [tilespmem:s21], [sflag:$0x3], $0x80, $0x38;
	[tilespmem:$0x14500] =	vst v63  }
0x1f5: {  	s17 =	sadd.s32 $0x70, s17;
	s19 =	rddreg [dreg:$0x9];
	s22 =	simm.s32 $0xB948  }
0x1f6: {  	[hbm4b:s17+s3] =	stream.linear.scatter [tilespmem:s22], [sflag:$0x3], $0x80, $0x38;
	[tilespmem:$0x14500] =	vst v63  }
0x1f7: {  	s20 =	simm.s32 $0xBA58;
	s17 =	sadd.s32 s15, s19  }
0x1f8: {  	[hbm4b:s17+s3] =	stream.linear.scatter [tilespmem:s20], [sflag:$0x3], $0x80, $0x38;
	[tilespmem:$0x14500] =	vst v63  }
0x1f9: {  	s22 =	simm.s32 $0xBAE0;
	s21 =	sadd.s32 $0x10, s17  }
0x1fa: {  	[hbm4b:s21+s3] =	stream.linear.scatter [tilespmem:s22], [sflag:$0x3], $0x80, $0x38;
	[tilespmem:$0x14500] =	vst v63  }
0x1fb: {  	s19 =	sadd.s32 $0x20, s17;
	s20 =	simm.s32 $0xBB68  }
0x1fc: {  	[hbm4b:s19+s3] =	stream.linear.scatter [tilespmem:s20], [sflag:$0x3], $0x80, $0x38;
	[tilespmem:$0x14500] =	vst v63  }
0x1fd: {  	s21 =	sadd.s32 $0x30, s17;
	s22 =	simm.s32 $0xBBF0  }
0x1fe: {  	[hbm4b:s21+s3] =	stream.linear.scatter [tilespmem:s22], [sflag:$0x3], $0x80, $0x38;
	[tilespmem:$0x14500] =	vst v63  }
0x1ff: {  	s19 =	sadd.s32 $0x40, s17;
	s20 =	simm.s32 $0xBC78  }
0x200: {  	[hbm4b:s19+s3] =	stream.linear.scatter [tilespmem:s20], [sflag:$0x3], $0x80, $0x38;
	[tilespmem:$0x14500] =	vst v63  }
0x201: {  	s21 =	sadd.s32 $0x50, s17;
	s22 =	simm.s32 $0xBD00  }
0x202: {  	[hbm4b:s21+s3] =	stream.linear.scatter [tilespmem:s22], [sflag:$0x3], $0x80, $0x38;
	[tilespmem:$0x14500] =	vst v63  }
0x203: {  	s20 =	sadd.s32 $0x60, s17;
	s21 =	simm.s32 $0xBD88  }
0x204: {  	[hbm4b:s20+s3] =	stream.linear.scatter [tilespmem:s21], [sflag:$0x3], $0x80, $0x38;
	[tilespmem:$0x14500] =	vst v63  }
0x205: {  	s17 =	sadd.s32 $0x70, s17;
	s19 =	rddreg [dreg:$0xa];
	s22 =	simm.s32 $0xBE10  }
0x206: {  	[hbm4b:s17+s3] =	stream.linear.scatter [tilespmem:s22], [sflag:$0x3], $0x80, $0x38;
	[tilespmem:$0x14500] =	vst v63  }
0x207: {  	s20 =	simm.s32 $0xBF20;
	s17 =	sadd.s32 s15, s19  }
0x208: {  	[hbm4b:s17+s3] =	stream.linear.scatter [tilespmem:s20], [sflag:$0x3], $0x80, $0x38;
	[tilespmem:$0x14500] =	vst v63  }
0x209: {  	s22 =	simm.s32 $0xBFA8;
	s21 =	sadd.s32 $0x10, s17  }
0x20a: {  	[hbm4b:s21+s3] =	stream.linear.scatter [tilespmem:s22], [sflag:$0x3], $0x80, $0x38;
	[tilespmem:$0x14500] =	vst v63  }
0x20b: {  	s19 =	sadd.s32 $0x20, s17;
	s20 =	simm.s32 $0xC030  }
0x20c: {  	[hbm4b:s19+s3] =	stream.linear.scatter [tilespmem:s20], [sflag:$0x3], $0x80, $0x38;
	[tilespmem:$0x14500] =	vst v63  }
0x20d: {  	s21 =	sadd.s32 $0x30, s17;
	s22 =	simm.s32 $0xC0B8  }
0x20e: {  	[hbm4b:s21+s3] =	stream.linear.scatter [tilespmem:s22], [sflag:$0x3], $0x80, $0x38;
	[tilespmem:$0x14500] =	vst v63  }
0x20f: {  	s19 =	sadd.s32 $0x40, s17;
	s20 =	simm.s32 $0xC140  }
0x210: {  	[hbm4b:s19+s3] =	stream.linear.scatter [tilespmem:s20], [sflag:$0x3], $0x80, $0x38;
	[tilespmem:$0x14500] =	vst v63  }
0x211: {  	s21 =	sadd.s32 $0x50, s17;
	s22 =	simm.s32 $0xC1C8  }
0x212: {  	[hbm4b:s21+s3] =	stream.linear.scatter [tilespmem:s22], [sflag:$0x3], $0x80, $0x38;
	[tilespmem:$0x14500] =	vst v63  }
0x213: {  	s20 =	sadd.s32 $0x60, s17;
	s21 =	simm.s32 $0xC250  }
0x214: {  	[hbm4b:s20+s3] =	stream.linear.scatter [tilespmem:s21], [sflag:$0x3], $0x80, $0x38;
	[tilespmem:$0x14500] =	vst v63  }
0x215: {  	s17 =	sadd.s32 $0x70, s17;
	s19 =	rddreg [dreg:$0xb];
	s22 =	simm.s32 $0xC2D8  }
0x216: {  	[hbm4b:s17+s3] =	stream.linear.scatter [tilespmem:s22], [sflag:$0x3], $0x80, $0x38;
	[tilespmem:$0x14500] =	vst v63  }
0x217: {  	s20 =	simm.s32 $0xC3E8;
	s17 =	sadd.s32 s15, s19  }
0x218: {  	[hbm4b:s17+s3] =	stream.linear.scatter [tilespmem:s20], [sflag:$0x3], $0x80, $0x38;
	[tilespmem:$0x14500] =	vst v63  }
0x219: {  	s22 =	simm.s32 $0xC470;
	s21 =	sadd.s32 $0x10, s17  }
0x21a: {  	[hbm4b:s21+s3] =	stream.linear.scatter [tilespmem:s22], [sflag:$0x3], $0x80, $0x38;
	[tilespmem:$0x14500] =	vst v63  }
0x21b: {  	s19 =	sadd.s32 $0x20, s17;
	s20 =	simm.s32 $0xC4F8  }
0x21c: {  	[hbm4b:s19+s3] =	stream.linear.scatter [tilespmem:s20], [sflag:$0x3], $0x80, $0x38;
	[tilespmem:$0x14500] =	vst v63  }
0x21d: {  	s21 =	sadd.s32 $0x30, s17;
	s22 =	simm.s32 $0xC580  }
0x21e: {  	[hbm4b:s21+s3] =	stream.linear.scatter [tilespmem:s22], [sflag:$0x3], $0x80, $0x38;
	[tilespmem:$0x14500] =	vst v63  }
0x21f: {  	s19 =	sadd.s32 $0x40, s17;
	s20 =	simm.s32 $0xC608  }
0x220: {  	[hbm4b:s19+s3] =	stream.linear.scatter [tilespmem:s20], [sflag:$0x3], $0x80, $0x38;
	[tilespmem:$0x14500] =	vst v63  }
0x221: {  	s21 =	sadd.s32 $0x50, s17;
	s22 =	simm.s32 $0xC690  }
0x222: {  	[hbm4b:s21+s3] =	stream.linear.scatter [tilespmem:s22], [sflag:$0x3], $0x80, $0x38;
	[tilespmem:$0x14500] =	vst v63  }
0x223: {  	s20 =	sadd.s32 $0x60, s17;
	s21 =	simm.s32 $0xC718  }
0x224: {  	[hbm4b:s20+s3] =	stream.linear.scatter [tilespmem:s21], [sflag:$0x3], $0x80, $0x38;
	[tilespmem:$0x14500] =	vst v63  }
0x225: {  	s17 =	sadd.s32 $0x70, s17;
	s19 =	rddreg [dreg:$0xc];
	s22 =	simm.s32 $0xC7A0  }
0x226: {  	[hbm4b:s17+s3] =	stream.linear.scatter [tilespmem:s22], [sflag:$0x3], $0x80, $0x38;
	[tilespmem:$0x14500] =	vst v63  }
0x227: {  	s20 =	simm.s32 $0xC8B0;
	s17 =	sadd.s32 s15, s19  }
0x228: {  	[hbm4b:s17+s3] =	stream.linear.scatter [tilespmem:s20], [sflag:$0x3], $0x80, $0x38;
	[tilespmem:$0x14500] =	vst v63  }
0x229: {  	s22 =	simm.s32 $0xC938;
	s21 =	sadd.s32 $0x10, s17  }
0x22a: {  	[hbm4b:s21+s3] =	stream.linear.scatter [tilespmem:s22], [sflag:$0x3], $0x80, $0x38;
	[tilespmem:$0x14500] =	vst v63  }
0x22b: {  	s19 =	sadd.s32 $0x20, s17;
	s20 =	simm.s32 $0xC9C0  }
0x22c: {  	[hbm4b:s19+s3] =	stream.linear.scatter [tilespmem:s20], [sflag:$0x3], $0x80, $0x38;
	[tilespmem:$0x14500] =	vst v63  }
0x22d: {  	s21 =	sadd.s32 $0x30, s17;
	s22 =	simm.s32 $0xCA48  }
0x22e: {  	[hbm4b:s21+s3] =	stream.linear.scatter [tilespmem:s22], [sflag:$0x3], $0x80, $0x38;
	[tilespmem:$0x14500] =	vst v63  }
0x22f: {  	s19 =	sadd.s32 $0x40, s17;
	s20 =	simm.s32 $0xCAD0  }
0x230: {  	[hbm4b:s19+s3] =	stream.linear.scatter [tilespmem:s20], [sflag:$0x3], $0x80, $0x38;
	[tilespmem:$0x14500] =	vst v63  }
0x231: {  	s21 =	sadd.s32 $0x50, s17;
	s22 =	simm.s32 $0xCB58  }
0x232: {  	[hbm4b:s21+s3] =	stream.linear.scatter [tilespmem:s22], [sflag:$0x3], $0x80, $0x38;
	[tilespmem:$0x14500] =	vst v63  }
0x233: {  	s20 =	sadd.s32 $0x60, s17;
	s21 =	simm.s32 $0xCBE0  }
0x234: {  	[hbm4b:s20+s3] =	stream.linear.scatter [tilespmem:s21], [sflag:$0x3], $0x80, $0x38;
	[tilespmem:$0x14500] =	vst v63  }
0x235: {  	s17 =	sadd.s32 $0x70, s17;
	s19 =	rddreg [dreg:$0xd];
	s22 =	simm.s32 $0xCC68  }
0x236: {  	[hbm4b:s17+s3] =	stream.linear.scatter [tilespmem:s22], [sflag:$0x3], $0x80, $0x38;
	[tilespmem:$0x14500] =	vst v63  }
0x237: {  	s20 =	simm.s32 $0xCD78;
	s17 =	sadd.s32 s15, s19  }
0x238: {  	[hbm4b:s17+s3] =	stream.linear.scatter [tilespmem:s20], [sflag:$0x3], $0x80, $0x38;
	[tilespmem:$0x14500] =	vst v63  }
0x239: {  	s22 =	simm.s32 $0xCE00;
	s21 =	sadd.s32 $0x10, s17  }
0x23a: {  	[hbm4b:s21+s3] =	stream.linear.scatter [tilespmem:s22], [sflag:$0x3], $0x80, $0x38;
	[tilespmem:$0x14500] =	vst v63  }
0x23b: {  	s19 =	sadd.s32 $0x20, s17;
	s20 =	simm.s32 $0xCE88  }
0x23c: {  	[hbm4b:s19+s3] =	stream.linear.scatter [tilespmem:s20], [sflag:$0x3], $0x80, $0x38;
	[tilespmem:$0x14500] =	vst v63  }
0x23d: {  	s21 =	sadd.s32 $0x30, s17;
	s22 =	simm.s32 $0xCF10  }
0x23e: {  	[hbm4b:s21+s3] =	stream.linear.scatter [tilespmem:s22], [sflag:$0x3], $0x80, $0x38;
	[tilespmem:$0x14500] =	vst v63  }
0x23f: {  	s19 =	sadd.s32 $0x40, s17;
	s20 =	simm.s32 $0xCF98  }
0x240: {  	[hbm4b:s19+s3] =	stream.linear.scatter [tilespmem:s20], [sflag:$0x3], $0x80, $0x38;
	[tilespmem:$0x14500] =	vst v63  }
0x241: {  	s21 =	sadd.s32 $0x50, s17;
	s22 =	simm.s32 $0xD020  }
0x242: {  	[hbm4b:s21+s3] =	stream.linear.scatter [tilespmem:s22], [sflag:$0x3], $0x80, $0x38;
	[tilespmem:$0x14500] =	vst v63  }
0x243: {  	s20 =	sadd.s32 $0x60, s17;
	s21 =	simm.s32 $0xD0A8  }
0x244: {  	[hbm4b:s20+s3] =	stream.linear.scatter [tilespmem:s21], [sflag:$0x3], $0x80, $0x38;
	[tilespmem:$0x14500] =	vst v63  }
0x245: {  	s17 =	sadd.s32 $0x70, s17;
	s19 =	rddreg [dreg:$0xe];
	s22 =	simm.s32 $0xD130  }
0x246: {  	[hbm4b:s17+s3] =	stream.linear.scatter [tilespmem:s22], [sflag:$0x3], $0x80, $0x38;
	[tilespmem:$0x14500] =	vst v63  }
0x247: {  	s20 =	simm.s32 $0xD240;
	s17 =	sadd.s32 s15, s19  }
0x248: {  	[hbm4b:s17+s3] =	stream.linear.scatter [tilespmem:s20], [sflag:$0x3], $0x80, $0x38;
	[tilespmem:$0x14500] =	vst v63  }
0x249: {  	s22 =	simm.s32 $0xD2C8;
	s21 =	sadd.s32 $0x10, s17  }
0x24a: {  	[hbm4b:s21+s3] =	stream.linear.scatter [tilespmem:s22], [sflag:$0x3], $0x80, $0x38;
	[tilespmem:$0x14500] =	vst v63  }
0x24b: {  	s19 =	sadd.s32 $0x20, s17;
	s20 =	simm.s32 $0xD350  }
0x24c: {  	[hbm4b:s19+s3] =	stream.linear.scatter [tilespmem:s20], [sflag:$0x3], $0x80, $0x38;
	[tilespmem:$0x14500] =	vst v63  }
0x24d: {  	s21 =	sadd.s32 $0x30, s17;
	s22 =	simm.s32 $0xD3D8  }
0x24e: {  	[hbm4b:s21+s3] =	stream.linear.scatter [tilespmem:s22], [sflag:$0x3], $0x80, $0x38;
	[tilespmem:$0x14500] =	vst v63  }
0x24f: {  	s19 =	sadd.s32 $0x40, s17;
	s20 =	simm.s32 $0xD460  }
0x250: {  	[hbm4b:s19+s3] =	stream.linear.scatter [tilespmem:s20], [sflag:$0x3], $0x80, $0x38;
	[tilespmem:$0x14500] =	vst v63  }
0x251: {  	s21 =	sadd.s32 $0x50, s17;
	s22 =	simm.s32 $0xD4E8  }
0x252: {  	[hbm4b:s21+s3] =	stream.linear.scatter [tilespmem:s22], [sflag:$0x3], $0x80, $0x38;
	[tilespmem:$0x14500] =	vst v63  }
0x253: {  	s20 =	sadd.s32 $0x60, s17;
	s21 =	simm.s32 $0xD570  }
0x254: {  	[hbm4b:s20+s3] =	stream.linear.scatter [tilespmem:s21], [sflag:$0x3], $0x80, $0x38;
	[tilespmem:$0x14500] =	vst v63  }
0x255: {  	s17 =	sadd.s32 $0x70, s17;
	s19 =	rddreg [dreg:$0xf];
	s22 =	simm.s32 $0xD5F8  }
0x256: {  	[hbm4b:s17+s3] =	stream.linear.scatter [tilespmem:s22], [sflag:$0x3], $0x80, $0x38;
	[tilespmem:$0x14500] =	vst v63  }
0x257: {  	s20 =	simm.s32 $0xD708;
	s17 =	sadd.s32 s15, s19  }
0x258: {  	[hbm4b:s17+s3] =	stream.linear.scatter [tilespmem:s20], [sflag:$0x3], $0x80, $0x38;
	[tilespmem:$0x14500] =	vst v63  }
0x259: {  	s22 =	simm.s32 $0xD790;
	s21 =	sadd.s32 $0x10, s17  }
0x25a: {  	[hbm4b:s21+s3] =	stream.linear.scatter [tilespmem:s22], [sflag:$0x3], $0x80, $0x38;
	[tilespmem:$0x14500] =	vst v63  }
0x25b: {  	s19 =	sadd.s32 $0x20, s17;
	s20 =	simm.s32 $0xD818  }
0x25c: {  	[hbm4b:s19+s3] =	stream.linear.scatter [tilespmem:s20], [sflag:$0x3], $0x80, $0x38;
	[tilespmem:$0x14500] =	vst v63  }
0x25d: {  	s21 =	sadd.s32 $0x30, s17;
	s22 =	simm.s32 $0xD8A0  }
0x25e: {  	[hbm4b:s21+s3] =	stream.linear.scatter [tilespmem:s22], [sflag:$0x3], $0x80, $0x38;
	[tilespmem:$0x14500] =	vst v63  }
0x25f: {  	s19 =	sadd.s32 $0x40, s17;
	s20 =	simm.s32 $0xD928  }
0x260: {  	[hbm4b:s19+s3] =	stream.linear.scatter [tilespmem:s20], [sflag:$0x3], $0x80, $0x38;
	[tilespmem:$0x14500] =	vst v63  }
0x261: {  	s21 =	sadd.s32 $0x50, s17;
	s22 =	simm.s32 $0xD9B0  }
0x262: {  	[hbm4b:s21+s3] =	stream.linear.scatter [tilespmem:s22], [sflag:$0x3], $0x80, $0x38;
	[tilespmem:$0x14500] =	vst v63  }
0x263: {  	s20 =	sadd.s32 $0x60, s17;
	s21 =	simm.s32 $0xDA38  }
0x264: {  	[hbm4b:s20+s3] =	stream.linear.scatter [tilespmem:s21], [sflag:$0x3], $0x80, $0x38;
	[tilespmem:$0x14500] =	vst v63  }
0x265: {  	s17 =	sadd.s32 $0x70, s17;
	s19 =	rddreg [dreg:$0x10];
	s22 =	simm.s32 $0xDAC0  }
0x266: {  	[hbm4b:s17+s3] =	stream.linear.scatter [tilespmem:s22], [sflag:$0x3], $0x80, $0x38;
	[tilespmem:$0x14500] =	vst v63  }
0x267: {  	s20 =	simm.s32 $0xDBD0;
	s17 =	sadd.s32 s15, s19  }
0x268: {  	[hbm4b:s17+s3] =	stream.linear.scatter [tilespmem:s20], [sflag:$0x3], $0x80, $0x38;
	[tilespmem:$0x14500] =	vst v63  }
0x269: {  	s22 =	simm.s32 $0xDC58;
	s21 =	sadd.s32 $0x10, s17  }
0x26a: {  	[hbm4b:s21+s3] =	stream.linear.scatter [tilespmem:s22], [sflag:$0x3], $0x80, $0x38;
	[tilespmem:$0x14500] =	vst v63  }
0x26b: {  	s19 =	sadd.s32 $0x20, s17;
	s20 =	simm.s32 $0xDCE0  }
0x26c: {  	[hbm4b:s19+s3] =	stream.linear.scatter [tilespmem:s20], [sflag:$0x3], $0x80, $0x38;
	[tilespmem:$0x14500] =	vst v63  }
0x26d: {  	s21 =	sadd.s32 $0x30, s17;
	s22 =	simm.s32 $0xDD68  }
0x26e: {  	[hbm4b:s21+s3] =	stream.linear.scatter [tilespmem:s22], [sflag:$0x3], $0x80, $0x38;
	[tilespmem:$0x14500] =	vst v63  }
0x26f: {  	s19 =	sadd.s32 $0x40, s17;
	s20 =	simm.s32 $0xDDF0  }
0x270: {  	[hbm4b:s19+s3] =	stream.linear.scatter [tilespmem:s20], [sflag:$0x3], $0x80, $0x38;
	[tilespmem:$0x14500] =	vst v63  }
0x271: {  	s21 =	sadd.s32 $0x50, s17;
	s22 =	simm.s32 $0xDE78  }
0x272: {  	[hbm4b:s21+s3] =	stream.linear.scatter [tilespmem:s22], [sflag:$0x3], $0x80, $0x38;
	[tilespmem:$0x14500] =	vst v63  }
0x273: {  	s20 =	sadd.s32 $0x60, s17;
	s21 =	simm.s32 $0xDF00  }
0x274: {  	[hbm4b:s20+s3] =	stream.linear.scatter [tilespmem:s21], [sflag:$0x3], $0x80, $0x38;
	[tilespmem:$0x14500] =	vst v63  }
0x275: {  	s17 =	sadd.s32 $0x70, s17;
	s19 =	rddreg [dreg:$0x11];
	s22 =	simm.s32 $0xDF88  }
0x276: {  	[hbm4b:s17+s3] =	stream.linear.scatter [tilespmem:s22], [sflag:$0x3], $0x80, $0x38;
	[tilespmem:$0x14500] =	vst v63  }
0x277: {  	s20 =	simm.s32 $0xE098;
	s17 =	sadd.s32 s15, s19  }
0x278: {  	[hbm4b:s17+s3] =	stream.linear.scatter [tilespmem:s20], [sflag:$0x3], $0x80, $0x38;
	[tilespmem:$0x14500] =	vst v63  }
0x279: {  	s22 =	simm.s32 $0xE120;
	s21 =	sadd.s32 $0x10, s17  }
0x27a: {  	[hbm4b:s21+s3] =	stream.linear.scatter [tilespmem:s22], [sflag:$0x3], $0x80, $0x38;
	[tilespmem:$0x14500] =	vst v63  }
0x27b: {  	s19 =	sadd.s32 $0x20, s17;
	s20 =	simm.s32 $0xE1A8  }
0x27c: {  	[hbm4b:s19+s3] =	stream.linear.scatter [tilespmem:s20], [sflag:$0x3], $0x80, $0x38;
	[tilespmem:$0x14500] =	vst v63  }
0x27d: {  	s21 =	sadd.s32 $0x30, s17;
	s22 =	simm.s32 $0xE230  }
0x27e: {  	[hbm4b:s21+s3] =	stream.linear.scatter [tilespmem:s22], [sflag:$0x3], $0x80, $0x38;
	[tilespmem:$0x14500] =	vst v63  }
0x27f: {  	s19 =	sadd.s32 $0x40, s17;
	s20 =	simm.s32 $0xE2B8  }
0x280: {  	[hbm4b:s19+s3] =	stream.linear.scatter [tilespmem:s20], [sflag:$0x3], $0x80, $0x38;
	[tilespmem:$0x14500] =	vst v63  }
0x281: {  	s21 =	sadd.s32 $0x50, s17;
	s22 =	simm.s32 $0xE340  }
0x282: {  	[hbm4b:s21+s3] =	stream.linear.scatter [tilespmem:s22], [sflag:$0x3], $0x80, $0x38;
	[tilespmem:$0x14500] =	vst v63  }
0x283: {  	s20 =	sadd.s32 $0x60, s17;
	s21 =	simm.s32 $0xE3C8  }
0x284: {  	[hbm4b:s20+s3] =	stream.linear.scatter [tilespmem:s21], [sflag:$0x3], $0x80, $0x38;
	[tilespmem:$0x14500] =	vst v63  }
0x285: {  	s17 =	sadd.s32 $0x70, s17;
	s19 =	rddreg [dreg:$0x12];
	s22 =	simm.s32 $0xE450  }
0x286: {  	[hbm4b:s17+s3] =	stream.linear.scatter [tilespmem:s22], [sflag:$0x3], $0x80, $0x38;
	[tilespmem:$0x14500] =	vst v63  }
0x287: {  	s20 =	simm.s32 $0xE560;
	s17 =	sadd.s32 s15, s19  }
0x288: {  	[hbm4b:s17+s3] =	stream.linear.scatter [tilespmem:s20], [sflag:$0x3], $0x80, $0x38;
	[tilespmem:$0x14500] =	vst v63  }
0x289: {  	s22 =	simm.s32 $0xE5E8;
	s21 =	sadd.s32 $0x10, s17  }
0x28a: {  	[hbm4b:s21+s3] =	stream.linear.scatter [tilespmem:s22], [sflag:$0x3], $0x80, $0x38;
	[tilespmem:$0x14500] =	vst v63  }
0x28b: {  	s19 =	sadd.s32 $0x20, s17;
	s20 =	simm.s32 $0xE670  }
0x28c: {  	[hbm4b:s19+s3] =	stream.linear.scatter [tilespmem:s20], [sflag:$0x3], $0x80, $0x38;
	[tilespmem:$0x14500] =	vst v63  }
0x28d: {  	s21 =	sadd.s32 $0x30, s17;
	s22 =	simm.s32 $0xE6F8  }
0x28e: {  	[hbm4b:s21+s3] =	stream.linear.scatter [tilespmem:s22], [sflag:$0x3], $0x80, $0x38;
	[tilespmem:$0x14500] =	vst v63  }
0x28f: {  	s19 =	sadd.s32 $0x40, s17;
	s20 =	simm.s32 $0xE780  }
0x290: {  	[hbm4b:s19+s3] =	stream.linear.scatter [tilespmem:s20], [sflag:$0x3], $0x80, $0x38;
	[tilespmem:$0x14500] =	vst v63  }
0x291: {  	s21 =	sadd.s32 $0x50, s17;
	s22 =	simm.s32 $0xE808  }
0x292: {  	[hbm4b:s21+s3] =	stream.linear.scatter [tilespmem:s22], [sflag:$0x3], $0x80, $0x38;
	[tilespmem:$0x14500] =	vst v63  }
0x293: {  	s20 =	sadd.s32 $0x60, s17;
	s21 =	simm.s32 $0xE890  }
0x294: {  	[hbm4b:s20+s3] =	stream.linear.scatter [tilespmem:s21], [sflag:$0x3], $0x80, $0x38;
	[tilespmem:$0x14500] =	vst v63  }
0x295: {  	s17 =	sadd.s32 $0x70, s17;
	s19 =	rddreg [dreg:$0x13];
	s22 =	simm.s32 $0xE918  }
0x296: {  	[hbm4b:s17+s3] =	stream.linear.scatter [tilespmem:s22], [sflag:$0x3], $0x80, $0x38;
	[tilespmem:$0x14500] =	vst v63  }
0x297: {  	s20 =	simm.s32 $0xEA28;
	s17 =	sadd.s32 s15, s19  }
0x298: {  	[hbm4b:s17+s3] =	stream.linear.scatter [tilespmem:s20], [sflag:$0x3], $0x80, $0x38;
	[tilespmem:$0x14500] =	vst v63  }
0x299: {  	s22 =	simm.s32 $0xEAB0;
	s21 =	sadd.s32 $0x10, s17  }
0x29a: {  	[hbm4b:s21+s3] =	stream.linear.scatter [tilespmem:s22], [sflag:$0x3], $0x80, $0x38;
	[tilespmem:$0x14500] =	vst v63  }
0x29b: {  	s19 =	sadd.s32 $0x20, s17;
	s20 =	simm.s32 $0xEB38  }
0x29c: {  	[hbm4b:s19+s3] =	stream.linear.scatter [tilespmem:s20], [sflag:$0x3], $0x80, $0x38;
	[tilespmem:$0x14500] =	vst v63  }
0x29d: {  	s21 =	sadd.s32 $0x30, s17;
	s22 =	simm.s32 $0xEBC0  }
0x29e: {  	[hbm4b:s21+s3] =	stream.linear.scatter [tilespmem:s22], [sflag:$0x3], $0x80, $0x38;
	[tilespmem:$0x14500] =	vst v63  }
0x29f: {  	s19 =	sadd.s32 $0x40, s17;
	s20 =	simm.s32 $0xEC48  }
0x2a0: {  	[hbm4b:s19+s3] =	stream.linear.scatter [tilespmem:s20], [sflag:$0x3], $0x80, $0x38;
	[tilespmem:$0x14500] =	vst v63  }
0x2a1: {  	s21 =	sadd.s32 $0x50, s17;
	s22 =	simm.s32 $0xECD0  }
0x2a2: {  	[hbm4b:s21+s3] =	stream.linear.scatter [tilespmem:s22], [sflag:$0x3], $0x80, $0x38;
	[tilespmem:$0x14500] =	vst v63  }
0x2a3: {  	s20 =	sadd.s32 $0x60, s17;
	s21 =	simm.s32 $0xED58  }
0x2a4: {  	[hbm4b:s20+s3] =	stream.linear.scatter [tilespmem:s21], [sflag:$0x3], $0x80, $0x38;
	[tilespmem:$0x14500] =	vst v63  }
0x2a5: {  	s17 =	sadd.s32 $0x70, s17;
	s19 =	rddreg [dreg:$0x14];
	s22 =	simm.s32 $0xEDE0  }
0x2a6: {  	[hbm4b:s17+s3] =	stream.linear.scatter [tilespmem:s22], [sflag:$0x3], $0x80, $0x38;
	[tilespmem:$0x14500] =	vst v63  }
0x2a7: {  	s20 =	simm.s32 $0xEEF0;
	s17 =	sadd.s32 s15, s19  }
0x2a8: {  	[hbm4b:s17+s3] =	stream.linear.scatter [tilespmem:s20], [sflag:$0x3], $0x80, $0x38;
	[tilespmem:$0x14500] =	vst v63  }
0x2a9: {  	s22 =	simm.s32 $0xEF78;
	s21 =	sadd.s32 $0x10, s17  }
0x2aa: {  	[hbm4b:s21+s3] =	stream.linear.scatter [tilespmem:s22], [sflag:$0x3], $0x80, $0x38;
	[tilespmem:$0x14500] =	vst v63  }
0x2ab: {  	s19 =	sadd.s32 $0x20, s17;
	s20 =	simm.s32 $0xF000  }
0x2ac: {  	[hbm4b:s19+s3] =	stream.linear.scatter [tilespmem:s20], [sflag:$0x3], $0x80, $0x38;
	[tilespmem:$0x14500] =	vst v63  }
0x2ad: {  	s21 =	sadd.s32 $0x30, s17;
	s22 =	simm.s32 $0xF088  }
0x2ae: {  	[hbm4b:s21+s3] =	stream.linear.scatter [tilespmem:s22], [sflag:$0x3], $0x80, $0x38;
	[tilespmem:$0x14500] =	vst v63  }
0x2af: {  	s19 =	sadd.s32 $0x40, s17;
	s20 =	simm.s32 $0xF110  }
0x2b0: {  	[hbm4b:s19+s3] =	stream.linear.scatter [tilespmem:s20], [sflag:$0x3], $0x80, $0x38;
	[tilespmem:$0x14500] =	vst v63  }
0x2b1: {  	s21 =	sadd.s32 $0x50, s17;
	s22 =	simm.s32 $0xF198  }
0x2b2: {  	[hbm4b:s21+s3] =	stream.linear.scatter [tilespmem:s22], [sflag:$0x3], $0x80, $0x38;
	[tilespmem:$0x14500] =	vst v63  }
0x2b3: {  	s20 =	sadd.s32 $0x60, s17;
	s21 =	simm.s32 $0xF220  }
0x2b4: {  	[hbm4b:s20+s3] =	stream.linear.scatter [tilespmem:s21], [sflag:$0x3], $0x80, $0x38;
	[tilespmem:$0x14500] =	vst v63  }
0x2b5: {  	s17 =	sadd.s32 $0x70, s17;
	s19 =	rddreg [dreg:$0x15];
	s22 =	simm.s32 $0xF2A8  }
0x2b6: {  	[hbm4b:s17+s3] =	stream.linear.scatter [tilespmem:s22], [sflag:$0x3], $0x80, $0x38;
	[tilespmem:$0x14500] =	vst v63  }
0x2b7: {  	s20 =	simm.s32 $0xF3B8;
	s17 =	sadd.s32 s15, s19  }
0x2b8: {  	[hbm4b:s17+s3] =	stream.linear.scatter [tilespmem:s20], [sflag:$0x3], $0x80, $0x38;
	[tilespmem:$0x14500] =	vst v63  }
0x2b9: {  	s22 =	simm.s32 $0xF440;
	s21 =	sadd.s32 $0x10, s17  }
0x2ba: {  	[hbm4b:s21+s3] =	stream.linear.scatter [tilespmem:s22], [sflag:$0x3], $0x80, $0x38;
	[tilespmem:$0x14500] =	vst v63  }
0x2bb: {  	s19 =	sadd.s32 $0x20, s17;
	s20 =	simm.s32 $0xF4C8  }
0x2bc: {  	[hbm4b:s19+s3] =	stream.linear.scatter [tilespmem:s20], [sflag:$0x3], $0x80, $0x38;
	[tilespmem:$0x14500] =	vst v63  }
0x2bd: {  	s21 =	sadd.s32 $0x30, s17;
	s22 =	simm.s32 $0xF550  }
0x2be: {  	[hbm4b:s21+s3] =	stream.linear.scatter [tilespmem:s22], [sflag:$0x3], $0x80, $0x38;
	[tilespmem:$0x14500] =	vst v63  }
0x2bf: {  	s19 =	sadd.s32 $0x40, s17;
	s20 =	simm.s32 $0xF5D8  }
0x2c0: {  	[hbm4b:s19+s3] =	stream.linear.scatter [tilespmem:s20], [sflag:$0x3], $0x80, $0x38;
	[tilespmem:$0x14500] =	vst v63  }
0x2c1: {  	p1 =	seq.s32 s16, $0x13;
	s21 =	sadd.s32 $0x50, s17;
	s22 =	simm.s32 $0xF660  }
0x2c2: {  	[hbm4b:s21+s3] =	stream.linear.scatter [tilespmem:s22], [sflag:$0x3], $0x80, $0x38;
	[tilespmem:$0x14500] =	vst v63  }
.Ltmp2:
0x2c3: {  	_ = 	snop;
	(pc) =	sbr.rel @p1 .LBB2_8-.Ltmp2, $4  }
0x2c4: {  	s20 =	sadd.s32 $0x60, s17;
	s21 =	simm.s32 $0xF6E8  }
0x2c5: {  	[hbm4b:s20+s3] =	stream.linear.scatter [tilespmem:s21], [sflag:$0x3], $0x80, $0x38;
	[tilespmem:$0x14500] =	vst v63  }
0x2c6: {  	s16 =	sadd.s32 $0x1, s16;
	s17 =	sadd.s32 $0x70, s17;
	s22 =	simm.s32 $0xF770  }
0x2c7: {  	[hbm4b:s17+s3] =	stream.linear.scatter [tilespmem:s22], [sflag:$0x3], $0x80, $0x38;
	[tilespmem:$0x14500] =	vst v63  }
0x2c8: {  	v8 =	vld [tilespmem:$0x0];
	s17 =	sshll.u32 s16, $0x9  }
0x2c9: {  	s17 =	sand.u32 $0x3FFFFE00, s17  }
0x2ca: {  	v9 =	vld [tilespmem:s17+$0x200];
	_ =	sdelay $0x2  }
0x2cb: {  	v8 =	vmul.u32 $0x3E8, v8;
	_ =	sdelay $0x1  }
0x2cc: {  	v49 =	vld [tilespmem:$0x10];
	v8 =	vadd.s32 v9, v8  }
0x2cd: {  	[tilespmem:$0x2A00] =	vst v8  }
0x2ce: {  	v8 =	vld [tilespmem:s17+$0x210];
	_ =	sdelay $0x2  }
0x2cf: {  	v9 =	vmul.u32 $0x3E8, v49;
	_ =	sdelay $0x1  }
0x2d0: {  	v50 =	vld [tilespmem:$0x20];
	v8 =	vadd.s32 v8, v9  }
0x2d1: {  	[tilespmem:$0x2A10] =	vst v8  }
0x2d2: {  	v8 =	vld [tilespmem:s17+$0x220];
	_ =	sdelay $0x2  }
0x2d3: {  	v9 =	vmul.u32 $0x3E8, v50;
	_ =	sdelay $0x1  }
0x2d4: {  	v51 =	vld [tilespmem:$0x30];
	v8 =	vadd.s32 v8, v9  }
0x2d5: {  	[tilespmem:$0x2A20] =	vst v8  }
0x2d6: {  	v8 =	vld [tilespmem:s17+$0x230];
	_ =	sdelay $0x2  }
0x2d7: {  	v9 =	vmul.u32 $0x3E8, v51;
	_ =	sdelay $0x1  }
0x2d8: {  	v52 =	vld [tilespmem:$0x40];
	v8 =	vadd.s32 v8, v9  }
0x2d9: {  	[tilespmem:$0x2A30] =	vst v8  }
0x2da: {  	v8 =	vld [tilespmem:s17+$0x240];
	_ =	sdelay $0x2  }
0x2db: {  	v9 =	vmul.u32 $0x3E8, v52;
	_ =	sdelay $0x1  }
0x2dc: {  	v53 =	vld [tilespmem:$0x50];
	v8 =	vadd.s32 v8, v9  }
0x2dd: {  	[tilespmem:$0x2A40] =	vst v8  }
0x2de: {  	v8 =	vld [tilespmem:s17+$0x250];
	_ =	sdelay $0x2  }
0x2df: {  	v9 =	vmul.u32 $0x3E8, v53;
	_ =	sdelay $0x1  }
0x2e0: {  	v54 =	vld [tilespmem:$0x60];
	v8 =	vadd.s32 v8, v9  }
0x2e1: {  	[tilespmem:$0x2A50] =	vst v8  }
0x2e2: {  	v8 =	vld [tilespmem:s17+$0x260];
	_ =	sdelay $0x2  }
0x2e3: {  	v9 =	vmul.u32 $0x3E8, v54;
	_ =	sdelay $0x1  }
0x2e4: {  	v55 =	vld [tilespmem:$0x70];
	v8 =	vadd.s32 v8, v9  }
0x2e5: {  	[tilespmem:$0x2A60] =	vst v8  }
0x2e6: {  	v8 =	vld [tilespmem:s17+$0x270];
	_ =	sdelay $0x2  }
0x2e7: {  	v9 =	vmul.u32 $0x3E8, v55;
	_ =	sdelay $0x1  }
0x2e8: {  	v56 =	vld [tilespmem:$0x80];
	v8 =	vadd.s32 v8, v9  }
0x2e9: {  	[tilespmem:$0x2A70] =	vst v8  }
0x2ea: {  	v8 =	vld [tilespmem:s17+$0x280];
	_ =	sdelay $0x2  }
0x2eb: {  	v9 =	vmul.u32 $0x3E8, v56;
	_ =	sdelay $0x1  }
0x2ec: {  	v57 =	vld [tilespmem:$0x90];
	v8 =	vadd.s32 v8, v9  }
0x2ed: {  	[tilespmem:$0x2A80] =	vst v8  }
0x2ee: {  	v8 =	vld [tilespmem:s17+$0x290];
	_ =	sdelay $0x2  }
0x2ef: {  	v9 =	vmul.u32 $0x3E8, v57;
	_ =	sdelay $0x1  }
0x2f0: {  	v58 =	vld [tilespmem:$0xA0];
	v8 =	vadd.s32 v8, v9  }
0x2f1: {  	[tilespmem:$0x2A90] =	vst v8  }
0x2f2: {  	v8 =	vld [tilespmem:s17+$0x2A0];
	_ =	sdelay $0x2  }
0x2f3: {  	v9 =	vmul.u32 $0x3E8, v58;
	_ =	sdelay $0x1  }
0x2f4: {  	v59 =	vld [tilespmem:$0xB0];
	v8 =	vadd.s32 v8, v9  }
0x2f5: {  	[tilespmem:$0x2AA0] =	vst v8  }
0x2f6: {  	v8 =	vld [tilespmem:s17+$0x2B0];
	_ =	sdelay $0x2  }
0x2f7: {  	v9 =	vmul.u32 $0x3E8, v59;
	_ =	sdelay $0x1  }
0x2f8: {  	v60 =	vld [tilespmem:$0xC0];
	v8 =	vadd.s32 v8, v9  }
0x2f9: {  	[tilespmem:$0x2AB0] =	vst v8  }
0x2fa: {  	v8 =	vld [tilespmem:s17+$0x2C0];
	_ =	sdelay $0x2  }
0x2fb: {  	v9 =	vmul.u32 $0x3E8, v60;
	_ =	sdelay $0x1  }
0x2fc: {  	v61 =	vld [tilespmem:$0xD0];
	v8 =	vadd.s32 v8, v9  }
0x2fd: {  	[tilespmem:$0x2AC0] =	vst v8  }
0x2fe: {  	v8 =	vld [tilespmem:s17+$0x2D0];
	_ =	sdelay $0x2  }
0x2ff: {  	v9 =	vmul.u32 $0x3E8, v61;
	_ =	sdelay $0x1  }
0x300: {  	v62 =	vld [tilespmem:$0xE0];
	v8 =	vadd.s32 v8, v9  }
0x301: {  	[tilespmem:$0x2AD0] =	vst v8  }
0x302: {  	v8 =	vld [tilespmem:s17+$0x2E0];
	_ =	sdelay $0x2  }
0x303: {  	v9 =	vmul.u32 $0x3E8, v62;
	_ =	sdelay $0x1  }
0x304: {  	v63 =	vld [tilespmem:$0xF0];
	v8 =	vadd.s32 v8, v9  }
0x305: {  	[tilespmem:$0x2AE0] =	vst v8  }
0x306: {  	v8 =	vld [tilespmem:s17+$0x2F0];
	_ =	sdelay $0x2  }
0x307: {  	v9 =	vmul.u32 $0x3E8, v63;
	_ =	sdelay $0x1  }
0x308: {  	v8 =	vadd.s32 v8, v9  }
0x309: {  	s20 =	simm.s32 $0x2A00;
	s18 =	simm.s32 $0x2C00;
	[tilespmem:$0x2AF0] =	vst v8  }
0x30a: {  	[tilespmem:s18], [sflag:$0x1] =	stream.indirect.gather [hbm4b:s4+s10], $0x40, s20, s10, $0xb8;
	[tilespmem:$0x14500] =	vst v63  }
0x30b: {  	s21 =	simm.s32 $0x2A80;
	s22 =	simm.s32 $0x4C00  }
0x30c: {  	[tilespmem:s22], [sflag:$0x1] =	stream.indirect.gather [hbm4b:s4+s10], $0x40, s21, s10, $0xb8;
	[tilespmem:$0x14500] =	vst v63  }
.LBB2_8:
0x30d: {  	_ =	swait.ge [sflag:s13], $0x2000  }
0x30e: {  	[sflag:s13] =	ssyncset.done $0x0  }
0x30f: {  	[sflag:s13] =	ssyncadd.s32 $0xFFFFE000  }
0x310: {  	_ =	swait.ge [sflag:s13], $0x2000  }
0x311: {  	[sflag:s13] =	ssyncset.done $0x0  }
0x312: {  	s17 =	simm.s32 @!p0 $0x4;
	[sflag:s13] =	ssyncadd.s32 $0xFFFFE000  }
0x313: {  	_ =	swait.ge @!p0 [sflag:s17], $0x400  }
0x314: {  	[sflag:s17] =	ssyncset.done @!p0 $0x0  }
0x315: {  	[sflag:s17] =	ssyncadd.s32 @!p0 $0xFFFFFC00  }
0x316: {  	_ =	swait.ge @!p0 [sflag:s17], $0x400  }
0x317: {  	[sflag:s17] =	ssyncset.done @!p0 $0x0  }
0x318: {  	[sflag:s17] =	ssyncadd.s32 @!p0 $0xFFFFFC00  }
0x319: {  	_ =	swait.ge @!p0 [sflag:s17], $0x400  }
0x31a: {  	[sflag:s17] =	ssyncset.done @!p0 $0x0  }
0x31b: {  	[sflag:s17] =	ssyncadd.s32 @!p0 $0xFFFFFC00  }
0x31c: {  	_ =	swait.ge @!p0 [sflag:s17], $0x400  }
0x31d: {  	[sflag:s17] =	ssyncset.done @!p0 $0x0  }
0x31e: {  	[sflag:s17] =	ssyncadd.s32 @!p0 $0xFFFFFC00  }
0x31f: {  	_ =	swait.ge @!p0 [sflag:s17], $0x400  }
0x320: {  	[sflag:s17] =	ssyncset.done @!p0 $0x0  }
0x321: {  	[sflag:s17] =	ssyncadd.s32 @!p0 $0xFFFFFC00  }
0x322: {  	_ =	swait.ge @!p0 [sflag:s17], $0x400  }
0x323: {  	[sflag:s17] =	ssyncset.done @!p0 $0x0  }
0x324: {  	[sflag:s17] =	ssyncadd.s32 @!p0 $0xFFFFFC00  }
0x325: {  	_ =	swait.ge @!p0 [sflag:s17], $0x400  }
0x326: {  	[sflag:s17] =	ssyncset.done @!p0 $0x0  }
0x327: {  	[sflag:s17] =	ssyncadd.s32 @!p0 $0xFFFFFC00  }
0x328: {  	_ =	swait.ge @!p0 [sflag:s17], $0x400  }
0x329: {  	[sflag:s17] =	ssyncset.done @!p0 $0x0  }
0x32a: {  	[sflag:s17] =	ssyncadd.s32 @!p0 $0xFFFFFC00  }
0x32b: {  	_ =	swait.ge @!p0 [sflag:s17], $0x400  }
0x32c: {  	[sflag:s17] =	ssyncset.done @!p0 $0x0  }
0x32d: {  	[sflag:s17] =	ssyncadd.s32 @!p0 $0xFFFFFC00  }
0x32e: {  	_ =	swait.ge @!p0 [sflag:s17], $0x400  }
0x32f: {  	[sflag:s17] =	ssyncset.done @!p0 $0x0  }
0x330: {  	[sflag:s17] =	ssyncadd.s32 @!p0 $0xFFFFFC00  }
0x331: {  	_ =	swait.ge @!p0 [sflag:s17], $0x400  }
0x332: {  	[sflag:s17] =	ssyncset.done @!p0 $0x0  }
0x333: {  	[sflag:s17] =	ssyncadd.s32 @!p0 $0xFFFFFC00  }
0x334: {  	_ =	swait.ge @!p0 [sflag:s17], $0x400  }
0x335: {  	[sflag:s17] =	ssyncset.done @!p0 $0x0  }
0x336: {  	[sflag:s17] =	ssyncadd.s32 @!p0 $0xFFFFFC00  }
0x337: {  	_ =	swait.ge @!p0 [sflag:s17], $0x400  }
0x338: {  	[sflag:s17] =	ssyncset.done @!p0 $0x0  }
0x339: {  	[sflag:s17] =	ssyncadd.s32 @!p0 $0xFFFFFC00  }
0x33a: {  	_ =	swait.ge @!p0 [sflag:s17], $0x400  }
0x33b: {  	[sflag:s17] =	ssyncset.done @!p0 $0x0  }
0x33c: {  	[sflag:s17] =	ssyncadd.s32 @!p0 $0xFFFFFC00  }
0x33d: {  	_ =	swait.ge @!p0 [sflag:s17], $0x400  }
0x33e: {  	[sflag:s17] =	ssyncset.done @!p0 $0x0  }
0x33f: {  	[sflag:s17] =	ssyncadd.s32 @!p0 $0xFFFFFC00  }
0x340: {  	s18 =	simm.s32 $0x0;
	_ =	swait.ge @!p0 [sflag:s17], $0x400  }
0x341: {  	v8 =	vmov s18;
	[sflag:s17] =	ssyncset.done @!p0 $0x0  }
0x342: {  	s19 =	simm.s32 $0x6C80;
	v8 =	vand.u32 $0x7C, v8;
	[sflag:s17] =	ssyncadd.s32 @!p0 $0xFFFFFC00  }
0x343: {  	v10 =	vadd.s32 v0, v8;
	v9 =	vld [tilespmem:s19+$0xFFFFFF80];
	_ =	sdelay $0x4  }
0x344: {  	[tilespmem:v10+s14+$0x0] =	vst.idx.msk $0xffff, v9  }
0x345: {  	v10 =	vadd.s32 v1, v8;
	v9 =	vld [tilespmem:s19+$0xFFFFFF90];
	_ =	sdelay $0x4  }
0x346: {  	[tilespmem:v10+s14+$0x0] =	vst.idx.msk $0xffff, v9  }
0x347: {  	v10 =	vadd.s32 v2, v8;
	v9 =	vld [tilespmem:s19+$0xFFFFFFA0];
	_ =	sdelay $0x4  }
0x348: {  	[tilespmem:v10+s14+$0x0] =	vst.idx.msk $0xffff, v9  }
0x349: {  	v10 =	vadd.s32 v3, v8;
	v9 =	vld [tilespmem:s19+$0xFFFFFFB0];
	_ =	sdelay $0x2  }
0x34a: {  	s20 =	simm.s32 $0x1  }
0x34b: {  	v11 =	vmov s20  }
0x34c: {  	[tilespmem:v10+s14+$0x0] =	vst.idx.msk $0xffff, v9;
	v9 =	vand.u32 $0x7D, v11  }
0x34d: {  	v10 =	vld [tilespmem:s19+$0xFFFFFFC0];
	v11 =	vadd.s32 v0, v9;
	_ =	sdelay $0x4  }
0x34e: {  	[tilespmem:v11+s14+$0x0] =	vst.idx.msk $0xffff, v10  }
0x34f: {  	v11 =	vadd.s32 v1, v9;
	v10 =	vld [tilespmem:s19+$0xFFFFFFD0];
	_ =	sdelay $0x4  }
0x350: {  	[tilespmem:v11+s14+$0x0] =	vst.idx.msk $0xffff, v10  }
0x351: {  	v11 =	vadd.s32 v2, v9;
	v10 =	vld [tilespmem:s19+$0xFFFFFFE0];
	_ =	sdelay $0x4  }
0x352: {  	[tilespmem:v11+s14+$0x0] =	vst.idx.msk $0xffff, v10  }
0x353: {  	v11 =	vadd.s32 v3, v9;
	v10 =	vld [tilespmem:s19+$0xFFFFFFF0];
	_ =	sdelay $0x2  }
0x354: {  	s21 =	simm.s32 $0x2  }
0x355: {  	v12 =	vmov s21  }
0x356: {  	[tilespmem:v11+s14+$0x0] =	vst.idx.msk $0xffff, v10;
	v10 =	vand.u32 $0x7E, v12  }
0x357: {  	v11 =	vld [tilespmem:s19+$0x0];
	v12 =	vadd.s32 v0, v10;
	_ =	sdelay $0x4  }
0x358: {  	[tilespmem:v12+s14+$0x0] =	vst.idx.msk $0xffff, v11  }
0x359: {  	v12 =	vadd.s32 v1, v10;
	v11 =	vld [tilespmem:s19+$0x10];
	_ =	sdelay $0x4  }
0x35a: {  	[tilespmem:v12+s14+$0x0] =	vst.idx.msk $0xffff, v11  }
0x35b: {  	v12 =	vadd.s32 v2, v10;
	v11 =	vld [tilespmem:s19+$0x20];
	_ =	sdelay $0x4  }
0x35c: {  	[tilespmem:v12+s14+$0x0] =	vst.idx.msk $0xffff, v11  }
0x35d: {  	v12 =	vadd.s32 v3, v10;
	v11 =	vld [tilespmem:s19+$0x30];
	_ =	sdelay $0x2  }
0x35e: {  	s22 =	simm.s32 $0x3  }
0x35f: {  	v13 =	vmov s22  }
0x360: {  	[tilespmem:v12+s14+$0x0] =	vst.idx.msk $0xffff, v11;
	v11 =	vand.u32 $0x7F, v13  }
0x361: {  	v12 =	vld [tilespmem:s19+$0x40];
	v13 =	vadd.s32 v0, v11;
	_ =	sdelay $0x4  }
0x362: {  	[tilespmem:v13+s14+$0x0] =	vst.idx.msk $0xffff, v12  }
0x363: {  	v13 =	vadd.s32 v1, v11;
	v12 =	vld [tilespmem:s19+$0x50];
	_ =	sdelay $0x4  }
0x364: {  	[tilespmem:v13+s14+$0x0] =	vst.idx.msk $0xffff, v12  }
0x365: {  	v13 =	vadd.s32 v2, v11;
	v12 =	vld [tilespmem:s19+$0x60];
	_ =	sdelay $0x4  }
0x366: {  	[tilespmem:v13+s14+$0x0] =	vst.idx.msk $0xffff, v12  }
0x367: {  	v13 =	vadd.s32 v3, v11;
	v12 =	vld [tilespmem:s19+$0x70];
	_ =	sdelay $0x2  }
0x368: {  	s17 =	simm.s32 $0x4  }
0x369: {  	s21 =	simm.s32 $0x8;
	s20 =	simm.s32 $0x4;
	v14 =	vmov s17  }
.LBB2_9:
0x36a: {  	p0 =	slt.u32 s21, $0x7C;
	v14 =	vand.u32 $0x7C, v14;
	[tilespmem:v13+s14+$0x0] =	vst.idx.msk $0xffff, v12;
	s19 =	sadd.s32 $0x100, s19;
	s18 =	simm.s32 $0x8CF0  }
0x36b: {  	v12 =	vld [tilespmem:s19+$0xFFFFFF80];
	v13 =	vadd.s32 v0, v14;
	_ =	sdelay $0x4  }
0x36c: {  	[tilespmem:v13+s14+$0x0] =	vst.idx.msk $0xffff, v12  }
0x36d: {  	v13 =	vadd.s32 v1, v14;
	v12 =	vld [tilespmem:s19+$0xFFFFFF90];
	_ =	sdelay $0x4  }
0x36e: {  	[tilespmem:v13+s14+$0x0] =	vst.idx.msk $0xffff, v12  }
0x36f: {  	v13 =	vadd.s32 v2, v14;
	v12 =	vld [tilespmem:s19+$0xFFFFFFA0];
	_ =	sdelay $0x4  }
0x370: {  	[tilespmem:v13+s14+$0x0] =	vst.idx.msk $0xffff, v12  }
0x371: {  	v13 =	vadd.s32 v3, v14;
	v12 =	vld [tilespmem:s19+$0xFFFFFFB0];
	_ =	sdelay $0x2  }
0x372: {  	s22 =	sadd.s32 $0x1, s20  }
0x373: {  	v14 =	vmov s22  }
0x374: {  	[tilespmem:v13+s14+$0x0] =	vst.idx.msk $0xffff, v12;
	v12 =	vand.u32 $0x7D, v14  }
0x375: {  	v13 =	vld [tilespmem:s19+$0xFFFFFFC0];
	v14 =	vadd.s32 v0, v12;
	_ =	sdelay $0x4  }
0x376: {  	[tilespmem:v14+s14+$0x0] =	vst.idx.msk $0xffff, v13  }
0x377: {  	v14 =	vadd.s32 v1, v12;
	v13 =	vld [tilespmem:s19+$0xFFFFFFD0];
	_ =	sdelay $0x4  }
0x378: {  	[tilespmem:v14+s14+$0x0] =	vst.idx.msk $0xffff, v13  }
0x379: {  	v14 =	vadd.s32 v2, v12;
	v13 =	vld [tilespmem:s19+$0xFFFFFFE0];
	_ =	sdelay $0x4  }
0x37a: {  	[tilespmem:v14+s14+$0x0] =	vst.idx.msk $0xffff, v13  }
0x37b: {  	v12 =	vadd.s32 v3, v12;
	v13 =	vld [tilespmem:s19+$0xFFFFFFF0];
	_ =	sdelay $0x2  }
0x37c: {  	s22 =	sadd.s32 $0x2, s20  }
0x37d: {  	v14 =	vmov s22  }
0x37e: {  	[tilespmem:v12+s14+$0x0] =	vst.idx.msk $0xffff, v13;
	v12 =	vand.u32 $0x7E, v14  }
0x37f: {  	v13 =	vld [tilespmem:s19+$0x0];
	v14 =	vadd.s32 v0, v12;
	_ =	sdelay $0x4  }
0x380: {  	[tilespmem:v14+s14+$0x0] =	vst.idx.msk $0xffff, v13  }
0x381: {  	v14 =	vadd.s32 v1, v12;
	v13 =	vld [tilespmem:s19+$0x10];
	_ =	sdelay $0x4  }
0x382: {  	[tilespmem:v14+s14+$0x0] =	vst.idx.msk $0xffff, v13  }
0x383: {  	v14 =	vadd.s32 v2, v12;
	v13 =	vld [tilespmem:s19+$0x20];
	_ =	sdelay $0x4  }
0x384: {  	[tilespmem:v14+s14+$0x0] =	vst.idx.msk $0xffff, v13  }
0x385: {  	v12 =	vadd.s32 v3, v12;
	v13 =	vld [tilespmem:s19+$0x30];
	_ =	sdelay $0x2  }
0x386: {  	s22 =	sadd.s32 $0x3, s20;
	s20 =	smov.u32 s21  }
0x387: {  	v14 =	vmov s22  }
0x388: {  	[tilespmem:v12+s14+$0x0] =	vst.idx.msk $0xffff, v13;
	v13 =	vand.u32 $0x7F, v14  }
0x389: {  	v12 =	vld [tilespmem:s19+$0x40];
	v14 =	vadd.s32 v0, v13;
	_ =	sdelay $0x4  }
0x38a: {  	[tilespmem:v14+s14+$0x0] =	vst.idx.msk $0xffff, v12  }
0x38b: {  	v14 =	vadd.s32 v1, v13;
	v12 =	vld [tilespmem:s19+$0x50];
	_ =	sdelay $0x4  }
0x38c: {  	[tilespmem:v14+s14+$0x0] =	vst.idx.msk $0xffff, v12  }
0x38d: {  	v14 =	vadd.s32 v2, v13;
	v12 =	vld [tilespmem:s19+$0x60];
	_ =	sdelay $0x4  }
0x38e: {  	[tilespmem:v14+s14+$0x0] =	vst.idx.msk $0xffff, v12  }
.Ltmp3:
0x38f: {  	v13 =	vadd.s32 v3, v13;
	v12 =	vld [tilespmem:s19+$0x70];
	(pc) =	sbr.rel @p0 .LBB2_9-.Ltmp3, $2  }
0x390: {  	_ =	sdelay $0x2  }
0x391: {  	s21 =	sadd.s32 $0x4, s21;
	v14 =	vmov s20  }
0x392: {  	_ =	sdelay $0x3  }
0x393: {  	v14 =	vand.u32 $0x7C, v14;
	[tilespmem:v13+s14+$0x0] =	vst.idx.msk $0xffff, v12;
	s19 =	sadd.s32 $0x100, s19  }
0x394: {  	v12 =	vld [tilespmem:s19+$0xFFFFFF80];
	v42 =	vadd.s32 v0, v14;
	_ =	sdelay $0x4  }
0x395: {  	[tilespmem:v42+s14+$0x0] =	vst.idx.msk $0xffff, v12  }
0x396: {  	v43 =	vadd.s32 v1, v14;
	v12 =	vld [tilespmem:s19+$0xFFFFFF90];
	_ =	sdelay $0x4  }
0x397: {  	[tilespmem:v43+s14+$0x0] =	vst.idx.msk $0xffff, v12  }
0x398: {  	v44 =	vadd.s32 v2, v14;
	v12 =	vld [tilespmem:s19+$0xFFFFFFA0];
	_ =	sdelay $0x4  }
0x399: {  	[tilespmem:v44+s14+$0x0] =	vst.idx.msk $0xffff, v12  }
0x39a: {  	v45 =	vadd.s32 v3, v14;
	v12 =	vld [tilespmem:s19+$0xFFFFFFB0];
	_ =	sdelay $0x2  }
0x39b: {  	s21 =	sadd.s32 $0x1, s20  }
0x39c: {  	v46 =	vmov s21  }
0x39d: {  	v47 =	vand.u32 $0x7D, v46;
	[tilespmem:v45+s14+$0x0] =	vst.idx.msk $0xffff, v12  }
0x39e: {  	v14 =	vadd.s32 v0, v47;
	v13 =	vld [tilespmem:s19+$0xFFFFFFC0];
	_ =	sdelay $0x4  }
0x39f: {  	[tilespmem:v14+s14+$0x0] =	vst.idx.msk $0xffff, v13  }
0x3a0: {  	v48 =	vadd.s32 v1, v47;
	v13 =	vld [tilespmem:s19+$0xFFFFFFD0];
	_ =	sdelay $0x4  }
0x3a1: {  	[tilespmem:v48+s14+$0x0] =	vst.idx.msk $0xffff, v13  }
0x3a2: {  	v49 =	vadd.s32 v2, v47;
	v13 =	vld [tilespmem:s19+$0xFFFFFFE0];
	_ =	sdelay $0x4  }
0x3a3: {  	[tilespmem:v49+s14+$0x0] =	vst.idx.msk $0xffff, v13  }
0x3a4: {  	v12 =	vadd.s32 v3, v47;
	v13 =	vld [tilespmem:s19+$0xFFFFFFF0];
	_ =	sdelay $0x2  }
0x3a5: {  	s22 =	sadd.s32 $0x2, s20  }
0x3a6: {  	v50 =	vmov s22  }
0x3a7: {  	v51 =	vand.u32 $0x7E, v50;
	[tilespmem:v12+s14+$0x0] =	vst.idx.msk $0xffff, v13  }
0x3a8: {  	v14 =	vadd.s32 v0, v51;
	v13 =	vld [tilespmem:s19+$0x0];
	_ =	sdelay $0x4  }
0x3a9: {  	[tilespmem:v14+s14+$0x0] =	vst.idx.msk $0xffff, v13  }
0x3aa: {  	v52 =	vadd.s32 v1, v51;
	v13 =	vld [tilespmem:s19+$0x10];
	_ =	sdelay $0x4  }
0x3ab: {  	[tilespmem:v52+s14+$0x0] =	vst.idx.msk $0xffff, v13  }
0x3ac: {  	v53 =	vadd.s32 v2, v51;
	v13 =	vld [tilespmem:s19+$0x20];
	_ =	sdelay $0x4  }
0x3ad: {  	[tilespmem:v53+s14+$0x0] =	vst.idx.msk $0xffff, v13  }
0x3ae: {  	v12 =	vadd.s32 v3, v51;
	v13 =	vld [tilespmem:s19+$0x30];
	_ =	sdelay $0x2  }
0x3af: {  	s22 =	sadd.s32 $0x3, s20  }
0x3b0: {  	v54 =	vmov s22  }
0x3b1: {  	v55 =	vand.u32 $0x7F, v54;
	[tilespmem:v12+s14+$0x0] =	vst.idx.msk $0xffff, v13  }
0x3b2: {  	v14 =	vadd.s32 v0, v55;
	v13 =	vld [tilespmem:s19+$0x40];
	_ =	sdelay $0x4  }
0x3b3: {  	[tilespmem:v14+s14+$0x0] =	vst.idx.msk $0xffff, v13  }
0x3b4: {  	v56 =	vadd.s32 v1, v55;
	v13 =	vld [tilespmem:s19+$0x50];
	_ =	sdelay $0x4  }
0x3b5: {  	[tilespmem:v56+s14+$0x0] =	vst.idx.msk $0xffff, v13  }
0x3b6: {  	v57 =	vadd.s32 v2, v55;
	v13 =	vld [tilespmem:s19+$0x60];
	_ =	sdelay $0x4  }
0x3b7: {  	[tilespmem:v57+s14+$0x0] =	vst.idx.msk $0xffff, v13  }
0x3b8: {  	v12 =	vadd.s32 v3, v55;
	v13 =	vld [tilespmem:s19+$0x70];
	_ =	sdelay $0x4  }
0x3b9: {  	[tilespmem:v12+s14+$0x0] =	vst.idx.msk $0xffff, v13  }
0x3ba: {  	v58 =	vadd.s32 v4, v8;
	v12 =	vld [tilespmem:s18+$0xFFFFFF10];
	_ =	sdelay $0x4  }
0x3bb: {  	[tilespmem:v58+s14+$0x0] =	vst.idx.msk $0xffff, v12  }
0x3bc: {  	v59 =	vadd.s32 v5, v8;
	v12 =	vld [tilespmem:s18+$0xFFFFFF20];
	_ =	sdelay $0x4  }
0x3bd: {  	[tilespmem:v59+s14+$0x0] =	vst.idx.msk $0xffff, v12  }
0x3be: {  	v60 =	vadd.s32 v6, v8;
	v12 =	vld [tilespmem:s18+$0xFFFFFF30];
	_ =	sdelay $0x4  }
0x3bf: {  	[tilespmem:v60+s14+$0x0] =	vst.idx.msk $0xffff, v12  }
0x3c0: {  	v8 =	vadd.s32 v7, v8;
	v12 =	vld [tilespmem:s18+$0xFFFFFF40];
	_ =	sdelay $0x4  }
0x3c1: {  	[tilespmem:v8+s14+$0x0] =	vst.idx.msk $0xffff, v12  }
0x3c2: {  	v61 =	vadd.s32 v4, v9;
	v8 =	vld [tilespmem:s18+$0xFFFFFF50];
	_ =	sdelay $0x4  }
0x3c3: {  	[tilespmem:v61+s14+$0x0] =	vst.idx.msk $0xffff, v8  }
0x3c4: {  	v62 =	vadd.s32 v5, v9;
	v8 =	vld [tilespmem:s18+$0xFFFFFF60];
	_ =	sdelay $0x4  }
0x3c5: {  	[tilespmem:v62+s14+$0x0] =	vst.idx.msk $0xffff, v8  }
0x3c6: {  	v63 =	vadd.s32 v6, v9;
	v8 =	vld [tilespmem:s18+$0xFFFFFF70];
	_ =	sdelay $0x4  }
0x3c7: {  	[tilespmem:v63+s14+$0x0] =	vst.idx.msk $0xffff, v8  }
0x3c8: {  	v9 =	vadd.s32 v7, v9;
	v8 =	vld [tilespmem:s18+$0xFFFFFF80];
	_ =	sdelay $0x4  }
0x3c9: {  	[tilespmem:v9+s14+$0x0] =	vst.idx.msk $0xffff, v8  }
0x3ca: {  	v9 =	vadd.s32 v4, v10;
	v8 =	vld [tilespmem:s18+$0xFFFFFF90];
	_ =	sdelay $0x4  }
0x3cb: {  	[tilespmem:v9+s14+$0x0] =	vst.idx.msk $0xffff, v8  }
0x3cc: {  	v9 =	vadd.s32 v5, v10;
	v8 =	vld [tilespmem:s18+$0xFFFFFFA0];
	_ =	sdelay $0x4  }
0x3cd: {  	[tilespmem:v9+s14+$0x0] =	vst.idx.msk $0xffff, v8  }
0x3ce: {  	v9 =	vadd.s32 v6, v10;
	v8 =	vld [tilespmem:s18+$0xFFFFFFB0];
	_ =	sdelay $0x4  }
0x3cf: {  	[tilespmem:v9+s14+$0x0] =	vst.idx.msk $0xffff, v8  }
0x3d0: {  	v9 =	vadd.s32 v7, v10;
	v8 =	vld [tilespmem:s18+$0xFFFFFFC0];
	_ =	sdelay $0x4  }
0x3d1: {  	[tilespmem:v9+s14+$0x0] =	vst.idx.msk $0xffff, v8  }
0x3d2: {  	v9 =	vadd.s32 v4, v11;
	v8 =	vld [tilespmem:s18+$0xFFFFFFD0];
	_ =	sdelay $0x4  }
0x3d3: {  	[tilespmem:v9+s14+$0x0] =	vst.idx.msk $0xffff, v8  }
0x3d4: {  	v9 =	vadd.s32 v5, v11;
	v8 =	vld [tilespmem:s18+$0xFFFFFFE0];
	_ =	sdelay $0x4  }
0x3d5: {  	[tilespmem:v9+s14+$0x0] =	vst.idx.msk $0xffff, v8  }
0x3d6: {  	v9 =	vadd.s32 v6, v11;
	v8 =	vld [tilespmem:s18+$0xFFFFFFF0];
	_ =	sdelay $0x4  }
0x3d7: {  	[tilespmem:v9+s14+$0x0] =	vst.idx.msk $0xffff, v8  }
0x3d8: {  	v9 =	vadd.s32 v7, v11;
	v8 =	vld [tilespmem:s18+$0x0];
	_ =	sdelay $0x3  }
0x3d9: {  	s19 =	simm.s32 $0x8;
	v10 =	vmov s17  }
.LBB2_11:
0x3da: {  	p0 =	slt.u32 s19, $0x7C;
	v10 =	vand.u32 $0x7C, v10;
	[tilespmem:v9+s14+$0x0] =	vst.idx.msk $0xffff, v8;
	s18 =	sadd.s32 $0x100, s18  }
0x3db: {  	v8 =	vld [tilespmem:s18+$0xFFFFFF10];
	v9 =	vadd.s32 v4, v10;
	_ =	sdelay $0x4  }
0x3dc: {  	[tilespmem:v9+s14+$0x0] =	vst.idx.msk $0xffff, v8  }
0x3dd: {  	v9 =	vadd.s32 v5, v10;
	v8 =	vld [tilespmem:s18+$0xFFFFFF20];
	_ =	sdelay $0x4  }
0x3de: {  	[tilespmem:v9+s14+$0x0] =	vst.idx.msk $0xffff, v8  }
0x3df: {  	v9 =	vadd.s32 v6, v10;
	v8 =	vld [tilespmem:s18+$0xFFFFFF30];
	_ =	sdelay $0x4  }
0x3e0: {  	[tilespmem:v9+s14+$0x0] =	vst.idx.msk $0xffff, v8  }
0x3e1: {  	v9 =	vadd.s32 v7, v10;
	v8 =	vld [tilespmem:s18+$0xFFFFFF40];
	_ =	sdelay $0x2  }
0x3e2: {  	s20 =	sadd.s32 $0x1, s17  }
0x3e3: {  	v10 =	vmov s20  }
0x3e4: {  	[tilespmem:v9+s14+$0x0] =	vst.idx.msk $0xffff, v8;
	v8 =	vand.u32 $0x7D, v10  }
0x3e5: {  	v9 =	vld [tilespmem:s18+$0xFFFFFF50];
	v10 =	vadd.s32 v4, v8;
	_ =	sdelay $0x4  }
0x3e6: {  	[tilespmem:v10+s14+$0x0] =	vst.idx.msk $0xffff, v9  }
0x3e7: {  	v10 =	vadd.s32 v5, v8;
	v9 =	vld [tilespmem:s18+$0xFFFFFF60];
	_ =	sdelay $0x4  }
0x3e8: {  	[tilespmem:v10+s14+$0x0] =	vst.idx.msk $0xffff, v9  }
0x3e9: {  	v10 =	vadd.s32 v6, v8;
	v9 =	vld [tilespmem:s18+$0xFFFFFF70];
	_ =	sdelay $0x4  }
0x3ea: {  	[tilespmem:v10+s14+$0x0] =	vst.idx.msk $0xffff, v9  }
0x3eb: {  	v8 =	vadd.s32 v7, v8;
	v9 =	vld [tilespmem:s18+$0xFFFFFF80];
	_ =	sdelay $0x2  }
0x3ec: {  	s20 =	sadd.s32 $0x2, s17  }
0x3ed: {  	v10 =	vmov s20  }
0x3ee: {  	[tilespmem:v8+s14+$0x0] =	vst.idx.msk $0xffff, v9;
	v8 =	vand.u32 $0x7E, v10  }
0x3ef: {  	v9 =	vld [tilespmem:s18+$0xFFFFFF90];
	v10 =	vadd.s32 v4, v8;
	_ =	sdelay $0x4  }
0x3f0: {  	[tilespmem:v10+s14+$0x0] =	vst.idx.msk $0xffff, v9  }
0x3f1: {  	v10 =	vadd.s32 v5, v8;
	v9 =	vld [tilespmem:s18+$0xFFFFFFA0];
	_ =	sdelay $0x4  }
0x3f2: {  	[tilespmem:v10+s14+$0x0] =	vst.idx.msk $0xffff, v9  }
0x3f3: {  	v10 =	vadd.s32 v6, v8;
	v9 =	vld [tilespmem:s18+$0xFFFFFFB0];
	_ =	sdelay $0x4  }
0x3f4: {  	[tilespmem:v10+s14+$0x0] =	vst.idx.msk $0xffff, v9  }
0x3f5: {  	v8 =	vadd.s32 v7, v8;
	v9 =	vld [tilespmem:s18+$0xFFFFFFC0];
	_ =	sdelay $0x2  }
0x3f6: {  	s20 =	sadd.s32 $0x3, s17;
	s17 =	smov.u32 s19  }
0x3f7: {  	v10 =	vmov s20  }
0x3f8: {  	[tilespmem:v8+s14+$0x0] =	vst.idx.msk $0xffff, v9;
	v9 =	vand.u32 $0x7F, v10  }
0x3f9: {  	v8 =	vld [tilespmem:s18+$0xFFFFFFD0];
	v10 =	vadd.s32 v4, v9;
	_ =	sdelay $0x4  }
0x3fa: {  	[tilespmem:v10+s14+$0x0] =	vst.idx.msk $0xffff, v8  }
0x3fb: {  	v10 =	vadd.s32 v5, v9;
	v8 =	vld [tilespmem:s18+$0xFFFFFFE0];
	_ =	sdelay $0x4  }
0x3fc: {  	[tilespmem:v10+s14+$0x0] =	vst.idx.msk $0xffff, v8  }
0x3fd: {  	v10 =	vadd.s32 v6, v9;
	v8 =	vld [tilespmem:s18+$0xFFFFFFF0];
	_ =	sdelay $0x4  }
0x3fe: {  	[tilespmem:v10+s14+$0x0] =	vst.idx.msk $0xffff, v8  }
.Ltmp4:
0x3ff: {  	v9 =	vadd.s32 v7, v9;
	v8 =	vld [tilespmem:s18+$0x0];
	(pc) =	sbr.rel @p0 .LBB2_11-.Ltmp4, $2  }
0x400: {  	_ =	sdelay $0x2  }
0x401: {  	s19 =	sadd.s32 $0x4, s19;
	v10 =	vmov s17  }
0x402: {  	_ =	sdelay $0x3  }
0x403: {  	v10 =	vand.u32 $0x7C, v10;
	[tilespmem:v9+s14+$0x0] =	vst.idx.msk $0xffff, v8;
	s18 =	sadd.s32 $0x100, s18  }
0x404: {  	v8 =	vld [tilespmem:s18+$0xFFFFFF10];
	v51 =	vadd.s32 v4, v10;
	_ =	sdelay $0x4  }
0x405: {  	[tilespmem:v51+s14+$0x0] =	vst.idx.msk $0xffff, v8  }
0x406: {  	v52 =	vadd.s32 v5, v10;
	v8 =	vld [tilespmem:s18+$0xFFFFFF20];
	_ =	sdelay $0x4  }
0x407: {  	[tilespmem:v52+s14+$0x0] =	vst.idx.msk $0xffff, v8  }
0x408: {  	v53 =	vadd.s32 v6, v10;
	v8 =	vld [tilespmem:s18+$0xFFFFFF30];
	_ =	sdelay $0x4  }
0x409: {  	[tilespmem:v53+s14+$0x0] =	vst.idx.msk $0xffff, v8  }
0x40a: {  	v54 =	vadd.s32 v7, v10;
	v8 =	vld [tilespmem:s18+$0xFFFFFF40];
	_ =	sdelay $0x2  }
0x40b: {  	s19 =	sadd.s32 $0x1, s17  }
0x40c: {  	v55 =	vmov s19  }
0x40d: {  	[tilespmem:v54+s14+$0x0] =	vst.idx.msk $0xffff, v8;
	v8 =	vand.u32 $0x7D, v55  }
0x40e: {  	v9 =	vld [tilespmem:s18+$0xFFFFFF50];
	v10 =	vadd.s32 v4, v8;
	_ =	sdelay $0x4  }
0x40f: {  	[tilespmem:v10+s14+$0x0] =	vst.idx.msk $0xffff, v9  }
0x410: {  	v56 =	vadd.s32 v5, v8;
	v9 =	vld [tilespmem:s18+$0xFFFFFF60];
	_ =	sdelay $0x4  }
0x411: {  	[tilespmem:v56+s14+$0x0] =	vst.idx.msk $0xffff, v9  }
0x412: {  	v57 =	vadd.s32 v6, v8;
	v9 =	vld [tilespmem:s18+$0xFFFFFF70];
	_ =	sdelay $0x4  }
0x413: {  	[tilespmem:v57+s14+$0x0] =	vst.idx.msk $0xffff, v9  }
0x414: {  	v8 =	vadd.s32 v7, v8;
	v9 =	vld [tilespmem:s18+$0xFFFFFF80];
	_ =	sdelay $0x2  }
0x415: {  	s22 =	sadd.s32 $0x2, s17  }
0x416: {  	v58 =	vmov s22  }
0x417: {  	[tilespmem:v8+s14+$0x0] =	vst.idx.msk $0xffff, v9;
	v8 =	vand.u32 $0x7E, v58  }
0x418: {  	v9 =	vld [tilespmem:s18+$0xFFFFFF90];
	v10 =	vadd.s32 v4, v8;
	_ =	sdelay $0x4  }
0x419: {  	[tilespmem:v10+s14+$0x0] =	vst.idx.msk $0xffff, v9  }
0x41a: {  	v59 =	vadd.s32 v5, v8;
	v9 =	vld [tilespmem:s18+$0xFFFFFFA0];
	_ =	sdelay $0x4  }
0x41b: {  	[tilespmem:v59+s14+$0x0] =	vst.idx.msk $0xffff, v9  }
0x41c: {  	v60 =	vadd.s32 v6, v8;
	v9 =	vld [tilespmem:s18+$0xFFFFFFB0];
	_ =	sdelay $0x4  }
0x41d: {  	[tilespmem:v60+s14+$0x0] =	vst.idx.msk $0xffff, v9  }
0x41e: {  	v8 =	vadd.s32 v7, v8;
	v9 =	vld [tilespmem:s18+$0xFFFFFFC0];
	_ =	sdelay $0x2  }
0x41f: {  	s20 =	sadd.s32 $0x3, s17  }
0x420: {  	v61 =	vmov s20  }
0x421: {  	[tilespmem:v8+s14+$0x0] =	vst.idx.msk $0xffff, v9;
	v8 =	vand.u32 $0x7F, v61  }
0x422: {  	v9 =	vld [tilespmem:s18+$0xFFFFFFD0];
	v10 =	vadd.s32 v4, v8;
	_ =	sdelay $0x4  }
0x423: {  	[tilespmem:v10+s14+$0x0] =	vst.idx.msk $0xffff, v9  }
0x424: {  	v62 =	vadd.s32 v5, v8;
	v9 =	vld [tilespmem:s18+$0xFFFFFFE0];
	_ =	sdelay $0x4  }
0x425: {  	[tilespmem:v62+s14+$0x0] =	vst.idx.msk $0xffff, v9  }
0x426: {  	v63 =	vadd.s32 v6, v8;
	v9 =	vld [tilespmem:s18+$0xFFFFFFF0];
	_ =	sdelay $0x4  }
0x427: {  	[tilespmem:v63+s14+$0x0] =	vst.idx.msk $0xffff, v9  }
0x428: {  	v8 =	vadd.s32 v7, v8;
	v9 =	vld [tilespmem:s18+$0x0];
	_ =	sdelay $0x4  }
0x429: {  	s17 =	sadd.s32 s15, s23;
	[tilespmem:v8+s14+$0x0] =	vst.idx.msk $0xffff, v9  }
0x42a: {  	[hbm4b:s17+s3] =	stream.linear.scatter [tilespmem:s14], [sflag:$0x4], $0x80, $0x38;
	[tilespmem:$0x14500] =	vst v63  }
0x42b: {  	s21 =	sadd.s32 $0x10, s17;
	s22 =	simm.s32 $0xF908  }
0x42c: {  	[hbm4b:s21+s3] =	stream.linear.scatter [tilespmem:s22], [sflag:$0x4], $0x80, $0x38;
	[tilespmem:$0x14500] =	vst v63  }
0x42d: {  	s19 =	sadd.s32 $0x20, s17;
	s20 =	simm.s32 $0xF990  }
0x42e: {  	[hbm4b:s19+s3] =	stream.linear.scatter [tilespmem:s20], [sflag:$0x4], $0x80, $0x38;
	[tilespmem:$0x14500] =	vst v63  }
0x42f: {  	s21 =	sadd.s32 $0x30, s17;
	s22 =	simm.s32 $0xFA18  }
0x430: {  	[hbm4b:s21+s3] =	stream.linear.scatter [tilespmem:s22], [sflag:$0x4], $0x80, $0x38;
	[tilespmem:$0x14500] =	vst v63  }
0x431: {  	s19 =	sadd.s32 $0x40, s17;
	s20 =	simm.s32 $0xFAA0  }
0x432: {  	[hbm4b:s19+s3] =	stream.linear.scatter [tilespmem:s20], [sflag:$0x4], $0x80, $0x38;
	[tilespmem:$0x14500] =	vst v63  }
0x433: {  	s21 =	sadd.s32 $0x50, s17;
	s22 =	simm.s32 $0xFB28  }
0x434: {  	[hbm4b:s21+s3] =	stream.linear.scatter [tilespmem:s22], [sflag:$0x4], $0x80, $0x38;
	[tilespmem:$0x14500] =	vst v63  }
0x435: {  	s19 =	sadd.s32 $0x60, s17;
	s20 =	simm.s32 $0xFBB0  }
0x436: {  	[hbm4b:s19+s3] =	stream.linear.scatter [tilespmem:s20], [sflag:$0x4], $0x80, $0x38;
	[tilespmem:$0x14500] =	vst v63  }
0x437: {  	s17 =	sadd.s32 $0x70, s17;
	s21 =	simm.s32 $0xFC38  }
0x438: {  	[hbm4b:s17+s3] =	stream.linear.scatter [tilespmem:s21], [sflag:$0x4], $0x80, $0x38;
	[tilespmem:$0x14500] =	vst v63  }
0x439: {  	s22 =	simm.s32 $0xFD48;
	s17 =	sadd.s32 s15, s24  }
0x43a: {  	[hbm4b:s17+s3] =	stream.linear.scatter [tilespmem:s22], [sflag:$0x4], $0x80, $0x38;
	[tilespmem:$0x14500] =	vst v63  }
0x43b: {  	s20 =	simm.s32 $0xFDD0;
	s19 =	sadd.s32 $0x10, s17  }
0x43c: {  	[hbm4b:s19+s3] =	stream.linear.scatter [tilespmem:s20], [sflag:$0x4], $0x80, $0x38;
	[tilespmem:$0x14500] =	vst v63  }
0x43d: {  	s21 =	sadd.s32 $0x20, s17;
	s22 =	simm.s32 $0xFE58  }
0x43e: {  	[hbm4b:s21+s3] =	stream.linear.scatter [tilespmem:s22], [sflag:$0x4], $0x80, $0x38;
	[tilespmem:$0x14500] =	vst v63  }
0x43f: {  	s19 =	sadd.s32 $0x30, s17;
	s20 =	simm.s32 $0xFEE0  }
0x440: {  	[hbm4b:s19+s3] =	stream.linear.scatter [tilespmem:s20], [sflag:$0x4], $0x80, $0x38;
	[tilespmem:$0x14500] =	vst v63  }
0x441: {  	s21 =	sadd.s32 $0x40, s17;
	s22 =	simm.s32 $0xFF68  }
0x442: {  	[hbm4b:s21+s3] =	stream.linear.scatter [tilespmem:s22], [sflag:$0x4], $0x80, $0x38;
	[tilespmem:$0x14500] =	vst v63  }
0x443: {  	s19 =	sadd.s32 $0x50, s17;
	s20 =	simm.s32 $0xFFF0  }
0x444: {  	[hbm4b:s19+s3] =	stream.linear.scatter [tilespmem:s20], [sflag:$0x4], $0x80, $0x38;
	[tilespmem:$0x14500] =	vst v63  }
0x445: {  	s21 =	sadd.s32 $0x60, s17;
	s22 =	simm.s32 $0x10078  }
0x446: {  	[hbm4b:s21+s3] =	stream.linear.scatter [tilespmem:s22], [sflag:$0x4], $0x80, $0x38;
	[tilespmem:$0x14500] =	vst v63  }
0x447: {  	s17 =	sadd.s32 $0x70, s17;
	s19 =	simm.s32 $0x10100  }
0x448: {  	[hbm4b:s17+s3] =	stream.linear.scatter [tilespmem:s19], [sflag:$0x4], $0x80, $0x38;
	[tilespmem:$0x14500] =	vst v63  }
0x449: {  	s20 =	simm.s32 $0x10210;
	s17 =	sadd.s32 s15, s26  }
0x44a: {  	[hbm4b:s17+s3] =	stream.linear.scatter [tilespmem:s20], [sflag:$0x4], $0x80, $0x38;
	[tilespmem:$0x14500] =	vst v63  }
0x44b: {  	s22 =	simm.s32 $0x10298;
	s21 =	sadd.s32 $0x10, s17  }
0x44c: {  	[hbm4b:s21+s3] =	stream.linear.scatter [tilespmem:s22], [sflag:$0x4], $0x80, $0x38;
	[tilespmem:$0x14500] =	vst v63  }
0x44d: {  	s19 =	sadd.s32 $0x20, s17;
	s20 =	simm.s32 $0x10320  }
0x44e: {  	[hbm4b:s19+s3] =	stream.linear.scatter [tilespmem:s20], [sflag:$0x4], $0x80, $0x38;
	[tilespmem:$0x14500] =	vst v63  }
0x44f: {  	s21 =	sadd.s32 $0x30, s17;
	s22 =	simm.s32 $0x103A8  }
0x450: {  	[hbm4b:s21+s3] =	stream.linear.scatter [tilespmem:s22], [sflag:$0x4], $0x80, $0x38;
	[tilespmem:$0x14500] =	vst v63  }
0x451: {  	s19 =	sadd.s32 $0x40, s17;
	s20 =	simm.s32 $0x10430  }
0x452: {  	[hbm4b:s19+s3] =	stream.linear.scatter [tilespmem:s20], [sflag:$0x4], $0x80, $0x38;
	[tilespmem:$0x14500] =	vst v63  }
0x453: {  	s21 =	sadd.s32 $0x50, s17;
	s22 =	simm.s32 $0x104B8  }
0x454: {  	[hbm4b:s21+s3] =	stream.linear.scatter [tilespmem:s22], [sflag:$0x4], $0x80, $0x38;
	[tilespmem:$0x14500] =	vst v63  }
0x455: {  	s19 =	sadd.s32 $0x60, s17;
	s20 =	simm.s32 $0x10540  }
0x456: {  	[hbm4b:s19+s3] =	stream.linear.scatter [tilespmem:s20], [sflag:$0x4], $0x80, $0x38;
	[tilespmem:$0x14500] =	vst v63  }
0x457: {  	s17 =	sadd.s32 $0x70, s17;
	s21 =	simm.s32 $0x105C8  }
0x458: {  	[hbm4b:s17+s3] =	stream.linear.scatter [tilespmem:s21], [sflag:$0x4], $0x80, $0x38;
	[tilespmem:$0x14500] =	vst v63  }
0x459: {  	s22 =	simm.s32 $0x106D8;
	s17 =	sadd.s32 s15, s28  }
0x45a: {  	[hbm4b:s17+s3] =	stream.linear.scatter [tilespmem:s22], [sflag:$0x4], $0x80, $0x38;
	[tilespmem:$0x14500] =	vst v63  }
0x45b: {  	s20 =	simm.s32 $0x10760;
	s19 =	sadd.s32 $0x10, s17  }
0x45c: {  	[hbm4b:s19+s3] =	stream.linear.scatter [tilespmem:s20], [sflag:$0x4], $0x80, $0x38;
	[tilespmem:$0x14500] =	vst v63  }
0x45d: {  	s21 =	sadd.s32 $0x20, s17;
	s22 =	simm.s32 $0x107E8  }
0x45e: {  	[hbm4b:s21+s3] =	stream.linear.scatter [tilespmem:s22], [sflag:$0x4], $0x80, $0x38;
	[tilespmem:$0x14500] =	vst v63  }
0x45f: {  	s19 =	sadd.s32 $0x30, s17;
	s20 =	simm.s32 $0x10870  }
0x460: {  	[hbm4b:s19+s3] =	stream.linear.scatter [tilespmem:s20], [sflag:$0x4], $0x80, $0x38;
	[tilespmem:$0x14500] =	vst v63  }
0x461: {  	s21 =	sadd.s32 $0x40, s17;
	s22 =	simm.s32 $0x108F8  }
0x462: {  	[hbm4b:s21+s3] =	stream.linear.scatter [tilespmem:s22], [sflag:$0x4], $0x80, $0x38;
	[tilespmem:$0x14500] =	vst v63  }
0x463: {  	s19 =	sadd.s32 $0x50, s17;
	s20 =	simm.s32 $0x10980  }
0x464: {  	[hbm4b:s19+s3] =	stream.linear.scatter [tilespmem:s20], [sflag:$0x4], $0x80, $0x38;
	[tilespmem:$0x14500] =	vst v63  }
0x465: {  	s21 =	sadd.s32 $0x60, s17;
	s22 =	simm.s32 $0x10A08  }
0x466: {  	[hbm4b:s21+s3] =	stream.linear.scatter [tilespmem:s22], [sflag:$0x4], $0x80, $0x38;
	[tilespmem:$0x14500] =	vst v63  }
0x467: {  	s17 =	sadd.s32 $0x70, s17;
	s19 =	simm.s32 $0x10A90  }
0x468: {  	[hbm4b:s17+s3] =	stream.linear.scatter [tilespmem:s19], [sflag:$0x4], $0x80, $0x38;
	[tilespmem:$0x14500] =	vst v63  }
0x469: {  	s20 =	simm.s32 $0x10BA0;
	s17 =	sadd.s32 s15, s29  }
0x46a: {  	[hbm4b:s17+s3] =	stream.linear.scatter [tilespmem:s20], [sflag:$0x4], $0x80, $0x38;
	[tilespmem:$0x14500] =	vst v63  }
0x46b: {  	s22 =	simm.s32 $0x10C28;
	s21 =	sadd.s32 $0x10, s17  }
0x46c: {  	[hbm4b:s21+s3] =	stream.linear.scatter [tilespmem:s22], [sflag:$0x4], $0x80, $0x38;
	[tilespmem:$0x14500] =	vst v63  }
0x46d: {  	s19 =	sadd.s32 $0x20, s17;
	s20 =	simm.s32 $0x10CB0  }
0x46e: {  	[hbm4b:s19+s3] =	stream.linear.scatter [tilespmem:s20], [sflag:$0x4], $0x80, $0x38;
	[tilespmem:$0x14500] =	vst v63  }
0x46f: {  	s21 =	sadd.s32 $0x30, s17;
	s22 =	simm.s32 $0x10D38  }
0x470: {  	[hbm4b:s21+s3] =	stream.linear.scatter [tilespmem:s22], [sflag:$0x4], $0x80, $0x38;
	[tilespmem:$0x14500] =	vst v63  }
0x471: {  	s19 =	sadd.s32 $0x40, s17;
	s20 =	simm.s32 $0x10DC0  }
0x472: {  	[hbm4b:s19+s3] =	stream.linear.scatter [tilespmem:s20], [sflag:$0x4], $0x80, $0x38;
	[tilespmem:$0x14500] =	vst v63  }
0x473: {  	s21 =	sadd.s32 $0x50, s17;
	s22 =	simm.s32 $0x10E48  }
0x474: {  	[hbm4b:s21+s3] =	stream.linear.scatter [tilespmem:s22], [sflag:$0x4], $0x80, $0x38;
	[tilespmem:$0x14500] =	vst v63  }
0x475: {  	s19 =	sadd.s32 $0x60, s17;
	s20 =	simm.s32 $0x10ED0  }
0x476: {  	[hbm4b:s19+s3] =	stream.linear.scatter [tilespmem:s20], [sflag:$0x4], $0x80, $0x38;
	[tilespmem:$0x14500] =	vst v63  }
0x477: {  	s17 =	sadd.s32 $0x70, s17;
	s21 =	simm.s32 $0x10F58  }
0x478: {  	[hbm4b:s17+s3] =	stream.linear.scatter [tilespmem:s21], [sflag:$0x4], $0x80, $0x38;
	[tilespmem:$0x14500] =	vst v63  }
0x479: {  	s22 =	simm.s32 $0x11068;
	s17 =	sadd.s32 s15, s30  }
0x47a: {  	[hbm4b:s17+s3] =	stream.linear.scatter [tilespmem:s22], [sflag:$0x4], $0x80, $0x38;
	[tilespmem:$0x14500] =	vst v63  }
0x47b: {  	s20 =	simm.s32 $0x110F0;
	s19 =	sadd.s32 $0x10, s17  }
0x47c: {  	[hbm4b:s19+s3] =	stream.linear.scatter [tilespmem:s20], [sflag:$0x4], $0x80, $0x38;
	[tilespmem:$0x14500] =	vst v63  }
0x47d: {  	s21 =	sadd.s32 $0x20, s17;
	s22 =	simm.s32 $0x11178  }
0x47e: {  	[hbm4b:s21+s3] =	stream.linear.scatter [tilespmem:s22], [sflag:$0x4], $0x80, $0x38;
	[tilespmem:$0x14500] =	vst v63  }
0x47f: {  	s19 =	sadd.s32 $0x30, s17;
	s20 =	simm.s32 $0x11200  }
0x480: {  	[hbm4b:s19+s3] =	stream.linear.scatter [tilespmem:s20], [sflag:$0x4], $0x80, $0x38;
	[tilespmem:$0x14500] =	vst v63  }
0x481: {  	s21 =	sadd.s32 $0x40, s17;
	s22 =	simm.s32 $0x11288  }
0x482: {  	[hbm4b:s21+s3] =	stream.linear.scatter [tilespmem:s22], [sflag:$0x4], $0x80, $0x38;
	[tilespmem:$0x14500] =	vst v63  }
0x483: {  	s19 =	sadd.s32 $0x50, s17;
	s20 =	simm.s32 $0x11310  }
0x484: {  	[hbm4b:s19+s3] =	stream.linear.scatter [tilespmem:s20], [sflag:$0x4], $0x80, $0x38;
	[tilespmem:$0x14500] =	vst v63  }
0x485: {  	s21 =	sadd.s32 $0x60, s17;
	s22 =	simm.s32 $0x11398  }
0x486: {  	[hbm4b:s21+s3] =	stream.linear.scatter [tilespmem:s22], [sflag:$0x4], $0x80, $0x38;
	[tilespmem:$0x14500] =	vst v63  }
0x487: {  	s17 =	sadd.s32 $0x70, s17;
	s19 =	simm.s32 $0x11420  }
0x488: {  	[hbm4b:s17+s3] =	stream.linear.scatter [tilespmem:s19], [sflag:$0x4], $0x80, $0x38;
	[tilespmem:$0x14500] =	vst v63  }
0x489: {  	s20 =	simm.s32 $0x11530;
	s17 =	sadd.s32 s15, s31  }
0x48a: {  	[hbm4b:s17+s3] =	stream.linear.scatter [tilespmem:s20], [sflag:$0x4], $0x80, $0x38;
	[tilespmem:$0x14500] =	vst v63  }
0x48b: {  	s22 =	simm.s32 $0x115B8;
	s21 =	sadd.s32 $0x10, s17  }
0x48c: {  	[hbm4b:s21+s3] =	stream.linear.scatter [tilespmem:s22], [sflag:$0x4], $0x80, $0x38;
	[tilespmem:$0x14500] =	vst v63  }
0x48d: {  	s19 =	sadd.s32 $0x20, s17;
	s20 =	simm.s32 $0x11640  }
0x48e: {  	[hbm4b:s19+s3] =	stream.linear.scatter [tilespmem:s20], [sflag:$0x4], $0x80, $0x38;
	[tilespmem:$0x14500] =	vst v63  }
0x48f: {  	s21 =	sadd.s32 $0x30, s17;
	s22 =	simm.s32 $0x116C8  }
0x490: {  	[hbm4b:s21+s3] =	stream.linear.scatter [tilespmem:s22], [sflag:$0x4], $0x80, $0x38;
	[tilespmem:$0x14500] =	vst v63  }
0x491: {  	s19 =	sadd.s32 $0x40, s17;
	s20 =	simm.s32 $0x11750  }
0x492: {  	[hbm4b:s19+s3] =	stream.linear.scatter [tilespmem:s20], [sflag:$0x4], $0x80, $0x38;
	[tilespmem:$0x14500] =	vst v63  }
0x493: {  	s21 =	sadd.s32 $0x50, s17;
	s22 =	simm.s32 $0x117D8  }
0x494: {  	[hbm4b:s21+s3] =	stream.linear.scatter [tilespmem:s22], [sflag:$0x4], $0x80, $0x38;
	[tilespmem:$0x14500] =	vst v63  }
0x495: {  	s19 =	sadd.s32 $0x60, s17;
	s20 =	simm.s32 $0x11860  }
0x496: {  	[hbm4b:s19+s3] =	stream.linear.scatter [tilespmem:s20], [sflag:$0x4], $0x80, $0x38;
	[tilespmem:$0x14500] =	vst v63  }
0x497: {  	s17 =	sadd.s32 $0x70, s17;
	s21 =	simm.s32 $0x118E8  }
0x498: {  	[hbm4b:s17+s3] =	stream.linear.scatter [tilespmem:s21], [sflag:$0x4], $0x80, $0x38;
	[tilespmem:$0x14500] =	vst v63  }
0x499: {  	s22 =	simm.s32 $0x119F8;
	s17 =	sadd.s32 s15, s0  }
0x49a: {  	[hbm4b:s17+s3] =	stream.linear.scatter [tilespmem:s22], [sflag:$0x4], $0x80, $0x38;
	[tilespmem:$0x14500] =	vst v63  }
0x49b: {  	s20 =	simm.s32 $0x11A80;
	s19 =	sadd.s32 $0x10, s17  }
0x49c: {  	[hbm4b:s19+s3] =	stream.linear.scatter [tilespmem:s20], [sflag:$0x4], $0x80, $0x38;
	[tilespmem:$0x14500] =	vst v63  }
0x49d: {  	s21 =	sadd.s32 $0x20, s17;
	s22 =	simm.s32 $0x11B08  }
0x49e: {  	[hbm4b:s21+s3] =	stream.linear.scatter [tilespmem:s22], [sflag:$0x4], $0x80, $0x38;
	[tilespmem:$0x14500] =	vst v63  }
0x49f: {  	s19 =	sadd.s32 $0x30, s17;
	s20 =	simm.s32 $0x11B90  }
0x4a0: {  	[hbm4b:s19+s3] =	stream.linear.scatter [tilespmem:s20], [sflag:$0x4], $0x80, $0x38;
	[tilespmem:$0x14500] =	vst v63  }
0x4a1: {  	s21 =	sadd.s32 $0x40, s17;
	s22 =	simm.s32 $0x11C18  }
0x4a2: {  	[hbm4b:s21+s3] =	stream.linear.scatter [tilespmem:s22], [sflag:$0x4], $0x80, $0x38;
	[tilespmem:$0x14500] =	vst v63  }
0x4a3: {  	s19 =	sadd.s32 $0x50, s17;
	s20 =	simm.s32 $0x11CA0  }
0x4a4: {  	[hbm4b:s19+s3] =	stream.linear.scatter [tilespmem:s20], [sflag:$0x4], $0x80, $0x38;
	[tilespmem:$0x14500] =	vst v63  }
0x4a5: {  	s21 =	sadd.s32 $0x60, s17;
	s22 =	simm.s32 $0x11D28  }
0x4a6: {  	[hbm4b:s21+s3] =	stream.linear.scatter [tilespmem:s22], [sflag:$0x4], $0x80, $0x38;
	[tilespmem:$0x14500] =	vst v63  }
0x4a7: {  	s17 =	sadd.s32 $0x70, s17;
	s19 =	simm.s32 $0x11DB0  }
0x4a8: {  	[hbm4b:s17+s3] =	stream.linear.scatter [tilespmem:s19], [sflag:$0x4], $0x80, $0x38;
	[tilespmem:$0x14500] =	vst v63  }
0x4a9: {  	s20 =	simm.s32 $0x11EC0;
	s17 =	sadd.s32 s15, s1  }
0x4aa: {  	[hbm4b:s17+s3] =	stream.linear.scatter [tilespmem:s20], [sflag:$0x4], $0x80, $0x38;
	[tilespmem:$0x14500] =	vst v63  }
0x4ab: {  	s22 =	simm.s32 $0x11F48;
	s21 =	sadd.s32 $0x10, s17  }
0x4ac: {  	[hbm4b:s21+s3] =	stream.linear.scatter [tilespmem:s22], [sflag:$0x4], $0x80, $0x38;
	[tilespmem:$0x14500] =	vst v63  }
0x4ad: {  	s19 =	sadd.s32 $0x20, s17;
	s20 =	simm.s32 $0x11FD0  }
0x4ae: {  	[hbm4b:s19+s3] =	stream.linear.scatter [tilespmem:s20], [sflag:$0x4], $0x80, $0x38;
	[tilespmem:$0x14500] =	vst v63  }
0x4af: {  	s21 =	sadd.s32 $0x30, s17;
	s22 =	simm.s32 $0x12058  }
0x4b0: {  	[hbm4b:s21+s3] =	stream.linear.scatter [tilespmem:s22], [sflag:$0x4], $0x80, $0x38;
	[tilespmem:$0x14500] =	vst v63  }
0x4b1: {  	s19 =	sadd.s32 $0x40, s17;
	s20 =	simm.s32 $0x120E0  }
0x4b2: {  	[hbm4b:s19+s3] =	stream.linear.scatter [tilespmem:s20], [sflag:$0x4], $0x80, $0x38;
	[tilespmem:$0x14500] =	vst v63  }
0x4b3: {  	s21 =	sadd.s32 $0x50, s17;
	s22 =	simm.s32 $0x12168  }
0x4b4: {  	[hbm4b:s21+s3] =	stream.linear.scatter [tilespmem:s22], [sflag:$0x4], $0x80, $0x38;
	[tilespmem:$0x14500] =	vst v63  }
0x4b5: {  	s19 =	sadd.s32 $0x60, s17;
	s20 =	simm.s32 $0x121F0  }
0x4b6: {  	[hbm4b:s19+s3] =	stream.linear.scatter [tilespmem:s20], [sflag:$0x4], $0x80, $0x38;
	[tilespmem:$0x14500] =	vst v63  }
0x4b7: {  	s17 =	sadd.s32 $0x70, s17;
	s21 =	simm.s32 $0x12278  }
0x4b8: {  	[hbm4b:s17+s3] =	stream.linear.scatter [tilespmem:s21], [sflag:$0x4], $0x80, $0x38;
	[tilespmem:$0x14500] =	vst v63  }
0x4b9: {  	s22 =	simm.s32 $0x12388;
	s17 =	sadd.s32 s15, s6  }
0x4ba: {  	[hbm4b:s17+s3] =	stream.linear.scatter [tilespmem:s22], [sflag:$0x4], $0x80, $0x38;
	[tilespmem:$0x14500] =	vst v63  }
0x4bb: {  	s20 =	simm.s32 $0x12410;
	s19 =	sadd.s32 $0x10, s17  }
0x4bc: {  	[hbm4b:s19+s3] =	stream.linear.scatter [tilespmem:s20], [sflag:$0x4], $0x80, $0x38;
	[tilespmem:$0x14500] =	vst v63  }
0x4bd: {  	s21 =	sadd.s32 $0x20, s17;
	s22 =	simm.s32 $0x12498  }
0x4be: {  	[hbm4b:s21+s3] =	stream.linear.scatter [tilespmem:s22], [sflag:$0x4], $0x80, $0x38;
	[tilespmem:$0x14500] =	vst v63  }
0x4bf: {  	s19 =	sadd.s32 $0x30, s17;
	s20 =	simm.s32 $0x12520  }
0x4c0: {  	[hbm4b:s19+s3] =	stream.linear.scatter [tilespmem:s20], [sflag:$0x4], $0x80, $0x38;
	[tilespmem:$0x14500] =	vst v63  }
0x4c1: {  	s21 =	sadd.s32 $0x40, s17;
	s22 =	simm.s32 $0x125A8  }
0x4c2: {  	[hbm4b:s21+s3] =	stream.linear.scatter [tilespmem:s22], [sflag:$0x4], $0x80, $0x38;
	[tilespmem:$0x14500] =	vst v63  }
0x4c3: {  	s19 =	sadd.s32 $0x50, s17;
	s20 =	simm.s32 $0x12630  }
0x4c4: {  	[hbm4b:s19+s3] =	stream.linear.scatter [tilespmem:s20], [sflag:$0x4], $0x80, $0x38;
	[tilespmem:$0x14500] =	vst v63  }
0x4c5: {  	s21 =	sadd.s32 $0x60, s17;
	s22 =	simm.s32 $0x126B8  }
0x4c6: {  	[hbm4b:s21+s3] =	stream.linear.scatter [tilespmem:s22], [sflag:$0x4], $0x80, $0x38;
	[tilespmem:$0x14500] =	vst v63  }
0x4c7: {  	s17 =	sadd.s32 $0x70, s17;
	s19 =	simm.s32 $0x12740  }
0x4c8: {  	[hbm4b:s17+s3] =	stream.linear.scatter [tilespmem:s19], [sflag:$0x4], $0x80, $0x38;
	[tilespmem:$0x14500] =	vst v63  }
0x4c9: {  	s20 =	simm.s32 $0x12850;
	s17 =	sadd.s32 s15, s7  }
0x4ca: {  	[hbm4b:s17+s3] =	stream.linear.scatter [tilespmem:s20], [sflag:$0x4], $0x80, $0x38;
	[tilespmem:$0x14500] =	vst v63  }
0x4cb: {  	s22 =	simm.s32 $0x128D8;
	s21 =	sadd.s32 $0x10, s17  }
0x4cc: {  	[hbm4b:s21+s3] =	stream.linear.scatter [tilespmem:s22], [sflag:$0x4], $0x80, $0x38;
	[tilespmem:$0x14500] =	vst v63  }
0x4cd: {  	s19 =	sadd.s32 $0x20, s17;
	s20 =	simm.s32 $0x12960  }
0x4ce: {  	[hbm4b:s19+s3] =	stream.linear.scatter [tilespmem:s20], [sflag:$0x4], $0x80, $0x38;
	[tilespmem:$0x14500] =	vst v63  }
0x4cf: {  	s21 =	sadd.s32 $0x30, s17;
	s22 =	simm.s32 $0x129E8  }
0x4d0: {  	[hbm4b:s21+s3] =	stream.linear.scatter [tilespmem:s22], [sflag:$0x4], $0x80, $0x38;
	[tilespmem:$0x14500] =	vst v63  }
0x4d1: {  	s19 =	sadd.s32 $0x40, s17;
	s20 =	simm.s32 $0x12A70  }
0x4d2: {  	[hbm4b:s19+s3] =	stream.linear.scatter [tilespmem:s20], [sflag:$0x4], $0x80, $0x38;
	[tilespmem:$0x14500] =	vst v63  }
0x4d3: {  	s21 =	sadd.s32 $0x50, s17;
	s22 =	simm.s32 $0x12AF8  }
0x4d4: {  	[hbm4b:s21+s3] =	stream.linear.scatter [tilespmem:s22], [sflag:$0x4], $0x80, $0x38;
	[tilespmem:$0x14500] =	vst v63  }
0x4d5: {  	s19 =	sadd.s32 $0x60, s17;
	s20 =	simm.s32 $0x12B80  }
0x4d6: {  	[hbm4b:s19+s3] =	stream.linear.scatter [tilespmem:s20], [sflag:$0x4], $0x80, $0x38;
	[tilespmem:$0x14500] =	vst v63  }
0x4d7: {  	s17 =	sadd.s32 $0x70, s17;
	s21 =	simm.s32 $0x12C08  }
0x4d8: {  	[hbm4b:s17+s3] =	stream.linear.scatter [tilespmem:s21], [sflag:$0x4], $0x80, $0x38;
	[tilespmem:$0x14500] =	vst v63  }
0x4d9: {  	s22 =	simm.s32 $0x12D18;
	s17 =	sadd.s32 s15, s25  }
0x4da: {  	[hbm4b:s17+s3] =	stream.linear.scatter [tilespmem:s22], [sflag:$0x4], $0x80, $0x38;
	[tilespmem:$0x14500] =	vst v63  }
0x4db: {  	s20 =	simm.s32 $0x12DA0;
	s19 =	sadd.s32 $0x10, s17  }
0x4dc: {  	[hbm4b:s19+s3] =	stream.linear.scatter [tilespmem:s20], [sflag:$0x4], $0x80, $0x38;
	[tilespmem:$0x14500] =	vst v63  }
0x4dd: {  	s21 =	sadd.s32 $0x20, s17;
	s22 =	simm.s32 $0x12E28  }
0x4de: {  	[hbm4b:s21+s3] =	stream.linear.scatter [tilespmem:s22], [sflag:$0x4], $0x80, $0x38;
	[tilespmem:$0x14500] =	vst v63  }
0x4df: {  	s19 =	sadd.s32 $0x30, s17;
	s20 =	simm.s32 $0x12EB0  }
0x4e0: {  	[hbm4b:s19+s3] =	stream.linear.scatter [tilespmem:s20], [sflag:$0x4], $0x80, $0x38;
	[tilespmem:$0x14500] =	vst v63  }
0x4e1: {  	s21 =	sadd.s32 $0x40, s17;
	s22 =	simm.s32 $0x12F38  }
0x4e2: {  	[hbm4b:s21+s3] =	stream.linear.scatter [tilespmem:s22], [sflag:$0x4], $0x80, $0x38;
	[tilespmem:$0x14500] =	vst v63  }
0x4e3: {  	s19 =	sadd.s32 $0x50, s17;
	s20 =	simm.s32 $0x12FC0  }
0x4e4: {  	[hbm4b:s19+s3] =	stream.linear.scatter [tilespmem:s20], [sflag:$0x4], $0x80, $0x38;
	[tilespmem:$0x14500] =	vst v63  }
0x4e5: {  	s21 =	sadd.s32 $0x60, s17;
	s22 =	simm.s32 $0x13048  }
0x4e6: {  	[hbm4b:s21+s3] =	stream.linear.scatter [tilespmem:s22], [sflag:$0x4], $0x80, $0x38;
	[tilespmem:$0x14500] =	vst v63  }
0x4e7: {  	s17 =	sadd.s32 $0x70, s17;
	s19 =	simm.s32 $0x130D0  }
0x4e8: {  	[hbm4b:s17+s3] =	stream.linear.scatter [tilespmem:s19], [sflag:$0x4], $0x80, $0x38;
	[tilespmem:$0x14500] =	vst v63  }
0x4e9: {  	s20 =	simm.s32 $0x131E0;
	s17 =	sadd.s32 s15, s2  }
0x4ea: {  	[hbm4b:s17+s3] =	stream.linear.scatter [tilespmem:s20], [sflag:$0x4], $0x80, $0x38;
	[tilespmem:$0x14500] =	vst v63  }
0x4eb: {  	s22 =	simm.s32 $0x13268;
	s21 =	sadd.s32 $0x10, s17  }
0x4ec: {  	[hbm4b:s21+s3] =	stream.linear.scatter [tilespmem:s22], [sflag:$0x4], $0x80, $0x38;
	[tilespmem:$0x14500] =	vst v63  }
0x4ed: {  	s19 =	sadd.s32 $0x20, s17;
	s20 =	simm.s32 $0x132F0  }
0x4ee: {  	[hbm4b:s19+s3] =	stream.linear.scatter [tilespmem:s20], [sflag:$0x4], $0x80, $0x38;
	[tilespmem:$0x14500] =	vst v63  }
0x4ef: {  	s21 =	sadd.s32 $0x30, s17;
	s22 =	simm.s32 $0x13378  }
0x4f0: {  	[hbm4b:s21+s3] =	stream.linear.scatter [tilespmem:s22], [sflag:$0x4], $0x80, $0x38;
	[tilespmem:$0x14500] =	vst v63  }
0x4f1: {  	s19 =	sadd.s32 $0x40, s17;
	s20 =	simm.s32 $0x13400  }
0x4f2: {  	[hbm4b:s19+s3] =	stream.linear.scatter [tilespmem:s20], [sflag:$0x4], $0x80, $0x38;
	[tilespmem:$0x14500] =	vst v63  }
0x4f3: {  	s21 =	sadd.s32 $0x50, s17;
	s22 =	simm.s32 $0x13488  }
0x4f4: {  	[hbm4b:s21+s3] =	stream.linear.scatter [tilespmem:s22], [sflag:$0x4], $0x80, $0x38;
	[tilespmem:$0x14500] =	vst v63  }
0x4f5: {  	s19 =	sadd.s32 $0x60, s17;
	s20 =	simm.s32 $0x13510  }
0x4f6: {  	[hbm4b:s19+s3] =	stream.linear.scatter [tilespmem:s20], [sflag:$0x4], $0x80, $0x38;
	[tilespmem:$0x14500] =	vst v63  }
0x4f7: {  	s17 =	sadd.s32 $0x70, s17;
	s21 =	simm.s32 $0x13598  }
0x4f8: {  	[hbm4b:s17+s3] =	stream.linear.scatter [tilespmem:s21], [sflag:$0x4], $0x80, $0x38;
	[tilespmem:$0x14500] =	vst v63  }
0x4f9: {  	s22 =	simm.s32 $0x136A8;
	s17 =	sadd.s32 s15, s5  }
0x4fa: {  	[hbm4b:s17+s3] =	stream.linear.scatter [tilespmem:s22], [sflag:$0x4], $0x80, $0x38;
	[tilespmem:$0x14500] =	vst v63  }
0x4fb: {  	s20 =	simm.s32 $0x13730;
	s19 =	sadd.s32 $0x10, s17  }
0x4fc: {  	[hbm4b:s19+s3] =	stream.linear.scatter [tilespmem:s20], [sflag:$0x4], $0x80, $0x38;
	[tilespmem:$0x14500] =	vst v63  }
0x4fd: {  	s21 =	sadd.s32 $0x20, s17;
	s22 =	simm.s32 $0x137B8  }
0x4fe: {  	[hbm4b:s21+s3] =	stream.linear.scatter [tilespmem:s22], [sflag:$0x4], $0x80, $0x38;
	[tilespmem:$0x14500] =	vst v63  }
0x4ff: {  	s19 =	sadd.s32 $0x30, s17;
	s20 =	simm.s32 $0x13840  }
0x500: {  	[hbm4b:s19+s3] =	stream.linear.scatter [tilespmem:s20], [sflag:$0x4], $0x80, $0x38;
	[tilespmem:$0x14500] =	vst v63  }
0x501: {  	s21 =	sadd.s32 $0x40, s17;
	s22 =	simm.s32 $0x138C8  }
0x502: {  	[hbm4b:s21+s3] =	stream.linear.scatter [tilespmem:s22], [sflag:$0x4], $0x80, $0x38;
	[tilespmem:$0x14500] =	vst v63  }
0x503: {  	s19 =	sadd.s32 $0x50, s17;
	s20 =	simm.s32 $0x13950  }
0x504: {  	[hbm4b:s19+s3] =	stream.linear.scatter [tilespmem:s20], [sflag:$0x4], $0x80, $0x38;
	[tilespmem:$0x14500] =	vst v63  }
0x505: {  	s21 =	sadd.s32 $0x60, s17;
	s22 =	simm.s32 $0x139D8  }
0x506: {  	[hbm4b:s21+s3] =	stream.linear.scatter [tilespmem:s22], [sflag:$0x4], $0x80, $0x38;
	[tilespmem:$0x14500] =	vst v63  }
0x507: {  	s17 =	sadd.s32 $0x70, s17;
	s19 =	simm.s32 $0x13A60  }
0x508: {  	[hbm4b:s17+s3] =	stream.linear.scatter [tilespmem:s19], [sflag:$0x4], $0x80, $0x38;
	[tilespmem:$0x14500] =	vst v63  }
0x509: {  	s20 =	simm.s32 $0x13B70;
	s17 =	sadd.s32 s15, s8  }
0x50a: {  	[hbm4b:s17+s3] =	stream.linear.scatter [tilespmem:s20], [sflag:$0x4], $0x80, $0x38;
	[tilespmem:$0x14500] =	vst v63  }
0x50b: {  	s22 =	simm.s32 $0x13BF8;
	s21 =	sadd.s32 $0x10, s17  }
0x50c: {  	[hbm4b:s21+s3] =	stream.linear.scatter [tilespmem:s22], [sflag:$0x4], $0x80, $0x38;
	[tilespmem:$0x14500] =	vst v63  }
0x50d: {  	s19 =	sadd.s32 $0x20, s17;
	s20 =	simm.s32 $0x13C80  }
0x50e: {  	[hbm4b:s19+s3] =	stream.linear.scatter [tilespmem:s20], [sflag:$0x4], $0x80, $0x38;
	[tilespmem:$0x14500] =	vst v63  }
0x50f: {  	s21 =	sadd.s32 $0x30, s17;
	s22 =	simm.s32 $0x13D08  }
0x510: {  	[hbm4b:s21+s3] =	stream.linear.scatter [tilespmem:s22], [sflag:$0x4], $0x80, $0x38;
	[tilespmem:$0x14500] =	vst v63  }
0x511: {  	s19 =	sadd.s32 $0x40, s17;
	s20 =	simm.s32 $0x13D90  }
0x512: {  	[hbm4b:s19+s3] =	stream.linear.scatter [tilespmem:s20], [sflag:$0x4], $0x80, $0x38;
	[tilespmem:$0x14500] =	vst v63  }
0x513: {  	s21 =	sadd.s32 $0x50, s17;
	s22 =	simm.s32 $0x13E18  }
0x514: {  	[hbm4b:s21+s3] =	stream.linear.scatter [tilespmem:s22], [sflag:$0x4], $0x80, $0x38;
	[tilespmem:$0x14500] =	vst v63  }
0x515: {  	s20 =	sadd.s32 $0x60, s17;
	s21 =	simm.s32 $0x13EA0  }
0x516: {  	[hbm4b:s20+s3] =	stream.linear.scatter [tilespmem:s21], [sflag:$0x4], $0x80, $0x38;
	[tilespmem:$0x14500] =	vst v63  }
0x517: {  	s17 =	sadd.s32 $0x70, s17;
	s22 =	simm.s32 $0x13F28  }
0x518: {  	[hbm4b:s17+s3] =	stream.linear.scatter [tilespmem:s22], [sflag:$0x4], $0x80, $0x38;
	[tilespmem:$0x14500] =	vst v63  }
0x519: {  	s18 =	simm.s32 $0x14038;
	s15 =	sadd.s32 s15, s9  }
0x51a: {  	[hbm4b:s15+s3] =	stream.linear.scatter [tilespmem:s18], [sflag:$0x4], $0x80, $0x38;
	[tilespmem:$0x14500] =	vst v63  }
0x51b: {  	s19 =	sadd.s32 $0x10, s15;
	s20 =	simm.s32 $0x140C0  }
0x51c: {  	[hbm4b:s19+s3] =	stream.linear.scatter [tilespmem:s20], [sflag:$0x4], $0x80, $0x38;
	[tilespmem:$0x14500] =	vst v63  }
0x51d: {  	s21 =	sadd.s32 $0x20, s15;
	s22 =	simm.s32 $0x14148  }
0x51e: {  	[hbm4b:s21+s3] =	stream.linear.scatter [tilespmem:s22], [sflag:$0x4], $0x80, $0x38;
	[tilespmem:$0x14500] =	vst v63  }
0x51f: {  	s19 =	sadd.s32 $0x30, s15;
	s20 =	simm.s32 $0x141D0  }
0x520: {  	[hbm4b:s19+s3] =	stream.linear.scatter [tilespmem:s20], [sflag:$0x4], $0x80, $0x38;
	[tilespmem:$0x14500] =	vst v63  }
0x521: {  	s21 =	sadd.s32 $0x40, s15;
	s22 =	simm.s32 $0x14258  }
0x522: {  	[hbm4b:s21+s3] =	stream.linear.scatter [tilespmem:s22], [sflag:$0x4], $0x80, $0x38;
	[tilespmem:$0x14500] =	vst v63  }
0x523: {  	p0 =	sne.s32 s16, $0x14;
	s18 =	sadd.s32 $0x50, s15;
	s19 =	simm.s32 $0x142E0  }
0x524: {  	[hbm4b:s18+s3] =	stream.linear.scatter [tilespmem:s19], [sflag:$0x4], $0x80, $0x38;
	[tilespmem:$0x14500] =	vst v63  }
.Ltmp5:
0x525: {  	_ = 	snop;
	(pc) =	sbr.rel @p0 .LBB2_2-.Ltmp5, $4  }
0x526: {  	s20 =	sadd.s32 $0x60, s15;
	s21 =	simm.s32 $0x14368  }
0x527: {  	[hbm4b:s20+s3] =	stream.linear.scatter [tilespmem:s21], [sflag:$0x4], $0x80, $0x38;
	[tilespmem:$0x14500] =	vst v63  }
0x528: {  	s15 =	sadd.s32 $0x70, s15;
	s22 =	simm.s32 $0x143F0  }
0x529: {  	[hbm4b:s15+s3] =	stream.linear.scatter [tilespmem:s22], [sflag:$0x4], $0x80, $0x38;
	[tilespmem:$0x14500] =	vst v63  }
0x52a: {  	s15 =	simm.s32 $0x3  }
0x52b: {  	_ =	swait.ge [sflag:s15], $0x400  }
0x52c: {  	[sflag:s15] =	ssyncset.done $0x0  }
0x52d: {  	[sflag:s15] =	ssyncadd.s32 $0xFFFFFC00  }
0x52e: {  	_ =	swait.ge [sflag:s15], $0x400  }
0x52f: {  	[sflag:s15] =	ssyncset.done $0x0  }
0x530: {  	[sflag:s15] =	ssyncadd.s32 $0xFFFFFC00  }
0x531: {  	_ =	swait.ge [sflag:s15], $0x400  }
0x532: {  	[sflag:s15] =	ssyncset.done $0x0  }
0x533: {  	[sflag:s15] =	ssyncadd.s32 $0xFFFFFC00  }
0x534: {  	_ =	swait.ge [sflag:s15], $0x400  }
0x535: {  	[sflag:s15] =	ssyncset.done $0x0  }
0x536: {  	[sflag:s15] =	ssyncadd.s32 $0xFFFFFC00  }
0x537: {  	_ =	swait.ge [sflag:s15], $0x400  }
0x538: {  	[sflag:s15] =	ssyncset.done $0x0  }
0x539: {  	[sflag:s15] =	ssyncadd.s32 $0xFFFFFC00  }
0x53a: {  	_ =	swait.ge [sflag:s15], $0x400  }
0x53b: {  	[sflag:s15] =	ssyncset.done $0x0  }
0x53c: {  	[sflag:s15] =	ssyncadd.s32 $0xFFFFFC00  }
0x53d: {  	_ =	swait.ge [sflag:s15], $0x400  }
0x53e: {  	[sflag:s15] =	ssyncset.done $0x0  }
0x53f: {  	[sflag:s15] =	ssyncadd.s32 $0xFFFFFC00  }
0x540: {  	_ =	swait.ge [sflag:s15], $0x400  }
0x541: {  	[sflag:s15] =	ssyncset.done $0x0  }
0x542: {  	[sflag:s15] =	ssyncadd.s32 $0xFFFFFC00  }
0x543: {  	_ =	swait.ge [sflag:s15], $0x400  }
0x544: {  	[sflag:s15] =	ssyncset.done $0x0  }
0x545: {  	[sflag:s15] =	ssyncadd.s32 $0xFFFFFC00  }
0x546: {  	_ =	swait.ge [sflag:s15], $0x400  }
0x547: {  	[sflag:s15] =	ssyncset.done $0x0  }
0x548: {  	[sflag:s15] =	ssyncadd.s32 $0xFFFFFC00  }
0x549: {  	_ =	swait.ge [sflag:s15], $0x400  }
0x54a: {  	[sflag:s15] =	ssyncset.done $0x0  }
0x54b: {  	[sflag:s15] =	ssyncadd.s32 $0xFFFFFC00  }
0x54c: {  	_ =	swait.ge [sflag:s15], $0x400  }
0x54d: {  	[sflag:s15] =	ssyncset.done $0x0  }
0x54e: {  	[sflag:s15] =	ssyncadd.s32 $0xFFFFFC00  }
0x54f: {  	_ =	swait.ge [sflag:s15], $0x400  }
0x550: {  	[sflag:s15] =	ssyncset.done $0x0  }
0x551: {  	[sflag:s15] =	ssyncadd.s32 $0xFFFFFC00  }
0x552: {  	_ =	swait.ge [sflag:s15], $0x400  }
0x553: {  	[sflag:s15] =	ssyncset.done $0x0  }
0x554: {  	[sflag:s15] =	ssyncadd.s32 $0xFFFFFC00  }
0x555: {  	_ =	swait.ge [sflag:s15], $0x400  }
0x556: {  	[sflag:s15] =	ssyncset.done $0x0  }
0x557: {  	[sflag:s15] =	ssyncadd.s32 $0xFFFFFC00  }
0x558: {  	_ =	swait.ge [sflag:s15], $0x400  }
0x559: {  	[sflag:s15] =	ssyncset.done $0x0  }
0x55a: {  	s16 =	simm.s32 $0x4;
	[sflag:s15] =	ssyncadd.s32 $0xFFFFFC00  }
0x55b: {  	_ =	swait.ge [sflag:s16], $0x400  }
0x55c: {  	[sflag:s16] =	ssyncset.done $0x0  }
0x55d: {  	[sflag:s16] =	ssyncadd.s32 $0xFFFFFC00  }
0x55e: {  	_ =	swait.ge [sflag:s16], $0x400  }
0x55f: {  	[sflag:s16] =	ssyncset.done $0x0  }
0x560: {  	[sflag:s16] =	ssyncadd.s32 $0xFFFFFC00  }
0x561: {  	_ =	swait.ge [sflag:s16], $0x400  }
0x562: {  	[sflag:s16] =	ssyncset.done $0x0  }
0x563: {  	[sflag:s16] =	ssyncadd.s32 $0xFFFFFC00  }
0x564: {  	_ =	swait.ge [sflag:s16], $0x400  }
0x565: {  	[sflag:s16] =	ssyncset.done $0x0  }
0x566: {  	[sflag:s16] =	ssyncadd.s32 $0xFFFFFC00  }
0x567: {  	_ =	swait.ge [sflag:s16], $0x400  }
0x568: {  	[sflag:s16] =	ssyncset.done $0x0  }
0x569: {  	[sflag:s16] =	ssyncadd.s32 $0xFFFFFC00  }
0x56a: {  	_ =	swait.ge [sflag:s16], $0x400  }
0x56b: {  	[sflag:s16] =	ssyncset.done $0x0  }
0x56c: {  	[sflag:s16] =	ssyncadd.s32 $0xFFFFFC00  }
0x56d: {  	_ =	swait.ge [sflag:s16], $0x400  }
0x56e: {  	[sflag:s16] =	ssyncset.done $0x0  }
0x56f: {  	[sflag:s16] =	ssyncadd.s32 $0xFFFFFC00  }
0x570: {  	_ =	swait.ge [sflag:s16], $0x400  }
0x571: {  	[sflag:s16] =	ssyncset.done $0x0  }
0x572: {  	[sflag:s16] =	ssyncadd.s32 $0xFFFFFC00  }
0x573: {  	_ =	swait.ge [sflag:s16], $0x400  }
0x574: {  	[sflag:s16] =	ssyncset.done $0x0  }
0x575: {  	[sflag:s16] =	ssyncadd.s32 $0xFFFFFC00  }
0x576: {  	_ =	swait.ge [sflag:s16], $0x400  }
0x577: {  	[sflag:s16] =	ssyncset.done $0x0  }
0x578: {  	[sflag:s16] =	ssyncadd.s32 $0xFFFFFC00  }
0x579: {  	_ =	swait.ge [sflag:s16], $0x400  }
0x57a: {  	[sflag:s16] =	ssyncset.done $0x0  }
0x57b: {  	[sflag:s16] =	ssyncadd.s32 $0xFFFFFC00  }
0x57c: {  	_ =	swait.ge [sflag:s16], $0x400  }
0x57d: {  	[sflag:s16] =	ssyncset.done $0x0  }
0x57e: {  	[sflag:s16] =	ssyncadd.s32 $0xFFFFFC00  }
0x57f: {  	_ =	swait.ge [sflag:s16], $0x400  }
0x580: {  	[sflag:s16] =	ssyncset.done $0x0  }
0x581: {  	[sflag:s16] =	ssyncadd.s32 $0xFFFFFC00  }
0x582: {  	_ =	swait.ge [sflag:s16], $0x400  }
0x583: {  	[sflag:s16] =	ssyncset.done $0x0  }
0x584: {  	[sflag:s16] =	ssyncadd.s32 $0xFFFFFC00  }
0x585: {  	_ =	swait.ge [sflag:s16], $0x400  }
0x586: {  	[sflag:s16] =	ssyncset.done $0x0  }
0x587: {  	[sflag:s16] =	ssyncadd.s32 $0xFFFFFC00  }
0x588: {  	_ =	swait.ge [sflag:s16], $0x400  }
0x589: {  	s17 =	rddreg [dreg:$0x17]  }
0x58a: {  	s22 =	rddreg [dreg:$0x16];
	s17 =	sadd.s32 $0x1, s17  }
0x58b: {  	p0 =	sne.s32 s17, s22  }
.Ltmp6:
0x58c: {  	_ = 	snop;
	(pc) =	sbr.rel @p0 .LBB2_1-.Ltmp6, $3  }
0x58d: {  	_ =	sdelay $0x1  }
0x58e: {  	[sflag:s16] =	ssyncset.done $0x0  }
0x58f: {  	[sflag:s16] =	ssyncadd.s32 $0xFFFFFC00  }
0x590: {  	_ =	sfence.sel $0x180000  }
0x591: {  	[bflag:$0x0] =	sbarrier.arrive $0xFFFF  }
0x592: {  	_ =	strace $0x90000047  }
0x593: {  	s0 =	stileid.u32;
	[bflag:$0x2] =	sbarrier.arrive $0xFFFF  }
0x594: {  	p0 =	sne.s32 s0, $0x0;
	s0 =	rddreg [dreg:$0x3]  }
0x595: {  	s0 =	sadd.s32 @!p0 $0x100000, s0  }
0x596: {  	[sflag:s0] =	ssyncadd.tile.s32 @!p0 $0x1;
	_ =	shalt  }
.Lfunc_end2:
_tile_overlayer_lowered:
.L_overlay_start_2:
0x597: {  	(tag) =	ssettag $0x2  }
0x598: {  	s0 =	rddreg [dreg:$0x0];
	s2 =	stileid.u32  }
0x599: {  	s1 =	rddreg [dreg:$0x1];
	p0 =	sne.s32 s2, $0x0  }
0x59a: {  	s3 =	rddreg [dreg:$0x2];
	[bflag:$0x3] =	sbarrier.arrive $0xFFFF;
	s2 =	simm.s32 @!p0 $0x1C05  }
0x59b: {  	[timem:s3], [sflag:s2] =	dma.local @!p0 [hbm:s0], s1  }
0x59c: {  	s0 =	simm.s32 @!p0 $0x5  }
0x59d: {  	_ =	swait.ge @!p0 [sflag:s0], s1  }
0x59e: {  	s1 =	ssub.s32 @!p0 $0x0, s1;
	[sflag:s0] =	ssyncset.done @!p0 $0x0  }
0x59f: {  	[sflag:s0] =	ssyncadd.s32 @!p0 s1  }
0x5a0: {  	[bflag:$0x3] =	sbarrier.arrive $0xFFFF  }
0x5a1: {  	_ =	shalt  }

</sc_bundles>
